<compile_context>
chip_gen: v7x
topology: tpu7x:2x2x1
jax: 0.10.2.dev20260603
libtpu: 0.0.44.dev20260713+nightly
codegen_flags: <defaults>
</compile_context>

<pallas_src>
import jax
import jax.numpy as jnp
from jax import lax
from jax.experimental import pallas as pl
from jax.experimental.pallas import tpu as pltpu
from jax.experimental.pallas import tpu_sc as plsc

N = 10000
E = 640000
EMB = 256
D = 128
NC_OUT = 41476

NCORE = 2
NSUB = 16
NW = NCORE * NSUB
EPW = E // NW
CH = 128
FULL_CHUNKS = EPW // CH
TAIL = EPW - FULL_CHUNKS * CH
RPS = 624
RTAIL = N - NSUB * RPS
NP = 10240
RPS1 = NP // NSUB

_mesh = plsc.VectorSubcoreMesh(core_axis_name="c", subcore_axis_name="s")


def _wid():
    return lax.axis_index("s") * NCORE + lax.axis_index("c")


def _degree_body(row_h, col_h, ones_h, zer_h, outc_h, outr_h,
                 rv, cv, rvt, cvt, ones_v, bnc, acc_c, acc_r, sem):
    cid = lax.axis_index("c")
    sid = lax.axis_index("s")
    w = _wid()
    pltpu.sync_copy(ones_h, ones_v)
    pltpu.sync_copy(zer_h, bnc)
    pltpu.sync_copy(bnc, acc_c.at[pl.ds(sid * RPS1, RPS1)])
    pltpu.sync_copy(bnc, acc_r.at[pl.ds(sid * RPS1, RPS1)])
    plsc.subcore_barrier()
    base_w = w * EPW

    def chunk(k, _):
        b = base_w + k * CH
        pltpu.sync_copy(row_h.at[pl.ds(b, CH)], rv)
        pltpu.sync_copy(col_h.at[pl.ds(b, CH)], cv)
        pltpu.sync_copy(ones_v.at[pl.ds(0, CH)], acc_c.at[cv], add=True)
        pltpu.sync_copy(ones_v.at[pl.ds(0, CH)], acc_r.at[rv], add=True)
        return _

    lax.fori_loop(0, FULL_CHUNKS, chunk, None)
    b = base_w + FULL_CHUNKS * CH
    pltpu.sync_copy(row_h.at[pl.ds(b, TAIL)], rvt)
    pltpu.sync_copy(col_h.at[pl.ds(b, TAIL)], cvt)
    pltpu.sync_copy(ones_v.at[pl.ds(0, TAIL)], acc_c.at[cvt], add=True)
    pltpu.sync_copy(ones_v.at[pl.ds(0, TAIL)], acc_r.at[rvt], add=True)
    plsc.subcore_barrier()
    r0 = sid * RPS1
    pltpu.sync_copy(acc_c.at[pl.ds(r0, RPS1)], bnc)
    pltpu.sync_copy(bnc, outc_h.at[cid, 0, pl.ds(r0, RPS1)])
    pltpu.sync_copy(acc_r.at[pl.ds(r0, RPS1)], bnc)
    pltpu.sync_copy(bnc, outr_h.at[cid, 0, pl.ds(r0, RPS1)])


def _sc_degrees(row, col):
    ones = jnp.ones((CH,), jnp.float32)
    zer = jnp.zeros((RPS1,), jnp.float32)
    k = pl.kernel(
        _degree_body,
        out_type=(jax.ShapeDtypeStruct((NCORE, 1, NP), jnp.float32),
                  jax.ShapeDtypeStruct((NCORE, 1, NP), jnp.float32)),
        mesh=_mesh,
        scratch_types=[
            pltpu.VMEM((CH,), jnp.int32), pltpu.VMEM((CH,), jnp.int32),
            pltpu.VMEM((TAIL,), jnp.int32), pltpu.VMEM((TAIL,), jnp.int32),
            pltpu.VMEM((CH,), jnp.float32), pltpu.VMEM((RPS1,), jnp.float32),
            pltpu.VMEM_SHARED((NP,), jnp.float32),
            pltpu.VMEM_SHARED((NP,), jnp.float32),
            pltpu.SemaphoreType.DMA,
        ],
    )
    return k(row, col, ones, zer)


FULL_ROW_CH = N // CH
ROW_TAIL = N - FULL_ROW_CH * CH


def _embed_body(iu_h, ii_h, uemb_h, iemb_h, outu_h, outi_h,
                iv, ubuf, ivt, ubuft, sem):
    w = _wid()

    def chunk(ch):
        b = ch * CH
        pltpu.sync_copy(iu_h.at[pl.ds(b, CH)], iv)
        pltpu.async_copy(uemb_h.at[iv], ubuf, sem).wait()
        pltpu.sync_copy(ubuf, outu_h.at[pl.ds(b, CH), :])
        pltpu.sync_copy(ii_h.at[pl.ds(b, CH)], iv)
        pltpu.async_copy(iemb_h.at[iv], ubuf, sem).wait()
        pltpu.sync_copy(ubuf, outi_h.at[pl.ds(b, CH), :])

    def it(k, _):
        ch = k * NW + w

        @pl.when(ch < FULL_ROW_CH)
        def _do():
            chunk(ch)
        return _

    lax.fori_loop(0, (FULL_ROW_CH + NW - 1) // NW, it, None)

    @pl.when(w == FULL_ROW_CH % NW)
    def _tail():
        b = FULL_ROW_CH * CH
        pltpu.sync_copy(iu_h.at[pl.ds(b, ROW_TAIL)], ivt)
        pltpu.async_copy(uemb_h.at[ivt], ubuft, sem).wait()
        pltpu.sync_copy(ubuft, outu_h.at[pl.ds(b, ROW_TAIL), :])
        pltpu.sync_copy(ii_h.at[pl.ds(b, ROW_TAIL)], ivt)
        pltpu.async_copy(iemb_h.at[ivt], ubuft, sem).wait()
        pltpu.sync_copy(ubuft, outi_h.at[pl.ds(b, ROW_TAIL), :])


def _sc_embed(iu, ii, uemb, iemb):
    k = pl.kernel(
        _embed_body,
        out_type=(jax.ShapeDtypeStruct((N, EMB), jnp.float32),
                  jax.ShapeDtypeStruct((N, EMB), jnp.float32)),
        mesh=_mesh,
        scratch_types=[
            pltpu.VMEM((CH,), jnp.int32), pltpu.VMEM((CH, EMB), jnp.float32),
            pltpu.VMEM((ROW_TAIL,), jnp.int32), pltpu.VMEM((ROW_TAIL, EMB), jnp.float32),
            pltpu.SemaphoreType.DMA,
        ],
    )
    return k(iu, ii, uemb, iemb)


def _segsum_body(x_h, row_h, col_h, zer_h, out_h,
                 rv, cv, rvt, cvt, xbuf, xbuft, acc, sem):
    cid = lax.axis_index("c")
    sid = lax.axis_index("s")
    w = _wid()
    pltpu.sync_copy(zer_h, acc.at[pl.ds(sid * RPS, RPS), :])

    @pl.when(sid == NSUB - 1)
    def _z_tail():
        pltpu.sync_copy(zer_h.at[pl.ds(0, RTAIL), :], acc.at[pl.ds(NSUB * RPS, RTAIL), :])
    plsc.subcore_barrier()
    base_w = w * EPW

    def chunk(k, _):
        b = base_w + k * CH
        pltpu.sync_copy(row_h.at[pl.ds(b, CH)], rv)
        pltpu.sync_copy(col_h.at[pl.ds(b, CH)], cv)
        pltpu.async_copy(x_h.at[rv], xbuf, sem).wait()
        pltpu.sync_copy(xbuf, acc.at[cv], add=True)
        return _

    lax.fori_loop(0, FULL_CHUNKS, chunk, None)
    b = base_w + FULL_CHUNKS * CH
    pltpu.sync_copy(row_h.at[pl.ds(b, TAIL)], rvt)
    pltpu.sync_copy(col_h.at[pl.ds(b, TAIL)], cvt)
    pltpu.async_copy(x_h.at[rvt], xbuft, sem).wait()
    pltpu.sync_copy(xbuft, acc.at[cvt], add=True)
    plsc.subcore_barrier()
    r0 = sid * RPS
    pltpu.sync_copy(acc.at[pl.ds(r0, RPS), :], out_h.at[cid, pl.ds(r0, RPS), :])

    @pl.when(sid == NSUB - 1)
    def _o_tail():
        t0 = NSUB * RPS
        pltpu.sync_copy(acc.at[pl.ds(t0, RTAIL), :], out_h.at[cid, pl.ds(t0, RTAIL), :])


def _sc_segsum(x, row, col):
    zer = jnp.zeros((RPS, D), jnp.float32)
    k = pl.kernel(
        _segsum_body,
        out_type=jax.ShapeDtypeStruct((NCORE, N, D), jnp.float32),
        mesh=_mesh,
        scratch_types=[
            pltpu.VMEM((CH,), jnp.int32), pltpu.VMEM((CH,), jnp.int32),
            pltpu.VMEM((TAIL,), jnp.int32), pltpu.VMEM((TAIL,), jnp.int32),
            pltpu.VMEM((CH, D), jnp.float32), pltpu.VMEM((TAIL, D), jnp.float32),
            pltpu.VMEM_SHARED((N, D), jnp.float32),
            pltpu.SemaphoreType.DMA,
        ],
    )
    return k(x, row, col, zer)


def _gat_body(xw_h, als_h, ald_h, sv_h, row_h, col_h, zer_h, zer1_h, out_h, outd_h,
              rv, cv, rvt, cvt, xbuf, xbuft, obuf, obuft,
              asb, adb, asbt, adbt, sv_v, exb, bnc, acc, den, sem):
    cid = lax.axis_index("c")
    sid = lax.axis_index("s")
    w = _wid()
    pltpu.sync_copy(sv_h, sv_v)
    pltpu.sync_copy(zer_h, acc.at[pl.ds(sid * RPS, RPS), :])
    pltpu.sync_copy(zer1_h, bnc)
    pltpu.sync_copy(bnc, den.at[pl.ds(sid * RPS1, RPS1)])

    @pl.when(sid == NSUB - 1)
    def _z_tail():
        pltpu.sync_copy(zer_h.at[pl.ds(0, RTAIL), :], acc.at[pl.ds(NSUB * RPS, RTAIL), :])
    plsc.subcore_barrier()
    base_w = w * EPW
    svec = sv_v[...]

    def weight_chunk(n, asb_, adb_, xbuf_, obuf_):
        for j in range(n // 16):
            z = asb_[pl.ds(16 * j, 16)] + adb_[pl.ds(16 * j, 16)]
            lr = jnp.where(z > 0, z, 0.2 * z)
            exb[pl.ds(16 * j, 16)] = jnp.exp(lr - svec)

        def wrow(b, _):
            wv = exb[pl.ds(b, 16)][0]
            for j in range(D // 16):
                obuf_[b, pl.ds(16 * j, 16)] = xbuf_[b, pl.ds(16 * j, 16)] * wv
            return _

        lax.fori_loop(0, n, wrow, None)

    def chunk(k, _):
        b = base_w + k * CH
        pltpu.sync_copy(row_h.at[pl.ds(b, CH)], rv)
        pltpu.sync_copy(col_h.at[pl.ds(b, CH)], cv)
        pltpu.async_copy(als_h.at[rv], asb, sem).wait()
        pltpu.async_copy(ald_h.at[cv], adb, sem).wait()
        pltpu.async_copy(xw_h.at[rv], xbuf, sem).wait()
        weight_chunk(CH, asb, adb, xbuf, obuf)
        pltpu.sync_copy(obuf, acc.at[cv], add=True)
        pltpu.sync_copy(exb.at[pl.ds(0, CH)], den.at[cv], add=True)
        return _

    lax.fori_loop(0, FULL_CHUNKS, chunk, None)
    b = base_w + FULL_CHUNKS * CH
    pltpu.sync_copy(row_h.at[pl.ds(b, TAIL)], rvt)
    pltpu.sync_copy(col_h.at[pl.ds(b, TAIL)], cvt)
    pltpu.async_copy(als_h.at[rvt], asbt, sem).wait()
    pltpu.async_copy(ald_h.at[cvt], adbt, sem).wait()
    pltpu.async_copy(xw_h.at[rvt], xbuft, sem).wait()
    weight_chunk(TAIL, asbt, adbt, xbuft, obuft)
    pltpu.sync_copy(obuft, acc.at[cvt], add=True)
    pltpu.sync_copy(exb.at[pl.ds(0, TAIL)], den.at[cvt], add=True)
    plsc.subcore_barrier()
    r0 = sid * RPS
    pltpu.sync_copy(acc.at[pl.ds(r0, RPS), :], out_h.at[cid, pl.ds(r0, RPS), :])
    r1 = sid * RPS1
    pltpu.sync_copy(den.at[pl.ds(r1, RPS1)], bnc)
    pltpu.sync_copy(bnc, outd_h.at[cid, 0, pl.ds(r1, RPS1)])

    @pl.when(sid == NSUB - 1)
    def _o_tail():
        t0 = NSUB * RPS
        pltpu.sync_copy(acc.at[pl.ds(t0, RTAIL), :], out_h.at[cid, pl.ds(t0, RTAIL), :])


def _sc_gat(xw, als, ald, sv, row, col):
    zer = jnp.zeros((RPS, D), jnp.float32)
    zer1 = jnp.zeros((RPS1,), jnp.float32)
    k = pl.kernel(
        _gat_body,
        out_type=(jax.ShapeDtypeStruct((NCORE, N, D), jnp.float32),
                  jax.ShapeDtypeStruct((NCORE, 1, NP), jnp.float32)),
        mesh=_mesh,
        scratch_types=[
            pltpu.VMEM((CH,), jnp.int32), pltpu.VMEM((CH,), jnp.int32),
            pltpu.VMEM((TAIL,), jnp.int32), pltpu.VMEM((TAIL,), jnp.int32),
            pltpu.VMEM((CH, D), jnp.float32), pltpu.VMEM((TAIL, D), jnp.float32),
            pltpu.VMEM((CH, D), jnp.float32), pltpu.VMEM((TAIL, D), jnp.float32),
            pltpu.VMEM((CH,), jnp.float32), pltpu.VMEM((CH,), jnp.float32),
            pltpu.VMEM((TAIL,), jnp.float32), pltpu.VMEM((TAIL,), jnp.float32),
            pltpu.VMEM((16,), jnp.float32), pltpu.VMEM((CH + 16,), jnp.float32),
            pltpu.VMEM((RPS1,), jnp.float32),
            pltpu.VMEM_SHARED((N, D), jnp.float32),
            pltpu.VMEM_SHARED((NP,), jnp.float32),
            pltpu.SemaphoreType.DMA,
        ],
    )
    return k(xw, als, ald, sv, row, col, zer, zer1)


_TC_PARAMS = pltpu.CompilerParams(vmem_limit_bytes=100 * 1024 * 1024)


def _tc(body, out_shape):
    return pl.pallas_call(body, out_shape=out_shape, compiler_params=_TC_PARAMS)


def _cnt(ref):
    return ref[0, 0, :N] + ref[1, 0, :N]


def _gcn_pre_body(u_r, i_r, wg_r, cnt_r, xw_r, xs_r):
    xw = jnp.dot(u_r[...], wg_r[:EMB, :], preferred_element_type=jnp.float32)
    xw = xw + jnp.dot(i_r[...], wg_r[EMB:, :], preferred_element_type=jnp.float32)
    dis = lax.rsqrt(_cnt(cnt_r) + 1.0)
    xw_r[...] = xw
    xs_r[...] = xw * dis[:, None]


def _gcn_post_body(agg_r, xw_r, cnt_r, gb_r, bng_r, bnb_r, h_r):
    agg = agg_r[0] + agg_r[1]
    xw = xw_r[...]
    dis = lax.rsqrt(_cnt(cnt_r) + 1.0)
    pre = dis[:, None] * (agg + dis[:, None] * xw) + gb_r[...]
    mean = jnp.mean(pre, axis=0)
    var = jnp.mean((pre - mean) ** 2, axis=0)
    y = (pre - mean) * lax.rsqrt(var + 1e-5) * bng_r[...] + bnb_r[...]
    h_r[...] = jnp.maximum(y, 0.0)


def _sage_body(s_r, h_r, cntc_r, wl_r, bl_r, wr_r, cntr_r, h2_r, xs2_r):
    s = s_r[0] + s_r[1]
    h = h_r[...]
    mean = s / jnp.clip(_cnt(cntc_r), 1.0, None)[:, None]
    h2 = jnp.dot(mean, wl_r[...], preferred_element_type=jnp.float32) + bl_r[...]
    h2 = h2 + jnp.dot(h, wr_r[...], preferred_element_type=jnp.float32)
    h2 = jnp.maximum(h2, 0.0)
    cr = _cnt(cntr_r)
    disr = jnp.where(cr > 0, lax.rsqrt(jnp.maximum(cr, 1e-30)), 0.0)
    h2_r[...] = h2
    xs2_r[...] = h2 * disr[:, None]


def _cheb_gat_prep_body(t_r, h_r, cntr_r, w0_r, w1_r, cb_r, gw_r, gas_r, gad_r,
                        xw_r, als_r, ald_r, sv_r):
    cr = _cnt(cntr_r)
    disr = jnp.where(cr > 0, lax.rsqrt(jnp.maximum(cr, 1e-30)), 0.0)
    tx1 = -disr[:, None] * (t_r[0] + t_r[1])
    h = h_r[...]
    h3 = jnp.dot(h, w0_r[...], preferred_element_type=jnp.float32)
    h3 = h3 + jnp.dot(tx1, w1_r[...], preferred_element_type=jnp.float32) + cb_r[...]
    h3 = jnp.maximum(h3, 0.0)
    xw = jnp.dot(h3, gw_r[...], preferred_element_type=jnp.float32)
    als = jnp.dot(xw, gas_r[...][:, None], preferred_element_type=jnp.float32)[:, 0]
    ald = jnp.dot(xw, gad_r[...][:, None], preferred_element_type=jnp.float32)[:, 0]
    s = jnp.maximum(jnp.max(als) + jnp.max(ald), 0.0)
    xw_r[...] = xw
    als_r[...] = als
    ald_r[...] = ald
    sv_r[...] = jnp.broadcast_to(s, (16,))


def _gat_finish(acc_r, den_r, xw_r, als_r, ald_r, gb_r):
    feat = acc_r[0] + acc_r[1]
    den = den_r[0, 0, :N] + den_r[1, 0, :N]
    als = als_r[...]
    ald = ald_r[...]
    s = jnp.maximum(jnp.max(als) + jnp.max(ald), 0.0)
    zs = als + ald
    exs = jnp.exp(jnp.where(zs > 0, zs, 0.2 * zs) - s)
    xw = xw_r[...]
    out = (feat + exs[:, None] * xw) / (den + exs)[:, None] + gb_r[...]
    return jnp.where(out > 0, out, jnp.exp(jnp.minimum(out, 0.0)) - 1.0)


def _gat1_post_body(acc_r, den_r, xw_r, als_r, ald_r, gb_r, gw2_r, gas2_r, gad2_r,
                    xw2_r, als2_r, ald2_r, sv2_r):
    h4 = _gat_finish(acc_r, den_r, xw_r, als_r, ald_r, gb_r)
    xw2 = jnp.dot(h4, gw2_r[...], preferred_element_type=jnp.float32)
    als2 = jnp.dot(xw2, gas2_r[...][:, None], preferred_element_type=jnp.float32)[:, 0]
    ald2 = jnp.dot(xw2, gad2_r[...][:, None], preferred_element_type=jnp.float32)[:, 0]
    s2 = jnp.maximum(jnp.max(als2) + jnp.max(ald2), 0.0)
    xw2_r[...] = xw2
    als2_r[...] = als2
    ald2_r[...] = ald2
    sv2_r[...] = jnp.broadcast_to(s2, (16,))


def _gat2_post_body(acc_r, den_r, xw_r, als_r, ald_r, gb_r, h5_r):
    h5_r[...] = _gat_finish(acc_r, den_r, xw_r, als_r, ald_r, gb_r)


BC = 256


def _final_body(h_r, w_r, b_r, o_r):
    o_r[...] = jnp.dot(h_r[...], w_r[...], preferred_element_type=jnp.float32) + b_r[...]


def _final_matmul(h5, pred_W, pred_b):
    nb = (NC_OUT + BC - 1) // BC
    return pl.pallas_call(
        _final_body,
        grid=(nb,),
        in_specs=[
            pl.BlockSpec((N, D), lambda j: (0, 0)),
            pl.BlockSpec((D, BC), lambda j: (0, j)),
            pl.BlockSpec((BC,), lambda j: (j,)),
        ],
        out_specs=pl.BlockSpec((N, BC), lambda j: (0, j)),
        out_shape=jax.ShapeDtypeStruct((N, NC_OUT), jnp.float32),
        compiler_params=_TC_PARAMS,
    )(h5, pred_W, pred_b)


def kernel(x, edge_index, user_emb, item_emb, gcn_W, gcn_b, bn_g, bn_b,
           sage_Wl, sage_bl, sage_Wr, cheb_W0, cheb_W1, cheb_b,
           gat1_W, gat1_as, gat1_ad, gat1_b, gat2_W, gat2_as, gat2_ad, gat2_b,
           pred_W, pred_b):
    row = edge_index[0]
    col = edge_index[1]

    cntc, cntr = _sc_degrees(row, col)
    u, i = _sc_embed(x[:, 0], x[:, 1], user_emb, item_emb)

    xw, xs = _tc(_gcn_pre_body,
                 (jax.ShapeDtypeStruct((N, D), jnp.float32),
                  jax.ShapeDtypeStruct((N, D), jnp.float32)))(u, i, gcn_W, cntc)
    agg = _sc_segsum(xs, row, col)
    h1 = _tc(_gcn_post_body, jax.ShapeDtypeStruct((N, D), jnp.float32))(
        agg, xw, cntc, gcn_b, bn_g, bn_b)

    s = _sc_segsum(h1, row, col)
    h2, xs2 = _tc(_sage_body,
                  (jax.ShapeDtypeStruct((N, D), jnp.float32),
                   jax.ShapeDtypeStruct((N, D), jnp.float32)))(
        s, h1, cntc, sage_Wl, sage_bl, sage_Wr, cntr)

    t = _sc_segsum(xs2, row, col)
    xw1, als1, ald1, sv1 = _tc(
        _cheb_gat_prep_body,
        (jax.ShapeDtypeStruct((N, D), jnp.float32),
         jax.ShapeDtypeStruct((N,), jnp.float32),
         jax.ShapeDtypeStruct((N,), jnp.float32),
         jax.ShapeDtypeStruct((16,), jnp.float32)))(
        t, h2, cntr, cheb_W0, cheb_W1, cheb_b, gat1_W, gat1_as, gat1_ad)

    acc1, den1 = _sc_gat(xw1, als1, ald1, sv1, row, col)
    xw2, als2, ald2, sv2 = _tc(
        _gat1_post_body,
        (jax.ShapeDtypeStruct((N, D), jnp.float32),
         jax.ShapeDtypeStruct((N,), jnp.float32),
         jax.ShapeDtypeStruct((N,), jnp.float32),
         jax.ShapeDtypeStruct((16,), jnp.float32)))(
        acc1, den1, xw1, als1, ald1, gat1_b, gat2_W, gat2_as, gat2_ad)

    acc2, den2 = _sc_gat(xw2, als2, ald2, sv2, row, col)
    h5 = _tc(_gat2_post_body, jax.ShapeDtypeStruct((N, D), jnp.float32))(
        acc2, den2, xw2, als2, ald2, gat2_b)

    return _final_matmul(h5, pred_W, pred_b)

# --- scband reference (transcript-rebuilt; emitter-appended) ---
"""Pipeline reference for scband-ngcf-18657337934509 (READ-ONLY COPY).

The authoritative reference and input builder live on the scoring server;
editing this copy changes nothing except your own understanding.
"""

import jax, jax.numpy as jnp
import numpy as np

N = 10000
E = 640000
NU = 100000
NI = 100000
EMB = 256
D0 = 512
D = 128
NC = 41476


def setup_inputs(seed: int = 0):
    key = jax.random.key(seed)
    ks = jax.random.split(key, 20)
    def nrm(k, shape, s=0.05):
        return jax.random.normal(k, shape, dtype=jnp.float32) * s
    inp = {}
    inp['x'] = jax.random.randint(ks[0], (N, 2), 0, NU, dtype=jnp.int32)
    inp['edge_index'] = jax.random.randint(ks[1], (2, E), 0, N, dtype=jnp.int32)
    inp['user_emb'] = nrm(ks[2], (NU, EMB))
    inp['item_emb'] = nrm(ks[3], (NI, EMB))
    inp['gcn_W'] = nrm(ks[4], (D0, D))
    inp['gcn_b'] = jnp.zeros((D,), jnp.float32)
    inp['bn_g'] = jnp.ones((D,), jnp.float32)
    inp['bn_b'] = jnp.zeros((D,), jnp.float32)
    inp['sage_Wl'] = nrm(ks[5], (D, D))
    inp['sage_bl'] = jnp.zeros((D,), jnp.float32)
    inp['sage_Wr'] = nrm(ks[6], (D, D))
    inp['cheb_W0'] = nrm(ks[7], (D, D))
    inp['cheb_W1'] = nrm(ks[8], (D, D))
    inp['cheb_b'] = jnp.zeros((D,), jnp.float32)
    inp['gat1_W'] = nrm(ks[9], (D, D))
    inp['gat1_as'] = nrm(ks[10], (D,))
    inp['gat1_ad'] = nrm(ks[11], (D,))
    inp['gat1_b'] = jnp.zeros((D,), jnp.float32)
    inp['gat2_W'] = nrm(ks[12], (D, D))
    inp['gat2_as'] = nrm(ks[13], (D,))
    inp['gat2_ad'] = nrm(ks[14], (D,))
    inp['gat2_b'] = jnp.zeros((D,), jnp.float32)
    inp['pred_W'] = nrm(ks[15], (D, NC), 0.02)
    inp['pred_b'] = jnp.zeros((NC,), jnp.float32)
    return inp


def _gcn_conv(x, row, col, W, b):
    n = x.shape[0]
    loop = jnp.arange(n, dtype=row.dtype)
    r = jnp.concatenate([row, loop])
    c = jnp.concatenate([col, loop])
    xw = x @ W
    deg = jnp.zeros((n,), x.dtype).at[c].add(1.0)
    dis = jnp.where(deg > 0, deg ** -0.5, 0.0)
    norm = dis[r] * dis[c]
    out = jnp.zeros((n, W.shape[1]), x.dtype).at[c].add(xw[r] * norm[:, None])
    return out + b


def _sage_conv(x, row, col, Wl, bl, Wr):
    n = x.shape[0]
    s = jnp.zeros((n, x.shape[1]), x.dtype).at[col].add(x[row])
    cnt = jnp.zeros((n,), x.dtype).at[col].add(1.0)
    mean = s / jnp.clip(cnt, 1.0, None)[:, None]
    return mean @ Wl + bl + x @ Wr


def _cheb_conv(x, row, col, W0, W1, b):
    n = x.shape[0]
    deg = jnp.zeros((n,), x.dtype).at[row].add(1.0)
    dis = jnp.where(deg > 0, deg ** -0.5, 0.0)
    norm = -(dis[row] * dis[col])
    tx1 = jnp.zeros_like(x).at[col].add(x[row] * norm[:, None])
    return x @ W0 + tx1 @ W1 + b


def _gat_conv(x, row, col, W, a_src, a_dst, b):
    n = x.shape[0]
    loop = jnp.arange(n, dtype=row.dtype)
    r = jnp.concatenate([row, loop])
    c = jnp.concatenate([col, loop])
    xw = x @ W
    al_s = xw @ a_src
    al_d = xw @ a_dst
    logits = jax.nn.leaky_relu(al_s[r] + al_d[c], 0.2)
    m = jnp.full((n,), -jnp.inf, x.dtype).at[c].max(logits)
    ex = jnp.exp(logits - m[c])
    den = jnp.zeros((n,), x.dtype).at[c].add(ex)
    alpha = ex / den[c]
    out = jnp.zeros((n, W.shape[1]), x.dtype).at[c].add(xw[r] * alpha[:, None])
    return out + b


def _bn(x, g, b):
    mean = jnp.mean(x, 0)
    var = jnp.mean((x - mean) ** 2, 0)
    return (x - mean) * jax.lax.rsqrt(var + 1e-5) * g + b


def reference(x, edge_index, user_emb, item_emb, gcn_W, gcn_b, bn_g, bn_b, sage_Wl, sage_bl, sage_Wr, cheb_W0, cheb_W1, cheb_b, gat1_W, gat1_as, gat1_ad, gat1_b, gat2_W, gat2_as, gat2_ad, gat2_b, pred_W, pred_b):
    row, col = edge_index[0], edge_index[1]
    u = jnp.take(user_emb, x[:, 0], axis=0)
    i = jnp.take(item_emb, x[:, 1], axis=0)
    h = jnp.concatenate([u, i], axis=1)
    h = jax.nn.relu(_bn(_gcn_conv(h, row, col, gcn_W, gcn_b), bn_g, bn_b))
    h = jax.nn.relu(_sage_conv(h, row, col, sage_Wl, sage_bl, sage_Wr))
    h = jax.nn.relu(_cheb_conv(h, row, col, cheb_W0, cheb_W1, cheb_b))
    h = jax.nn.elu(_gat_conv(h, row, col, gat1_W, gat1_as, gat1_ad, gat1_b))
    h = jax.nn.elu(_gat_conv(h, row, col, gat2_W, gat2_as, gat2_ad, gat2_b))
    return h @ pred_W + pred_b

if __name__ == "__main__":
    import jax
    _d = setup_inputs()
    print(jax.jit(kernel)(*tuple(_d.values())))

</pallas_src>

<mosaic_0001>
#map = affine_map<(d0, d1) -> (0)>
#map1 = affine_map<(d0, d1) -> (0, 0)>
module attributes {stable_mosaic.version = 14 : i64} {
  func.func @_embed_body(%arg0: i32, %arg1: i32, %arg2: memref<10000xi32, #tpu.memory_space<hbm>>, %arg3: memref<10000xi32, #tpu.memory_space<hbm>>, %arg4: memref<100000x256xf32, #tpu.memory_space<hbm>>, %arg5: memref<100000x256xf32, #tpu.memory_space<hbm>>, %arg6: memref<10000x256xf32, #tpu.memory_space<hbm>>, %arg7: memref<10000x256xf32, #tpu.memory_space<hbm>>, %arg8: memref<128xi32, #tpu.memory_space<vmem>>, %arg9: memref<128x256xf32, #tpu.memory_space<vmem>>, %arg10: memref<16xi32, #tpu.memory_space<vmem>>, %arg11: memref<16x256xf32, #tpu.memory_space<vmem>>, %arg12: memref<!tpu.dma_semaphore, #tpu.memory_space<semaphore_mem>>) attributes {dimension_semantics = [#tpu.dimension_semantics<core_parallel>, #tpu.dimension_semantics<subcore_parallel>], iteration_bounds = array<i64: 2, 16>, scalar_prefetch = 0 : i64, scratch_operands = 5 : i64, tpu.core_type = #tpu.core_type<sc_vector_subcore>, window_params = [{transform_indices = #map}, {transform_indices = #map}, {transform_indices = #map1}, {transform_indices = #map1}, {transform_indices = #map1}, {transform_indices = #map1}]} {
    %mul3A = arith.constant 2 : i32
    %mul3A_0 = arith.muli %arg1, %mul3A : i32
    %add3A = arith.addi %mul3A_0, %arg0 : i32
    %scan3A = arith.constant 0 : i32
    %scan3A_1 = arith.constant 3 : i32
    %scan3A_2 = arith.addi %scan3A, %scan3A_1 : i32
    %scan3A_3 = arith.constant 1 : i32
    scf.for %scan3A_7 = %scan3A to %scan3A_2 step %scan3A_3  : i32 {
      %mul3A_8 = arith.constant 32 : i32
      %mul3A_9 = arith.muli %scan3A_7, %mul3A_8 : i32
      %add3A_10 = arith.addi %mul3A_9, %add3A : i32
      %lt3A = arith.constant 78 : i32
      %lt3A_11 = arith.cmpi slt, %add3A_10, %lt3A : i32
      %convert_element_type3A_12 = arith.extui %lt3A_11 : i1 to i32
      %cond3A_13 = arith.constant 0 : i32
      %cond3A_14 = arith.cmpi ne, %convert_element_type3A_12, %cond3A_13 : i32
      scf.if %cond3A_14 {
        %mul3A_15 = arith.constant 128 : i32
        %mul3A_16 = arith.muli %add3A_10, %mul3A_15 : i32
        "tpu.region"() ({
          %run_scoped3A = tpu.sem_alloc : memref<!tpu.dma_semaphore, #tpu.memory_space<semaphore_mem>>
          %dma_start3A_27 = tpu.memref_slice %arg2[%mul3A_16] : memref<10000xi32, #tpu.memory_space<hbm>> -> memref<128xi32, #tpu.memory_space<hbm>>
          %dma_start3A_28 = tpu.memref_slice %arg2[%mul3A_16] : memref<10000xi32, #tpu.memory_space<hbm>> -> memref<128xi32, #tpu.memory_space<hbm>>
          tpu.enqueue_dma source(%dma_start3A_28 : memref<128xi32, #tpu.memory_space<hbm>>) target(%arg8 : memref<128xi32, #tpu.memory_space<vmem>>) target_semaphore(%run_scoped3A : memref<!tpu.dma_semaphore, #tpu.memory_space<semaphore_mem>>)
          %dma_wait3A_29 = tpu.memref_slice %arg2[%mul3A_16] : memref<10000xi32, #tpu.memory_space<hbm>> -> memref<128xi32, #tpu.memory_space<hbm>>
          %dma_wait3A_30 = tpu.memref_slice %arg2[%mul3A_16] : memref<10000xi32, #tpu.memory_space<hbm>> -> memref<128xi32, #tpu.memory_space<hbm>>
          tpu.wait_dma2 semaphore(%run_scoped3A : memref<!tpu.dma_semaphore, #tpu.memory_space<semaphore_mem>>) src(%dma_wait3A_30 : memref<128xi32, #tpu.memory_space<hbm>>) dst(%arg8 : memref<128xi32, #tpu.memory_space<vmem>>)
          tpu.yield
        }) : () -> ()
        %dma_start3A = arith.constant 0 : i32
        %dma_start3A_17 = arith.constant 0 : i32
        %dma_start3A_18 = tpu.memref_slice %arg4[%dma_start3A, %dma_start3A_17] : memref<100000x256xf32, #tpu.memory_space<hbm>> -> memref<100000x256xf32, #tpu.memory_space<hbm>>
        tpu.enqueue_indirect_dma source(%dma_start3A_18 : memref<100000x256xf32, #tpu.memory_space<hbm>>) target(%arg9 : memref<128x256xf32, #tpu.memory_space<vmem>>) offsets(%arg8 : memref<128xi32, #tpu.memory_space<vmem>>) semaphore(%arg12 : memref<!tpu.dma_semaphore, #tpu.memory_space<semaphore_mem>>)
        %dma_wait3A = arith.constant 0 : i32
        %dma_wait3A_19 = arith.constant 0 : i32
        %dma_wait3A_20 = tpu.memref_slice %arg4[%dma_wait3A, %dma_wait3A_19] : memref<100000x256xf32, #tpu.memory_space<hbm>> -> memref<100000x256xf32, #tpu.memory_space<hbm>>
        tpu.wait_indirect_dma semaphore(%arg12 : memref<!tpu.dma_semaphore, #tpu.memory_space<semaphore_mem>>) src(%dma_wait3A_20 : memref<100000x256xf32, #tpu.memory_space<hbm>>) dst(%arg9 : memref<128x256xf32, #tpu.memory_space<vmem>>)
        "tpu.region"() ({
          %run_scoped3A = tpu.sem_alloc : memref<!tpu.dma_semaphore, #tpu.memory_space<semaphore_mem>>
          %dma_start3A_27 = arith.constant 0 : i32
          %dma_start3A_28 = tpu.memref_slice %arg6[%mul3A_16, %dma_start3A_27] : memref<10000x256xf32, #tpu.memory_space<hbm>> -> memref<128x256xf32, #tpu.memory_space<hbm>>
          %dma_start3A_29 = arith.constant 0 : i32
          %dma_start3A_30 = tpu.memref_slice %arg6[%mul3A_16, %dma_start3A_29] : memref<10000x256xf32, #tpu.memory_space<hbm>> -> memref<128x256xf32, #tpu.memory_space<hbm>>
          tpu.enqueue_dma source(%arg9 : memref<128x256xf32, #tpu.memory_space<vmem>>) target(%dma_start3A_30 : memref<128x256xf32, #tpu.memory_space<hbm>>) target_semaphore(%run_scoped3A : memref<!tpu.dma_semaphore, #tpu.memory_space<semaphore_mem>>)
          %dma_wait3A_31 = arith.constant 0 : i32
          %dma_wait3A_32 = tpu.memref_slice %arg6[%mul3A_16, %dma_wait3A_31] : memref<10000x256xf32, #tpu.memory_space<hbm>> -> memref<128x256xf32, #tpu.memory_space<hbm>>
          %dma_wait3A_33 = arith.constant 0 : i32
          %dma_wait3A_34 = tpu.memref_slice %arg6[%mul3A_16, %dma_wait3A_33] : memref<10000x256xf32, #tpu.memory_space<hbm>> -> memref<128x256xf32, #tpu.memory_space<hbm>>
          tpu.wait_dma2 semaphore(%run_scoped3A : memref<!tpu.dma_semaphore, #tpu.memory_space<semaphore_mem>>) src(%arg9 : memref<128x256xf32, #tpu.memory_space<vmem>>) dst(%dma_wait3A_34 : memref<128x256xf32, #tpu.memory_space<hbm>>)
          tpu.yield
        }) : () -> ()
        "tpu.region"() ({
          %run_scoped3A = tpu.sem_alloc : memref<!tpu.dma_semaphore, #tpu.memory_space<semaphore_mem>>
          %dma_start3A_27 = tpu.memref_slice %arg3[%mul3A_16] : memref<10000xi32, #tpu.memory_space<hbm>> -> memref<128xi32, #tpu.memory_space<hbm>>
          %dma_start3A_28 = tpu.memref_slice %arg3[%mul3A_16] : memref<10000xi32, #tpu.memory_space<hbm>> -> memref<128xi32, #tpu.memory_space<hbm>>
          tpu.enqueue_dma source(%dma_start3A_28 : memref<128xi32, #tpu.memory_space<hbm>>) target(%arg8 : memref<128xi32, #tpu.memory_space<vmem>>) target_semaphore(%run_scoped3A : memref<!tpu.dma_semaphore, #tpu.memory_space<semaphore_mem>>)
          %dma_wait3A_29 = tpu.memref_slice %arg3[%mul3A_16] : memref<10000xi32, #tpu.memory_space<hbm>> -> memref<128xi32, #tpu.memory_space<hbm>>
          %dma_wait3A_30 = tpu.memref_slice %arg3[%mul3A_16] : memref<10000xi32, #tpu.memory_space<hbm>> -> memref<128xi32, #tpu.memory_space<hbm>>
          tpu.wait_dma2 semaphore(%run_scoped3A : memref<!tpu.dma_semaphore, #tpu.memory_space<semaphore_mem>>) src(%dma_wait3A_30 : memref<128xi32, #tpu.memory_space<hbm>>) dst(%arg8 : memref<128xi32, #tpu.memory_space<vmem>>)
          tpu.yield
        }) : () -> ()
        %dma_start3A_21 = arith.constant 0 : i32
        %dma_start3A_22 = arith.constant 0 : i32
        %dma_start3A_23 = tpu.memref_slice %arg5[%dma_start3A_21, %dma_start3A_22] : memref<100000x256xf32, #tpu.memory_space<hbm>> -> memref<100000x256xf32, #tpu.memory_space<hbm>>
        tpu.enqueue_indirect_dma source(%dma_start3A_23 : memref<100000x256xf32, #tpu.memory_space<hbm>>) target(%arg9 : memref<128x256xf32, #tpu.memory_space<vmem>>) offsets(%arg8 : memref<128xi32, #tpu.memory_space<vmem>>) semaphore(%arg12 : memref<!tpu.dma_semaphore, #tpu.memory_space<semaphore_mem>>)
        %dma_wait3A_24 = arith.constant 0 : i32
        %dma_wait3A_25 = arith.constant 0 : i32
        %dma_wait3A_26 = tpu.memref_slice %arg5[%dma_wait3A_24, %dma_wait3A_25] : memref<100000x256xf32, #tpu.memory_space<hbm>> -> memref<100000x256xf32, #tpu.memory_space<hbm>>
        tpu.wait_indirect_dma semaphore(%arg12 : memref<!tpu.dma_semaphore, #tpu.memory_space<semaphore_mem>>) src(%dma_wait3A_26 : memref<100000x256xf32, #tpu.memory_space<hbm>>) dst(%arg9 : memref<128x256xf32, #tpu.memory_space<vmem>>)
        "tpu.region"() ({
          %run_scoped3A = tpu.sem_alloc : memref<!tpu.dma_semaphore, #tpu.memory_space<semaphore_mem>>
          %dma_start3A_27 = arith.constant 0 : i32
          %dma_start3A_28 = tpu.memref_slice %arg7[%mul3A_16, %dma_start3A_27] : memref<10000x256xf32, #tpu.memory_space<hbm>> -> memref<128x256xf32, #tpu.memory_space<hbm>>
          %dma_start3A_29 = arith.constant 0 : i32
          %dma_start3A_30 = tpu.memref_slice %arg7[%mul3A_16, %dma_start3A_29] : memref<10000x256xf32, #tpu.memory_space<hbm>> -> memref<128x256xf32, #tpu.memory_space<hbm>>
          tpu.enqueue_dma source(%arg9 : memref<128x256xf32, #tpu.memory_space<vmem>>) target(%dma_start3A_30 : memref<128x256xf32, #tpu.memory_space<hbm>>) target_semaphore(%run_scoped3A : memref<!tpu.dma_semaphore, #tpu.memory_space<semaphore_mem>>)
          %dma_wait3A_31 = arith.constant 0 : i32
          %dma_wait3A_32 = tpu.memref_slice %arg7[%mul3A_16, %dma_wait3A_31] : memref<10000x256xf32, #tpu.memory_space<hbm>> -> memref<128x256xf32, #tpu.memory_space<hbm>>
          %dma_wait3A_33 = arith.constant 0 : i32
          %dma_wait3A_34 = tpu.memref_slice %arg7[%mul3A_16, %dma_wait3A_33] : memref<10000x256xf32, #tpu.memory_space<hbm>> -> memref<128x256xf32, #tpu.memory_space<hbm>>
          tpu.wait_dma2 semaphore(%run_scoped3A : memref<!tpu.dma_semaphore, #tpu.memory_space<semaphore_mem>>) src(%arg9 : memref<128x256xf32, #tpu.memory_space<vmem>>) dst(%dma_wait3A_34 : memref<128x256xf32, #tpu.memory_space<hbm>>)
          tpu.yield
        }) : () -> ()
      } else {
      }
    }
    %scan3A_4 = arith.constant 3 : i32
    %eq3A = arith.constant 14 : i32
    %eq3A_5 = arith.cmpi eq, %add3A, %eq3A : i32
    %convert_element_type3A = arith.extui %eq3A_5 : i1 to i32
    %cond3A = arith.constant 0 : i32
    %cond3A_6 = arith.cmpi ne, %convert_element_type3A, %cond3A : i32
    scf.if %cond3A_6 {
      "tpu.region"() ({
        %run_scoped3A = tpu.sem_alloc : memref<!tpu.dma_semaphore, #tpu.memory_space<semaphore_mem>>
        %dma_start3A_17 = arith.constant 9984 : i32
        %dma_start3A_18 = tpu.memref_slice %arg2[%dma_start3A_17] : memref<10000xi32, #tpu.memory_space<hbm>> -> memref<16xi32, #tpu.memory_space<hbm>>
        %dma_start3A_19 = arith.constant 9984 : i32
        %dma_start3A_20 = tpu.memref_slice %arg2[%dma_start3A_19] : memref<10000xi32, #tpu.memory_space<hbm>> -> memref<16xi32, #tpu.memory_space<hbm>>
        tpu.enqueue_dma source(%dma_start3A_20 : memref<16xi32, #tpu.memory_space<hbm>>) target(%arg10 : memref<16xi32, #tpu.memory_space<vmem>>) target_semaphore(%run_scoped3A : memref<!tpu.dma_semaphore, #tpu.memory_space<semaphore_mem>>)
        %dma_wait3A_21 = arith.constant 9984 : i32
        %dma_wait3A_22 = tpu.memref_slice %arg2[%dma_wait3A_21] : memref<10000xi32, #tpu.memory_space<hbm>> -> memref<16xi32, #tpu.memory_space<hbm>>
        %dma_wait3A_23 = arith.constant 9984 : i32
        %dma_wait3A_24 = tpu.memref_slice %arg2[%dma_wait3A_23] : memref<10000xi32, #tpu.memory_space<hbm>> -> memref<16xi32, #tpu.memory_space<hbm>>
        tpu.wait_dma2 semaphore(%run_scoped3A : memref<!tpu.dma_semaphore, #tpu.memory_space<semaphore_mem>>) src(%dma_wait3A_24 : memref<16xi32, #tpu.memory_space<hbm>>) dst(%arg10 : memref<16xi32, #tpu.memory_space<vmem>>)
        tpu.yield
      }) : () -> ()
      %dma_start3A = arith.constant 0 : i32
      %dma_start3A_7 = arith.constant 0 : i32
      %dma_start3A_8 = tpu.memref_slice %arg4[%dma_start3A, %dma_start3A_7] : memref<100000x256xf32, #tpu.memory_space<hbm>> -> memref<100000x256xf32, #tpu.memory_space<hbm>>
      tpu.enqueue_indirect_dma source(%dma_start3A_8 : memref<100000x256xf32, #tpu.memory_space<hbm>>) target(%arg11 : memref<16x256xf32, #tpu.memory_space<vmem>>) offsets(%arg10 : memref<16xi32, #tpu.memory_space<vmem>>) semaphore(%arg12 : memref<!tpu.dma_semaphore, #tpu.memory_space<semaphore_mem>>)
      %dma_wait3A = arith.constant 0 : i32
      %dma_wait3A_9 = arith.constant 0 : i32
      %dma_wait3A_10 = tpu.memref_slice %arg4[%dma_wait3A, %dma_wait3A_9] : memref<100000x256xf32, #tpu.memory_space<hbm>> -> memref<100000x256xf32, #tpu.memory_space<hbm>>
      tpu.wait_indirect_dma semaphore(%arg12 : memref<!tpu.dma_semaphore, #tpu.memory_space<semaphore_mem>>) src(%dma_wait3A_10 : memref<100000x256xf32, #tpu.memory_space<hbm>>) dst(%arg11 : memref<16x256xf32, #tpu.memory_space<vmem>>)
      "tpu.region"() ({
        %run_scoped3A = tpu.sem_alloc : memref<!tpu.dma_semaphore, #tpu.memory_space<semaphore_mem>>
        %dma_start3A_17 = arith.constant 9984 : i32
        %dma_start3A_18 = arith.constant 0 : i32
        %dma_start3A_19 = tpu.memref_slice %arg6[%dma_start3A_17, %dma_start3A_18] : memref<10000x256xf32, #tpu.memory_space<hbm>> -> memref<16x256xf32, #tpu.memory_space<hbm>>
        %dma_start3A_20 = arith.constant 9984 : i32
        %dma_start3A_21 = arith.constant 0 : i32
        %dma_start3A_22 = tpu.memref_slice %arg6[%dma_start3A_20, %dma_start3A_21] : memref<10000x256xf32, #tpu.memory_space<hbm>> -> memref<16x256xf32, #tpu.memory_space<hbm>>
        tpu.enqueue_dma source(%arg11 : memref<16x256xf32, #tpu.memory_space<vmem>>) target(%dma_start3A_22 : memref<16x256xf32, #tpu.memory_space<hbm>>) target_semaphore(%run_scoped3A : memref<!tpu.dma_semaphore, #tpu.memory_space<semaphore_mem>>)
        %dma_wait3A_23 = arith.constant 9984 : i32
        %dma_wait3A_24 = arith.constant 0 : i32
        %dma_wait3A_25 = tpu.memref_slice %arg6[%dma_wait3A_23, %dma_wait3A_24] : memref<10000x256xf32, #tpu.memory_space<hbm>> -> memref<16x256xf32, #tpu.memory_space<hbm>>
        %dma_wait3A_26 = arith.constant 9984 : i32
        %dma_wait3A_27 = arith.constant 0 : i32
        %dma_wait3A_28 = tpu.memref_slice %arg6[%dma_wait3A_26, %dma_wait3A_27] : memref<10000x256xf32, #tpu.memory_space<hbm>> -> memref<16x256xf32, #tpu.memory_space<hbm>>
        tpu.wait_dma2 semaphore(%run_scoped3A : memref<!tpu.dma_semaphore, #tpu.memory_space<semaphore_mem>>) src(%arg11 : memref<16x256xf32, #tpu.memory_space<vmem>>) dst(%dma_wait3A_28 : memref<16x256xf32, #tpu.memory_space<hbm>>)
        tpu.yield
      }) : () -> ()
      "tpu.region"() ({
        %run_scoped3A = tpu.sem_alloc : memref<!tpu.dma_semaphore, #tpu.memory_space<semaphore_mem>>
        %dma_start3A_17 = arith.constant 9984 : i32
        %dma_start3A_18 = tpu.memref_slice %arg3[%dma_start3A_17] : memref<10000xi32, #tpu.memory_space<hbm>> -> memref<16xi32, #tpu.memory_space<hbm>>
        %dma_start3A_19 = arith.constant 9984 : i32
        %dma_start3A_20 = tpu.memref_slice %arg3[%dma_start3A_19] : memref<10000xi32, #tpu.memory_space<hbm>> -> memref<16xi32, #tpu.memory_space<hbm>>
        tpu.enqueue_dma source(%dma_start3A_20 : memref<16xi32, #tpu.memory_space<hbm>>) target(%arg10 : memref<16xi32, #tpu.memory_space<vmem>>) target_semaphore(%run_scoped3A : memref<!tpu.dma_semaphore, #tpu.memory_space<semaphore_mem>>)
        %dma_wait3A_21 = arith.constant 9984 : i32
        %dma_wait3A_22 = tpu.memref_slice %arg3[%dma_wait3A_21] : memref<10000xi32, #tpu.memory_space<hbm>> -> memref<16xi32, #tpu.memory_space<hbm>>
        %dma_wait3A_23 = arith.constant 9984 : i32
        %dma_wait3A_24 = tpu.memref_slice %arg3[%dma_wait3A_23] : memref<10000xi32, #tpu.memory_space<hbm>> -> memref<16xi32, #tpu.memory_space<hbm>>
        tpu.wait_dma2 semaphore(%run_scoped3A : memref<!tpu.dma_semaphore, #tpu.memory_space<semaphore_mem>>) src(%dma_wait3A_24 : memref<16xi32, #tpu.memory_space<hbm>>) dst(%arg10 : memref<16xi32, #tpu.memory_space<vmem>>)
        tpu.yield
      }) : () -> ()
      %dma_start3A_11 = arith.constant 0 : i32
      %dma_start3A_12 = arith.constant 0 : i32
      %dma_start3A_13 = tpu.memref_slice %arg5[%dma_start3A_11, %dma_start3A_12] : memref<100000x256xf32, #tpu.memory_space<hbm>> -> memref<100000x256xf32, #tpu.memory_space<hbm>>
      tpu.enqueue_indirect_dma source(%dma_start3A_13 : memref<100000x256xf32, #tpu.memory_space<hbm>>) target(%arg11 : memref<16x256xf32, #tpu.memory_space<vmem>>) offsets(%arg10 : memref<16xi32, #tpu.memory_space<vmem>>) semaphore(%arg12 : memref<!tpu.dma_semaphore, #tpu.memory_space<semaphore_mem>>)
      %dma_wait3A_14 = arith.constant 0 : i32
      %dma_wait3A_15 = arith.constant 0 : i32
      %dma_wait3A_16 = tpu.memref_slice %arg5[%dma_wait3A_14, %dma_wait3A_15] : memref<100000x256xf32, #tpu.memory_space<hbm>> -> memref<100000x256xf32, #tpu.memory_space<hbm>>
      tpu.wait_indirect_dma semaphore(%arg12 : memref<!tpu.dma_semaphore, #tpu.memory_space<semaphore_mem>>) src(%dma_wait3A_16 : memref<100000x256xf32, #tpu.memory_space<hbm>>) dst(%arg11 : memref<16x256xf32, #tpu.memory_space<vmem>>)
      "tpu.region"() ({
        %run_scoped3A = tpu.sem_alloc : memref<!tpu.dma_semaphore, #tpu.memory_space<semaphore_mem>>
        %dma_start3A_17 = arith.constant 9984 : i32
        %dma_start3A_18 = arith.constant 0 : i32
        %dma_start3A_19 = tpu.memref_slice %arg7[%dma_start3A_17, %dma_start3A_18] : memref<10000x256xf32, #tpu.memory_space<hbm>> -> memref<16x256xf32, #tpu.memory_space<hbm>>
        %dma_start3A_20 = arith.constant 9984 : i32
        %dma_start3A_21 = arith.constant 0 : i32
        %dma_start3A_22 = tpu.memref_slice %arg7[%dma_start3A_20, %dma_start3A_21] : memref<10000x256xf32, #tpu.memory_space<hbm>> -> memref<16x256xf32, #tpu.memory_space<hbm>>
        tpu.enqueue_dma source(%arg11 : memref<16x256xf32, #tpu.memory_space<vmem>>) target(%dma_start3A_22 : memref<16x256xf32, #tpu.memory_space<hbm>>) target_semaphore(%run_scoped3A : memref<!tpu.dma_semaphore, #tpu.memory_space<semaphore_mem>>)
        %dma_wait3A_23 = arith.constant 9984 : i32
        %dma_wait3A_24 = arith.constant 0 : i32
        %dma_wait3A_25 = tpu.memref_slice %arg7[%dma_wait3A_23, %dma_wait3A_24] : memref<10000x256xf32, #tpu.memory_space<hbm>> -> memref<16x256xf32, #tpu.memory_space<hbm>>
        %dma_wait3A_26 = arith.constant 9984 : i32
        %dma_wait3A_27 = arith.constant 0 : i32
        %dma_wait3A_28 = tpu.memref_slice %arg7[%dma_wait3A_26, %dma_wait3A_27] : memref<10000x256xf32, #tpu.memory_space<hbm>> -> memref<16x256xf32, #tpu.memory_space<hbm>>
        tpu.wait_dma2 semaphore(%run_scoped3A : memref<!tpu.dma_semaphore, #tpu.memory_space<semaphore_mem>>) src(%arg11 : memref<16x256xf32, #tpu.memory_space<vmem>>) dst(%dma_wait3A_28 : memref<16x256xf32, #tpu.memory_space<hbm>>)
        tpu.yield
      }) : () -> ()
    } else {
    }
    return
  }
}

#map = affine_map<(d0, d1) -> (0, 0)>
#map1 = affine_map<(d0, d1) -> (0)>
#map2 = affine_map<(d0, d1) -> (0, 0, 0)>
module attributes {stable_mosaic.version = 14 : i64} {
  func.func @_segsum_body(%arg0: i32, %arg1: i32, %arg2: memref<10000x128xf32, #tpu.memory_space<hbm>>, %arg3: memref<640000xi32, #tpu.memory_space<hbm>>, %arg4: memref<640000xi32, #tpu.memory_space<hbm>>, %arg5: memref<624x128xf32, #tpu.memory_space<hbm>>, %arg6: memref<2x10000x128xf32, #tpu.memory_space<hbm>>, %arg7: memref<128xi32, #tpu.memory_space<vmem>>, %arg8: memref<128xi32, #tpu.memory_space<vmem>>, %arg9: memref<32xi32, #tpu.memory_space<vmem>>, %arg10: memref<32xi32, #tpu.memory_space<vmem>>, %arg11: memref<128x128xf32, #tpu.memory_space<vmem>>, %arg12: memref<32x128xf32, #tpu.memory_space<vmem>>, %arg13: memref<10000x128xf32, #tpu.memory_space<vmem_shared>>, %arg14: memref<!tpu.dma_semaphore, #tpu.memory_space<semaphore_mem>>) attributes {dimension_semantics = [#tpu.dimension_semantics<core_parallel>, #tpu.dimension_semantics<subcore_parallel>], iteration_bounds = array<i64: 2, 16>, scalar_prefetch = 0 : i64, scratch_operands = 8 : i64, tpu.core_type = #tpu.core_type<sc_vector_subcore>, window_params = [{transform_indices = #map}, {transform_indices = #map1}, {transform_indices = #map1}, {transform_indices = #map}, {transform_indices = #map2}]} {
    %mul3A = arith.constant 2 : i32
    %mul3A_0 = arith.muli %arg1, %mul3A : i32
    %add3A = arith.addi %mul3A_0, %arg0 : i32
    %mul3A_1 = arith.constant 624 : i32
    %mul3A_2 = arith.muli %arg1, %mul3A_1 : i32
    "tpu.region"() ({
      %run_scoped3A = tpu.sem_alloc : memref<!tpu.dma_semaphore, #tpu.memory_space<semaphore_mem>>
      %dma_start3A_25 = arith.constant 0 : i32
      %dma_start3A_26 = tpu.memref_slice %arg13[%mul3A_2, %dma_start3A_25] : memref<10000x128xf32, #tpu.memory_space<vmem_shared>> -> memref<624x128xf32, #tpu.memory_space<vmem_shared>>
      tpu.enqueue_dma source(%arg5 : memref<624x128xf32, #tpu.memory_space<hbm>>) target(%dma_start3A_26 : memref<624x128xf32, #tpu.memory_space<vmem_shared>>) target_semaphore(%run_scoped3A : memref<!tpu.dma_semaphore, #tpu.memory_space<semaphore_mem>>)
      %dma_wait3A_27 = arith.constant 0 : i32
      %dma_wait3A_28 = tpu.memref_slice %arg13[%mul3A_2, %dma_wait3A_27] : memref<10000x128xf32, #tpu.memory_space<vmem_shared>> -> memref<624x128xf32, #tpu.memory_space<vmem_shared>>
      tpu.wait_dma2 semaphore(%run_scoped3A : memref<!tpu.dma_semaphore, #tpu.memory_space<semaphore_mem>>) src(%arg5 : memref<624x128xf32, #tpu.memory_space<hbm>>) dst(%dma_wait3A_28 : memref<624x128xf32, #tpu.memory_space<vmem_shared>>)
      tpu.yield
    }) : () -> ()
    %eq3A = arith.constant 15 : i32
    %eq3A_3 = arith.cmpi eq, %arg1, %eq3A : i32
    %convert_element_type3A = arith.extui %eq3A_3 : i1 to i32
    %cond3A = arith.constant 0 : i32
    %cond3A_4 = arith.cmpi ne, %convert_element_type3A, %cond3A : i32
    scf.if %cond3A_4 {
      "tpu.region"() ({
        %run_scoped3A = tpu.sem_alloc : memref<!tpu.dma_semaphore, #tpu.memory_space<semaphore_mem>>
        %dma_start3A_25 = arith.constant 9984 : i32
        %dma_start3A_26 = arith.constant 0 : i32
        %dma_start3A_27 = tpu.memref_slice %arg13[%dma_start3A_25, %dma_start3A_26] : memref<10000x128xf32, #tpu.memory_space<vmem_shared>> -> memref<16x128xf32, #tpu.memory_space<vmem_shared>>
        %dma_start3A_28 = arith.constant 0 : i32
        %dma_start3A_29 = arith.constant 0 : i32
        %dma_start3A_30 = tpu.memref_slice %arg5[%dma_start3A_28, %dma_start3A_29] : memref<624x128xf32, #tpu.memory_space<hbm>> -> memref<16x128xf32, #tpu.memory_space<hbm>>
        tpu.enqueue_dma source(%dma_start3A_30 : memref<16x128xf32, #tpu.memory_space<hbm>>) target(%dma_start3A_27 : memref<16x128xf32, #tpu.memory_space<vmem_shared>>) target_semaphore(%run_scoped3A : memref<!tpu.dma_semaphore, #tpu.memory_space<semaphore_mem>>)
        %dma_wait3A_31 = arith.constant 9984 : i32
        %dma_wait3A_32 = arith.constant 0 : i32
        %dma_wait3A_33 = tpu.memref_slice %arg13[%dma_wait3A_31, %dma_wait3A_32] : memref<10000x128xf32, #tpu.memory_space<vmem_shared>> -> memref<16x128xf32, #tpu.memory_space<vmem_shared>>
        %dma_wait3A_34 = arith.constant 0 : i32
        %dma_wait3A_35 = arith.constant 0 : i32
        %dma_wait3A_36 = tpu.memref_slice %arg5[%dma_wait3A_34, %dma_wait3A_35] : memref<624x128xf32, #tpu.memory_space<hbm>> -> memref<16x128xf32, #tpu.memory_space<hbm>>
        tpu.wait_dma2 semaphore(%run_scoped3A : memref<!tpu.dma_semaphore, #tpu.memory_space<semaphore_mem>>) src(%dma_wait3A_36 : memref<16x128xf32, #tpu.memory_space<hbm>>) dst(%dma_wait3A_33 : memref<16x128xf32, #tpu.memory_space<vmem_shared>>)
        tpu.yield
      }) : () -> ()
    } else {
    }
    %barrier3A = arith.constant 0 : index
    tpu.barrier barrier_id(%barrier3A)
    %mul3A_5 = arith.constant 20000 : i32
    %mul3A_6 = arith.muli %add3A, %mul3A_5 : i32
    %scan3A = arith.constant 0 : i32
    %scan3A_7 = arith.constant 156 : i32
    %scan3A_8 = arith.addi %scan3A, %scan3A_7 : i32
    %scan3A_9 = arith.constant 1 : i32
    scf.for %scan3A_25 = %scan3A to %scan3A_8 step %scan3A_9  : i32 {
      %mul3A_26 = arith.constant 128 : i32
      %mul3A_27 = arith.muli %scan3A_25, %mul3A_26 : i32
      %add3A_28 = arith.addi %mul3A_6, %mul3A_27 : i32
      "tpu.region"() ({
        %run_scoped3A = tpu.sem_alloc : memref<!tpu.dma_semaphore, #tpu.memory_space<semaphore_mem>>
        %dma_start3A_35 = tpu.memref_slice %arg3[%add3A_28] : memref<640000xi32, #tpu.memory_space<hbm>> -> memref<128xi32, #tpu.memory_space<hbm>>
        %dma_start3A_36 = tpu.memref_slice %arg3[%add3A_28] : memref<640000xi32, #tpu.memory_space<hbm>> -> memref<128xi32, #tpu.memory_space<hbm>>
        tpu.enqueue_dma source(%dma_start3A_36 : memref<128xi32, #tpu.memory_space<hbm>>) target(%arg7 : memref<128xi32, #tpu.memory_space<vmem>>) target_semaphore(%run_scoped3A : memref<!tpu.dma_semaphore, #tpu.memory_space<semaphore_mem>>)
        %dma_wait3A_37 = tpu.memref_slice %arg3[%add3A_28] : memref<640000xi32, #tpu.memory_space<hbm>> -> memref<128xi32, #tpu.memory_space<hbm>>
        %dma_wait3A_38 = tpu.memref_slice %arg3[%add3A_28] : memref<640000xi32, #tpu.memory_space<hbm>> -> memref<128xi32, #tpu.memory_space<hbm>>
        tpu.wait_dma2 semaphore(%run_scoped3A : memref<!tpu.dma_semaphore, #tpu.memory_space<semaphore_mem>>) src(%dma_wait3A_38 : memref<128xi32, #tpu.memory_space<hbm>>) dst(%arg7 : memref<128xi32, #tpu.memory_space<vmem>>)
        tpu.yield
      }) : () -> ()
      "tpu.region"() ({
        %run_scoped3A = tpu.sem_alloc : memref<!tpu.dma_semaphore, #tpu.memory_space<semaphore_mem>>
        %dma_start3A_35 = tpu.memref_slice %arg4[%add3A_28] : memref<640000xi32, #tpu.memory_space<hbm>> -> memref<128xi32, #tpu.memory_space<hbm>>
        %dma_start3A_36 = tpu.memref_slice %arg4[%add3A_28] : memref<640000xi32, #tpu.memory_space<hbm>> -> memref<128xi32, #tpu.memory_space<hbm>>
        tpu.enqueue_dma source(%dma_start3A_36 : memref<128xi32, #tpu.memory_space<hbm>>) target(%arg8 : memref<128xi32, #tpu.memory_space<vmem>>) target_semaphore(%run_scoped3A : memref<!tpu.dma_semaphore, #tpu.memory_space<semaphore_mem>>)
        %dma_wait3A_37 = tpu.memref_slice %arg4[%add3A_28] : memref<640000xi32, #tpu.memory_space<hbm>> -> memref<128xi32, #tpu.memory_space<hbm>>
        %dma_wait3A_38 = tpu.memref_slice %arg4[%add3A_28] : memref<640000xi32, #tpu.memory_space<hbm>> -> memref<128xi32, #tpu.memory_space<hbm>>
        tpu.wait_dma2 semaphore(%run_scoped3A : memref<!tpu.dma_semaphore, #tpu.memory_space<semaphore_mem>>) src(%dma_wait3A_38 : memref<128xi32, #tpu.memory_space<hbm>>) dst(%arg8 : memref<128xi32, #tpu.memory_space<vmem>>)
        tpu.yield
      }) : () -> ()
      %dma_start3A_29 = arith.constant 0 : i32
      %dma_start3A_30 = arith.constant 0 : i32
      %dma_start3A_31 = tpu.memref_slice %arg2[%dma_start3A_29, %dma_start3A_30] : memref<10000x128xf32, #tpu.memory_space<hbm>> -> memref<10000x128xf32, #tpu.memory_space<hbm>>
      tpu.enqueue_indirect_dma source(%dma_start3A_31 : memref<10000x128xf32, #tpu.memory_space<hbm>>) target(%arg11 : memref<128x128xf32, #tpu.memory_space<vmem>>) offsets(%arg7 : memref<128xi32, #tpu.memory_space<vmem>>) semaphore(%arg14 : memref<!tpu.dma_semaphore, #tpu.memory_space<semaphore_mem>>)
      %dma_wait3A_32 = arith.constant 0 : i32
      %dma_wait3A_33 = arith.constant 0 : i32
      %dma_wait3A_34 = tpu.memref_slice %arg2[%dma_wait3A_32, %dma_wait3A_33] : memref<10000x128xf32, #tpu.memory_space<hbm>> -> memref<10000x128xf32, #tpu.memory_space<hbm>>
      tpu.wait_indirect_dma semaphore(%arg14 : memref<!tpu.dma_semaphore, #tpu.memory_space<semaphore_mem>>) src(%dma_wait3A_34 : memref<10000x128xf32, #tpu.memory_space<hbm>>) dst(%arg11 : memref<128x128xf32, #tpu.memory_space<vmem>>)
      "tpu.region"() ({
        %run_scoped3A = tpu.sem_alloc : memref<!tpu.dma_semaphore, #tpu.memory_space<semaphore_mem>>
        %dma_start3A_35 = arith.constant 0 : i32
        %dma_start3A_36 = arith.constant 0 : i32
        %dma_start3A_37 = tpu.memref_slice %arg13[%dma_start3A_35, %dma_start3A_36] : memref<10000x128xf32, #tpu.memory_space<vmem_shared>> -> memref<10000x128xf32, #tpu.memory_space<vmem_shared>>
        tpu.enqueue_indirect_dma source(%arg11 : memref<128x128xf32, #tpu.memory_space<vmem>>) target(%dma_start3A_37 : memref<10000x128xf32, #tpu.memory_space<vmem_shared>>) offsets(%arg8 : memref<128xi32, #tpu.memory_space<vmem>>) semaphore(%run_scoped3A : memref<!tpu.dma_semaphore, #tpu.memory_space<semaphore_mem>>) {add = true}
        %dma_wait3A_38 = arith.constant 0 : i32
        %dma_wait3A_39 = arith.constant 0 : i32
        %dma_wait3A_40 = tpu.memref_slice %arg13[%dma_wait3A_38, %dma_wait3A_39] : memref<10000x128xf32, #tpu.memory_space<vmem_shared>> -> memref<10000x128xf32, #tpu.memory_space<vmem_shared>>
        tpu.wait_indirect_dma semaphore(%run_scoped3A : memref<!tpu.dma_semaphore, #tpu.memory_space<semaphore_mem>>) src(%arg11 : memref<128x128xf32, #tpu.memory_space<vmem>>) dst(%dma_wait3A_40 : memref<10000x128xf32, #tpu.memory_space<vmem_shared>>)
        tpu.yield
      }) : () -> ()
    }
    %scan3A_10 = arith.constant 156 : i32
    %add3A_11 = arith.constant 19968 : i32
    %add3A_12 = arith.addi %mul3A_6, %add3A_11 : i32
    "tpu.region"() ({
      %run_scoped3A = tpu.sem_alloc : memref<!tpu.dma_semaphore, #tpu.memory_space<semaphore_mem>>
      %dma_start3A_25 = tpu.memref_slice %arg3[%add3A_12] : memref<640000xi32, #tpu.memory_space<hbm>> -> memref<32xi32, #tpu.memory_space<hbm>>
      %dma_start3A_26 = tpu.memref_slice %arg3[%add3A_12] : memref<640000xi32, #tpu.memory_space<hbm>> -> memref<32xi32, #tpu.memory_space<hbm>>
      tpu.enqueue_dma source(%dma_start3A_26 : memref<32xi32, #tpu.memory_space<hbm>>) target(%arg9 : memref<32xi32, #tpu.memory_space<vmem>>) target_semaphore(%run_scoped3A : memref<!tpu.dma_semaphore, #tpu.memory_space<semaphore_mem>>)
      %dma_wait3A_27 = tpu.memref_slice %arg3[%add3A_12] : memref<640000xi32, #tpu.memory_space<hbm>> -> memref<32xi32, #tpu.memory_space<hbm>>
      %dma_wait3A_28 = tpu.memref_slice %arg3[%add3A_12] : memref<640000xi32, #tpu.memory_space<hbm>> -> memref<32xi32, #tpu.memory_space<hbm>>
      tpu.wait_dma2 semaphore(%run_scoped3A : memref<!tpu.dma_semaphore, #tpu.memory_space<semaphore_mem>>) src(%dma_wait3A_28 : memref<32xi32, #tpu.memory_space<hbm>>) dst(%arg9 : memref<32xi32, #tpu.memory_space<vmem>>)
      tpu.yield
    }) : () -> ()
    "tpu.region"() ({
      %run_scoped3A = tpu.sem_alloc : memref<!tpu.dma_semaphore, #tpu.memory_space<semaphore_mem>>
      %dma_start3A_25 = tpu.memref_slice %arg4[%add3A_12] : memref<640000xi32, #tpu.memory_space<hbm>> -> memref<32xi32, #tpu.memory_space<hbm>>
      %dma_start3A_26 = tpu.memref_slice %arg4[%add3A_12] : memref<640000xi32, #tpu.memory_space<hbm>> -> memref<32xi32, #tpu.memory_space<hbm>>
      tpu.enqueue_dma source(%dma_start3A_26 : memref<32xi32, #tpu.memory_space<hbm>>) target(%arg10 : memref<32xi32, #tpu.memory_space<vmem>>) target_semaphore(%run_scoped3A : memref<!tpu.dma_semaphore, #tpu.memory_space<semaphore_mem>>)
      %dma_wait3A_27 = tpu.memref_slice %arg4[%add3A_12] : memref<640000xi32, #tpu.memory_space<hbm>> -> memref<32xi32, #tpu.memory_space<hbm>>
      %dma_wait3A_28 = tpu.memref_slice %arg4[%add3A_12] : memref<640000xi32, #tpu.memory_space<hbm>> -> memref<32xi32, #tpu.memory_space<hbm>>
      tpu.wait_dma2 semaphore(%run_scoped3A : memref<!tpu.dma_semaphore, #tpu.memory_space<semaphore_mem>>) src(%dma_wait3A_28 : memref<32xi32, #tpu.memory_space<hbm>>) dst(%arg10 : memref<32xi32, #tpu.memory_space<vmem>>)
      tpu.yield
    }) : () -> ()
    %dma_start3A = arith.constant 0 : i32
    %dma_start3A_13 = arith.constant 0 : i32
    %dma_start3A_14 = tpu.memref_slice %arg2[%dma_start3A, %dma_start3A_13] : memref<10000x128xf32, #tpu.memory_space<hbm>> -> memref<10000x128xf32, #tpu.memory_space<hbm>>
    tpu.enqueue_indirect_dma source(%dma_start3A_14 : memref<10000x128xf32, #tpu.memory_space<hbm>>) target(%arg12 : memref<32x128xf32, #tpu.memory_space<vmem>>) offsets(%arg9 : memref<32xi32, #tpu.memory_space<vmem>>) semaphore(%arg14 : memref<!tpu.dma_semaphore, #tpu.memory_space<semaphore_mem>>)
    %dma_wait3A = arith.constant 0 : i32
    %dma_wait3A_15 = arith.constant 0 : i32
    %dma_wait3A_16 = tpu.memref_slice %arg2[%dma_wait3A, %dma_wait3A_15] : memref<10000x128xf32, #tpu.memory_space<hbm>> -> memref<10000x128xf32, #tpu.memory_space<hbm>>
    tpu.wait_indirect_dma semaphore(%arg14 : memref<!tpu.dma_semaphore, #tpu.memory_space<semaphore_mem>>) src(%dma_wait3A_16 : memref<10000x128xf32, #tpu.memory_space<hbm>>) dst(%arg12 : memref<32x128xf32, #tpu.memory_space<vmem>>)
    "tpu.region"() ({
      %run_scoped3A = tpu.sem_alloc : memref<!tpu.dma_semaphore, #tpu.memory_space<semaphore_mem>>
      %dma_start3A_25 = arith.constant 0 : i32
      %dma_start3A_26 = arith.constant 0 : i32
      %dma_start3A_27 = tpu.memref_slice %arg13[%dma_start3A_25, %dma_start3A_26] : memref<10000x128xf32, #tpu.memory_space<vmem_shared>> -> memref<10000x128xf32, #tpu.memory_space<vmem_shared>>
      tpu.enqueue_indirect_dma source(%arg12 : memref<32x128xf32, #tpu.memory_space<vmem>>) target(%dma_start3A_27 : memref<10000x128xf32, #tpu.memory_space<vmem_shared>>) offsets(%arg10 : memref<32xi32, #tpu.memory_space<vmem>>) semaphore(%run_scoped3A : memref<!tpu.dma_semaphore, #tpu.memory_space<semaphore_mem>>) {add = true}
      %dma_wait3A_28 = arith.constant 0 : i32
      %dma_wait3A_29 = arith.constant 0 : i32
      %dma_wait3A_30 = tpu.memref_slice %arg13[%dma_wait3A_28, %dma_wait3A_29] : memref<10000x128xf32, #tpu.memory_space<vmem_shared>> -> memref<10000x128xf32, #tpu.memory_space<vmem_shared>>
      tpu.wait_indirect_dma semaphore(%run_scoped3A : memref<!tpu.dma_semaphore, #tpu.memory_space<semaphore_mem>>) src(%arg12 : memref<32x128xf32, #tpu.memory_space<vmem>>) dst(%dma_wait3A_30 : memref<10000x128xf32, #tpu.memory_space<vmem_shared>>)
      tpu.yield
    }) : () -> ()
    %barrier3A_17 = arith.constant 0 : index
    tpu.barrier barrier_id(%barrier3A_17)
    %mul3A_18 = arith.constant 624 : i32
    %mul3A_19 = arith.muli %arg1, %mul3A_18 : i32
    "tpu.region"() ({
      %run_scoped3A = tpu.sem_alloc : memref<!tpu.dma_semaphore, #tpu.memory_space<semaphore_mem>>
      %dma_start3A_25 = arith.constant 0 : i32
      %dma_start3A_26 = tpu.memref_slice %arg6[%arg0, %mul3A_19, %dma_start3A_25] : memref<2x10000x128xf32, #tpu.memory_space<hbm>> -> memref<1x624x128xf32, #tpu.memory_space<hbm>>
      %dma_start3A_27 = tpu.memref_squeeze %dma_start3A_26 : memref<1x624x128xf32, #tpu.memory_space<hbm>> -> memref<624x128xf32, #tpu.memory_space<hbm>>
      %dma_start3A_28 = arith.constant 0 : i32
      %dma_start3A_29 = tpu.memref_slice %arg13[%mul3A_19, %dma_start3A_28] : memref<10000x128xf32, #tpu.memory_space<vmem_shared>> -> memref<624x128xf32, #tpu.memory_space<vmem_shared>>
      tpu.enqueue_dma source(%dma_start3A_29 : memref<624x128xf32, #tpu.memory_space<vmem_shared>>) target(%dma_start3A_27 : memref<624x128xf32, #tpu.memory_space<hbm>>) target_semaphore(%run_scoped3A : memref<!tpu.dma_semaphore, #tpu.memory_space<semaphore_mem>>)
      %dma_wait3A_30 = arith.constant 0 : i32
      %dma_wait3A_31 = tpu.memref_slice %arg6[%arg0, %mul3A_19, %dma_wait3A_30] : memref<2x10000x128xf32, #tpu.memory_space<hbm>> -> memref<1x624x128xf32, #tpu.memory_space<hbm>>
      %dma_wait3A_32 = tpu.memref_squeeze %dma_wait3A_31 : memref<1x624x128xf32, #tpu.memory_space<hbm>> -> memref<624x128xf32, #tpu.memory_space<hbm>>
      %dma_wait3A_33 = arith.constant 0 : i32
      %dma_wait3A_34 = tpu.memref_slice %arg13[%mul3A_19, %dma_wait3A_33] : memref<10000x128xf32, #tpu.memory_space<vmem_shared>> -> memref<624x128xf32, #tpu.memory_space<vmem_shared>>
      tpu.wait_dma2 semaphore(%run_scoped3A : memref<!tpu.dma_semaphore, #tpu.memory_space<semaphore_mem>>) src(%dma_wait3A_34 : memref<624x128xf32, #tpu.memory_space<vmem_shared>>) dst(%dma_wait3A_32 : memref<624x128xf32, #tpu.memory_space<hbm>>)
      tpu.yield
    }) : () -> ()
    %eq3A_20 = arith.constant 15 : i32
    %eq3A_21 = arith.cmpi eq, %arg1, %eq3A_20 : i32
    %convert_element_type3A_22 = arith.extui %eq3A_21 : i1 to i32
    %cond3A_23 = arith.constant 0 : i32
    %cond3A_24 = arith.cmpi ne, %convert_element_type3A_22, %cond3A_23 : i32
    scf.if %cond3A_24 {
      "tpu.region"() ({
        %run_scoped3A = tpu.sem_alloc : memref<!tpu.dma_semaphore, #tpu.memory_space<semaphore_mem>>
        %dma_start3A_25 = arith.constant 9984 : i32
        %dma_start3A_26 = arith.constant 0 : i32
        %dma_start3A_27 = tpu.memref_slice %arg6[%arg0, %dma_start3A_25, %dma_start3A_26] : memref<2x10000x128xf32, #tpu.memory_space<hbm>> -> memref<1x16x128xf32, #tpu.memory_space<hbm>>
        %dma_start3A_28 = tpu.memref_squeeze %dma_start3A_27 : memref<1x16x128xf32, #tpu.memory_space<hbm>> -> memref<16x128xf32, #tpu.memory_space<hbm>>
        %dma_start3A_29 = arith.constant 9984 : i32
        %dma_start3A_30 = arith.constant 0 : i32
        %dma_start3A_31 = tpu.memref_slice %arg13[%dma_start3A_29, %dma_start3A_30] : memref<10000x128xf32, #tpu.memory_space<vmem_shared>> -> memref<16x128xf32, #tpu.memory_space<vmem_shared>>
        tpu.enqueue_dma source(%dma_start3A_31 : memref<16x128xf32, #tpu.memory_space<vmem_shared>>) target(%dma_start3A_28 : memref<16x128xf32, #tpu.memory_space<hbm>>) target_semaphore(%run_scoped3A : memref<!tpu.dma_semaphore, #tpu.memory_space<semaphore_mem>>)
        %dma_wait3A_32 = arith.constant 9984 : i32
        %dma_wait3A_33 = arith.constant 0 : i32
        %dma_wait3A_34 = tpu.memref_slice %arg6[%arg0, %dma_wait3A_32, %dma_wait3A_33] : memref<2x10000x128xf32, #tpu.memory_space<hbm>> -> memref<1x16x128xf32, #tpu.memory_space<hbm>>
        %dma_wait3A_35 = tpu.memref_squeeze %dma_wait3A_34 : memref<1x16x128xf32, #tpu.memory_space<hbm>> -> memref<16x128xf32, #tpu.memory_space<hbm>>
        %dma_wait3A_36 = arith.constant 9984 : i32
        %dma_wait3A_37 = arith.constant 0 : i32
        %dma_wait3A_38 = tpu.memref_slice %arg13[%dma_wait3A_36, %dma_wait3A_37] : memref<10000x128xf32, #tpu.memory_space<vmem_shared>> -> memref<16x128xf32, #tpu.memory_space<vmem_shared>>
        tpu.wait_dma2 semaphore(%run_scoped3A : memref<!tpu.dma_semaphore, #tpu.memory_space<semaphore_mem>>) src(%dma_wait3A_38 : memref<16x128xf32, #tpu.memory_space<vmem_shared>>) dst(%dma_wait3A_35 : memref<16x128xf32, #tpu.memory_space<hbm>>)
        tpu.yield
      }) : () -> ()
    } else {
    }
    return
  }
}

#map = affine_map<(d0, d1) -> (0, 0)>
#map1 = affine_map<(d0, d1) -> (0)>
#map2 = affine_map<(d0, d1) -> (0, 0, 0)>
module attributes {stable_mosaic.version = 14 : i64} {
  func.func @_segsum_body(%arg0: i32, %arg1: i32, %arg2: memref<10000x128xf32, #tpu.memory_space<hbm>>, %arg3: memref<640000xi32, #tpu.memory_space<hbm>>, %arg4: memref<640000xi32, #tpu.memory_space<hbm>>, %arg5: memref<624x128xf32, #tpu.memory_space<hbm>>, %arg6: memref<2x10000x128xf32, #tpu.memory_space<hbm>>, %arg7: memref<128xi32, #tpu.memory_space<vmem>>, %arg8: memref<128xi32, #tpu.memory_space<vmem>>, %arg9: memref<32xi32, #tpu.memory_space<vmem>>, %arg10: memref<32xi32, #tpu.memory_space<vmem>>, %arg11: memref<128x128xf32, #tpu.memory_space<vmem>>, %arg12: memref<32x128xf32, #tpu.memory_space<vmem>>, %arg13: memref<10000x128xf32, #tpu.memory_space<vmem_shared>>, %arg14: memref<!tpu.dma_semaphore, #tpu.memory_space<semaphore_mem>>) attributes {dimension_semantics = [#tpu.dimension_semantics<core_parallel>, #tpu.dimension_semantics<subcore_parallel>], iteration_bounds = array<i64: 2, 16>, scalar_prefetch = 0 : i64, scratch_operands = 8 : i64, tpu.core_type = #tpu.core_type<sc_vector_subcore>, window_params = [{transform_indices = #map}, {transform_indices = #map1}, {transform_indices = #map1}, {transform_indices = #map}, {transform_indices = #map2}]} {
    %mul3A = arith.constant 2 : i32
    %mul3A_0 = arith.muli %arg1, %mul3A : i32
    %add3A = arith.addi %mul3A_0, %arg0 : i32
    %mul3A_1 = arith.constant 624 : i32
    %mul3A_2 = arith.muli %arg1, %mul3A_1 : i32
    "tpu.region"() ({
      %run_scoped3A = tpu.sem_alloc : memref<!tpu.dma_semaphore, #tpu.memory_space<semaphore_mem>>
      %dma_start3A_25 = arith.constant 0 : i32
      %dma_start3A_26 = tpu.memref_slice %arg13[%mul3A_2, %dma_start3A_25] : memref<10000x128xf32, #tpu.memory_space<vmem_shared>> -> memref<624x128xf32, #tpu.memory_space<vmem_shared>>
      tpu.enqueue_dma source(%arg5 : memref<624x128xf32, #tpu.memory_space<hbm>>) target(%dma_start3A_26 : memref<624x128xf32, #tpu.memory_space<vmem_shared>>) target_semaphore(%run_scoped3A : memref<!tpu.dma_semaphore, #tpu.memory_space<semaphore_mem>>)
      %dma_wait3A_27 = arith.constant 0 : i32
      %dma_wait3A_28 = tpu.memref_slice %arg13[%mul3A_2, %dma_wait3A_27] : memref<10000x128xf32, #tpu.memory_space<vmem_shared>> -> memref<624x128xf32, #tpu.memory_space<vmem_shared>>
      tpu.wait_dma2 semaphore(%run_scoped3A : memref<!tpu.dma_semaphore, #tpu.memory_space<semaphore_mem>>) src(%arg5 : memref<624x128xf32, #tpu.memory_space<hbm>>) dst(%dma_wait3A_28 : memref<624x128xf32, #tpu.memory_space<vmem_shared>>)
      tpu.yield
    }) : () -> ()
    %eq3A = arith.constant 15 : i32
    %eq3A_3 = arith.cmpi eq, %arg1, %eq3A : i32
    %convert_element_type3A = arith.extui %eq3A_3 : i1 to i32
    %cond3A = arith.constant 0 : i32
    %cond3A_4 = arith.cmpi ne, %convert_element_type3A, %cond3A : i32
    scf.if %cond3A_4 {
      "tpu.region"() ({
        %run_scoped3A = tpu.sem_alloc : memref<!tpu.dma_semaphore, #tpu.memory_space<semaphore_mem>>
        %dma_start3A_25 = arith.constant 9984 : i32
        %dma_start3A_26 = arith.constant 0 : i32
        %dma_start3A_27 = tpu.memref_slice %arg13[%dma_start3A_25, %dma_start3A_26] : memref<10000x128xf32, #tpu.memory_space<vmem_shared>> -> memref<16x128xf32, #tpu.memory_space<vmem_shared>>
        %dma_start3A_28 = arith.constant 0 : i32
        %dma_start3A_29 = arith.constant 0 : i32
        %dma_start3A_30 = tpu.memref_slice %arg5[%dma_start3A_28, %dma_start3A_29] : memref<624x128xf32, #tpu.memory_space<hbm>> -> memref<16x128xf32, #tpu.memory_space<hbm>>
        tpu.enqueue_dma source(%dma_start3A_30 : memref<16x128xf32, #tpu.memory_space<hbm>>) target(%dma_start3A_27 : memref<16x128xf32, #tpu.memory_space<vmem_shared>>) target_semaphore(%run_scoped3A : memref<!tpu.dma_semaphore, #tpu.memory_space<semaphore_mem>>)
        %dma_wait3A_31 = arith.constant 9984 : i32
        %dma_wait3A_32 = arith.constant 0 : i32
        %dma_wait3A_33 = tpu.memref_slice %arg13[%dma_wait3A_31, %dma_wait3A_32] : memref<10000x128xf32, #tpu.memory_space<vmem_shared>> -> memref<16x128xf32, #tpu.memory_space<vmem_shared>>
        %dma_wait3A_34 = arith.constant 0 : i32
        %dma_wait3A_35 = arith.constant 0 : i32
        %dma_wait3A_36 = tpu.memref_slice %arg5[%dma_wait3A_34, %dma_wait3A_35] : memref<624x128xf32, #tpu.memory_space<hbm>> -> memref<16x128xf32, #tpu.memory_space<hbm>>
        tpu.wait_dma2 semaphore(%run_scoped3A : memref<!tpu.dma_semaphore, #tpu.memory_space<semaphore_mem>>) src(%dma_wait3A_36 : memref<16x128xf32, #tpu.memory_space<hbm>>) dst(%dma_wait3A_33 : memref<16x128xf32, #tpu.memory_space<vmem_shared>>)
        tpu.yield
      }) : () -> ()
    } else {
    }
    %barrier3A = arith.constant 0 : index
    tpu.barrier barrier_id(%barrier3A)
    %mul3A_5 = arith.constant 20000 : i32
    %mul3A_6 = arith.muli %add3A, %mul3A_5 : i32
    %scan3A = arith.constant 0 : i32
    %scan3A_7 = arith.constant 156 : i32
    %scan3A_8 = arith.addi %scan3A, %scan3A_7 : i32
    %scan3A_9 = arith.constant 1 : i32
    scf.for %scan3A_25 = %scan3A to %scan3A_8 step %scan3A_9  : i32 {
      %mul3A_26 = arith.constant 128 : i32
      %mul3A_27 = arith.muli %scan3A_25, %mul3A_26 : i32
      %add3A_28 = arith.addi %mul3A_6, %mul3A_27 : i32
      "tpu.region"() ({
        %run_scoped3A = tpu.sem_alloc : memref<!tpu.dma_semaphore, #tpu.memory_space<semaphore_mem>>
        %dma_start3A_35 = tpu.memref_slice %arg3[%add3A_28] : memref<640000xi32, #tpu.memory_space<hbm>> -> memref<128xi32, #tpu.memory_space<hbm>>
        %dma_start3A_36 = tpu.memref_slice %arg3[%add3A_28] : memref<640000xi32, #tpu.memory_space<hbm>> -> memref<128xi32, #tpu.memory_space<hbm>>
        tpu.enqueue_dma source(%dma_start3A_36 : memref<128xi32, #tpu.memory_space<hbm>>) target(%arg7 : memref<128xi32, #tpu.memory_space<vmem>>) target_semaphore(%run_scoped3A : memref<!tpu.dma_semaphore, #tpu.memory_space<semaphore_mem>>)
        %dma_wait3A_37 = tpu.memref_slice %arg3[%add3A_28] : memref<640000xi32, #tpu.memory_space<hbm>> -> memref<128xi32, #tpu.memory_space<hbm>>
        %dma_wait3A_38 = tpu.memref_slice %arg3[%add3A_28] : memref<640000xi32, #tpu.memory_space<hbm>> -> memref<128xi32, #tpu.memory_space<hbm>>
        tpu.wait_dma2 semaphore(%run_scoped3A : memref<!tpu.dma_semaphore, #tpu.memory_space<semaphore_mem>>) src(%dma_wait3A_38 : memref<128xi32, #tpu.memory_space<hbm>>) dst(%arg7 : memref<128xi32, #tpu.memory_space<vmem>>)
        tpu.yield
      }) : () -> ()
      "tpu.region"() ({
        %run_scoped3A = tpu.sem_alloc : memref<!tpu.dma_semaphore, #tpu.memory_space<semaphore_mem>>
        %dma_start3A_35 = tpu.memref_slice %arg4[%add3A_28] : memref<640000xi32, #tpu.memory_space<hbm>> -> memref<128xi32, #tpu.memory_space<hbm>>
        %dma_start3A_36 = tpu.memref_slice %arg4[%add3A_28] : memref<640000xi32, #tpu.memory_space<hbm>> -> memref<128xi32, #tpu.memory_space<hbm>>
        tpu.enqueue_dma source(%dma_start3A_36 : memref<128xi32, #tpu.memory_space<hbm>>) target(%arg8 : memref<128xi32, #tpu.memory_space<vmem>>) target_semaphore(%run_scoped3A : memref<!tpu.dma_semaphore, #tpu.memory_space<semaphore_mem>>)
        %dma_wait3A_37 = tpu.memref_slice %arg4[%add3A_28] : memref<640000xi32, #tpu.memory_space<hbm>> -> memref<128xi32, #tpu.memory_space<hbm>>
        %dma_wait3A_38 = tpu.memref_slice %arg4[%add3A_28] : memref<640000xi32, #tpu.memory_space<hbm>> -> memref<128xi32, #tpu.memory_space<hbm>>
        tpu.wait_dma2 semaphore(%run_scoped3A : memref<!tpu.dma_semaphore, #tpu.memory_space<semaphore_mem>>) src(%dma_wait3A_38 : memref<128xi32, #tpu.memory_space<hbm>>) dst(%arg8 : memref<128xi32, #tpu.memory_space<vmem>>)
        tpu.yield
      }) : () -> ()
      %dma_start3A_29 = arith.constant 0 : i32
      %dma_start3A_30 = arith.constant 0 : i32
      %dma_start3A_31 = tpu.memref_slice %arg2[%dma_start3A_29, %dma_start3A_30] : memref<10000x128xf32, #tpu.memory_space<hbm>> -> memref<10000x128xf32, #tpu.memory_space<hbm>>
      tpu.enqueue_indirect_dma source(%dma_start3A_31 : memref<10000x128xf32, #tpu.memory_space<hbm>>) target(%arg11 : memref<128x128xf32, #tpu.memory_space<vmem>>) offsets(%arg7 : memref<128xi32, #tpu.memory_space<vmem>>) semaphore(%arg14 : memref<!tpu.dma_semaphore, #tpu.memory_space<semaphore_mem>>)
      %dma_wait3A_32 = arith.constant 0 : i32
      %dma_wait3A_33 = arith.constant 0 : i32
      %dma_wait3A_34 = tpu.memref_slice %arg2[%dma_wait3A_32, %dma_wait3A_33] : memref<10000x128xf32, #tpu.memory_space<hbm>> -> memref<10000x128xf32, #tpu.memory_space<hbm>>
      tpu.wait_indirect_dma semaphore(%arg14 : memref<!tpu.dma_semaphore, #tpu.memory_space<semaphore_mem>>) src(%dma_wait3A_34 : memref<10000x128xf32, #tpu.memory_space<hbm>>) dst(%arg11 : memref<128x128xf32, #tpu.memory_space<vmem>>)
      "tpu.region"() ({
        %run_scoped3A = tpu.sem_alloc : memref<!tpu.dma_semaphore, #tpu.memory_space<semaphore_mem>>
        %dma_start3A_35 = arith.constant 0 : i32
        %dma_start3A_36 = arith.constant 0 : i32
        %dma_start3A_37 = tpu.memref_slice %arg13[%dma_start3A_35, %dma_start3A_36] : memref<10000x128xf32, #tpu.memory_space<vmem_shared>> -> memref<10000x128xf32, #tpu.memory_space<vmem_shared>>
        tpu.enqueue_indirect_dma source(%arg11 : memref<128x128xf32, #tpu.memory_space<vmem>>) target(%dma_start3A_37 : memref<10000x128xf32, #tpu.memory_space<vmem_shared>>) offsets(%arg8 : memref<128xi32, #tpu.memory_space<vmem>>) semaphore(%run_scoped3A : memref<!tpu.dma_semaphore, #tpu.memory_space<semaphore_mem>>) {add = true}
        %dma_wait3A_38 = arith.constant 0 : i32
        %dma_wait3A_39 = arith.constant 0 : i32
        %dma_wait3A_40 = tpu.memref_slice %arg13[%dma_wait3A_38, %dma_wait3A_39] : memref<10000x128xf32, #tpu.memory_space<vmem_shared>> -> memref<10000x128xf32, #tpu.memory_space<vmem_shared>>
        tpu.wait_indirect_dma semaphore(%run_scoped3A : memref<!tpu.dma_semaphore, #tpu.memory_space<semaphore_mem>>) src(%arg11 : memref<128x128xf32, #tpu.memory_space<vmem>>) dst(%dma_wait3A_40 : memref<10000x128xf32, #tpu.memory_space<vmem_shared>>)
        tpu.yield
      }) : () -> ()
    }
    %scan3A_10 = arith.constant 156 : i32
    %add3A_11 = arith.constant 19968 : i32
    %add3A_12 = arith.addi %mul3A_6, %add3A_11 : i32
    "tpu.region"() ({
      %run_scoped3A = tpu.sem_alloc : memref<!tpu.dma_semaphore, #tpu.memory_space<semaphore_mem>>
      %dma_start3A_25 = tpu.memref_slice %arg3[%add3A_12] : memref<640000xi32, #tpu.memory_space<hbm>> -> memref<32xi32, #tpu.memory_space<hbm>>
      %dma_start3A_26 = tpu.memref_slice %arg3[%add3A_12] : memref<640000xi32, #tpu.memory_space<hbm>> -> memref<32xi32, #tpu.memory_space<hbm>>
      tpu.enqueue_dma source(%dma_start3A_26 : memref<32xi32, #tpu.memory_space<hbm>>) target(%arg9 : memref<32xi32, #tpu.memory_space<vmem>>) target_semaphore(%run_scoped3A : memref<!tpu.dma_semaphore, #tpu.memory_space<semaphore_mem>>)
      %dma_wait3A_27 = tpu.memref_slice %arg3[%add3A_12] : memref<640000xi32, #tpu.memory_space<hbm>> -> memref<32xi32, #tpu.memory_space<hbm>>
      %dma_wait3A_28 = tpu.memref_slice %arg3[%add3A_12] : memref<640000xi32, #tpu.memory_space<hbm>> -> memref<32xi32, #tpu.memory_space<hbm>>
      tpu.wait_dma2 semaphore(%run_scoped3A : memref<!tpu.dma_semaphore, #tpu.memory_space<semaphore_mem>>) src(%dma_wait3A_28 : memref<32xi32, #tpu.memory_space<hbm>>) dst(%arg9 : memref<32xi32, #tpu.memory_space<vmem>>)
      tpu.yield
    }) : () -> ()
    "tpu.region"() ({
      %run_scoped3A = tpu.sem_alloc : memref<!tpu.dma_semaphore, #tpu.memory_space<semaphore_mem>>
      %dma_start3A_25 = tpu.memref_slice %arg4[%add3A_12] : memref<640000xi32, #tpu.memory_space<hbm>> -> memref<32xi32, #tpu.memory_space<hbm>>
      %dma_start3A_26 = tpu.memref_slice %arg4[%add3A_12] : memref<640000xi32, #tpu.memory_space<hbm>> -> memref<32xi32, #tpu.memory_space<hbm>>
      tpu.enqueue_dma source(%dma_start3A_26 : memref<32xi32, #tpu.memory_space<hbm>>) target(%arg10 : memref<32xi32, #tpu.memory_space<vmem>>) target_semaphore(%run_scoped3A : memref<!tpu.dma_semaphore, #tpu.memory_space<semaphore_mem>>)
      %dma_wait3A_27 = tpu.memref_slice %arg4[%add3A_12] : memref<640000xi32, #tpu.memory_space<hbm>> -> memref<32xi32, #tpu.memory_space<hbm>>
      %dma_wait3A_28 = tpu.memref_slice %arg4[%add3A_12] : memref<640000xi32, #tpu.memory_space<hbm>> -> memref<32xi32, #tpu.memory_space<hbm>>
      tpu.wait_dma2 semaphore(%run_scoped3A : memref<!tpu.dma_semaphore, #tpu.memory_space<semaphore_mem>>) src(%dma_wait3A_28 : memref<32xi32, #tpu.memory_space<hbm>>) dst(%arg10 : memref<32xi32, #tpu.memory_space<vmem>>)
      tpu.yield
    }) : () -> ()
    %dma_start3A = arith.constant 0 : i32
    %dma_start3A_13 = arith.constant 0 : i32
    %dma_start3A_14 = tpu.memref_slice %arg2[%dma_start3A, %dma_start3A_13] : memref<10000x128xf32, #tpu.memory_space<hbm>> -> memref<10000x128xf32, #tpu.memory_space<hbm>>
    tpu.enqueue_indirect_dma source(%dma_start3A_14 : memref<10000x128xf32, #tpu.memory_space<hbm>>) target(%arg12 : memref<32x128xf32, #tpu.memory_space<vmem>>) offsets(%arg9 : memref<32xi32, #tpu.memory_space<vmem>>) semaphore(%arg14 : memref<!tpu.dma_semaphore, #tpu.memory_space<semaphore_mem>>)
    %dma_wait3A = arith.constant 0 : i32
    %dma_wait3A_15 = arith.constant 0 : i32
    %dma_wait3A_16 = tpu.memref_slice %arg2[%dma_wait3A, %dma_wait3A_15] : memref<10000x128xf32, #tpu.memory_space<hbm>> -> memref<10000x128xf32, #tpu.memory_space<hbm>>
    tpu.wait_indirect_dma semaphore(%arg14 : memref<!tpu.dma_semaphore, #tpu.memory_space<semaphore_mem>>) src(%dma_wait3A_16 : memref<10000x128xf32, #tpu.memory_space<hbm>>) dst(%arg12 : memref<32x128xf32, #tpu.memory_space<vmem>>)
    "tpu.region"() ({
      %run_scoped3A = tpu.sem_alloc : memref<!tpu.dma_semaphore, #tpu.memory_space<semaphore_mem>>
      %dma_start3A_25 = arith.constant 0 : i32
      %dma_start3A_26 = arith.constant 0 : i32
      %dma_start3A_27 = tpu.memref_slice %arg13[%dma_start3A_25, %dma_start3A_26] : memref<10000x128xf32, #tpu.memory_space<vmem_shared>> -> memref<10000x128xf32, #tpu.memory_space<vmem_shared>>
      tpu.enqueue_indirect_dma source(%arg12 : memref<32x128xf32, #tpu.memory_space<vmem>>) target(%dma_start3A_27 : memref<10000x128xf32, #tpu.memory_space<vmem_shared>>) offsets(%arg10 : memref<32xi32, #tpu.memory_space<vmem>>) semaphore(%run_scoped3A : memref<!tpu.dma_semaphore, #tpu.memory_space<semaphore_mem>>) {add = true}
      %dma_wait3A_28 = arith.constant 0 : i32
      %dma_wait3A_29 = arith.constant 0 : i32
      %dma_wait3A_30 = tpu.memref_slice %arg13[%dma_wait3A_28, %dma_wait3A_29] : memref<10000x128xf32, #tpu.memory_space<vmem_shared>> -> memref<10000x128xf32, #tpu.memory_space<vmem_shared>>
      tpu.wait_indirect_dma semaphore(%run_scoped3A : memref<!tpu.dma_semaphore, #tpu.memory_space<semaphore_mem>>) src(%arg12 : memref<32x128xf32, #tpu.memory_space<vmem>>) dst(%dma_wait3A_30 : memref<10000x128xf32, #tpu.memory_space<vmem_shared>>)
      tpu.yield
    }) : () -> ()
    %barrier3A_17 = arith.constant 0 : index
    tpu.barrier barrier_id(%barrier3A_17)
    %mul3A_18 = arith.constant 624 : i32
    %mul3A_19 = arith.muli %arg1, %mul3A_18 : i32
    "tpu.region"() ({
      %run_scoped3A = tpu.sem_alloc : memref<!tpu.dma_semaphore, #tpu.memory_space<semaphore_mem>>
      %dma_start3A_25 = arith.constant 0 : i32
      %dma_start3A_26 = tpu.memref_slice %arg6[%arg0, %mul3A_19, %dma_start3A_25] : memref<2x10000x128xf32, #tpu.memory_space<hbm>> -> memref<1x624x128xf32, #tpu.memory_space<hbm>>
      %dma_start3A_27 = tpu.memref_squeeze %dma_start3A_26 : memref<1x624x128xf32, #tpu.memory_space<hbm>> -> memref<624x128xf32, #tpu.memory_space<hbm>>
      %dma_start3A_28 = arith.constant 0 : i32
      %dma_start3A_29 = tpu.memref_slice %arg13[%mul3A_19, %dma_start3A_28] : memref<10000x128xf32, #tpu.memory_space<vmem_shared>> -> memref<624x128xf32, #tpu.memory_space<vmem_shared>>
      tpu.enqueue_dma source(%dma_start3A_29 : memref<624x128xf32, #tpu.memory_space<vmem_shared>>) target(%dma_start3A_27 : memref<624x128xf32, #tpu.memory_space<hbm>>) target_semaphore(%run_scoped3A : memref<!tpu.dma_semaphore, #tpu.memory_space<semaphore_mem>>)
      %dma_wait3A_30 = arith.constant 0 : i32
      %dma_wait3A_31 = tpu.memref_slice %arg6[%arg0, %mul3A_19, %dma_wait3A_30] : memref<2x10000x128xf32, #tpu.memory_space<hbm>> -> memref<1x624x128xf32, #tpu.memory_space<hbm>>
      %dma_wait3A_32 = tpu.memref_squeeze %dma_wait3A_31 : memref<1x624x128xf32, #tpu.memory_space<hbm>> -> memref<624x128xf32, #tpu.memory_space<hbm>>
      %dma_wait3A_33 = arith.constant 0 : i32
      %dma_wait3A_34 = tpu.memref_slice %arg13[%mul3A_19, %dma_wait3A_33] : memref<10000x128xf32, #tpu.memory_space<vmem_shared>> -> memref<624x128xf32, #tpu.memory_space<vmem_shared>>
      tpu.wait_dma2 semaphore(%run_scoped3A : memref<!tpu.dma_semaphore, #tpu.memory_space<semaphore_mem>>) src(%dma_wait3A_34 : memref<624x128xf32, #tpu.memory_space<vmem_shared>>) dst(%dma_wait3A_32 : memref<624x128xf32, #tpu.memory_space<hbm>>)
      tpu.yield
    }) : () -> ()
    %eq3A_20 = arith.constant 15 : i32
    %eq3A_21 = arith.cmpi eq, %arg1, %eq3A_20 : i32
    %convert_element_type3A_22 = arith.extui %eq3A_21 : i1 to i32
    %cond3A_23 = arith.constant 0 : i32
    %cond3A_24 = arith.cmpi ne, %convert_element_type3A_22, %cond3A_23 : i32
    scf.if %cond3A_24 {
      "tpu.region"() ({
        %run_scoped3A = tpu.sem_alloc : memref<!tpu.dma_semaphore, #tpu.memory_space<semaphore_mem>>
        %dma_start3A_25 = arith.constant 9984 : i32
        %dma_start3A_26 = arith.constant 0 : i32
        %dma_start3A_27 = tpu.memref_slice %arg6[%arg0, %dma_start3A_25, %dma_start3A_26] : memref<2x10000x128xf32, #tpu.memory_space<hbm>> -> memref<1x16x128xf32, #tpu.memory_space<hbm>>
        %dma_start3A_28 = tpu.memref_squeeze %dma_start3A_27 : memref<1x16x128xf32, #tpu.memory_space<hbm>> -> memref<16x128xf32, #tpu.memory_space<hbm>>
        %dma_start3A_29 = arith.constant 9984 : i32
        %dma_start3A_30 = arith.constant 0 : i32
        %dma_start3A_31 = tpu.memref_slice %arg13[%dma_start3A_29, %dma_start3A_30] : memref<10000x128xf32, #tpu.memory_space<vmem_shared>> -> memref<16x128xf32, #tpu.memory_space<vmem_shared>>
        tpu.enqueue_dma source(%dma_start3A_31 : memref<16x128xf32, #tpu.memory_space<vmem_shared>>) target(%dma_start3A_28 : memref<16x128xf32, #tpu.memory_space<hbm>>) target_semaphore(%run_scoped3A : memref<!tpu.dma_semaphore, #tpu.memory_space<semaphore_mem>>)
        %dma_wait3A_32 = arith.constant 9984 : i32
        %dma_wait3A_33 = arith.constant 0 : i32
        %dma_wait3A_34 = tpu.memref_slice %arg6[%arg0, %dma_wait3A_32, %dma_wait3A_33] : memref<2x10000x128xf32, #tpu.memory_space<hbm>> -> memref<1x16x128xf32, #tpu.memory_space<hbm>>
        %dma_wait3A_35 = tpu.memref_squeeze %dma_wait3A_34 : memref<1x16x128xf32, #tpu.memory_space<hbm>> -> memref<16x128xf32, #tpu.memory_space<hbm>>
        %dma_wait3A_36 = arith.constant 9984 : i32
        %dma_wait3A_37 = arith.constant 0 : i32
        %dma_wait3A_38 = tpu.memref_slice %arg13[%dma_wait3A_36, %dma_wait3A_37] : memref<10000x128xf32, #tpu.memory_space<vmem_shared>> -> memref<16x128xf32, #tpu.memory_space<vmem_shared>>
        tpu.wait_dma2 semaphore(%run_scoped3A : memref<!tpu.dma_semaphore, #tpu.memory_space<semaphore_mem>>) src(%dma_wait3A_38 : memref<16x128xf32, #tpu.memory_space<vmem_shared>>) dst(%dma_wait3A_35 : memref<16x128xf32, #tpu.memory_space<hbm>>)
        tpu.yield
      }) : () -> ()
    } else {
    }
    return
  }
}

#map = affine_map<(d0, d1) -> (0)>
#map1 = affine_map<(d0, d1) -> (0, 0, 0)>
module attributes {stable_mosaic.version = 14 : i64} {
  func.func @_degree_body(%arg0: i32, %arg1: i32, %arg2: memref<640000xi32, #tpu.memory_space<hbm>>, %arg3: memref<640000xi32, #tpu.memory_space<hbm>>, %arg4: memref<128xf32, #tpu.memory_space<hbm>>, %arg5: memref<640xf32, #tpu.memory_space<hbm>>, %arg6: memref<2x1x10240xf32, #tpu.memory_space<hbm>>, %arg7: memref<2x1x10240xf32, #tpu.memory_space<hbm>>, %arg8: memref<128xi32, #tpu.memory_space<vmem>>, %arg9: memref<128xi32, #tpu.memory_space<vmem>>, %arg10: memref<32xi32, #tpu.memory_space<vmem>>, %arg11: memref<32xi32, #tpu.memory_space<vmem>>, %arg12: memref<128xf32, #tpu.memory_space<vmem>>, %arg13: memref<640xf32, #tpu.memory_space<vmem>>, %arg14: memref<10240xf32, #tpu.memory_space<vmem_shared>>, %arg15: memref<10240xf32, #tpu.memory_space<vmem_shared>>, %arg16: memref<!tpu.dma_semaphore, #tpu.memory_space<semaphore_mem>>) attributes {dimension_semantics = [#tpu.dimension_semantics<core_parallel>, #tpu.dimension_semantics<subcore_parallel>], iteration_bounds = array<i64: 2, 16>, scalar_prefetch = 0 : i64, scratch_operands = 9 : i64, tpu.core_type = #tpu.core_type<sc_vector_subcore>, window_params = [{transform_indices = #map}, {transform_indices = #map}, {transform_indices = #map}, {transform_indices = #map}, {transform_indices = #map1}, {transform_indices = #map1}]} {
    %mul3A = arith.constant 2 : i32
    %mul3A_0 = arith.muli %arg1, %mul3A : i32
    %add3A = arith.addi %mul3A_0, %arg0 : i32
    "tpu.region"() ({
      %run_scoped3A_17 = tpu.sem_alloc : memref<!tpu.dma_semaphore, #tpu.memory_space<semaphore_mem>>
      tpu.enqueue_dma source(%arg4 : memref<128xf32, #tpu.memory_space<hbm>>) target(%arg12 : memref<128xf32, #tpu.memory_space<vmem>>) target_semaphore(%run_scoped3A_17 : memref<!tpu.dma_semaphore, #tpu.memory_space<semaphore_mem>>)
      tpu.wait_dma2 semaphore(%run_scoped3A_17 : memref<!tpu.dma_semaphore, #tpu.memory_space<semaphore_mem>>) src(%arg4 : memref<128xf32, #tpu.memory_space<hbm>>) dst(%arg12 : memref<128xf32, #tpu.memory_space<vmem>>)
      tpu.yield
    }) : () -> ()
    "tpu.region"() ({
      %run_scoped3A_17 = tpu.sem_alloc : memref<!tpu.dma_semaphore, #tpu.memory_space<semaphore_mem>>
      tpu.enqueue_dma source(%arg5 : memref<640xf32, #tpu.memory_space<hbm>>) target(%arg13 : memref<640xf32, #tpu.memory_space<vmem>>) target_semaphore(%run_scoped3A_17 : memref<!tpu.dma_semaphore, #tpu.memory_space<semaphore_mem>>)
      tpu.wait_dma2 semaphore(%run_scoped3A_17 : memref<!tpu.dma_semaphore, #tpu.memory_space<semaphore_mem>>) src(%arg5 : memref<640xf32, #tpu.memory_space<hbm>>) dst(%arg13 : memref<640xf32, #tpu.memory_space<vmem>>)
      tpu.yield
    }) : () -> ()
    %mul3A_1 = arith.constant 640 : i32
    %mul3A_2 = arith.muli %arg1, %mul3A_1 : i32
    "tpu.region"() ({
      %run_scoped3A_17 = tpu.sem_alloc : memref<!tpu.dma_semaphore, #tpu.memory_space<semaphore_mem>>
      %dma_start3A = tpu.memref_slice %arg14[%mul3A_2] : memref<10240xf32, #tpu.memory_space<vmem_shared>> -> memref<640xf32, #tpu.memory_space<vmem_shared>>
      %dma_start3A_18 = tpu.memref_slice %arg14[%mul3A_2] : memref<10240xf32, #tpu.memory_space<vmem_shared>> -> memref<640xf32, #tpu.memory_space<vmem_shared>>
      tpu.enqueue_dma source(%arg13 : memref<640xf32, #tpu.memory_space<vmem>>) target(%dma_start3A_18 : memref<640xf32, #tpu.memory_space<vmem_shared>>) target_semaphore(%run_scoped3A_17 : memref<!tpu.dma_semaphore, #tpu.memory_space<semaphore_mem>>)
      %dma_wait3A = tpu.memref_slice %arg14[%mul3A_2] : memref<10240xf32, #tpu.memory_space<vmem_shared>> -> memref<640xf32, #tpu.memory_space<vmem_shared>>
      %dma_wait3A_19 = tpu.memref_slice %arg14[%mul3A_2] : memref<10240xf32, #tpu.memory_space<vmem_shared>> -> memref<640xf32, #tpu.memory_space<vmem_shared>>
      tpu.wait_dma2 semaphore(%run_scoped3A_17 : memref<!tpu.dma_semaphore, #tpu.memory_space<semaphore_mem>>) src(%arg13 : memref<640xf32, #tpu.memory_space<vmem>>) dst(%dma_wait3A_19 : memref<640xf32, #tpu.memory_space<vmem_shared>>)
      tpu.yield
    }) : () -> ()
    %mul3A_3 = arith.constant 640 : i32
    %mul3A_4 = arith.muli %arg1, %mul3A_3 : i32
    "tpu.region"() ({
      %run_scoped3A_17 = tpu.sem_alloc : memref<!tpu.dma_semaphore, #tpu.memory_space<semaphore_mem>>
      %dma_start3A = tpu.memref_slice %arg15[%mul3A_4] : memref<10240xf32, #tpu.memory_space<vmem_shared>> -> memref<640xf32, #tpu.memory_space<vmem_shared>>
      %dma_start3A_18 = tpu.memref_slice %arg15[%mul3A_4] : memref<10240xf32, #tpu.memory_space<vmem_shared>> -> memref<640xf32, #tpu.memory_space<vmem_shared>>
      tpu.enqueue_dma source(%arg13 : memref<640xf32, #tpu.memory_space<vmem>>) target(%dma_start3A_18 : memref<640xf32, #tpu.memory_space<vmem_shared>>) target_semaphore(%run_scoped3A_17 : memref<!tpu.dma_semaphore, #tpu.memory_space<semaphore_mem>>)
      %dma_wait3A = tpu.memref_slice %arg15[%mul3A_4] : memref<10240xf32, #tpu.memory_space<vmem_shared>> -> memref<640xf32, #tpu.memory_space<vmem_shared>>
      %dma_wait3A_19 = tpu.memref_slice %arg15[%mul3A_4] : memref<10240xf32, #tpu.memory_space<vmem_shared>> -> memref<640xf32, #tpu.memory_space<vmem_shared>>
      tpu.wait_dma2 semaphore(%run_scoped3A_17 : memref<!tpu.dma_semaphore, #tpu.memory_space<semaphore_mem>>) src(%arg13 : memref<640xf32, #tpu.memory_space<vmem>>) dst(%dma_wait3A_19 : memref<640xf32, #tpu.memory_space<vmem_shared>>)
      tpu.yield
    }) : () -> ()
    %barrier3A = arith.constant 0 : index
    tpu.barrier barrier_id(%barrier3A)
    %mul3A_5 = arith.constant 20000 : i32
    %mul3A_6 = arith.muli %add3A, %mul3A_5 : i32
    %scan3A = arith.constant 0 : i32
    %scan3A_7 = arith.constant 156 : i32
    %scan3A_8 = arith.addi %scan3A, %scan3A_7 : i32
    %scan3A_9 = arith.constant 1 : i32
    scf.for %scan3A_17 = %scan3A to %scan3A_8 step %scan3A_9  : i32 {
      %mul3A_18 = arith.constant 128 : i32
      %mul3A_19 = arith.muli %scan3A_17, %mul3A_18 : i32
      %add3A_20 = arith.addi %mul3A_6, %mul3A_19 : i32
      "tpu.region"() ({
        %run_scoped3A_21 = tpu.sem_alloc : memref<!tpu.dma_semaphore, #tpu.memory_space<semaphore_mem>>
        %dma_start3A = tpu.memref_slice %arg2[%add3A_20] : memref<640000xi32, #tpu.memory_space<hbm>> -> memref<128xi32, #tpu.memory_space<hbm>>
        %dma_start3A_22 = tpu.memref_slice %arg2[%add3A_20] : memref<640000xi32, #tpu.memory_space<hbm>> -> memref<128xi32, #tpu.memory_space<hbm>>
        tpu.enqueue_dma source(%dma_start3A_22 : memref<128xi32, #tpu.memory_space<hbm>>) target(%arg8 : memref<128xi32, #tpu.memory_space<vmem>>) target_semaphore(%run_scoped3A_21 : memref<!tpu.dma_semaphore, #tpu.memory_space<semaphore_mem>>)
        %dma_wait3A = tpu.memref_slice %arg2[%add3A_20] : memref<640000xi32, #tpu.memory_space<hbm>> -> memref<128xi32, #tpu.memory_space<hbm>>
        %dma_wait3A_23 = tpu.memref_slice %arg2[%add3A_20] : memref<640000xi32, #tpu.memory_space<hbm>> -> memref<128xi32, #tpu.memory_space<hbm>>
        tpu.wait_dma2 semaphore(%run_scoped3A_21 : memref<!tpu.dma_semaphore, #tpu.memory_space<semaphore_mem>>) src(%dma_wait3A_23 : memref<128xi32, #tpu.memory_space<hbm>>) dst(%arg8 : memref<128xi32, #tpu.memory_space<vmem>>)
        tpu.yield
      }) : () -> ()
      "tpu.region"() ({
        %run_scoped3A_21 = tpu.sem_alloc : memref<!tpu.dma_semaphore, #tpu.memory_space<semaphore_mem>>
        %dma_start3A = tpu.memref_slice %arg3[%add3A_20] : memref<640000xi32, #tpu.memory_space<hbm>> -> memref<128xi32, #tpu.memory_space<hbm>>
        %dma_start3A_22 = tpu.memref_slice %arg3[%add3A_20] : memref<640000xi32, #tpu.memory_space<hbm>> -> memref<128xi32, #tpu.memory_space<hbm>>
        tpu.enqueue_dma source(%dma_start3A_22 : memref<128xi32, #tpu.memory_space<hbm>>) target(%arg9 : memref<128xi32, #tpu.memory_space<vmem>>) target_semaphore(%run_scoped3A_21 : memref<!tpu.dma_semaphore, #tpu.memory_space<semaphore_mem>>)
        %dma_wait3A = tpu.memref_slice %arg3[%add3A_20] : memref<640000xi32, #tpu.memory_space<hbm>> -> memref<128xi32, #tpu.memory_space<hbm>>
        %dma_wait3A_23 = tpu.memref_slice %arg3[%add3A_20] : memref<640000xi32, #tpu.memory_space<hbm>> -> memref<128xi32, #tpu.memory_space<hbm>>
        tpu.wait_dma2 semaphore(%run_scoped3A_21 : memref<!tpu.dma_semaphore, #tpu.memory_space<semaphore_mem>>) src(%dma_wait3A_23 : memref<128xi32, #tpu.memory_space<hbm>>) dst(%arg9 : memref<128xi32, #tpu.memory_space<vmem>>)
        tpu.yield
      }) : () -> ()
      "tpu.region"() ({
        %run_scoped3A_21 = tpu.sem_alloc : memref<!tpu.dma_semaphore, #tpu.memory_space<semaphore_mem>>
        %dma_start3A = arith.constant 0 : i32
        %dma_start3A_22 = tpu.memref_slice %arg12[%dma_start3A] : memref<128xf32, #tpu.memory_space<vmem>> -> memref<128xf32, #tpu.memory_space<vmem>>
        %dma_start3A_23 = arith.constant 0 : i32
        %dma_start3A_24 = tpu.memref_slice %arg14[%dma_start3A_23] : memref<10240xf32, #tpu.memory_space<vmem_shared>> -> memref<10240xf32, #tpu.memory_space<vmem_shared>>
        tpu.enqueue_indirect_dma source(%dma_start3A_22 : memref<128xf32, #tpu.memory_space<vmem>>) target(%dma_start3A_24 : memref<10240xf32, #tpu.memory_space<vmem_shared>>) offsets(%arg9 : memref<128xi32, #tpu.memory_space<vmem>>) semaphore(%run_scoped3A_21 : memref<!tpu.dma_semaphore, #tpu.memory_space<semaphore_mem>>) {add = true}
        %dma_wait3A = arith.constant 0 : i32
        %dma_wait3A_25 = tpu.memref_slice %arg12[%dma_wait3A] : memref<128xf32, #tpu.memory_space<vmem>> -> memref<128xf32, #tpu.memory_space<vmem>>
        %dma_wait3A_26 = arith.constant 0 : i32
        %dma_wait3A_27 = tpu.memref_slice %arg14[%dma_wait3A_26] : memref<10240xf32, #tpu.memory_space<vmem_shared>> -> memref<10240xf32, #tpu.memory_space<vmem_shared>>
        tpu.wait_indirect_dma semaphore(%run_scoped3A_21 : memref<!tpu.dma_semaphore, #tpu.memory_space<semaphore_mem>>) src(%dma_wait3A_25 : memref<128xf32, #tpu.memory_space<vmem>>) dst(%dma_wait3A_27 : memref<10240xf32, #tpu.memory_space<vmem_shared>>)
        tpu.yield
      }) : () -> ()
      "tpu.region"() ({
        %run_scoped3A_21 = tpu.sem_alloc : memref<!tpu.dma_semaphore, #tpu.memory_space<semaphore_mem>>
        %dma_start3A = arith.constant 0 : i32
        %dma_start3A_22 = tpu.memref_slice %arg12[%dma_start3A] : memref<128xf32, #tpu.memory_space<vmem>> -> memref<128xf32, #tpu.memory_space<vmem>>
        %dma_start3A_23 = arith.constant 0 : i32
        %dma_start3A_24 = tpu.memref_slice %arg15[%dma_start3A_23] : memref<10240xf32, #tpu.memory_space<vmem_shared>> -> memref<10240xf32, #tpu.memory_space<vmem_shared>>
        tpu.enqueue_indirect_dma source(%dma_start3A_22 : memref<128xf32, #tpu.memory_space<vmem>>) target(%dma_start3A_24 : memref<10240xf32, #tpu.memory_space<vmem_shared>>) offsets(%arg8 : memref<128xi32, #tpu.memory_space<vmem>>) semaphore(%run_scoped3A_21 : memref<!tpu.dma_semaphore, #tpu.memory_space<semaphore_mem>>) {add = true}
        %dma_wait3A = arith.constant 0 : i32
        %dma_wait3A_25 = tpu.memref_slice %arg12[%dma_wait3A] : memref<128xf32, #tpu.memory_space<vmem>> -> memref<128xf32, #tpu.memory_space<vmem>>
        %dma_wait3A_26 = arith.constant 0 : i32
        %dma_wait3A_27 = tpu.memref_slice %arg15[%dma_wait3A_26] : memref<10240xf32, #tpu.memory_space<vmem_shared>> -> memref<10240xf32, #tpu.memory_space<vmem_shared>>
        tpu.wait_indirect_dma semaphore(%run_scoped3A_21 : memref<!tpu.dma_semaphore, #tpu.memory_space<semaphore_mem>>) src(%dma_wait3A_25 : memref<128xf32, #tpu.memory_space<vmem>>) dst(%dma_wait3A_27 : memref<10240xf32, #tpu.memory_space<vmem_shared>>)
        tpu.yield
      }) : () -> ()
    }
    %scan3A_10 = arith.constant 156 : i32
    %add3A_11 = arith.constant 19968 : i32
    %add3A_12 = arith.addi %mul3A_6, %add3A_11 : i32
    "tpu.region"() ({
      %run_scoped3A_17 = tpu.sem_alloc : memref<!tpu.dma_semaphore, #tpu.memory_space<semaphore_mem>>
      %dma_start3A = tpu.memref_slice %arg2[%add3A_12] : memref<640000xi32, #tpu.memory_space<hbm>> -> memref<32xi32, #tpu.memory_space<hbm>>
      %dma_start3A_18 = tpu.memref_slice %arg2[%add3A_12] : memref<640000xi32, #tpu.memory_space<hbm>> -> memref<32xi32, #tpu.memory_space<hbm>>
      tpu.enqueue_dma source(%dma_start3A_18 : memref<32xi32, #tpu.memory_space<hbm>>) target(%arg10 : memref<32xi32, #tpu.memory_space<vmem>>) target_semaphore(%run_scoped3A_17 : memref<!tpu.dma_semaphore, #tpu.memory_space<semaphore_mem>>)
      %dma_wait3A = tpu.memref_slice %arg2[%add3A_12] : memref<640000xi32, #tpu.memory_space<hbm>> -> memref<32xi32, #tpu.memory_space<hbm>>
      %dma_wait3A_19 = tpu.memref_slice %arg2[%add3A_12] : memref<640000xi32, #tpu.memory_space<hbm>> -> memref<32xi32, #tpu.memory_space<hbm>>
      tpu.wait_dma2 semaphore(%run_scoped3A_17 : memref<!tpu.dma_semaphore, #tpu.memory_space<semaphore_mem>>) src(%dma_wait3A_19 : memref<32xi32, #tpu.memory_space<hbm>>) dst(%arg10 : memref<32xi32, #tpu.memory_space<vmem>>)
      tpu.yield
    }) : () -> ()
    "tpu.region"() ({
      %run_scoped3A_17 = tpu.sem_alloc : memref<!tpu.dma_semaphore, #tpu.memory_space<semaphore_mem>>
      %dma_start3A = tpu.memref_slice %arg3[%add3A_12] : memref<640000xi32, #tpu.memory_space<hbm>> -> memref<32xi32, #tpu.memory_space<hbm>>
      %dma_start3A_18 = tpu.memref_slice %arg3[%add3A_12] : memref<640000xi32, #tpu.memory_space<hbm>> -> memref<32xi32, #tpu.memory_space<hbm>>
      tpu.enqueue_dma source(%dma_start3A_18 : memref<32xi32, #tpu.memory_space<hbm>>) target(%arg11 : memref<32xi32, #tpu.memory_space<vmem>>) target_semaphore(%run_scoped3A_17 : memref<!tpu.dma_semaphore, #tpu.memory_space<semaphore_mem>>)
      %dma_wait3A = tpu.memref_slice %arg3[%add3A_12] : memref<640000xi32, #tpu.memory_space<hbm>> -> memref<32xi32, #tpu.memory_space<hbm>>
      %dma_wait3A_19 = tpu.memref_slice %arg3[%add3A_12] : memref<640000xi32, #tpu.memory_space<hbm>> -> memref<32xi32, #tpu.memory_space<hbm>>
      tpu.wait_dma2 semaphore(%run_scoped3A_17 : memref<!tpu.dma_semaphore, #tpu.memory_space<semaphore_mem>>) src(%dma_wait3A_19 : memref<32xi32, #tpu.memory_space<hbm>>) dst(%arg11 : memref<32xi32, #tpu.memory_space<vmem>>)
      tpu.yield
    }) : () -> ()
    "tpu.region"() ({
      %run_scoped3A_17 = tpu.sem_alloc : memref<!tpu.dma_semaphore, #tpu.memory_space<semaphore_mem>>
      %dma_start3A = arith.constant 0 : i32
      %dma_start3A_18 = tpu.memref_slice %arg12[%dma_start3A] : memref<128xf32, #tpu.memory_space<vmem>> -> memref<32xf32, #tpu.memory_space<vmem>>
      %dma_start3A_19 = arith.constant 0 : i32
      %dma_start3A_20 = tpu.memref_slice %arg14[%dma_start3A_19] : memref<10240xf32, #tpu.memory_space<vmem_shared>> -> memref<10240xf32, #tpu.memory_space<vmem_shared>>
      tpu.enqueue_indirect_dma source(%dma_start3A_18 : memref<32xf32, #tpu.memory_space<vmem>>) target(%dma_start3A_20 : memref<10240xf32, #tpu.memory_space<vmem_shared>>) offsets(%arg11 : memref<32xi32, #tpu.memory_space<vmem>>) semaphore(%run_scoped3A_17 : memref<!tpu.dma_semaphore, #tpu.memory_space<semaphore_mem>>) {add = true}
      %dma_wait3A = arith.constant 0 : i32
      %dma_wait3A_21 = tpu.memref_slice %arg12[%dma_wait3A] : memref<128xf32, #tpu.memory_space<vmem>> -> memref<32xf32, #tpu.memory_space<vmem>>
      %dma_wait3A_22 = arith.constant 0 : i32
      %dma_wait3A_23 = tpu.memref_slice %arg14[%dma_wait3A_22] : memref<10240xf32, #tpu.memory_space<vmem_shared>> -> memref<10240xf32, #tpu.memory_space<vmem_shared>>
      tpu.wait_indirect_dma semaphore(%run_scoped3A_17 : memref<!tpu.dma_semaphore, #tpu.memory_space<semaphore_mem>>) src(%dma_wait3A_21 : memref<32xf32, #tpu.memory_space<vmem>>) dst(%dma_wait3A_23 : memref<10240xf32, #tpu.memory_space<vmem_shared>>)
      tpu.yield
    }) : () -> ()
    "tpu.region"() ({
      %run_scoped3A_17 = tpu.sem_alloc : memref<!tpu.dma_semaphore, #tpu.memory_space<semaphore_mem>>
      %dma_start3A = arith.constant 0 : i32
      %dma_start3A_18 = tpu.memref_slice %arg12[%dma_start3A] : memref<128xf32, #tpu.memory_space<vmem>> -> memref<32xf32, #tpu.memory_space<vmem>>
      %dma_start3A_19 = arith.constant 0 : i32
      %dma_start3A_20 = tpu.memref_slice %arg15[%dma_start3A_19] : memref<10240xf32, #tpu.memory_space<vmem_shared>> -> memref<10240xf32, #tpu.memory_space<vmem_shared>>
      tpu.enqueue_indirect_dma source(%dma_start3A_18 : memref<32xf32, #tpu.memory_space<vmem>>) target(%dma_start3A_20 : memref<10240xf32, #tpu.memory_space<vmem_shared>>) offsets(%arg10 : memref<32xi32, #tpu.memory_space<vmem>>) semaphore(%run_scoped3A_17 : memref<!tpu.dma_semaphore, #tpu.memory_space<semaphore_mem>>) {add = true}
      %dma_wait3A = arith.constant 0 : i32
      %dma_wait3A_21 = tpu.memref_slice %arg12[%dma_wait3A] : memref<128xf32, #tpu.memory_space<vmem>> -> memref<32xf32, #tpu.memory_space<vmem>>
      %dma_wait3A_22 = arith.constant 0 : i32
      %dma_wait3A_23 = tpu.memref_slice %arg15[%dma_wait3A_22] : memref<10240xf32, #tpu.memory_space<vmem_shared>> -> memref<10240xf32, #tpu.memory_space<vmem_shared>>
      tpu.wait_indirect_dma semaphore(%run_scoped3A_17 : memref<!tpu.dma_semaphore, #tpu.memory_space<semaphore_mem>>) src(%dma_wait3A_21 : memref<32xf32, #tpu.memory_space<vmem>>) dst(%dma_wait3A_23 : memref<10240xf32, #tpu.memory_space<vmem_shared>>)
      tpu.yield
    }) : () -> ()
    %barrier3A_13 = arith.constant 0 : index
    tpu.barrier barrier_id(%barrier3A_13)
    %mul3A_14 = arith.constant 640 : i32
    %mul3A_15 = arith.muli %arg1, %mul3A_14 : i32
    "tpu.region"() ({
      %run_scoped3A_17 = tpu.sem_alloc : memref<!tpu.dma_semaphore, #tpu.memory_space<semaphore_mem>>
      %dma_start3A = tpu.memref_slice %arg14[%mul3A_15] : memref<10240xf32, #tpu.memory_space<vmem_shared>> -> memref<640xf32, #tpu.memory_space<vmem_shared>>
      %dma_start3A_18 = tpu.memref_slice %arg14[%mul3A_15] : memref<10240xf32, #tpu.memory_space<vmem_shared>> -> memref<640xf32, #tpu.memory_space<vmem_shared>>
      tpu.enqueue_dma source(%dma_start3A_18 : memref<640xf32, #tpu.memory_space<vmem_shared>>) target(%arg13 : memref<640xf32, #tpu.memory_space<vmem>>) target_semaphore(%run_scoped3A_17 : memref<!tpu.dma_semaphore, #tpu.memory_space<semaphore_mem>>)
      %dma_wait3A = tpu.memref_slice %arg14[%mul3A_15] : memref<10240xf32, #tpu.memory_space<vmem_shared>> -> memref<640xf32, #tpu.memory_space<vmem_shared>>
      %dma_wait3A_19 = tpu.memref_slice %arg14[%mul3A_15] : memref<10240xf32, #tpu.memory_space<vmem_shared>> -> memref<640xf32, #tpu.memory_space<vmem_shared>>
      tpu.wait_dma2 semaphore(%run_scoped3A_17 : memref<!tpu.dma_semaphore, #tpu.memory_space<semaphore_mem>>) src(%dma_wait3A_19 : memref<640xf32, #tpu.memory_space<vmem_shared>>) dst(%arg13 : memref<640xf32, #tpu.memory_space<vmem>>)
      tpu.yield
    }) : () -> ()
    %run_scoped3A = arith.constant 0 : i32
    "tpu.region"() ({
      %run_scoped3A_17 = tpu.sem_alloc : memref<!tpu.dma_semaphore, #tpu.memory_space<semaphore_mem>>
      %dma_start3A = tpu.memref_slice %arg6[%arg0, %run_scoped3A, %mul3A_15] : memref<2x1x10240xf32, #tpu.memory_space<hbm>> -> memref<1x1x640xf32, #tpu.memory_space<hbm>>
      %dma_start3A_18 = tpu.memref_squeeze %dma_start3A : memref<1x1x640xf32, #tpu.memory_space<hbm>> -> memref<640xf32, #tpu.memory_space<hbm>>
      %dma_start3A_19 = tpu.memref_slice %arg6[%arg0, %run_scoped3A, %mul3A_15] : memref<2x1x10240xf32, #tpu.memory_space<hbm>> -> memref<1x1x640xf32, #tpu.memory_space<hbm>>
      %dma_start3A_20 = tpu.memref_squeeze %dma_start3A_19 : memref<1x1x640xf32, #tpu.memory_space<hbm>> -> memref<640xf32, #tpu.memory_space<hbm>>
      tpu.enqueue_dma source(%arg13 : memref<640xf32, #tpu.memory_space<vmem>>) target(%dma_start3A_20 : memref<640xf32, #tpu.memory_space<hbm>>) target_semaphore(%run_scoped3A_17 : memref<!tpu.dma_semaphore, #tpu.memory_space<semaphore_mem>>)
      %dma_wait3A = tpu.memref_slice %arg6[%arg0, %run_scoped3A, %mul3A_15] : memref<2x1x10240xf32, #tpu.memory_space<hbm>> -> memref<1x1x640xf32, #tpu.memory_space<hbm>>
      %dma_wait3A_21 = tpu.memref_squeeze %dma_wait3A : memref<1x1x640xf32, #tpu.memory_space<hbm>> -> memref<640xf32, #tpu.memory_space<hbm>>
      %dma_wait3A_22 = tpu.memref_slice %arg6[%arg0, %run_scoped3A, %mul3A_15] : memref<2x1x10240xf32, #tpu.memory_space<hbm>> -> memref<1x1x640xf32, #tpu.memory_space<hbm>>
      %dma_wait3A_23 = tpu.memref_squeeze %dma_wait3A_22 : memref<1x1x640xf32, #tpu.memory_space<hbm>> -> memref<640xf32, #tpu.memory_space<hbm>>
      tpu.wait_dma2 semaphore(%run_scoped3A_17 : memref<!tpu.dma_semaphore, #tpu.memory_space<semaphore_mem>>) src(%arg13 : memref<640xf32, #tpu.memory_space<vmem>>) dst(%dma_wait3A_23 : memref<640xf32, #tpu.memory_space<hbm>>)
      tpu.yield
    }) : () -> ()
    "tpu.region"() ({
      %run_scoped3A_17 = tpu.sem_alloc : memref<!tpu.dma_semaphore, #tpu.memory_space<semaphore_mem>>
      %dma_start3A = tpu.memref_slice %arg15[%mul3A_15] : memref<10240xf32, #tpu.memory_space<vmem_shared>> -> memref<640xf32, #tpu.memory_space<vmem_shared>>
      %dma_start3A_18 = tpu.memref_slice %arg15[%mul3A_15] : memref<10240xf32, #tpu.memory_space<vmem_shared>> -> memref<640xf32, #tpu.memory_space<vmem_shared>>
      tpu.enqueue_dma source(%dma_start3A_18 : memref<640xf32, #tpu.memory_space<vmem_shared>>) target(%arg13 : memref<640xf32, #tpu.memory_space<vmem>>) target_semaphore(%run_scoped3A_17 : memref<!tpu.dma_semaphore, #tpu.memory_space<semaphore_mem>>)
      %dma_wait3A = tpu.memref_slice %arg15[%mul3A_15] : memref<10240xf32, #tpu.memory_space<vmem_shared>> -> memref<640xf32, #tpu.memory_space<vmem_shared>>
      %dma_wait3A_19 = tpu.memref_slice %arg15[%mul3A_15] : memref<10240xf32, #tpu.memory_space<vmem_shared>> -> memref<640xf32, #tpu.memory_space<vmem_shared>>
      tpu.wait_dma2 semaphore(%run_scoped3A_17 : memref<!tpu.dma_semaphore, #tpu.memory_space<semaphore_mem>>) src(%dma_wait3A_19 : memref<640xf32, #tpu.memory_space<vmem_shared>>) dst(%arg13 : memref<640xf32, #tpu.memory_space<vmem>>)
      tpu.yield
    }) : () -> ()
    %run_scoped3A_16 = arith.constant 0 : i32
    "tpu.region"() ({
      %run_scoped3A_17 = tpu.sem_alloc : memref<!tpu.dma_semaphore, #tpu.memory_space<semaphore_mem>>
      %dma_start3A = tpu.memref_slice %arg7[%arg0, %run_scoped3A_16, %mul3A_15] : memref<2x1x10240xf32, #tpu.memory_space<hbm>> -> memref<1x1x640xf32, #tpu.memory_space<hbm>>
      %dma_start3A_18 = tpu.memref_squeeze %dma_start3A : memref<1x1x640xf32, #tpu.memory_space<hbm>> -> memref<640xf32, #tpu.memory_space<hbm>>
      %dma_start3A_19 = tpu.memref_slice %arg7[%arg0, %run_scoped3A_16, %mul3A_15] : memref<2x1x10240xf32, #tpu.memory_space<hbm>> -> memref<1x1x640xf32, #tpu.memory_space<hbm>>
      %dma_start3A_20 = tpu.memref_squeeze %dma_start3A_19 : memref<1x1x640xf32, #tpu.memory_space<hbm>> -> memref<640xf32, #tpu.memory_space<hbm>>
      tpu.enqueue_dma source(%arg13 : memref<640xf32, #tpu.memory_space<vmem>>) target(%dma_start3A_20 : memref<640xf32, #tpu.memory_space<hbm>>) target_semaphore(%run_scoped3A_17 : memref<!tpu.dma_semaphore, #tpu.memory_space<semaphore_mem>>)
      %dma_wait3A = tpu.memref_slice %arg7[%arg0, %run_scoped3A_16, %mul3A_15] : memref<2x1x10240xf32, #tpu.memory_space<hbm>> -> memref<1x1x640xf32, #tpu.memory_space<hbm>>
      %dma_wait3A_21 = tpu.memref_squeeze %dma_wait3A : memref<1x1x640xf32, #tpu.memory_space<hbm>> -> memref<640xf32, #tpu.memory_space<hbm>>
      %dma_wait3A_22 = tpu.memref_slice %arg7[%arg0, %run_scoped3A_16, %mul3A_15] : memref<2x1x10240xf32, #tpu.memory_space<hbm>> -> memref<1x1x640xf32, #tpu.memory_space<hbm>>
      %dma_wait3A_23 = tpu.memref_squeeze %dma_wait3A_22 : memref<1x1x640xf32, #tpu.memory_space<hbm>> -> memref<640xf32, #tpu.memory_space<hbm>>
      tpu.wait_dma2 semaphore(%run_scoped3A_17 : memref<!tpu.dma_semaphore, #tpu.memory_space<semaphore_mem>>) src(%arg13 : memref<640xf32, #tpu.memory_space<vmem>>) dst(%dma_wait3A_23 : memref<640xf32, #tpu.memory_space<hbm>>)
      tpu.yield
    }) : () -> ()
    return
  }
}

#map = affine_map<(d0, d1) -> (0, 0)>
#map1 = affine_map<(d0, d1) -> (0)>
#map2 = affine_map<(d0, d1) -> (0, 0, 0)>
module attributes {stable_mosaic.version = 14 : i64} {
  func.func @_segsum_body(%arg0: i32, %arg1: i32, %arg2: memref<10000x128xf32, #tpu.memory_space<hbm>>, %arg3: memref<640000xi32, #tpu.memory_space<hbm>>, %arg4: memref<640000xi32, #tpu.memory_space<hbm>>, %arg5: memref<624x128xf32, #tpu.memory_space<hbm>>, %arg6: memref<2x10000x128xf32, #tpu.memory_space<hbm>>, %arg7: memref<128xi32, #tpu.memory_space<vmem>>, %arg8: memref<128xi32, #tpu.memory_space<vmem>>, %arg9: memref<32xi32, #tpu.memory_space<vmem>>, %arg10: memref<32xi32, #tpu.memory_space<vmem>>, %arg11: memref<128x128xf32, #tpu.memory_space<vmem>>, %arg12: memref<32x128xf32, #tpu.memory_space<vmem>>, %arg13: memref<10000x128xf32, #tpu.memory_space<vmem_shared>>, %arg14: memref<!tpu.dma_semaphore, #tpu.memory_space<semaphore_mem>>) attributes {dimension_semantics = [#tpu.dimension_semantics<core_parallel>, #tpu.dimension_semantics<subcore_parallel>], iteration_bounds = array<i64: 2, 16>, scalar_prefetch = 0 : i64, scratch_operands = 8 : i64, tpu.core_type = #tpu.core_type<sc_vector_subcore>, window_params = [{transform_indices = #map}, {transform_indices = #map1}, {transform_indices = #map1}, {transform_indices = #map}, {transform_indices = #map2}]} {
    %mul3A = arith.constant 2 : i32
    %mul3A_0 = arith.muli %arg1, %mul3A : i32
    %add3A = arith.addi %mul3A_0, %arg0 : i32
    %mul3A_1 = arith.constant 624 : i32
    %mul3A_2 = arith.muli %arg1, %mul3A_1 : i32
    "tpu.region"() ({
      %run_scoped3A = tpu.sem_alloc : memref<!tpu.dma_semaphore, #tpu.memory_space<semaphore_mem>>
      %dma_start3A_25 = arith.constant 0 : i32
      %dma_start3A_26 = tpu.memref_slice %arg13[%mul3A_2, %dma_start3A_25] : memref<10000x128xf32, #tpu.memory_space<vmem_shared>> -> memref<624x128xf32, #tpu.memory_space<vmem_shared>>
      tpu.enqueue_dma source(%arg5 : memref<624x128xf32, #tpu.memory_space<hbm>>) target(%dma_start3A_26 : memref<624x128xf32, #tpu.memory_space<vmem_shared>>) target_semaphore(%run_scoped3A : memref<!tpu.dma_semaphore, #tpu.memory_space<semaphore_mem>>)
      %dma_wait3A_27 = arith.constant 0 : i32
      %dma_wait3A_28 = tpu.memref_slice %arg13[%mul3A_2, %dma_wait3A_27] : memref<10000x128xf32, #tpu.memory_space<vmem_shared>> -> memref<624x128xf32, #tpu.memory_space<vmem_shared>>
      tpu.wait_dma2 semaphore(%run_scoped3A : memref<!tpu.dma_semaphore, #tpu.memory_space<semaphore_mem>>) src(%arg5 : memref<624x128xf32, #tpu.memory_space<hbm>>) dst(%dma_wait3A_28 : memref<624x128xf32, #tpu.memory_space<vmem_shared>>)
      tpu.yield
    }) : () -> ()
    %eq3A = arith.constant 15 : i32
    %eq3A_3 = arith.cmpi eq, %arg1, %eq3A : i32
    %convert_element_type3A = arith.extui %eq3A_3 : i1 to i32
    %cond3A = arith.constant 0 : i32
    %cond3A_4 = arith.cmpi ne, %convert_element_type3A, %cond3A : i32
    scf.if %cond3A_4 {
      "tpu.region"() ({
        %run_scoped3A = tpu.sem_alloc : memref<!tpu.dma_semaphore, #tpu.memory_space<semaphore_mem>>
        %dma_start3A_25 = arith.constant 9984 : i32
        %dma_start3A_26 = arith.constant 0 : i32
        %dma_start3A_27 = tpu.memref_slice %arg13[%dma_start3A_25, %dma_start3A_26] : memref<10000x128xf32, #tpu.memory_space<vmem_shared>> -> memref<16x128xf32, #tpu.memory_space<vmem_shared>>
        %dma_start3A_28 = arith.constant 0 : i32
        %dma_start3A_29 = arith.constant 0 : i32
        %dma_start3A_30 = tpu.memref_slice %arg5[%dma_start3A_28, %dma_start3A_29] : memref<624x128xf32, #tpu.memory_space<hbm>> -> memref<16x128xf32, #tpu.memory_space<hbm>>
        tpu.enqueue_dma source(%dma_start3A_30 : memref<16x128xf32, #tpu.memory_space<hbm>>) target(%dma_start3A_27 : memref<16x128xf32, #tpu.memory_space<vmem_shared>>) target_semaphore(%run_scoped3A : memref<!tpu.dma_semaphore, #tpu.memory_space<semaphore_mem>>)
        %dma_wait3A_31 = arith.constant 9984 : i32
        %dma_wait3A_32 = arith.constant 0 : i32
        %dma_wait3A_33 = tpu.memref_slice %arg13[%dma_wait3A_31, %dma_wait3A_32] : memref<10000x128xf32, #tpu.memory_space<vmem_shared>> -> memref<16x128xf32, #tpu.memory_space<vmem_shared>>
        %dma_wait3A_34 = arith.constant 0 : i32
        %dma_wait3A_35 = arith.constant 0 : i32
        %dma_wait3A_36 = tpu.memref_slice %arg5[%dma_wait3A_34, %dma_wait3A_35] : memref<624x128xf32, #tpu.memory_space<hbm>> -> memref<16x128xf32, #tpu.memory_space<hbm>>
        tpu.wait_dma2 semaphore(%run_scoped3A : memref<!tpu.dma_semaphore, #tpu.memory_space<semaphore_mem>>) src(%dma_wait3A_36 : memref<16x128xf32, #tpu.memory_space<hbm>>) dst(%dma_wait3A_33 : memref<16x128xf32, #tpu.memory_space<vmem_shared>>)
        tpu.yield
      }) : () -> ()
    } else {
    }
    %barrier3A = arith.constant 0 : index
    tpu.barrier barrier_id(%barrier3A)
    %mul3A_5 = arith.constant 20000 : i32
    %mul3A_6 = arith.muli %add3A, %mul3A_5 : i32
    %scan3A = arith.constant 0 : i32
    %scan3A_7 = arith.constant 156 : i32
    %scan3A_8 = arith.addi %scan3A, %scan3A_7 : i32
    %scan3A_9 = arith.constant 1 : i32
    scf.for %scan3A_25 = %scan3A to %scan3A_8 step %scan3A_9  : i32 {
      %mul3A_26 = arith.constant 128 : i32
      %mul3A_27 = arith.muli %scan3A_25, %mul3A_26 : i32
      %add3A_28 = arith.addi %mul3A_6, %mul3A_27 : i32
      "tpu.region"() ({
        %run_scoped3A = tpu.sem_alloc : memref<!tpu.dma_semaphore, #tpu.memory_space<semaphore_mem>>
        %dma_start3A_35 = tpu.memref_slice %arg3[%add3A_28] : memref<640000xi32, #tpu.memory_space<hbm>> -> memref<128xi32, #tpu.memory_space<hbm>>
        %dma_start3A_36 = tpu.memref_slice %arg3[%add3A_28] : memref<640000xi32, #tpu.memory_space<hbm>> -> memref<128xi32, #tpu.memory_space<hbm>>
        tpu.enqueue_dma source(%dma_start3A_36 : memref<128xi32, #tpu.memory_space<hbm>>) target(%arg7 : memref<128xi32, #tpu.memory_space<vmem>>) target_semaphore(%run_scoped3A : memref<!tpu.dma_semaphore, #tpu.memory_space<semaphore_mem>>)
        %dma_wait3A_37 = tpu.memref_slice %arg3[%add3A_28] : memref<640000xi32, #tpu.memory_space<hbm>> -> memref<128xi32, #tpu.memory_space<hbm>>
        %dma_wait3A_38 = tpu.memref_slice %arg3[%add3A_28] : memref<640000xi32, #tpu.memory_space<hbm>> -> memref<128xi32, #tpu.memory_space<hbm>>
        tpu.wait_dma2 semaphore(%run_scoped3A : memref<!tpu.dma_semaphore, #tpu.memory_space<semaphore_mem>>) src(%dma_wait3A_38 : memref<128xi32, #tpu.memory_space<hbm>>) dst(%arg7 : memref<128xi32, #tpu.memory_space<vmem>>)
        tpu.yield
      }) : () -> ()
      "tpu.region"() ({
        %run_scoped3A = tpu.sem_alloc : memref<!tpu.dma_semaphore, #tpu.memory_space<semaphore_mem>>
        %dma_start3A_35 = tpu.memref_slice %arg4[%add3A_28] : memref<640000xi32, #tpu.memory_space<hbm>> -> memref<128xi32, #tpu.memory_space<hbm>>
        %dma_start3A_36 = tpu.memref_slice %arg4[%add3A_28] : memref<640000xi32, #tpu.memory_space<hbm>> -> memref<128xi32, #tpu.memory_space<hbm>>
        tpu.enqueue_dma source(%dma_start3A_36 : memref<128xi32, #tpu.memory_space<hbm>>) target(%arg8 : memref<128xi32, #tpu.memory_space<vmem>>) target_semaphore(%run_scoped3A : memref<!tpu.dma_semaphore, #tpu.memory_space<semaphore_mem>>)
        %dma_wait3A_37 = tpu.memref_slice %arg4[%add3A_28] : memref<640000xi32, #tpu.memory_space<hbm>> -> memref<128xi32, #tpu.memory_space<hbm>>
        %dma_wait3A_38 = tpu.memref_slice %arg4[%add3A_28] : memref<640000xi32, #tpu.memory_space<hbm>> -> memref<128xi32, #tpu.memory_space<hbm>>
        tpu.wait_dma2 semaphore(%run_scoped3A : memref<!tpu.dma_semaphore, #tpu.memory_space<semaphore_mem>>) src(%dma_wait3A_38 : memref<128xi32, #tpu.memory_space<hbm>>) dst(%arg8 : memref<128xi32, #tpu.memory_space<vmem>>)
        tpu.yield
      }) : () -> ()
      %dma_start3A_29 = arith.constant 0 : i32
      %dma_start3A_30 = arith.constant 0 : i32
      %dma_start3A_31 = tpu.memref_slice %arg2[%dma_start3A_29, %dma_start3A_30] : memref<10000x128xf32, #tpu.memory_space<hbm>> -> memref<10000x128xf32, #tpu.memory_space<hbm>>
      tpu.enqueue_indirect_dma source(%dma_start3A_31 : memref<10000x128xf32, #tpu.memory_space<hbm>>) target(%arg11 : memref<128x128xf32, #tpu.memory_space<vmem>>) offsets(%arg7 : memref<128xi32, #tpu.memory_space<vmem>>) semaphore(%arg14 : memref<!tpu.dma_semaphore, #tpu.memory_space<semaphore_mem>>)
      %dma_wait3A_32 = arith.constant 0 : i32
      %dma_wait3A_33 = arith.constant 0 : i32
      %dma_wait3A_34 = tpu.memref_slice %arg2[%dma_wait3A_32, %dma_wait3A_33] : memref<10000x128xf32, #tpu.memory_space<hbm>> -> memref<10000x128xf32, #tpu.memory_space<hbm>>
      tpu.wait_indirect_dma semaphore(%arg14 : memref<!tpu.dma_semaphore, #tpu.memory_space<semaphore_mem>>) src(%dma_wait3A_34 : memref<10000x128xf32, #tpu.memory_space<hbm>>) dst(%arg11 : memref<128x128xf32, #tpu.memory_space<vmem>>)
      "tpu.region"() ({
        %run_scoped3A = tpu.sem_alloc : memref<!tpu.dma_semaphore, #tpu.memory_space<semaphore_mem>>
        %dma_start3A_35 = arith.constant 0 : i32
        %dma_start3A_36 = arith.constant 0 : i32
        %dma_start3A_37 = tpu.memref_slice %arg13[%dma_start3A_35, %dma_start3A_36] : memref<10000x128xf32, #tpu.memory_space<vmem_shared>> -> memref<10000x128xf32, #tpu.memory_space<vmem_shared>>
        tpu.enqueue_indirect_dma source(%arg11 : memref<128x128xf32, #tpu.memory_space<vmem>>) target(%dma_start3A_37 : memref<10000x128xf32, #tpu.memory_space<vmem_shared>>) offsets(%arg8 : memref<128xi32, #tpu.memory_space<vmem>>) semaphore(%run_scoped3A : memref<!tpu.dma_semaphore, #tpu.memory_space<semaphore_mem>>) {add = true}
        %dma_wait3A_38 = arith.constant 0 : i32
        %dma_wait3A_39 = arith.constant 0 : i32
        %dma_wait3A_40 = tpu.memref_slice %arg13[%dma_wait3A_38, %dma_wait3A_39] : memref<10000x128xf32, #tpu.memory_space<vmem_shared>> -> memref<10000x128xf32, #tpu.memory_space<vmem_shared>>
        tpu.wait_indirect_dma semaphore(%run_scoped3A : memref<!tpu.dma_semaphore, #tpu.memory_space<semaphore_mem>>) src(%arg11 : memref<128x128xf32, #tpu.memory_space<vmem>>) dst(%dma_wait3A_40 : memref<10000x128xf32, #tpu.memory_space<vmem_shared>>)
        tpu.yield
      }) : () -> ()
    }
    %scan3A_10 = arith.constant 156 : i32
    %add3A_11 = arith.constant 19968 : i32
    %add3A_12 = arith.addi %mul3A_6, %add3A_11 : i32
    "tpu.region"() ({
      %run_scoped3A = tpu.sem_alloc : memref<!tpu.dma_semaphore, #tpu.memory_space<semaphore_mem>>
      %dma_start3A_25 = tpu.memref_slice %arg3[%add3A_12] : memref<640000xi32, #tpu.memory_space<hbm>> -> memref<32xi32, #tpu.memory_space<hbm>>
      %dma_start3A_26 = tpu.memref_slice %arg3[%add3A_12] : memref<640000xi32, #tpu.memory_space<hbm>> -> memref<32xi32, #tpu.memory_space<hbm>>
      tpu.enqueue_dma source(%dma_start3A_26 : memref<32xi32, #tpu.memory_space<hbm>>) target(%arg9 : memref<32xi32, #tpu.memory_space<vmem>>) target_semaphore(%run_scoped3A : memref<!tpu.dma_semaphore, #tpu.memory_space<semaphore_mem>>)
      %dma_wait3A_27 = tpu.memref_slice %arg3[%add3A_12] : memref<640000xi32, #tpu.memory_space<hbm>> -> memref<32xi32, #tpu.memory_space<hbm>>
      %dma_wait3A_28 = tpu.memref_slice %arg3[%add3A_12] : memref<640000xi32, #tpu.memory_space<hbm>> -> memref<32xi32, #tpu.memory_space<hbm>>
      tpu.wait_dma2 semaphore(%run_scoped3A : memref<!tpu.dma_semaphore, #tpu.memory_space<semaphore_mem>>) src(%dma_wait3A_28 : memref<32xi32, #tpu.memory_space<hbm>>) dst(%arg9 : memref<32xi32, #tpu.memory_space<vmem>>)
      tpu.yield
    }) : () -> ()
    "tpu.region"() ({
      %run_scoped3A = tpu.sem_alloc : memref<!tpu.dma_semaphore, #tpu.memory_space<semaphore_mem>>
      %dma_start3A_25 = tpu.memref_slice %arg4[%add3A_12] : memref<640000xi32, #tpu.memory_space<hbm>> -> memref<32xi32, #tpu.memory_space<hbm>>
      %dma_start3A_26 = tpu.memref_slice %arg4[%add3A_12] : memref<640000xi32, #tpu.memory_space<hbm>> -> memref<32xi32, #tpu.memory_space<hbm>>
      tpu.enqueue_dma source(%dma_start3A_26 : memref<32xi32, #tpu.memory_space<hbm>>) target(%arg10 : memref<32xi32, #tpu.memory_space<vmem>>) target_semaphore(%run_scoped3A : memref<!tpu.dma_semaphore, #tpu.memory_space<semaphore_mem>>)
      %dma_wait3A_27 = tpu.memref_slice %arg4[%add3A_12] : memref<640000xi32, #tpu.memory_space<hbm>> -> memref<32xi32, #tpu.memory_space<hbm>>
      %dma_wait3A_28 = tpu.memref_slice %arg4[%add3A_12] : memref<640000xi32, #tpu.memory_space<hbm>> -> memref<32xi32, #tpu.memory_space<hbm>>
      tpu.wait_dma2 semaphore(%run_scoped3A : memref<!tpu.dma_semaphore, #tpu.memory_space<semaphore_mem>>) src(%dma_wait3A_28 : memref<32xi32, #tpu.memory_space<hbm>>) dst(%arg10 : memref<32xi32, #tpu.memory_space<vmem>>)
      tpu.yield
    }) : () -> ()
    %dma_start3A = arith.constant 0 : i32
    %dma_start3A_13 = arith.constant 0 : i32
    %dma_start3A_14 = tpu.memref_slice %arg2[%dma_start3A, %dma_start3A_13] : memref<10000x128xf32, #tpu.memory_space<hbm>> -> memref<10000x128xf32, #tpu.memory_space<hbm>>
    tpu.enqueue_indirect_dma source(%dma_start3A_14 : memref<10000x128xf32, #tpu.memory_space<hbm>>) target(%arg12 : memref<32x128xf32, #tpu.memory_space<vmem>>) offsets(%arg9 : memref<32xi32, #tpu.memory_space<vmem>>) semaphore(%arg14 : memref<!tpu.dma_semaphore, #tpu.memory_space<semaphore_mem>>)
    %dma_wait3A = arith.constant 0 : i32
    %dma_wait3A_15 = arith.constant 0 : i32
    %dma_wait3A_16 = tpu.memref_slice %arg2[%dma_wait3A, %dma_wait3A_15] : memref<10000x128xf32, #tpu.memory_space<hbm>> -> memref<10000x128xf32, #tpu.memory_space<hbm>>
    tpu.wait_indirect_dma semaphore(%arg14 : memref<!tpu.dma_semaphore, #tpu.memory_space<semaphore_mem>>) src(%dma_wait3A_16 : memref<10000x128xf32, #tpu.memory_space<hbm>>) dst(%arg12 : memref<32x128xf32, #tpu.memory_space<vmem>>)
    "tpu.region"() ({
      %run_scoped3A = tpu.sem_alloc : memref<!tpu.dma_semaphore, #tpu.memory_space<semaphore_mem>>
      %dma_start3A_25 = arith.constant 0 : i32
      %dma_start3A_26 = arith.constant 0 : i32
      %dma_start3A_27 = tpu.memref_slice %arg13[%dma_start3A_25, %dma_start3A_26] : memref<10000x128xf32, #tpu.memory_space<vmem_shared>> -> memref<10000x128xf32, #tpu.memory_space<vmem_shared>>
      tpu.enqueue_indirect_dma source(%arg12 : memref<32x128xf32, #tpu.memory_space<vmem>>) target(%dma_start3A_27 : memref<10000x128xf32, #tpu.memory_space<vmem_shared>>) offsets(%arg10 : memref<32xi32, #tpu.memory_space<vmem>>) semaphore(%run_scoped3A : memref<!tpu.dma_semaphore, #tpu.memory_space<semaphore_mem>>) {add = true}
      %dma_wait3A_28 = arith.constant 0 : i32
      %dma_wait3A_29 = arith.constant 0 : i32
      %dma_wait3A_30 = tpu.memref_slice %arg13[%dma_wait3A_28, %dma_wait3A_29] : memref<10000x128xf32, #tpu.memory_space<vmem_shared>> -> memref<10000x128xf32, #tpu.memory_space<vmem_shared>>
      tpu.wait_indirect_dma semaphore(%run_scoped3A : memref<!tpu.dma_semaphore, #tpu.memory_space<semaphore_mem>>) src(%arg12 : memref<32x128xf32, #tpu.memory_space<vmem>>) dst(%dma_wait3A_30 : memref<10000x128xf32, #tpu.memory_space<vmem_shared>>)
      tpu.yield
    }) : () -> ()
    %barrier3A_17 = arith.constant 0 : index
    tpu.barrier barrier_id(%barrier3A_17)
    %mul3A_18 = arith.constant 624 : i32
    %mul3A_19 = arith.muli %arg1, %mul3A_18 : i32
    "tpu.region"() ({
      %run_scoped3A = tpu.sem_alloc : memref<!tpu.dma_semaphore, #tpu.memory_space<semaphore_mem>>
      %dma_start3A_25 = arith.constant 0 : i32
      %dma_start3A_26 = tpu.memref_slice %arg6[%arg0, %mul3A_19, %dma_start3A_25] : memref<2x10000x128xf32, #tpu.memory_space<hbm>> -> memref<1x624x128xf32, #tpu.memory_space<hbm>>
      %dma_start3A_27 = tpu.memref_squeeze %dma_start3A_26 : memref<1x624x128xf32, #tpu.memory_space<hbm>> -> memref<624x128xf32, #tpu.memory_space<hbm>>
      %dma_start3A_28 = arith.constant 0 : i32
      %dma_start3A_29 = tpu.memref_slice %arg13[%mul3A_19, %dma_start3A_28] : memref<10000x128xf32, #tpu.memory_space<vmem_shared>> -> memref<624x128xf32, #tpu.memory_space<vmem_shared>>
      tpu.enqueue_dma source(%dma_start3A_29 : memref<624x128xf32, #tpu.memory_space<vmem_shared>>) target(%dma_start3A_27 : memref<624x128xf32, #tpu.memory_space<hbm>>) target_semaphore(%run_scoped3A : memref<!tpu.dma_semaphore, #tpu.memory_space<semaphore_mem>>)
      %dma_wait3A_30 = arith.constant 0 : i32
      %dma_wait3A_31 = tpu.memref_slice %arg6[%arg0, %mul3A_19, %dma_wait3A_30] : memref<2x10000x128xf32, #tpu.memory_space<hbm>> -> memref<1x624x128xf32, #tpu.memory_space<hbm>>
      %dma_wait3A_32 = tpu.memref_squeeze %dma_wait3A_31 : memref<1x624x128xf32, #tpu.memory_space<hbm>> -> memref<624x128xf32, #tpu.memory_space<hbm>>
      %dma_wait3A_33 = arith.constant 0 : i32
      %dma_wait3A_34 = tpu.memref_slice %arg13[%mul3A_19, %dma_wait3A_33] : memref<10000x128xf32, #tpu.memory_space<vmem_shared>> -> memref<624x128xf32, #tpu.memory_space<vmem_shared>>
      tpu.wait_dma2 semaphore(%run_scoped3A : memref<!tpu.dma_semaphore, #tpu.memory_space<semaphore_mem>>) src(%dma_wait3A_34 : memref<624x128xf32, #tpu.memory_space<vmem_shared>>) dst(%dma_wait3A_32 : memref<624x128xf32, #tpu.memory_space<hbm>>)
      tpu.yield
    }) : () -> ()
    %eq3A_20 = arith.constant 15 : i32
    %eq3A_21 = arith.cmpi eq, %arg1, %eq3A_20 : i32
    %convert_element_type3A_22 = arith.extui %eq3A_21 : i1 to i32
    %cond3A_23 = arith.constant 0 : i32
    %cond3A_24 = arith.cmpi ne, %convert_element_type3A_22, %cond3A_23 : i32
    scf.if %cond3A_24 {
      "tpu.region"() ({
        %run_scoped3A = tpu.sem_alloc : memref<!tpu.dma_semaphore, #tpu.memory_space<semaphore_mem>>
        %dma_start3A_25 = arith.constant 9984 : i32
        %dma_start3A_26 = arith.constant 0 : i32
        %dma_start3A_27 = tpu.memref_slice %arg6[%arg0, %dma_start3A_25, %dma_start3A_26] : memref<2x10000x128xf32, #tpu.memory_space<hbm>> -> memref<1x16x128xf32, #tpu.memory_space<hbm>>
        %dma_start3A_28 = tpu.memref_squeeze %dma_start3A_27 : memref<1x16x128xf32, #tpu.memory_space<hbm>> -> memref<16x128xf32, #tpu.memory_space<hbm>>
        %dma_start3A_29 = arith.constant 9984 : i32
        %dma_start3A_30 = arith.constant 0 : i32
        %dma_start3A_31 = tpu.memref_slice %arg13[%dma_start3A_29, %dma_start3A_30] : memref<10000x128xf32, #tpu.memory_space<vmem_shared>> -> memref<16x128xf32, #tpu.memory_space<vmem_shared>>
        tpu.enqueue_dma source(%dma_start3A_31 : memref<16x128xf32, #tpu.memory_space<vmem_shared>>) target(%dma_start3A_28 : memref<16x128xf32, #tpu.memory_space<hbm>>) target_semaphore(%run_scoped3A : memref<!tpu.dma_semaphore, #tpu.memory_space<semaphore_mem>>)
        %dma_wait3A_32 = arith.constant 9984 : i32
        %dma_wait3A_33 = arith.constant 0 : i32
        %dma_wait3A_34 = tpu.memref_slice %arg6[%arg0, %dma_wait3A_32, %dma_wait3A_33] : memref<2x10000x128xf32, #tpu.memory_space<hbm>> -> memref<1x16x128xf32, #tpu.memory_space<hbm>>
        %dma_wait3A_35 = tpu.memref_squeeze %dma_wait3A_34 : memref<1x16x128xf32, #tpu.memory_space<hbm>> -> memref<16x128xf32, #tpu.memory_space<hbm>>
        %dma_wait3A_36 = arith.constant 9984 : i32
        %dma_wait3A_37 = arith.constant 0 : i32
        %dma_wait3A_38 = tpu.memref_slice %arg13[%dma_wait3A_36, %dma_wait3A_37] : memref<10000x128xf32, #tpu.memory_space<vmem_shared>> -> memref<16x128xf32, #tpu.memory_space<vmem_shared>>
        tpu.wait_dma2 semaphore(%run_scoped3A : memref<!tpu.dma_semaphore, #tpu.memory_space<semaphore_mem>>) src(%dma_wait3A_38 : memref<16x128xf32, #tpu.memory_space<vmem_shared>>) dst(%dma_wait3A_35 : memref<16x128xf32, #tpu.memory_space<hbm>>)
        tpu.yield
      }) : () -> ()
    } else {
    }
    return
  }
}

#map = affine_map<(d0, d1) -> (0, 0)>
#map1 = affine_map<(d0, d1) -> (0)>
#map2 = affine_map<(d0, d1) -> (0, 0, 0)>
module attributes {stable_mosaic.version = 14 : i64} {
  func.func @_gat_body(%arg0: i32, %arg1: i32, %arg2: memref<10000x128xf32, #tpu.memory_space<hbm>>, %arg3: memref<10000xf32, #tpu.memory_space<hbm>>, %arg4: memref<10000xf32, #tpu.memory_space<hbm>>, %arg5: memref<16xf32, #tpu.memory_space<hbm>>, %arg6: memref<640000xi32, #tpu.memory_space<hbm>>, %arg7: memref<640000xi32, #tpu.memory_space<hbm>>, %arg8: memref<624x128xf32, #tpu.memory_space<hbm>>, %arg9: memref<640xf32, #tpu.memory_space<hbm>>, %arg10: memref<2x10000x128xf32, #tpu.memory_space<hbm>>, %arg11: memref<2x1x10240xf32, #tpu.memory_space<hbm>>, %arg12: memref<128xi32, #tpu.memory_space<vmem>>, %arg13: memref<128xi32, #tpu.memory_space<vmem>>, %arg14: memref<32xi32, #tpu.memory_space<vmem>>, %arg15: memref<32xi32, #tpu.memory_space<vmem>>, %arg16: memref<128x128xf32, #tpu.memory_space<vmem>>, %arg17: memref<32x128xf32, #tpu.memory_space<vmem>>, %arg18: memref<128x128xf32, #tpu.memory_space<vmem>>, %arg19: memref<32x128xf32, #tpu.memory_space<vmem>>, %arg20: memref<128xf32, #tpu.memory_space<vmem>>, %arg21: memref<128xf32, #tpu.memory_space<vmem>>, %arg22: memref<32xf32, #tpu.memory_space<vmem>>, %arg23: memref<32xf32, #tpu.memory_space<vmem>>, %arg24: memref<16xf32, #tpu.memory_space<vmem>>, %arg25: memref<144xf32, #tpu.memory_space<vmem>>, %arg26: memref<640xf32, #tpu.memory_space<vmem>>, %arg27: memref<10000x128xf32, #tpu.memory_space<vmem_shared>>, %arg28: memref<10240xf32, #tpu.memory_space<vmem_shared>>, %arg29: memref<!tpu.dma_semaphore, #tpu.memory_space<semaphore_mem>>) attributes {dimension_semantics = [#tpu.dimension_semantics<core_parallel>, #tpu.dimension_semantics<subcore_parallel>], iteration_bounds = array<i64: 2, 16>, scalar_prefetch = 0 : i64, scratch_operands = 18 : i64, tpu.core_type = #tpu.core_type<sc_vector_subcore>, window_params = [{transform_indices = #map}, {transform_indices = #map1}, {transform_indices = #map1}, {transform_indices = #map1}, {transform_indices = #map1}, {transform_indices = #map1}, {transform_indices = #map}, {transform_indices = #map1}, {transform_indices = #map2}, {transform_indices = #map2}]} {
    %mul3A = arith.constant 2 : i32
    %mul3A_0 = arith.muli %arg1, %mul3A : i32
    %add3A = arith.addi %mul3A_0, %arg0 : i32
    "tpu.region"() ({
      %run_scoped3A_79 = tpu.sem_alloc : memref<!tpu.dma_semaphore, #tpu.memory_space<semaphore_mem>>
      tpu.enqueue_dma source(%arg5 : memref<16xf32, #tpu.memory_space<hbm>>) target(%arg24 : memref<16xf32, #tpu.memory_space<vmem>>) target_semaphore(%run_scoped3A_79 : memref<!tpu.dma_semaphore, #tpu.memory_space<semaphore_mem>>)
      tpu.wait_dma2 semaphore(%run_scoped3A_79 : memref<!tpu.dma_semaphore, #tpu.memory_space<semaphore_mem>>) src(%arg5 : memref<16xf32, #tpu.memory_space<hbm>>) dst(%arg24 : memref<16xf32, #tpu.memory_space<vmem>>)
      tpu.yield
    }) : () -> ()
    %mul3A_1 = arith.constant 624 : i32
    %mul3A_2 = arith.muli %arg1, %mul3A_1 : i32
    "tpu.region"() ({
      %run_scoped3A_79 = tpu.sem_alloc : memref<!tpu.dma_semaphore, #tpu.memory_space<semaphore_mem>>
      %dma_start3A_80 = arith.constant 0 : i32
      %dma_start3A_81 = tpu.memref_slice %arg27[%mul3A_2, %dma_start3A_80] : memref<10000x128xf32, #tpu.memory_space<vmem_shared>> -> memref<624x128xf32, #tpu.memory_space<vmem_shared>>
      tpu.enqueue_dma source(%arg8 : memref<624x128xf32, #tpu.memory_space<hbm>>) target(%dma_start3A_81 : memref<624x128xf32, #tpu.memory_space<vmem_shared>>) target_semaphore(%run_scoped3A_79 : memref<!tpu.dma_semaphore, #tpu.memory_space<semaphore_mem>>)
      %dma_wait3A_82 = arith.constant 0 : i32
      %dma_wait3A_83 = tpu.memref_slice %arg27[%mul3A_2, %dma_wait3A_82] : memref<10000x128xf32, #tpu.memory_space<vmem_shared>> -> memref<624x128xf32, #tpu.memory_space<vmem_shared>>
      tpu.wait_dma2 semaphore(%run_scoped3A_79 : memref<!tpu.dma_semaphore, #tpu.memory_space<semaphore_mem>>) src(%arg8 : memref<624x128xf32, #tpu.memory_space<hbm>>) dst(%dma_wait3A_83 : memref<624x128xf32, #tpu.memory_space<vmem_shared>>)
      tpu.yield
    }) : () -> ()
    "tpu.region"() ({
      %run_scoped3A_79 = tpu.sem_alloc : memref<!tpu.dma_semaphore, #tpu.memory_space<semaphore_mem>>
      tpu.enqueue_dma source(%arg9 : memref<640xf32, #tpu.memory_space<hbm>>) target(%arg26 : memref<640xf32, #tpu.memory_space<vmem>>) target_semaphore(%run_scoped3A_79 : memref<!tpu.dma_semaphore, #tpu.memory_space<semaphore_mem>>)
      tpu.wait_dma2 semaphore(%run_scoped3A_79 : memref<!tpu.dma_semaphore, #tpu.memory_space<semaphore_mem>>) src(%arg9 : memref<640xf32, #tpu.memory_space<hbm>>) dst(%arg26 : memref<640xf32, #tpu.memory_space<vmem>>)
      tpu.yield
    }) : () -> ()
    %mul3A_3 = arith.constant 640 : i32
    %mul3A_4 = arith.muli %arg1, %mul3A_3 : i32
    "tpu.region"() ({
      %run_scoped3A_79 = tpu.sem_alloc : memref<!tpu.dma_semaphore, #tpu.memory_space<semaphore_mem>>
      %dma_start3A_80 = tpu.memref_slice %arg28[%mul3A_4] : memref<10240xf32, #tpu.memory_space<vmem_shared>> -> memref<640xf32, #tpu.memory_space<vmem_shared>>
      %dma_start3A_81 = tpu.memref_slice %arg28[%mul3A_4] : memref<10240xf32, #tpu.memory_space<vmem_shared>> -> memref<640xf32, #tpu.memory_space<vmem_shared>>
      tpu.enqueue_dma source(%arg26 : memref<640xf32, #tpu.memory_space<vmem>>) target(%dma_start3A_81 : memref<640xf32, #tpu.memory_space<vmem_shared>>) target_semaphore(%run_scoped3A_79 : memref<!tpu.dma_semaphore, #tpu.memory_space<semaphore_mem>>)
      %dma_wait3A_82 = tpu.memref_slice %arg28[%mul3A_4] : memref<10240xf32, #tpu.memory_space<vmem_shared>> -> memref<640xf32, #tpu.memory_space<vmem_shared>>
      %dma_wait3A_83 = tpu.memref_slice %arg28[%mul3A_4] : memref<10240xf32, #tpu.memory_space<vmem_shared>> -> memref<640xf32, #tpu.memory_space<vmem_shared>>
      tpu.wait_dma2 semaphore(%run_scoped3A_79 : memref<!tpu.dma_semaphore, #tpu.memory_space<semaphore_mem>>) src(%arg26 : memref<640xf32, #tpu.memory_space<vmem>>) dst(%dma_wait3A_83 : memref<640xf32, #tpu.memory_space<vmem_shared>>)
      tpu.yield
    }) : () -> ()
    %eq3A = arith.constant 15 : i32
    %eq3A_5 = arith.cmpi eq, %arg1, %eq3A : i32
    %convert_element_type3A = arith.extui %eq3A_5 : i1 to i32
    %cond3A = arith.constant 0 : i32
    %cond3A_6 = arith.cmpi ne, %convert_element_type3A, %cond3A : i32
    scf.if %cond3A_6 {
      "tpu.region"() ({
        %run_scoped3A_79 = tpu.sem_alloc : memref<!tpu.dma_semaphore, #tpu.memory_space<semaphore_mem>>
        %dma_start3A_80 = arith.constant 9984 : i32
        %dma_start3A_81 = arith.constant 0 : i32
        %dma_start3A_82 = tpu.memref_slice %arg27[%dma_start3A_80, %dma_start3A_81] : memref<10000x128xf32, #tpu.memory_space<vmem_shared>> -> memref<16x128xf32, #tpu.memory_space<vmem_shared>>
        %dma_start3A_83 = arith.constant 0 : i32
        %dma_start3A_84 = arith.constant 0 : i32
        %dma_start3A_85 = tpu.memref_slice %arg8[%dma_start3A_83, %dma_start3A_84] : memref<624x128xf32, #tpu.memory_space<hbm>> -> memref<16x128xf32, #tpu.memory_space<hbm>>
        tpu.enqueue_dma source(%dma_start3A_85 : memref<16x128xf32, #tpu.memory_space<hbm>>) target(%dma_start3A_82 : memref<16x128xf32, #tpu.memory_space<vmem_shared>>) target_semaphore(%run_scoped3A_79 : memref<!tpu.dma_semaphore, #tpu.memory_space<semaphore_mem>>)
        %dma_wait3A_86 = arith.constant 9984 : i32
        %dma_wait3A_87 = arith.constant 0 : i32
        %dma_wait3A_88 = tpu.memref_slice %arg27[%dma_wait3A_86, %dma_wait3A_87] : memref<10000x128xf32, #tpu.memory_space<vmem_shared>> -> memref<16x128xf32, #tpu.memory_space<vmem_shared>>
        %dma_wait3A_89 = arith.constant 0 : i32
        %dma_wait3A_90 = arith.constant 0 : i32
        %dma_wait3A_91 = tpu.memref_slice %arg8[%dma_wait3A_89, %dma_wait3A_90] : memref<624x128xf32, #tpu.memory_space<hbm>> -> memref<16x128xf32, #tpu.memory_space<hbm>>
        tpu.wait_dma2 semaphore(%run_scoped3A_79 : memref<!tpu.dma_semaphore, #tpu.memory_space<semaphore_mem>>) src(%dma_wait3A_91 : memref<16x128xf32, #tpu.memory_space<hbm>>) dst(%dma_wait3A_88 : memref<16x128xf32, #tpu.memory_space<vmem_shared>>)
        tpu.yield
      }) : () -> ()
    } else {
    }
    %barrier3A = arith.constant 0 : index
    tpu.barrier barrier_id(%barrier3A)
    %mul3A_7 = arith.constant 20000 : i32
    %mul3A_8 = arith.muli %add3A, %mul3A_7 : i32
    %get3A = arith.constant 0 : index
    %get3A_9 = tpu.vector_load %arg24[%get3A] {strides = array<i32>} : memref<16xf32, #tpu.memory_space<vmem>>, vector<16xf32>,
    %get3A_10 = vector.shape_cast %get3A_9 : vector<16xf32> to vector<16xf32>
    %scan3A = arith.constant 0 : i32
    %scan3A_11 = arith.constant 156 : i32
    %scan3A_12 = arith.addi %scan3A, %scan3A_11 : i32
    %scan3A_13 = arith.constant 1 : i32
    scf.for %scan3A_79 = %scan3A to %scan3A_12 step %scan3A_13  : i32 {
      %mul3A_80 = arith.constant 128 : i32
      %mul3A_81 = arith.muli %scan3A_79, %mul3A_80 : i32
      %add3A_82 = arith.addi %mul3A_8, %mul3A_81 : i32
      "tpu.region"() ({
        %run_scoped3A_262 = tpu.sem_alloc : memref<!tpu.dma_semaphore, #tpu.memory_space<semaphore_mem>>
        %dma_start3A_263 = tpu.memref_slice %arg6[%add3A_82] : memref<640000xi32, #tpu.memory_space<hbm>> -> memref<128xi32, #tpu.memory_space<hbm>>
        %dma_start3A_264 = tpu.memref_slice %arg6[%add3A_82] : memref<640000xi32, #tpu.memory_space<hbm>> -> memref<128xi32, #tpu.memory_space<hbm>>
        tpu.enqueue_dma source(%dma_start3A_264 : memref<128xi32, #tpu.memory_space<hbm>>) target(%arg12 : memref<128xi32, #tpu.memory_space<vmem>>) target_semaphore(%run_scoped3A_262 : memref<!tpu.dma_semaphore, #tpu.memory_space<semaphore_mem>>)
        %dma_wait3A_265 = tpu.memref_slice %arg6[%add3A_82] : memref<640000xi32, #tpu.memory_space<hbm>> -> memref<128xi32, #tpu.memory_space<hbm>>
        %dma_wait3A_266 = tpu.memref_slice %arg6[%add3A_82] : memref<640000xi32, #tpu.memory_space<hbm>> -> memref<128xi32, #tpu.memory_space<hbm>>
        tpu.wait_dma2 semaphore(%run_scoped3A_262 : memref<!tpu.dma_semaphore, #tpu.memory_space<semaphore_mem>>) src(%dma_wait3A_266 : memref<128xi32, #tpu.memory_space<hbm>>) dst(%arg12 : memref<128xi32, #tpu.memory_space<vmem>>)
        tpu.yield
      }) : () -> ()
      "tpu.region"() ({
        %run_scoped3A_262 = tpu.sem_alloc : memref<!tpu.dma_semaphore, #tpu.memory_space<semaphore_mem>>
        %dma_start3A_263 = tpu.memref_slice %arg7[%add3A_82] : memref<640000xi32, #tpu.memory_space<hbm>> -> memref<128xi32, #tpu.memory_space<hbm>>
        %dma_start3A_264 = tpu.memref_slice %arg7[%add3A_82] : memref<640000xi32, #tpu.memory_space<hbm>> -> memref<128xi32, #tpu.memory_space<hbm>>
        tpu.enqueue_dma source(%dma_start3A_264 : memref<128xi32, #tpu.memory_space<hbm>>) target(%arg13 : memref<128xi32, #tpu.memory_space<vmem>>) target_semaphore(%run_scoped3A_262 : memref<!tpu.dma_semaphore, #tpu.memory_space<semaphore_mem>>)
        %dma_wait3A_265 = tpu.memref_slice %arg7[%add3A_82] : memref<640000xi32, #tpu.memory_space<hbm>> -> memref<128xi32, #tpu.memory_space<hbm>>
        %dma_wait3A_266 = tpu.memref_slice %arg7[%add3A_82] : memref<640000xi32, #tpu.memory_space<hbm>> -> memref<128xi32, #tpu.memory_space<hbm>>
        tpu.wait_dma2 semaphore(%run_scoped3A_262 : memref<!tpu.dma_semaphore, #tpu.memory_space<semaphore_mem>>) src(%dma_wait3A_266 : memref<128xi32, #tpu.memory_space<hbm>>) dst(%arg13 : memref<128xi32, #tpu.memory_space<vmem>>)
        tpu.yield
      }) : () -> ()
      %dma_start3A_83 = arith.constant 0 : i32
      %dma_start3A_84 = tpu.memref_slice %arg3[%dma_start3A_83] : memref<10000xf32, #tpu.memory_space<hbm>> -> memref<10000xf32, #tpu.memory_space<hbm>>
      tpu.enqueue_indirect_dma source(%dma_start3A_84 : memref<10000xf32, #tpu.memory_space<hbm>>) target(%arg20 : memref<128xf32, #tpu.memory_space<vmem>>) offsets(%arg12 : memref<128xi32, #tpu.memory_space<vmem>>) semaphore(%arg29 : memref<!tpu.dma_semaphore, #tpu.memory_space<semaphore_mem>>)
      %dma_wait3A_85 = arith.constant 0 : i32
      %dma_wait3A_86 = tpu.memref_slice %arg3[%dma_wait3A_85] : memref<10000xf32, #tpu.memory_space<hbm>> -> memref<10000xf32, #tpu.memory_space<hbm>>
      tpu.wait_indirect_dma semaphore(%arg29 : memref<!tpu.dma_semaphore, #tpu.memory_space<semaphore_mem>>) src(%dma_wait3A_86 : memref<10000xf32, #tpu.memory_space<hbm>>) dst(%arg20 : memref<128xf32, #tpu.memory_space<vmem>>)
      %dma_start3A_87 = arith.constant 0 : i32
      %dma_start3A_88 = tpu.memref_slice %arg4[%dma_start3A_87] : memref<10000xf32, #tpu.memory_space<hbm>> -> memref<10000xf32, #tpu.memory_space<hbm>>
      tpu.enqueue_indirect_dma source(%dma_start3A_88 : memref<10000xf32, #tpu.memory_space<hbm>>) target(%arg21 : memref<128xf32, #tpu.memory_space<vmem>>) offsets(%arg13 : memref<128xi32, #tpu.memory_space<vmem>>) semaphore(%arg29 : memref<!tpu.dma_semaphore, #tpu.memory_space<semaphore_mem>>)
      %dma_wait3A_89 = arith.constant 0 : i32
      %dma_wait3A_90 = tpu.memref_slice %arg4[%dma_wait3A_89] : memref<10000xf32, #tpu.memory_space<hbm>> -> memref<10000xf32, #tpu.memory_space<hbm>>
      tpu.wait_indirect_dma semaphore(%arg29 : memref<!tpu.dma_semaphore, #tpu.memory_space<semaphore_mem>>) src(%dma_wait3A_90 : memref<10000xf32, #tpu.memory_space<hbm>>) dst(%arg21 : memref<128xf32, #tpu.memory_space<vmem>>)
      %dma_start3A_91 = arith.constant 0 : i32
      %dma_start3A_92 = arith.constant 0 : i32
      %dma_start3A_93 = tpu.memref_slice %arg2[%dma_start3A_91, %dma_start3A_92] : memref<10000x128xf32, #tpu.memory_space<hbm>> -> memref<10000x128xf32, #tpu.memory_space<hbm>>
      tpu.enqueue_indirect_dma source(%dma_start3A_93 : memref<10000x128xf32, #tpu.memory_space<hbm>>) target(%arg16 : memref<128x128xf32, #tpu.memory_space<vmem>>) offsets(%arg12 : memref<128xi32, #tpu.memory_space<vmem>>) semaphore(%arg29 : memref<!tpu.dma_semaphore, #tpu.memory_space<semaphore_mem>>)
      %dma_wait3A_94 = arith.constant 0 : i32
      %dma_wait3A_95 = arith.constant 0 : i32
      %dma_wait3A_96 = tpu.memref_slice %arg2[%dma_wait3A_94, %dma_wait3A_95] : memref<10000x128xf32, #tpu.memory_space<hbm>> -> memref<10000x128xf32, #tpu.memory_space<hbm>>
      tpu.wait_indirect_dma semaphore(%arg29 : memref<!tpu.dma_semaphore, #tpu.memory_space<semaphore_mem>>) src(%dma_wait3A_96 : memref<10000x128xf32, #tpu.memory_space<hbm>>) dst(%arg16 : memref<128x128xf32, #tpu.memory_space<vmem>>)
      %get3A_97 = arith.constant 0 : index
      %get3A_98 = tpu.vector_load %arg20[%get3A_97] {strides = array<i32>} : memref<128xf32, #tpu.memory_space<vmem>>, vector<16xf32>,
      %get3A_99 = vector.shape_cast %get3A_98 : vector<16xf32> to vector<16xf32>
      %get3A_100 = arith.constant 0 : index
      %get3A_101 = tpu.vector_load %arg21[%get3A_100] {strides = array<i32>} : memref<128xf32, #tpu.memory_space<vmem>>, vector<16xf32>,
      %get3A_102 = vector.shape_cast %get3A_101 : vector<16xf32> to vector<16xf32>
      %add3A_103 = arith.addf %get3A_99, %get3A_102 : vector<16xf32>
      %gt3A_104 = arith.constant 0.000000e+00 : f32
      %gt3A_105 = vector.broadcast %gt3A_104 : f32 to vector<16xf32>
      %gt3A_106 = arith.cmpf ogt, %add3A_103, %gt3A_105 : vector<16xf32>
      %mul3A_107 = arith.constant 2.000000e-01 : f32
      %mul3A_108 = vector.broadcast %mul3A_107 : f32 to vector<16xf32>
      %mul3A_109 = arith.mulf %mul3A_108, %add3A_103 : vector<16xf32>
      %select_n3A_110 = arith.select %gt3A_106, %add3A_103, %mul3A_109 : vector<16xi1>, vector<16xf32>
      %sub3A_111 = arith.subf %select_n3A_110, %get3A_10 : vector<16xf32>
      %exp3A_112 = math.exp %sub3A_111 : vector<16xf32>
      %swap3A_113 = arith.constant 0 : index
      %swap3A_114 = tpu.vector_load %arg25[%swap3A_113] {strides = array<i32>} : memref<144xf32, #tpu.memory_space<vmem>>, vector<16xf32>,
      %swap3A_115 = vector.shape_cast %swap3A_114 : vector<16xf32> to vector<16xf32>
      %swap3A_116 = vector.shape_cast %exp3A_112 : vector<16xf32> to vector<16xf32>
      tpu.vector_store %arg25[%swap3A_113], %swap3A_116 {strides = array<i32>} : memref<144xf32, #tpu.memory_space<vmem>>, vector<16xf32>,
      %get3A_117 = arith.constant 16 : index
      %get3A_118 = tpu.vector_load %arg20[%get3A_117] {strides = array<i32>} : memref<128xf32, #tpu.memory_space<vmem>>, vector<16xf32>,
      %get3A_119 = vector.shape_cast %get3A_118 : vector<16xf32> to vector<16xf32>
      %get3A_120 = arith.constant 16 : index
      %get3A_121 = tpu.vector_load %arg21[%get3A_120] {strides = array<i32>} : memref<128xf32, #tpu.memory_space<vmem>>, vector<16xf32>,
      %get3A_122 = vector.shape_cast %get3A_121 : vector<16xf32> to vector<16xf32>
      %add3A_123 = arith.addf %get3A_119, %get3A_122 : vector<16xf32>
      %gt3A_124 = arith.constant 0.000000e+00 : f32
      %gt3A_125 = vector.broadcast %gt3A_124 : f32 to vector<16xf32>
      %gt3A_126 = arith.cmpf ogt, %add3A_123, %gt3A_125 : vector<16xf32>
      %mul3A_127 = arith.constant 2.000000e-01 : f32
      %mul3A_128 = vector.broadcast %mul3A_127 : f32 to vector<16xf32>
      %mul3A_129 = arith.mulf %mul3A_128, %add3A_123 : vector<16xf32>
      %select_n3A_130 = arith.select %gt3A_126, %add3A_123, %mul3A_129 : vector<16xi1>, vector<16xf32>
      %sub3A_131 = arith.subf %select_n3A_130, %get3A_10 : vector<16xf32>
      %exp3A_132 = math.exp %sub3A_131 : vector<16xf32>
      %swap3A_133 = arith.constant 16 : index
      %swap3A_134 = tpu.vector_load %arg25[%swap3A_133] {strides = array<i32>} : memref<144xf32, #tpu.memory_space<vmem>>, vector<16xf32>,
      %swap3A_135 = vector.shape_cast %swap3A_134 : vector<16xf32> to vector<16xf32>
      %swap3A_136 = vector.shape_cast %exp3A_132 : vector<16xf32> to vector<16xf32>
      tpu.vector_store %arg25[%swap3A_133], %swap3A_136 {strides = array<i32>} : memref<144xf32, #tpu.memory_space<vmem>>, vector<16xf32>,
      %get3A_137 = arith.constant 32 : index
      %get3A_138 = tpu.vector_load %arg20[%get3A_137] {strides = array<i32>} : memref<128xf32, #tpu.memory_space<vmem>>, vector<16xf32>,
      %get3A_139 = vector.shape_cast %get3A_138 : vector<16xf32> to vector<16xf32>
      %get3A_140 = arith.constant 32 : index
      %get3A_141 = tpu.vector_load %arg21[%get3A_140] {strides = array<i32>} : memref<128xf32, #tpu.memory_space<vmem>>, vector<16xf32>,
      %get3A_142 = vector.shape_cast %get3A_141 : vector<16xf32> to vector<16xf32>
      %add3A_143 = arith.addf %get3A_139, %get3A_142 : vector<16xf32>
      %gt3A_144 = arith.constant 0.000000e+00 : f32
      %gt3A_145 = vector.broadcast %gt3A_144 : f32 to vector<16xf32>
      %gt3A_146 = arith.cmpf ogt, %add3A_143, %gt3A_145 : vector<16xf32>
      %mul3A_147 = arith.constant 2.000000e-01 : f32
      %mul3A_148 = vector.broadcast %mul3A_147 : f32 to vector<16xf32>
      %mul3A_149 = arith.mulf %mul3A_148, %add3A_143 : vector<16xf32>
      %select_n3A_150 = arith.select %gt3A_146, %add3A_143, %mul3A_149 : vector<16xi1>, vector<16xf32>
      %sub3A_151 = arith.subf %select_n3A_150, %get3A_10 : vector<16xf32>
      %exp3A_152 = math.exp %sub3A_151 : vector<16xf32>
      %swap3A_153 = arith.constant 32 : index
      %swap3A_154 = tpu.vector_load %arg25[%swap3A_153] {strides = array<i32>} : memref<144xf32, #tpu.memory_space<vmem>>, vector<16xf32>,
      %swap3A_155 = vector.shape_cast %swap3A_154 : vector<16xf32> to vector<16xf32>
      %swap3A_156 = vector.shape_cast %exp3A_152 : vector<16xf32> to vector<16xf32>
      tpu.vector_store %arg25[%swap3A_153], %swap3A_156 {strides = array<i32>} : memref<144xf32, #tpu.memory_space<vmem>>, vector<16xf32>,
      %get3A_157 = arith.constant 48 : index
      %get3A_158 = tpu.vector_load %arg20[%get3A_157] {strides = array<i32>} : memref<128xf32, #tpu.memory_space<vmem>>, vector<16xf32>,
      %get3A_159 = vector.shape_cast %get3A_158 : vector<16xf32> to vector<16xf32>
      %get3A_160 = arith.constant 48 : index
      %get3A_161 = tpu.vector_load %arg21[%get3A_160] {strides = array<i32>} : memref<128xf32, #tpu.memory_space<vmem>>, vector<16xf32>,
      %get3A_162 = vector.shape_cast %get3A_161 : vector<16xf32> to vector<16xf32>
      %add3A_163 = arith.addf %get3A_159, %get3A_162 : vector<16xf32>
      %gt3A_164 = arith.constant 0.000000e+00 : f32
      %gt3A_165 = vector.broadcast %gt3A_164 : f32 to vector<16xf32>
      %gt3A_166 = arith.cmpf ogt, %add3A_163, %gt3A_165 : vector<16xf32>
      %mul3A_167 = arith.constant 2.000000e-01 : f32
      %mul3A_168 = vector.broadcast %mul3A_167 : f32 to vector<16xf32>
      %mul3A_169 = arith.mulf %mul3A_168, %add3A_163 : vector<16xf32>
      %select_n3A_170 = arith.select %gt3A_166, %add3A_163, %mul3A_169 : vector<16xi1>, vector<16xf32>
      %sub3A_171 = arith.subf %select_n3A_170, %get3A_10 : vector<16xf32>
      %exp3A_172 = math.exp %sub3A_171 : vector<16xf32>
      %swap3A_173 = arith.constant 48 : index
      %swap3A_174 = tpu.vector_load %arg25[%swap3A_173] {strides = array<i32>} : memref<144xf32, #tpu.memory_space<vmem>>, vector<16xf32>,
      %swap3A_175 = vector.shape_cast %swap3A_174 : vector<16xf32> to vector<16xf32>
      %swap3A_176 = vector.shape_cast %exp3A_172 : vector<16xf32> to vector<16xf32>
      tpu.vector_store %arg25[%swap3A_173], %swap3A_176 {strides = array<i32>} : memref<144xf32, #tpu.memory_space<vmem>>, vector<16xf32>,
      %get3A_177 = arith.constant 64 : index
      %get3A_178 = tpu.vector_load %arg20[%get3A_177] {strides = array<i32>} : memref<128xf32, #tpu.memory_space<vmem>>, vector<16xf32>,
      %get3A_179 = vector.shape_cast %get3A_178 : vector<16xf32> to vector<16xf32>
      %get3A_180 = arith.constant 64 : index
      %get3A_181 = tpu.vector_load %arg21[%get3A_180] {strides = array<i32>} : memref<128xf32, #tpu.memory_space<vmem>>, vector<16xf32>,
      %get3A_182 = vector.shape_cast %get3A_181 : vector<16xf32> to vector<16xf32>
      %add3A_183 = arith.addf %get3A_179, %get3A_182 : vector<16xf32>
      %gt3A_184 = arith.constant 0.000000e+00 : f32
      %gt3A_185 = vector.broadcast %gt3A_184 : f32 to vector<16xf32>
      %gt3A_186 = arith.cmpf ogt, %add3A_183, %gt3A_185 : vector<16xf32>
      %mul3A_187 = arith.constant 2.000000e-01 : f32
      %mul3A_188 = vector.broadcast %mul3A_187 : f32 to vector<16xf32>
      %mul3A_189 = arith.mulf %mul3A_188, %add3A_183 : vector<16xf32>
      %select_n3A_190 = arith.select %gt3A_186, %add3A_183, %mul3A_189 : vector<16xi1>, vector<16xf32>
      %sub3A_191 = arith.subf %select_n3A_190, %get3A_10 : vector<16xf32>
      %exp3A_192 = math.exp %sub3A_191 : vector<16xf32>
      %swap3A_193 = arith.constant 64 : index
      %swap3A_194 = tpu.vector_load %arg25[%swap3A_193] {strides = array<i32>} : memref<144xf32, #tpu.memory_space<vmem>>, vector<16xf32>,
      %swap3A_195 = vector.shape_cast %swap3A_194 : vector<16xf32> to vector<16xf32>
      %swap3A_196 = vector.shape_cast %exp3A_192 : vector<16xf32> to vector<16xf32>
      tpu.vector_store %arg25[%swap3A_193], %swap3A_196 {strides = array<i32>} : memref<144xf32, #tpu.memory_space<vmem>>, vector<16xf32>,
      %get3A_197 = arith.constant 80 : index
      %get3A_198 = tpu.vector_load %arg20[%get3A_197] {strides = array<i32>} : memref<128xf32, #tpu.memory_space<vmem>>, vector<16xf32>,
      %get3A_199 = vector.shape_cast %get3A_198 : vector<16xf32> to vector<16xf32>
      %get3A_200 = arith.constant 80 : index
      %get3A_201 = tpu.vector_load %arg21[%get3A_200] {strides = array<i32>} : memref<128xf32, #tpu.memory_space<vmem>>, vector<16xf32>,
      %get3A_202 = vector.shape_cast %get3A_201 : vector<16xf32> to vector<16xf32>
      %add3A_203 = arith.addf %get3A_199, %get3A_202 : vector<16xf32>
      %gt3A_204 = arith.constant 0.000000e+00 : f32
      %gt3A_205 = vector.broadcast %gt3A_204 : f32 to vector<16xf32>
      %gt3A_206 = arith.cmpf ogt, %add3A_203, %gt3A_205 : vector<16xf32>
      %mul3A_207 = arith.constant 2.000000e-01 : f32
      %mul3A_208 = vector.broadcast %mul3A_207 : f32 to vector<16xf32>
      %mul3A_209 = arith.mulf %mul3A_208, %add3A_203 : vector<16xf32>
      %select_n3A_210 = arith.select %gt3A_206, %add3A_203, %mul3A_209 : vector<16xi1>, vector<16xf32>
      %sub3A_211 = arith.subf %select_n3A_210, %get3A_10 : vector<16xf32>
      %exp3A_212 = math.exp %sub3A_211 : vector<16xf32>
      %swap3A_213 = arith.constant 80 : index
      %swap3A_214 = tpu.vector_load %arg25[%swap3A_213] {strides = array<i32>} : memref<144xf32, #tpu.memory_space<vmem>>, vector<16xf32>,
      %swap3A_215 = vector.shape_cast %swap3A_214 : vector<16xf32> to vector<16xf32>
      %swap3A_216 = vector.shape_cast %exp3A_212 : vector<16xf32> to vector<16xf32>
      tpu.vector_store %arg25[%swap3A_213], %swap3A_216 {strides = array<i32>} : memref<144xf32, #tpu.memory_space<vmem>>, vector<16xf32>,
      %get3A_217 = arith.constant 96 : index
      %get3A_218 = tpu.vector_load %arg20[%get3A_217] {strides = array<i32>} : memref<128xf32, #tpu.memory_space<vmem>>, vector<16xf32>,
      %get3A_219 = vector.shape_cast %get3A_218 : vector<16xf32> to vector<16xf32>
      %get3A_220 = arith.constant 96 : index
      %get3A_221 = tpu.vector_load %arg21[%get3A_220] {strides = array<i32>} : memref<128xf32, #tpu.memory_space<vmem>>, vector<16xf32>,
      %get3A_222 = vector.shape_cast %get3A_221 : vector<16xf32> to vector<16xf32>
      %add3A_223 = arith.addf %get3A_219, %get3A_222 : vector<16xf32>
      %gt3A_224 = arith.constant 0.000000e+00 : f32
      %gt3A_225 = vector.broadcast %gt3A_224 : f32 to vector<16xf32>
      %gt3A_226 = arith.cmpf ogt, %add3A_223, %gt3A_225 : vector<16xf32>
      %mul3A_227 = arith.constant 2.000000e-01 : f32
      %mul3A_228 = vector.broadcast %mul3A_227 : f32 to vector<16xf32>
      %mul3A_229 = arith.mulf %mul3A_228, %add3A_223 : vector<16xf32>
      %select_n3A_230 = arith.select %gt3A_226, %add3A_223, %mul3A_229 : vector<16xi1>, vector<16xf32>
      %sub3A_231 = arith.subf %select_n3A_230, %get3A_10 : vector<16xf32>
      %exp3A_232 = math.exp %sub3A_231 : vector<16xf32>
      %swap3A_233 = arith.constant 96 : index
      %swap3A_234 = tpu.vector_load %arg25[%swap3A_233] {strides = array<i32>} : memref<144xf32, #tpu.memory_space<vmem>>, vector<16xf32>,
      %swap3A_235 = vector.shape_cast %swap3A_234 : vector<16xf32> to vector<16xf32>
      %swap3A_236 = vector.shape_cast %exp3A_232 : vector<16xf32> to vector<16xf32>
      tpu.vector_store %arg25[%swap3A_233], %swap3A_236 {strides = array<i32>} : memref<144xf32, #tpu.memory_space<vmem>>, vector<16xf32>,
      %get3A_237 = arith.constant 112 : index
      %get3A_238 = tpu.vector_load %arg20[%get3A_237] {strides = array<i32>} : memref<128xf32, #tpu.memory_space<vmem>>, vector<16xf32>,
      %get3A_239 = vector.shape_cast %get3A_238 : vector<16xf32> to vector<16xf32>
      %get3A_240 = arith.constant 112 : index
      %get3A_241 = tpu.vector_load %arg21[%get3A_240] {strides = array<i32>} : memref<128xf32, #tpu.memory_space<vmem>>, vector<16xf32>,
      %get3A_242 = vector.shape_cast %get3A_241 : vector<16xf32> to vector<16xf32>
      %add3A_243 = arith.addf %get3A_239, %get3A_242 : vector<16xf32>
      %gt3A_244 = arith.constant 0.000000e+00 : f32
      %gt3A_245 = vector.broadcast %gt3A_244 : f32 to vector<16xf32>
      %gt3A_246 = arith.cmpf ogt, %add3A_243, %gt3A_245 : vector<16xf32>
      %mul3A_247 = arith.constant 2.000000e-01 : f32
      %mul3A_248 = vector.broadcast %mul3A_247 : f32 to vector<16xf32>
      %mul3A_249 = arith.mulf %mul3A_248, %add3A_243 : vector<16xf32>
      %select_n3A_250 = arith.select %gt3A_246, %add3A_243, %mul3A_249 : vector<16xi1>, vector<16xf32>
      %sub3A_251 = arith.subf %select_n3A_250, %get3A_10 : vector<16xf32>
      %exp3A_252 = math.exp %sub3A_251 : vector<16xf32>
      %swap3A_253 = arith.constant 112 : index
      %swap3A_254 = tpu.vector_load %arg25[%swap3A_253] {strides = array<i32>} : memref<144xf32, #tpu.memory_space<vmem>>, vector<16xf32>,
      %swap3A_255 = vector.shape_cast %swap3A_254 : vector<16xf32> to vector<16xf32>
      %swap3A_256 = vector.shape_cast %exp3A_252 : vector<16xf32> to vector<16xf32>
      tpu.vector_store %arg25[%swap3A_253], %swap3A_256 {strides = array<i32>} : memref<144xf32, #tpu.memory_space<vmem>>, vector<16xf32>,
      %scan3A_257 = arith.constant 0 : i32
      %scan3A_258 = arith.constant 128 : i32
      %scan3A_259 = arith.addi %scan3A_257, %scan3A_258 : i32
      %scan3A_260 = arith.constant 1 : i32
      scf.for %scan3A_262 = %scan3A_257 to %scan3A_259 step %scan3A_260  : i32 {
        %get3A_263 = arith.index_cast %scan3A_262 : i32 to index
        %get3A_264 = tpu.vector_load %arg25[%get3A_263] {strides = array<i32>} : memref<144xf32, #tpu.memory_space<vmem>>, vector<16xf32>,
        %get3A_265 = vector.shape_cast %get3A_264 : vector<16xf32> to vector<16xf32>
        %slice3A = vector.extract_strided_slice %get3A_265 {offsets = [0], sizes = [1], strides = [1]} : vector<16xf32> to vector<1xf32>
        %squeeze3A = vector.extract %slice3A[0] : f32 from vector<1xf32>
        %get3A_266 = arith.index_cast %scan3A_262 : i32 to index
        %get3A_267 = arith.constant 0 : index
        %get3A_268 = tpu.vector_load %arg16[%get3A_266, %get3A_267] {strides = array<i32>} : memref<128x128xf32, #tpu.memory_space<vmem>>, vector<1x16xf32>,
        %get3A_269 = vector.shape_cast %get3A_268 : vector<1x16xf32> to vector<16xf32>
        %mul3A_270 = vector.broadcast %squeeze3A : f32 to vector<16xf32>
        %mul3A_271 = arith.mulf %get3A_269, %mul3A_270 : vector<16xf32>
        %swap3A_272 = arith.index_cast %scan3A_262 : i32 to index
        %swap3A_273 = arith.constant 0 : index
        %swap3A_274 = tpu.vector_load %arg18[%swap3A_272, %swap3A_273] {strides = array<i32>} : memref<128x128xf32, #tpu.memory_space<vmem>>, vector<1x16xf32>,
        %swap3A_275 = vector.shape_cast %swap3A_274 : vector<1x16xf32> to vector<16xf32>
        %swap3A_276 = vector.shape_cast %mul3A_271 : vector<16xf32> to vector<1x16xf32>
        tpu.vector_store %arg18[%swap3A_272, %swap3A_273], %swap3A_276 {strides = array<i32>} : memref<128x128xf32, #tpu.memory_space<vmem>>, vector<1x16xf32>,
        %get3A_277 = arith.index_cast %scan3A_262 : i32 to index
        %get3A_278 = arith.constant 16 : index
        %get3A_279 = tpu.vector_load %arg16[%get3A_277, %get3A_278] {strides = array<i32>} : memref<128x128xf32, #tpu.memory_space<vmem>>, vector<1x16xf32>,
        %get3A_280 = vector.shape_cast %get3A_279 : vector<1x16xf32> to vector<16xf32>
        %mul3A_281 = vector.broadcast %squeeze3A : f32 to vector<16xf32>
        %mul3A_282 = arith.mulf %get3A_280, %mul3A_281 : vector<16xf32>
        %swap3A_283 = arith.index_cast %scan3A_262 : i32 to index
        %swap3A_284 = arith.constant 16 : index
        %swap3A_285 = tpu.vector_load %arg18[%swap3A_283, %swap3A_284] {strides = array<i32>} : memref<128x128xf32, #tpu.memory_space<vmem>>, vector<1x16xf32>,
        %swap3A_286 = vector.shape_cast %swap3A_285 : vector<1x16xf32> to vector<16xf32>
        %swap3A_287 = vector.shape_cast %mul3A_282 : vector<16xf32> to vector<1x16xf32>
        tpu.vector_store %arg18[%swap3A_283, %swap3A_284], %swap3A_287 {strides = array<i32>} : memref<128x128xf32, #tpu.memory_space<vmem>>, vector<1x16xf32>,
        %get3A_288 = arith.index_cast %scan3A_262 : i32 to index
        %get3A_289 = arith.constant 32 : index
        %get3A_290 = tpu.vector_load %arg16[%get3A_288, %get3A_289] {strides = array<i32>} : memref<128x128xf32, #tpu.memory_space<vmem>>, vector<1x16xf32>,
        %get3A_291 = vector.shape_cast %get3A_290 : vector<1x16xf32> to vector<16xf32>
        %mul3A_292 = vector.broadcast %squeeze3A : f32 to vector<16xf32>
        %mul3A_293 = arith.mulf %get3A_291, %mul3A_292 : vector<16xf32>
        %swap3A_294 = arith.index_cast %scan3A_262 : i32 to index
        %swap3A_295 = arith.constant 32 : index
        %swap3A_296 = tpu.vector_load %arg18[%swap3A_294, %swap3A_295] {strides = array<i32>} : memref<128x128xf32, #tpu.memory_space<vmem>>, vector<1x16xf32>,
        %swap3A_297 = vector.shape_cast %swap3A_296 : vector<1x16xf32> to vector<16xf32>
        %swap3A_298 = vector.shape_cast %mul3A_293 : vector<16xf32> to vector<1x16xf32>
        tpu.vector_store %arg18[%swap3A_294, %swap3A_295], %swap3A_298 {strides = array<i32>} : memref<128x128xf32, #tpu.memory_space<vmem>>, vector<1x16xf32>,
        %get3A_299 = arith.index_cast %scan3A_262 : i32 to index
        %get3A_300 = arith.constant 48 : index
        %get3A_301 = tpu.vector_load %arg16[%get3A_299, %get3A_300] {strides = array<i32>} : memref<128x128xf32, #tpu.memory_space<vmem>>, vector<1x16xf32>,
        %get3A_302 = vector.shape_cast %get3A_301 : vector<1x16xf32> to vector<16xf32>
        %mul3A_303 = vector.broadcast %squeeze3A : f32 to vector<16xf32>
        %mul3A_304 = arith.mulf %get3A_302, %mul3A_303 : vector<16xf32>
        %swap3A_305 = arith.index_cast %scan3A_262 : i32 to index
        %swap3A_306 = arith.constant 48 : index
        %swap3A_307 = tpu.vector_load %arg18[%swap3A_305, %swap3A_306] {strides = array<i32>} : memref<128x128xf32, #tpu.memory_space<vmem>>, vector<1x16xf32>,
        %swap3A_308 = vector.shape_cast %swap3A_307 : vector<1x16xf32> to vector<16xf32>
        %swap3A_309 = vector.shape_cast %mul3A_304 : vector<16xf32> to vector<1x16xf32>
        tpu.vector_store %arg18[%swap3A_305, %swap3A_306], %swap3A_309 {strides = array<i32>} : memref<128x128xf32, #tpu.memory_space<vmem>>, vector<1x16xf32>,
        %get3A_310 = arith.index_cast %scan3A_262 : i32 to index
        %get3A_311 = arith.constant 64 : index
        %get3A_312 = tpu.vector_load %arg16[%get3A_310, %get3A_311] {strides = array<i32>} : memref<128x128xf32, #tpu.memory_space<vmem>>, vector<1x16xf32>,
        %get3A_313 = vector.shape_cast %get3A_312 : vector<1x16xf32> to vector<16xf32>
        %mul3A_314 = vector.broadcast %squeeze3A : f32 to vector<16xf32>
        %mul3A_315 = arith.mulf %get3A_313, %mul3A_314 : vector<16xf32>
        %swap3A_316 = arith.index_cast %scan3A_262 : i32 to index
        %swap3A_317 = arith.constant 64 : index
        %swap3A_318 = tpu.vector_load %arg18[%swap3A_316, %swap3A_317] {strides = array<i32>} : memref<128x128xf32, #tpu.memory_space<vmem>>, vector<1x16xf32>,
        %swap3A_319 = vector.shape_cast %swap3A_318 : vector<1x16xf32> to vector<16xf32>
        %swap3A_320 = vector.shape_cast %mul3A_315 : vector<16xf32> to vector<1x16xf32>
        tpu.vector_store %arg18[%swap3A_316, %swap3A_317], %swap3A_320 {strides = array<i32>} : memref<128x128xf32, #tpu.memory_space<vmem>>, vector<1x16xf32>,
        %get3A_321 = arith.index_cast %scan3A_262 : i32 to index
        %get3A_322 = arith.constant 80 : index
        %get3A_323 = tpu.vector_load %arg16[%get3A_321, %get3A_322] {strides = array<i32>} : memref<128x128xf32, #tpu.memory_space<vmem>>, vector<1x16xf32>,
        %get3A_324 = vector.shape_cast %get3A_323 : vector<1x16xf32> to vector<16xf32>
        %mul3A_325 = vector.broadcast %squeeze3A : f32 to vector<16xf32>
        %mul3A_326 = arith.mulf %get3A_324, %mul3A_325 : vector<16xf32>
        %swap3A_327 = arith.index_cast %scan3A_262 : i32 to index
        %swap3A_328 = arith.constant 80 : index
        %swap3A_329 = tpu.vector_load %arg18[%swap3A_327, %swap3A_328] {strides = array<i32>} : memref<128x128xf32, #tpu.memory_space<vmem>>, vector<1x16xf32>,
        %swap3A_330 = vector.shape_cast %swap3A_329 : vector<1x16xf32> to vector<16xf32>
        %swap3A_331 = vector.shape_cast %mul3A_326 : vector<16xf32> to vector<1x16xf32>
        tpu.vector_store %arg18[%swap3A_327, %swap3A_328], %swap3A_331 {strides = array<i32>} : memref<128x128xf32, #tpu.memory_space<vmem>>, vector<1x16xf32>,
        %get3A_332 = arith.index_cast %scan3A_262 : i32 to index
        %get3A_333 = arith.constant 96 : index
        %get3A_334 = tpu.vector_load %arg16[%get3A_332, %get3A_333] {strides = array<i32>} : memref<128x128xf32, #tpu.memory_space<vmem>>, vector<1x16xf32>,
        %get3A_335 = vector.shape_cast %get3A_334 : vector<1x16xf32> to vector<16xf32>
        %mul3A_336 = vector.broadcast %squeeze3A : f32 to vector<16xf32>
        %mul3A_337 = arith.mulf %get3A_335, %mul3A_336 : vector<16xf32>
        %swap3A_338 = arith.index_cast %scan3A_262 : i32 to index
        %swap3A_339 = arith.constant 96 : index
        %swap3A_340 = tpu.vector_load %arg18[%swap3A_338, %swap3A_339] {strides = array<i32>} : memref<128x128xf32, #tpu.memory_space<vmem>>, vector<1x16xf32>,
        %swap3A_341 = vector.shape_cast %swap3A_340 : vector<1x16xf32> to vector<16xf32>
        %swap3A_342 = vector.shape_cast %mul3A_337 : vector<16xf32> to vector<1x16xf32>
        tpu.vector_store %arg18[%swap3A_338, %swap3A_339], %swap3A_342 {strides = array<i32>} : memref<128x128xf32, #tpu.memory_space<vmem>>, vector<1x16xf32>,
        %get3A_343 = arith.index_cast %scan3A_262 : i32 to index
        %get3A_344 = arith.constant 112 : index
        %get3A_345 = tpu.vector_load %arg16[%get3A_343, %get3A_344] {strides = array<i32>} : memref<128x128xf32, #tpu.memory_space<vmem>>, vector<1x16xf32>,
        %get3A_346 = vector.shape_cast %get3A_345 : vector<1x16xf32> to vector<16xf32>
        %mul3A_347 = vector.broadcast %squeeze3A : f32 to vector<16xf32>
        %mul3A_348 = arith.mulf %get3A_346, %mul3A_347 : vector<16xf32>
        %swap3A_349 = arith.index_cast %scan3A_262 : i32 to index
        %swap3A_350 = arith.constant 112 : index
        %swap3A_351 = tpu.vector_load %arg18[%swap3A_349, %swap3A_350] {strides = array<i32>} : memref<128x128xf32, #tpu.memory_space<vmem>>, vector<1x16xf32>,
        %swap3A_352 = vector.shape_cast %swap3A_351 : vector<1x16xf32> to vector<16xf32>
        %swap3A_353 = vector.shape_cast %mul3A_348 : vector<16xf32> to vector<1x16xf32>
        tpu.vector_store %arg18[%swap3A_349, %swap3A_350], %swap3A_353 {strides = array<i32>} : memref<128x128xf32, #tpu.memory_space<vmem>>, vector<1x16xf32>,
      }
      %scan3A_261 = arith.constant 128 : i32
      "tpu.region"() ({
        %run_scoped3A_262 = tpu.sem_alloc : memref<!tpu.dma_semaphore, #tpu.memory_space<semaphore_mem>>
        %dma_start3A_263 = arith.constant 0 : i32
        %dma_start3A_264 = arith.constant 0 : i32
        %dma_start3A_265 = tpu.memref_slice %arg27[%dma_start3A_263, %dma_start3A_264] : memref<10000x128xf32, #tpu.memory_space<vmem_shared>> -> memref<10000x128xf32, #tpu.memory_space<vmem_shared>>
        tpu.enqueue_indirect_dma source(%arg18 : memref<128x128xf32, #tpu.memory_space<vmem>>) target(%dma_start3A_265 : memref<10000x128xf32, #tpu.memory_space<vmem_shared>>) offsets(%arg13 : memref<128xi32, #tpu.memory_space<vmem>>) semaphore(%run_scoped3A_262 : memref<!tpu.dma_semaphore, #tpu.memory_space<semaphore_mem>>) {add = true}
        %dma_wait3A_266 = arith.constant 0 : i32
        %dma_wait3A_267 = arith.constant 0 : i32
        %dma_wait3A_268 = tpu.memref_slice %arg27[%dma_wait3A_266, %dma_wait3A_267] : memref<10000x128xf32, #tpu.memory_space<vmem_shared>> -> memref<10000x128xf32, #tpu.memory_space<vmem_shared>>
        tpu.wait_indirect_dma semaphore(%run_scoped3A_262 : memref<!tpu.dma_semaphore, #tpu.memory_space<semaphore_mem>>) src(%arg18 : memref<128x128xf32, #tpu.memory_space<vmem>>) dst(%dma_wait3A_268 : memref<10000x128xf32, #tpu.memory_space<vmem_shared>>)
        tpu.yield
      }) : () -> ()
      "tpu.region"() ({
        %run_scoped3A_262 = tpu.sem_alloc : memref<!tpu.dma_semaphore, #tpu.memory_space<semaphore_mem>>
        %dma_start3A_263 = arith.constant 0 : i32
        %dma_start3A_264 = tpu.memref_slice %arg25[%dma_start3A_263] : memref<144xf32, #tpu.memory_space<vmem>> -> memref<128xf32, #tpu.memory_space<vmem>>
        %dma_start3A_265 = arith.constant 0 : i32
        %dma_start3A_266 = tpu.memref_slice %arg28[%dma_start3A_265] : memref<10240xf32, #tpu.memory_space<vmem_shared>> -> memref<10240xf32, #tpu.memory_space<vmem_shared>>
        tpu.enqueue_indirect_dma source(%dma_start3A_264 : memref<128xf32, #tpu.memory_space<vmem>>) target(%dma_start3A_266 : memref<10240xf32, #tpu.memory_space<vmem_shared>>) offsets(%arg13 : memref<128xi32, #tpu.memory_space<vmem>>) semaphore(%run_scoped3A_262 : memref<!tpu.dma_semaphore, #tpu.memory_space<semaphore_mem>>) {add = true}
        %dma_wait3A_267 = arith.constant 0 : i32
        %dma_wait3A_268 = tpu.memref_slice %arg25[%dma_wait3A_267] : memref<144xf32, #tpu.memory_space<vmem>> -> memref<128xf32, #tpu.memory_space<vmem>>
        %dma_wait3A_269 = arith.constant 0 : i32
        %dma_wait3A_270 = tpu.memref_slice %arg28[%dma_wait3A_269] : memref<10240xf32, #tpu.memory_space<vmem_shared>> -> memref<10240xf32, #tpu.memory_space<vmem_shared>>
        tpu.wait_indirect_dma semaphore(%run_scoped3A_262 : memref<!tpu.dma_semaphore, #tpu.memory_space<semaphore_mem>>) src(%dma_wait3A_268 : memref<128xf32, #tpu.memory_space<vmem>>) dst(%dma_wait3A_270 : memref<10240xf32, #tpu.memory_space<vmem_shared>>)
        tpu.yield
      }) : () -> ()
    }
    %scan3A_14 = arith.constant 156 : i32
    %add3A_15 = arith.constant 19968 : i32
    %add3A_16 = arith.addi %mul3A_8, %add3A_15 : i32
    "tpu.region"() ({
      %run_scoped3A_79 = tpu.sem_alloc : memref<!tpu.dma_semaphore, #tpu.memory_space<semaphore_mem>>
      %dma_start3A_80 = tpu.memref_slice %arg6[%add3A_16] : memref<640000xi32, #tpu.memory_space<hbm>> -> memref<32xi32, #tpu.memory_space<hbm>>
      %dma_start3A_81 = tpu.memref_slice %arg6[%add3A_16] : memref<640000xi32, #tpu.memory_space<hbm>> -> memref<32xi32, #tpu.memory_space<hbm>>
      tpu.enqueue_dma source(%dma_start3A_81 : memref<32xi32, #tpu.memory_space<hbm>>) target(%arg14 : memref<32xi32, #tpu.memory_space<vmem>>) target_semaphore(%run_scoped3A_79 : memref<!tpu.dma_semaphore, #tpu.memory_space<semaphore_mem>>)
      %dma_wait3A_82 = tpu.memref_slice %arg6[%add3A_16] : memref<640000xi32, #tpu.memory_space<hbm>> -> memref<32xi32, #tpu.memory_space<hbm>>
      %dma_wait3A_83 = tpu.memref_slice %arg6[%add3A_16] : memref<640000xi32, #tpu.memory_space<hbm>> -> memref<32xi32, #tpu.memory_space<hbm>>
      tpu.wait_dma2 semaphore(%run_scoped3A_79 : memref<!tpu.dma_semaphore, #tpu.memory_space<semaphore_mem>>) src(%dma_wait3A_83 : memref<32xi32, #tpu.memory_space<hbm>>) dst(%arg14 : memref<32xi32, #tpu.memory_space<vmem>>)
      tpu.yield
    }) : () -> ()
    "tpu.region"() ({
      %run_scoped3A_79 = tpu.sem_alloc : memref<!tpu.dma_semaphore, #tpu.memory_space<semaphore_mem>>
      %dma_start3A_80 = tpu.memref_slice %arg7[%add3A_16] : memref<640000xi32, #tpu.memory_space<hbm>> -> memref<32xi32, #tpu.memory_space<hbm>>
      %dma_start3A_81 = tpu.memref_slice %arg7[%add3A_16] : memref<640000xi32, #tpu.memory_space<hbm>> -> memref<32xi32, #tpu.memory_space<hbm>>
      tpu.enqueue_dma source(%dma_start3A_81 : memref<32xi32, #tpu.memory_space<hbm>>) target(%arg15 : memref<32xi32, #tpu.memory_space<vmem>>) target_semaphore(%run_scoped3A_79 : memref<!tpu.dma_semaphore, #tpu.memory_space<semaphore_mem>>)
      %dma_wait3A_82 = tpu.memref_slice %arg7[%add3A_16] : memref<640000xi32, #tpu.memory_space<hbm>> -> memref<32xi32, #tpu.memory_space<hbm>>
      %dma_wait3A_83 = tpu.memref_slice %arg7[%add3A_16] : memref<640000xi32, #tpu.memory_space<hbm>> -> memref<32xi32, #tpu.memory_space<hbm>>
      tpu.wait_dma2 semaphore(%run_scoped3A_79 : memref<!tpu.dma_semaphore, #tpu.memory_space<semaphore_mem>>) src(%dma_wait3A_83 : memref<32xi32, #tpu.memory_space<hbm>>) dst(%arg15 : memref<32xi32, #tpu.memory_space<vmem>>)
      tpu.yield
    }) : () -> ()
    %dma_start3A = arith.constant 0 : i32
    %dma_start3A_17 = tpu.memref_slice %arg3[%dma_start3A] : memref<10000xf32, #tpu.memory_space<hbm>> -> memref<10000xf32, #tpu.memory_space<hbm>>
    tpu.enqueue_indirect_dma source(%dma_start3A_17 : memref<10000xf32, #tpu.memory_space<hbm>>) target(%arg22 : memref<32xf32, #tpu.memory_space<vmem>>) offsets(%arg14 : memref<32xi32, #tpu.memory_space<vmem>>) semaphore(%arg29 : memref<!tpu.dma_semaphore, #tpu.memory_space<semaphore_mem>>)
    %dma_wait3A = arith.constant 0 : i32
    %dma_wait3A_18 = tpu.memref_slice %arg3[%dma_wait3A] : memref<10000xf32, #tpu.memory_space<hbm>> -> memref<10000xf32, #tpu.memory_space<hbm>>
    tpu.wait_indirect_dma semaphore(%arg29 : memref<!tpu.dma_semaphore, #tpu.memory_space<semaphore_mem>>) src(%dma_wait3A_18 : memref<10000xf32, #tpu.memory_space<hbm>>) dst(%arg22 : memref<32xf32, #tpu.memory_space<vmem>>)
    %dma_start3A_19 = arith.constant 0 : i32
    %dma_start3A_20 = tpu.memref_slice %arg4[%dma_start3A_19] : memref<10000xf32, #tpu.memory_space<hbm>> -> memref<10000xf32, #tpu.memory_space<hbm>>
    tpu.enqueue_indirect_dma source(%dma_start3A_20 : memref<10000xf32, #tpu.memory_space<hbm>>) target(%arg23 : memref<32xf32, #tpu.memory_space<vmem>>) offsets(%arg15 : memref<32xi32, #tpu.memory_space<vmem>>) semaphore(%arg29 : memref<!tpu.dma_semaphore, #tpu.memory_space<semaphore_mem>>)
    %dma_wait3A_21 = arith.constant 0 : i32
    %dma_wait3A_22 = tpu.memref_slice %arg4[%dma_wait3A_21] : memref<10000xf32, #tpu.memory_space<hbm>> -> memref<10000xf32, #tpu.memory_space<hbm>>
    tpu.wait_indirect_dma semaphore(%arg29 : memref<!tpu.dma_semaphore, #tpu.memory_space<semaphore_mem>>) src(%dma_wait3A_22 : memref<10000xf32, #tpu.memory_space<hbm>>) dst(%arg23 : memref<32xf32, #tpu.memory_space<vmem>>)
    %dma_start3A_23 = arith.constant 0 : i32
    %dma_start3A_24 = arith.constant 0 : i32
    %dma_start3A_25 = tpu.memref_slice %arg2[%dma_start3A_23, %dma_start3A_24] : memref<10000x128xf32, #tpu.memory_space<hbm>> -> memref<10000x128xf32, #tpu.memory_space<hbm>>
    tpu.enqueue_indirect_dma source(%dma_start3A_25 : memref<10000x128xf32, #tpu.memory_space<hbm>>) target(%arg17 : memref<32x128xf32, #tpu.memory_space<vmem>>) offsets(%arg14 : memref<32xi32, #tpu.memory_space<vmem>>) semaphore(%arg29 : memref<!tpu.dma_semaphore, #tpu.memory_space<semaphore_mem>>)
    %dma_wait3A_26 = arith.constant 0 : i32
    %dma_wait3A_27 = arith.constant 0 : i32
    %dma_wait3A_28 = tpu.memref_slice %arg2[%dma_wait3A_26, %dma_wait3A_27] : memref<10000x128xf32, #tpu.memory_space<hbm>> -> memref<10000x128xf32, #tpu.memory_space<hbm>>
    tpu.wait_indirect_dma semaphore(%arg29 : memref<!tpu.dma_semaphore, #tpu.memory_space<semaphore_mem>>) src(%dma_wait3A_28 : memref<10000x128xf32, #tpu.memory_space<hbm>>) dst(%arg17 : memref<32x128xf32, #tpu.memory_space<vmem>>)
    %get3A_29 = arith.constant 0 : index
    %get3A_30 = tpu.vector_load %arg22[%get3A_29] {strides = array<i32>} : memref<32xf32, #tpu.memory_space<vmem>>, vector<16xf32>,
    %get3A_31 = vector.shape_cast %get3A_30 : vector<16xf32> to vector<16xf32>
    %get3A_32 = arith.constant 0 : index
    %get3A_33 = tpu.vector_load %arg23[%get3A_32] {strides = array<i32>} : memref<32xf32, #tpu.memory_space<vmem>>, vector<16xf32>,
    %get3A_34 = vector.shape_cast %get3A_33 : vector<16xf32> to vector<16xf32>
    %add3A_35 = arith.addf %get3A_31, %get3A_34 : vector<16xf32>
    %gt3A = arith.constant 0.000000e+00 : f32
    %gt3A_36 = vector.broadcast %gt3A : f32 to vector<16xf32>
    %gt3A_37 = arith.cmpf ogt, %add3A_35, %gt3A_36 : vector<16xf32>
    %mul3A_38 = arith.constant 2.000000e-01 : f32
    %mul3A_39 = vector.broadcast %mul3A_38 : f32 to vector<16xf32>
    %mul3A_40 = arith.mulf %mul3A_39, %add3A_35 : vector<16xf32>
    %select_n3A = arith.select %gt3A_37, %add3A_35, %mul3A_40 : vector<16xi1>, vector<16xf32>
    %sub3A = arith.subf %select_n3A, %get3A_10 : vector<16xf32>
    %exp3A = math.exp %sub3A : vector<16xf32>
    %swap3A = arith.constant 0 : index
    %swap3A_41 = tpu.vector_load %arg25[%swap3A] {strides = array<i32>} : memref<144xf32, #tpu.memory_space<vmem>>, vector<16xf32>,
    %swap3A_42 = vector.shape_cast %swap3A_41 : vector<16xf32> to vector<16xf32>
    %swap3A_43 = vector.shape_cast %exp3A : vector<16xf32> to vector<16xf32>
    tpu.vector_store %arg25[%swap3A], %swap3A_43 {strides = array<i32>} : memref<144xf32, #tpu.memory_space<vmem>>, vector<16xf32>,
    %get3A_44 = arith.constant 16 : index
    %get3A_45 = tpu.vector_load %arg22[%get3A_44] {strides = array<i32>} : memref<32xf32, #tpu.memory_space<vmem>>, vector<16xf32>,
    %get3A_46 = vector.shape_cast %get3A_45 : vector<16xf32> to vector<16xf32>
    %get3A_47 = arith.constant 16 : index
    %get3A_48 = tpu.vector_load %arg23[%get3A_47] {strides = array<i32>} : memref<32xf32, #tpu.memory_space<vmem>>, vector<16xf32>,
    %get3A_49 = vector.shape_cast %get3A_48 : vector<16xf32> to vector<16xf32>
    %add3A_50 = arith.addf %get3A_46, %get3A_49 : vector<16xf32>
    %gt3A_51 = arith.constant 0.000000e+00 : f32
    %gt3A_52 = vector.broadcast %gt3A_51 : f32 to vector<16xf32>
    %gt3A_53 = arith.cmpf ogt, %add3A_50, %gt3A_52 : vector<16xf32>
    %mul3A_54 = arith.constant 2.000000e-01 : f32
    %mul3A_55 = vector.broadcast %mul3A_54 : f32 to vector<16xf32>
    %mul3A_56 = arith.mulf %mul3A_55, %add3A_50 : vector<16xf32>
    %select_n3A_57 = arith.select %gt3A_53, %add3A_50, %mul3A_56 : vector<16xi1>, vector<16xf32>
    %sub3A_58 = arith.subf %select_n3A_57, %get3A_10 : vector<16xf32>
    %exp3A_59 = math.exp %sub3A_58 : vector<16xf32>
    %swap3A_60 = arith.constant 16 : index
    %swap3A_61 = tpu.vector_load %arg25[%swap3A_60] {strides = array<i32>} : memref<144xf32, #tpu.memory_space<vmem>>, vector<16xf32>,
    %swap3A_62 = vector.shape_cast %swap3A_61 : vector<16xf32> to vector<16xf32>
    %swap3A_63 = vector.shape_cast %exp3A_59 : vector<16xf32> to vector<16xf32>
    tpu.vector_store %arg25[%swap3A_60], %swap3A_63 {strides = array<i32>} : memref<144xf32, #tpu.memory_space<vmem>>, vector<16xf32>,
    %scan3A_64 = arith.constant 0 : i32
    %scan3A_65 = arith.constant 32 : i32
    %scan3A_66 = arith.addi %scan3A_64, %scan3A_65 : i32
    %scan3A_67 = arith.constant 1 : i32
    scf.for %scan3A_79 = %scan3A_64 to %scan3A_66 step %scan3A_67  : i32 {
      %get3A_80 = arith.index_cast %scan3A_79 : i32 to index
      %get3A_81 = tpu.vector_load %arg25[%get3A_80] {strides = array<i32>} : memref<144xf32, #tpu.memory_space<vmem>>, vector<16xf32>,
      %get3A_82 = vector.shape_cast %get3A_81 : vector<16xf32> to vector<16xf32>
      %slice3A = vector.extract_strided_slice %get3A_82 {offsets = [0], sizes = [1], strides = [1]} : vector<16xf32> to vector<1xf32>
      %squeeze3A = vector.extract %slice3A[0] : f32 from vector<1xf32>
      %get3A_83 = arith.index_cast %scan3A_79 : i32 to index
      %get3A_84 = arith.constant 0 : index
      %get3A_85 = tpu.vector_load %arg17[%get3A_83, %get3A_84] {strides = array<i32>} : memref<32x128xf32, #tpu.memory_space<vmem>>, vector<1x16xf32>,
      %get3A_86 = vector.shape_cast %get3A_85 : vector<1x16xf32> to vector<16xf32>
      %mul3A_87 = vector.broadcast %squeeze3A : f32 to vector<16xf32>
      %mul3A_88 = arith.mulf %get3A_86, %mul3A_87 : vector<16xf32>
      %swap3A_89 = arith.index_cast %scan3A_79 : i32 to index
      %swap3A_90 = arith.constant 0 : index
      %swap3A_91 = tpu.vector_load %arg19[%swap3A_89, %swap3A_90] {strides = array<i32>} : memref<32x128xf32, #tpu.memory_space<vmem>>, vector<1x16xf32>,
      %swap3A_92 = vector.shape_cast %swap3A_91 : vector<1x16xf32> to vector<16xf32>
      %swap3A_93 = vector.shape_cast %mul3A_88 : vector<16xf32> to vector<1x16xf32>
      tpu.vector_store %arg19[%swap3A_89, %swap3A_90], %swap3A_93 {strides = array<i32>} : memref<32x128xf32, #tpu.memory_space<vmem>>, vector<1x16xf32>,
      %get3A_94 = arith.index_cast %scan3A_79 : i32 to index
      %get3A_95 = arith.constant 16 : index
      %get3A_96 = tpu.vector_load %arg17[%get3A_94, %get3A_95] {strides = array<i32>} : memref<32x128xf32, #tpu.memory_space<vmem>>, vector<1x16xf32>,
      %get3A_97 = vector.shape_cast %get3A_96 : vector<1x16xf32> to vector<16xf32>
      %mul3A_98 = vector.broadcast %squeeze3A : f32 to vector<16xf32>
      %mul3A_99 = arith.mulf %get3A_97, %mul3A_98 : vector<16xf32>
      %swap3A_100 = arith.index_cast %scan3A_79 : i32 to index
      %swap3A_101 = arith.constant 16 : index
      %swap3A_102 = tpu.vector_load %arg19[%swap3A_100, %swap3A_101] {strides = array<i32>} : memref<32x128xf32, #tpu.memory_space<vmem>>, vector<1x16xf32>,
      %swap3A_103 = vector.shape_cast %swap3A_102 : vector<1x16xf32> to vector<16xf32>
      %swap3A_104 = vector.shape_cast %mul3A_99 : vector<16xf32> to vector<1x16xf32>
      tpu.vector_store %arg19[%swap3A_100, %swap3A_101], %swap3A_104 {strides = array<i32>} : memref<32x128xf32, #tpu.memory_space<vmem>>, vector<1x16xf32>,
      %get3A_105 = arith.index_cast %scan3A_79 : i32 to index
      %get3A_106 = arith.constant 32 : index
      %get3A_107 = tpu.vector_load %arg17[%get3A_105, %get3A_106] {strides = array<i32>} : memref<32x128xf32, #tpu.memory_space<vmem>>, vector<1x16xf32>,
      %get3A_108 = vector.shape_cast %get3A_107 : vector<1x16xf32> to vector<16xf32>
      %mul3A_109 = vector.broadcast %squeeze3A : f32 to vector<16xf32>
      %mul3A_110 = arith.mulf %get3A_108, %mul3A_109 : vector<16xf32>
      %swap3A_111 = arith.index_cast %scan3A_79 : i32 to index
      %swap3A_112 = arith.constant 32 : index
      %swap3A_113 = tpu.vector_load %arg19[%swap3A_111, %swap3A_112] {strides = array<i32>} : memref<32x128xf32, #tpu.memory_space<vmem>>, vector<1x16xf32>,
      %swap3A_114 = vector.shape_cast %swap3A_113 : vector<1x16xf32> to vector<16xf32>
      %swap3A_115 = vector.shape_cast %mul3A_110 : vector<16xf32> to vector<1x16xf32>
      tpu.vector_store %arg19[%swap3A_111, %swap3A_112], %swap3A_115 {strides = array<i32>} : memref<32x128xf32, #tpu.memory_space<vmem>>, vector<1x16xf32>,
      %get3A_116 = arith.index_cast %scan3A_79 : i32 to index
      %get3A_117 = arith.constant 48 : index
      %get3A_118 = tpu.vector_load %arg17[%get3A_116, %get3A_117] {strides = array<i32>} : memref<32x128xf32, #tpu.memory_space<vmem>>, vector<1x16xf32>,
      %get3A_119 = vector.shape_cast %get3A_118 : vector<1x16xf32> to vector<16xf32>
      %mul3A_120 = vector.broadcast %squeeze3A : f32 to vector<16xf32>
      %mul3A_121 = arith.mulf %get3A_119, %mul3A_120 : vector<16xf32>
      %swap3A_122 = arith.index_cast %scan3A_79 : i32 to index
      %swap3A_123 = arith.constant 48 : index
      %swap3A_124 = tpu.vector_load %arg19[%swap3A_122, %swap3A_123] {strides = array<i32>} : memref<32x128xf32, #tpu.memory_space<vmem>>, vector<1x16xf32>,
      %swap3A_125 = vector.shape_cast %swap3A_124 : vector<1x16xf32> to vector<16xf32>
      %swap3A_126 = vector.shape_cast %mul3A_121 : vector<16xf32> to vector<1x16xf32>
      tpu.vector_store %arg19[%swap3A_122, %swap3A_123], %swap3A_126 {strides = array<i32>} : memref<32x128xf32, #tpu.memory_space<vmem>>, vector<1x16xf32>,
      %get3A_127 = arith.index_cast %scan3A_79 : i32 to index
      %get3A_128 = arith.constant 64 : index
      %get3A_129 = tpu.vector_load %arg17[%get3A_127, %get3A_128] {strides = array<i32>} : memref<32x128xf32, #tpu.memory_space<vmem>>, vector<1x16xf32>,
      %get3A_130 = vector.shape_cast %get3A_129 : vector<1x16xf32> to vector<16xf32>
      %mul3A_131 = vector.broadcast %squeeze3A : f32 to vector<16xf32>
      %mul3A_132 = arith.mulf %get3A_130, %mul3A_131 : vector<16xf32>
      %swap3A_133 = arith.index_cast %scan3A_79 : i32 to index
      %swap3A_134 = arith.constant 64 : index
      %swap3A_135 = tpu.vector_load %arg19[%swap3A_133, %swap3A_134] {strides = array<i32>} : memref<32x128xf32, #tpu.memory_space<vmem>>, vector<1x16xf32>,
      %swap3A_136 = vector.shape_cast %swap3A_135 : vector<1x16xf32> to vector<16xf32>
      %swap3A_137 = vector.shape_cast %mul3A_132 : vector<16xf32> to vector<1x16xf32>
      tpu.vector_store %arg19[%swap3A_133, %swap3A_134], %swap3A_137 {strides = array<i32>} : memref<32x128xf32, #tpu.memory_space<vmem>>, vector<1x16xf32>,
      %get3A_138 = arith.index_cast %scan3A_79 : i32 to index
      %get3A_139 = arith.constant 80 : index
      %get3A_140 = tpu.vector_load %arg17[%get3A_138, %get3A_139] {strides = array<i32>} : memref<32x128xf32, #tpu.memory_space<vmem>>, vector<1x16xf32>,
      %get3A_141 = vector.shape_cast %get3A_140 : vector<1x16xf32> to vector<16xf32>
      %mul3A_142 = vector.broadcast %squeeze3A : f32 to vector<16xf32>
      %mul3A_143 = arith.mulf %get3A_141, %mul3A_142 : vector<16xf32>
      %swap3A_144 = arith.index_cast %scan3A_79 : i32 to index
      %swap3A_145 = arith.constant 80 : index
      %swap3A_146 = tpu.vector_load %arg19[%swap3A_144, %swap3A_145] {strides = array<i32>} : memref<32x128xf32, #tpu.memory_space<vmem>>, vector<1x16xf32>,
      %swap3A_147 = vector.shape_cast %swap3A_146 : vector<1x16xf32> to vector<16xf32>
      %swap3A_148 = vector.shape_cast %mul3A_143 : vector<16xf32> to vector<1x16xf32>
      tpu.vector_store %arg19[%swap3A_144, %swap3A_145], %swap3A_148 {strides = array<i32>} : memref<32x128xf32, #tpu.memory_space<vmem>>, vector<1x16xf32>,
      %get3A_149 = arith.index_cast %scan3A_79 : i32 to index
      %get3A_150 = arith.constant 96 : index
      %get3A_151 = tpu.vector_load %arg17[%get3A_149, %get3A_150] {strides = array<i32>} : memref<32x128xf32, #tpu.memory_space<vmem>>, vector<1x16xf32>,
      %get3A_152 = vector.shape_cast %get3A_151 : vector<1x16xf32> to vector<16xf32>
      %mul3A_153 = vector.broadcast %squeeze3A : f32 to vector<16xf32>
      %mul3A_154 = arith.mulf %get3A_152, %mul3A_153 : vector<16xf32>
      %swap3A_155 = arith.index_cast %scan3A_79 : i32 to index
      %swap3A_156 = arith.constant 96 : index
      %swap3A_157 = tpu.vector_load %arg19[%swap3A_155, %swap3A_156] {strides = array<i32>} : memref<32x128xf32, #tpu.memory_space<vmem>>, vector<1x16xf32>,
      %swap3A_158 = vector.shape_cast %swap3A_157 : vector<1x16xf32> to vector<16xf32>
      %swap3A_159 = vector.shape_cast %mul3A_154 : vector<16xf32> to vector<1x16xf32>
      tpu.vector_store %arg19[%swap3A_155, %swap3A_156], %swap3A_159 {strides = array<i32>} : memref<32x128xf32, #tpu.memory_space<vmem>>, vector<1x16xf32>,
      %get3A_160 = arith.index_cast %scan3A_79 : i32 to index
      %get3A_161 = arith.constant 112 : index
      %get3A_162 = tpu.vector_load %arg17[%get3A_160, %get3A_161] {strides = array<i32>} : memref<32x128xf32, #tpu.memory_space<vmem>>, vector<1x16xf32>,
      %get3A_163 = vector.shape_cast %get3A_162 : vector<1x16xf32> to vector<16xf32>
      %mul3A_164 = vector.broadcast %squeeze3A : f32 to vector<16xf32>
      %mul3A_165 = arith.mulf %get3A_163, %mul3A_164 : vector<16xf32>
      %swap3A_166 = arith.index_cast %scan3A_79 : i32 to index
      %swap3A_167 = arith.constant 112 : index
      %swap3A_168 = tpu.vector_load %arg19[%swap3A_166, %swap3A_167] {strides = array<i32>} : memref<32x128xf32, #tpu.memory_space<vmem>>, vector<1x16xf32>,
      %swap3A_169 = vector.shape_cast %swap3A_168 : vector<1x16xf32> to vector<16xf32>
      %swap3A_170 = vector.shape_cast %mul3A_165 : vector<16xf32> to vector<1x16xf32>
      tpu.vector_store %arg19[%swap3A_166, %swap3A_167], %swap3A_170 {strides = array<i32>} : memref<32x128xf32, #tpu.memory_space<vmem>>, vector<1x16xf32>,
    }
    %scan3A_68 = arith.constant 32 : i32
    "tpu.region"() ({
      %run_scoped3A_79 = tpu.sem_alloc : memref<!tpu.dma_semaphore, #tpu.memory_space<semaphore_mem>>
      %dma_start3A_80 = arith.constant 0 : i32
      %dma_start3A_81 = arith.constant 0 : i32
      %dma_start3A_82 = tpu.memref_slice %arg27[%dma_start3A_80, %dma_start3A_81] : memref<10000x128xf32, #tpu.memory_space<vmem_shared>> -> memref<10000x128xf32, #tpu.memory_space<vmem_shared>>
      tpu.enqueue_indirect_dma source(%arg19 : memref<32x128xf32, #tpu.memory_space<vmem>>) target(%dma_start3A_82 : memref<10000x128xf32, #tpu.memory_space<vmem_shared>>) offsets(%arg15 : memref<32xi32, #tpu.memory_space<vmem>>) semaphore(%run_scoped3A_79 : memref<!tpu.dma_semaphore, #tpu.memory_space<semaphore_mem>>) {add = true}
      %dma_wait3A_83 = arith.constant 0 : i32
      %dma_wait3A_84 = arith.constant 0 : i32
      %dma_wait3A_85 = tpu.memref_slice %arg27[%dma_wait3A_83, %dma_wait3A_84] : memref<10000x128xf32, #tpu.memory_space<vmem_shared>> -> memref<10000x128xf32, #tpu.memory_space<vmem_shared>>
      tpu.wait_indirect_dma semaphore(%run_scoped3A_79 : memref<!tpu.dma_semaphore, #tpu.memory_space<semaphore_mem>>) src(%arg19 : memref<32x128xf32, #tpu.memory_space<vmem>>) dst(%dma_wait3A_85 : memref<10000x128xf32, #tpu.memory_space<vmem_shared>>)
      tpu.yield
    }) : () -> ()
    "tpu.region"() ({
      %run_scoped3A_79 = tpu.sem_alloc : memref<!tpu.dma_semaphore, #tpu.memory_space<semaphore_mem>>
      %dma_start3A_80 = arith.constant 0 : i32
      %dma_start3A_81 = tpu.memref_slice %arg25[%dma_start3A_80] : memref<144xf32, #tpu.memory_space<vmem>> -> memref<32xf32, #tpu.memory_space<vmem>>
      %dma_start3A_82 = arith.constant 0 : i32
      %dma_start3A_83 = tpu.memref_slice %arg28[%dma_start3A_82] : memref<10240xf32, #tpu.memory_space<vmem_shared>> -> memref<10240xf32, #tpu.memory_space<vmem_shared>>
      tpu.enqueue_indirect_dma source(%dma_start3A_81 : memref<32xf32, #tpu.memory_space<vmem>>) target(%dma_start3A_83 : memref<10240xf32, #tpu.memory_space<vmem_shared>>) offsets(%arg15 : memref<32xi32, #tpu.memory_space<vmem>>) semaphore(%run_scoped3A_79 : memref<!tpu.dma_semaphore, #tpu.memory_space<semaphore_mem>>) {add = true}
      %dma_wait3A_84 = arith.constant 0 : i32
      %dma_wait3A_85 = tpu.memref_slice %arg25[%dma_wait3A_84] : memref<144xf32, #tpu.memory_space<vmem>> -> memref<32xf32, #tpu.memory_space<vmem>>
      %dma_wait3A_86 = arith.constant 0 : i32
      %dma_wait3A_87 = tpu.memref_slice %arg28[%dma_wait3A_86] : memref<10240xf32, #tpu.memory_space<vmem_shared>> -> memref<10240xf32, #tpu.memory_space<vmem_shared>>
      tpu.wait_indirect_dma semaphore(%run_scoped3A_79 : memref<!tpu.dma_semaphore, #tpu.memory_space<semaphore_mem>>) src(%dma_wait3A_85 : memref<32xf32, #tpu.memory_space<vmem>>) dst(%dma_wait3A_87 : memref<10240xf32, #tpu.memory_space<vmem_shared>>)
      tpu.yield
    }) : () -> ()
    %barrier3A_69 = arith.constant 0 : index
    tpu.barrier barrier_id(%barrier3A_69)
    %mul3A_70 = arith.constant 624 : i32
    %mul3A_71 = arith.muli %arg1, %mul3A_70 : i32
    "tpu.region"() ({
      %run_scoped3A_79 = tpu.sem_alloc : memref<!tpu.dma_semaphore, #tpu.memory_space<semaphore_mem>>
      %dma_start3A_80 = arith.constant 0 : i32
      %dma_start3A_81 = tpu.memref_slice %arg10[%arg0, %mul3A_71, %dma_start3A_80] : memref<2x10000x128xf32, #tpu.memory_space<hbm>> -> memref<1x624x128xf32, #tpu.memory_space<hbm>>
      %dma_start3A_82 = tpu.memref_squeeze %dma_start3A_81 : memref<1x624x128xf32, #tpu.memory_space<hbm>> -> memref<624x128xf32, #tpu.memory_space<hbm>>
      %dma_start3A_83 = arith.constant 0 : i32
      %dma_start3A_84 = tpu.memref_slice %arg27[%mul3A_71, %dma_start3A_83] : memref<10000x128xf32, #tpu.memory_space<vmem_shared>> -> memref<624x128xf32, #tpu.memory_space<vmem_shared>>
      tpu.enqueue_dma source(%dma_start3A_84 : memref<624x128xf32, #tpu.memory_space<vmem_shared>>) target(%dma_start3A_82 : memref<624x128xf32, #tpu.memory_space<hbm>>) target_semaphore(%run_scoped3A_79 : memref<!tpu.dma_semaphore, #tpu.memory_space<semaphore_mem>>)
      %dma_wait3A_85 = arith.constant 0 : i32
      %dma_wait3A_86 = tpu.memref_slice %arg10[%arg0, %mul3A_71, %dma_wait3A_85] : memref<2x10000x128xf32, #tpu.memory_space<hbm>> -> memref<1x624x128xf32, #tpu.memory_space<hbm>>
      %dma_wait3A_87 = tpu.memref_squeeze %dma_wait3A_86 : memref<1x624x128xf32, #tpu.memory_space<hbm>> -> memref<624x128xf32, #tpu.memory_space<hbm>>
      %dma_wait3A_88 = arith.constant 0 : i32
      %dma_wait3A_89 = tpu.memref_slice %arg27[%mul3A_71, %dma_wait3A_88] : memref<10000x128xf32, #tpu.memory_space<vmem_shared>> -> memref<624x128xf32, #tpu.memory_space<vmem_shared>>
      tpu.wait_dma2 semaphore(%run_scoped3A_79 : memref<!tpu.dma_semaphore, #tpu.memory_space<semaphore_mem>>) src(%dma_wait3A_89 : memref<624x128xf32, #tpu.memory_space<vmem_shared>>) dst(%dma_wait3A_87 : memref<624x128xf32, #tpu.memory_space<hbm>>)
      tpu.yield
    }) : () -> ()
    %mul3A_72 = arith.constant 640 : i32
    %mul3A_73 = arith.muli %arg1, %mul3A_72 : i32
    "tpu.region"() ({
      %run_scoped3A_79 = tpu.sem_alloc : memref<!tpu.dma_semaphore, #tpu.memory_space<semaphore_mem>>
      %dma_start3A_80 = tpu.memref_slice %arg28[%mul3A_73] : memref<10240xf32, #tpu.memory_space<vmem_shared>> -> memref<640xf32, #tpu.memory_space<vmem_shared>>
      %dma_start3A_81 = tpu.memref_slice %arg28[%mul3A_73] : memref<10240xf32, #tpu.memory_space<vmem_shared>> -> memref<640xf32, #tpu.memory_space<vmem_shared>>
      tpu.enqueue_dma source(%dma_start3A_81 : memref<640xf32, #tpu.memory_space<vmem_shared>>) target(%arg26 : memref<640xf32, #tpu.memory_space<vmem>>) target_semaphore(%run_scoped3A_79 : memref<!tpu.dma_semaphore, #tpu.memory_space<semaphore_mem>>)
      %dma_wait3A_82 = tpu.memref_slice %arg28[%mul3A_73] : memref<10240xf32, #tpu.memory_space<vmem_shared>> -> memref<640xf32, #tpu.memory_space<vmem_shared>>
      %dma_wait3A_83 = tpu.memref_slice %arg28[%mul3A_73] : memref<10240xf32, #tpu.memory_space<vmem_shared>> -> memref<640xf32, #tpu.memory_space<vmem_shared>>
      tpu.wait_dma2 semaphore(%run_scoped3A_79 : memref<!tpu.dma_semaphore, #tpu.memory_space<semaphore_mem>>) src(%dma_wait3A_83 : memref<640xf32, #tpu.memory_space<vmem_shared>>) dst(%arg26 : memref<640xf32, #tpu.memory_space<vmem>>)
      tpu.yield
    }) : () -> ()
    %run_scoped3A = arith.constant 0 : i32
    "tpu.region"() ({
      %run_scoped3A_79 = tpu.sem_alloc : memref<!tpu.dma_semaphore, #tpu.memory_space<semaphore_mem>>
      %dma_start3A_80 = tpu.memref_slice %arg11[%arg0, %run_scoped3A, %mul3A_73] : memref<2x1x10240xf32, #tpu.memory_space<hbm>> -> memref<1x1x640xf32, #tpu.memory_space<hbm>>
      %dma_start3A_81 = tpu.memref_squeeze %dma_start3A_80 : memref<1x1x640xf32, #tpu.memory_space<hbm>> -> memref<640xf32, #tpu.memory_space<hbm>>
      %dma_start3A_82 = tpu.memref_slice %arg11[%arg0, %run_scoped3A, %mul3A_73] : memref<2x1x10240xf32, #tpu.memory_space<hbm>> -> memref<1x1x640xf32, #tpu.memory_space<hbm>>
      %dma_start3A_83 = tpu.memref_squeeze %dma_start3A_82 : memref<1x1x640xf32, #tpu.memory_space<hbm>> -> memref<640xf32, #tpu.memory_space<hbm>>
      tpu.enqueue_dma source(%arg26 : memref<640xf32, #tpu.memory_space<vmem>>) target(%dma_start3A_83 : memref<640xf32, #tpu.memory_space<hbm>>) target_semaphore(%run_scoped3A_79 : memref<!tpu.dma_semaphore, #tpu.memory_space<semaphore_mem>>)
      %dma_wait3A_84 = tpu.memref_slice %arg11[%arg0, %run_scoped3A, %mul3A_73] : memref<2x1x10240xf32, #tpu.memory_space<hbm>> -> memref<1x1x640xf32, #tpu.memory_space<hbm>>
      %dma_wait3A_85 = tpu.memref_squeeze %dma_wait3A_84 : memref<1x1x640xf32, #tpu.memory_space<hbm>> -> memref<640xf32, #tpu.memory_space<hbm>>
      %dma_wait3A_86 = tpu.memref_slice %arg11[%arg0, %run_scoped3A, %mul3A_73] : memref<2x1x10240xf32, #tpu.memory_space<hbm>> -> memref<1x1x640xf32, #tpu.memory_space<hbm>>
      %dma_wait3A_87 = tpu.memref_squeeze %dma_wait3A_86 : memref<1x1x640xf32, #tpu.memory_space<hbm>> -> memref<640xf32, #tpu.memory_space<hbm>>
      tpu.wait_dma2 semaphore(%run_scoped3A_79 : memref<!tpu.dma_semaphore, #tpu.memory_space<semaphore_mem>>) src(%arg26 : memref<640xf32, #tpu.memory_space<vmem>>) dst(%dma_wait3A_87 : memref<640xf32, #tpu.memory_space<hbm>>)
      tpu.yield
    }) : () -> ()
    %eq3A_74 = arith.constant 15 : i32
    %eq3A_75 = arith.cmpi eq, %arg1, %eq3A_74 : i32
    %convert_element_type3A_76 = arith.extui %eq3A_75 : i1 to i32
    %cond3A_77 = arith.constant 0 : i32
    %cond3A_78 = arith.cmpi ne, %convert_element_type3A_76, %cond3A_77 : i32
    scf.if %cond3A_78 {
      "tpu.region"() ({
        %run_scoped3A_79 = tpu.sem_alloc : memref<!tpu.dma_semaphore, #tpu.memory_space<semaphore_mem>>
        %dma_start3A_80 = arith.constant 9984 : i32
        %dma_start3A_81 = arith.constant 0 : i32
        %dma_start3A_82 = tpu.memref_slice %arg10[%arg0, %dma_start3A_80, %dma_start3A_81] : memref<2x10000x128xf32, #tpu.memory_space<hbm>> -> memref<1x16x128xf32, #tpu.memory_space<hbm>>
        %dma_start3A_83 = tpu.memref_squeeze %dma_start3A_82 : memref<1x16x128xf32, #tpu.memory_space<hbm>> -> memref<16x128xf32, #tpu.memory_space<hbm>>
        %dma_start3A_84 = arith.constant 9984 : i32
        %dma_start3A_85 = arith.constant 0 : i32
        %dma_start3A_86 = tpu.memref_slice %arg27[%dma_start3A_84, %dma_start3A_85] : memref<10000x128xf32, #tpu.memory_space<vmem_shared>> -> memref<16x128xf32, #tpu.memory_space<vmem_shared>>
        tpu.enqueue_dma source(%dma_start3A_86 : memref<16x128xf32, #tpu.memory_space<vmem_shared>>) target(%dma_start3A_83 : memref<16x128xf32, #tpu.memory_space<hbm>>) target_semaphore(%run_scoped3A_79 : memref<!tpu.dma_semaphore, #tpu.memory_space<semaphore_mem>>)
        %dma_wait3A_87 = arith.constant 9984 : i32
        %dma_wait3A_88 = arith.constant 0 : i32
        %dma_wait3A_89 = tpu.memref_slice %arg10[%arg0, %dma_wait3A_87, %dma_wait3A_88] : memref<2x10000x128xf32, #tpu.memory_space<hbm>> -> memref<1x16x128xf32, #tpu.memory_space<hbm>>
        %dma_wait3A_90 = tpu.memref_squeeze %dma_wait3A_89 : memref<1x16x128xf32, #tpu.memory_space<hbm>> -> memref<16x128xf32, #tpu.memory_space<hbm>>
        %dma_wait3A_91 = arith.constant 9984 : i32
        %dma_wait3A_92 = arith.constant 0 : i32
        %dma_wait3A_93 = tpu.memref_slice %arg27[%dma_wait3A_91, %dma_wait3A_92] : memref<10000x128xf32, #tpu.memory_space<vmem_shared>> -> memref<16x128xf32, #tpu.memory_space<vmem_shared>>
        tpu.wait_dma2 semaphore(%run_scoped3A_79 : memref<!tpu.dma_semaphore, #tpu.memory_space<semaphore_mem>>) src(%dma_wait3A_93 : memref<16x128xf32, #tpu.memory_space<vmem_shared>>) dst(%dma_wait3A_90 : memref<16x128xf32, #tpu.memory_space<hbm>>)
        tpu.yield
      }) : () -> ()
    } else {
    }
    return
  }
}

#map = affine_map<(d0, d1) -> (0, 0)>
#map1 = affine_map<(d0, d1) -> (0)>
#map2 = affine_map<(d0, d1) -> (0, 0, 0)>
module attributes {stable_mosaic.version = 14 : i64} {
  func.func @_gat_body(%arg0: i32, %arg1: i32, %arg2: memref<10000x128xf32, #tpu.memory_space<hbm>>, %arg3: memref<10000xf32, #tpu.memory_space<hbm>>, %arg4: memref<10000xf32, #tpu.memory_space<hbm>>, %arg5: memref<16xf32, #tpu.memory_space<hbm>>, %arg6: memref<640000xi32, #tpu.memory_space<hbm>>, %arg7: memref<640000xi32, #tpu.memory_space<hbm>>, %arg8: memref<624x128xf32, #tpu.memory_space<hbm>>, %arg9: memref<640xf32, #tpu.memory_space<hbm>>, %arg10: memref<2x10000x128xf32, #tpu.memory_space<hbm>>, %arg11: memref<2x1x10240xf32, #tpu.memory_space<hbm>>, %arg12: memref<128xi32, #tpu.memory_space<vmem>>, %arg13: memref<128xi32, #tpu.memory_space<vmem>>, %arg14: memref<32xi32, #tpu.memory_space<vmem>>, %arg15: memref<32xi32, #tpu.memory_space<vmem>>, %arg16: memref<128x128xf32, #tpu.memory_space<vmem>>, %arg17: memref<32x128xf32, #tpu.memory_space<vmem>>, %arg18: memref<128x128xf32, #tpu.memory_space<vmem>>, %arg19: memref<32x128xf32, #tpu.memory_space<vmem>>, %arg20: memref<128xf32, #tpu.memory_space<vmem>>, %arg21: memref<128xf32, #tpu.memory_space<vmem>>, %arg22: memref<32xf32, #tpu.memory_space<vmem>>, %arg23: memref<32xf32, #tpu.memory_space<vmem>>, %arg24: memref<16xf32, #tpu.memory_space<vmem>>, %arg25: memref<144xf32, #tpu.memory_space<vmem>>, %arg26: memref<640xf32, #tpu.memory_space<vmem>>, %arg27: memref<10000x128xf32, #tpu.memory_space<vmem_shared>>, %arg28: memref<10240xf32, #tpu.memory_space<vmem_shared>>, %arg29: memref<!tpu.dma_semaphore, #tpu.memory_space<semaphore_mem>>) attributes {dimension_semantics = [#tpu.dimension_semantics<core_parallel>, #tpu.dimension_semantics<subcore_parallel>], iteration_bounds = array<i64: 2, 16>, scalar_prefetch = 0 : i64, scratch_operands = 18 : i64, tpu.core_type = #tpu.core_type<sc_vector_subcore>, window_params = [{transform_indices = #map}, {transform_indices = #map1}, {transform_indices = #map1}, {transform_indices = #map1}, {transform_indices = #map1}, {transform_indices = #map1}, {transform_indices = #map}, {transform_indices = #map1}, {transform_indices = #map2}, {transform_indices = #map2}]} {
    %mul3A = arith.constant 2 : i32
    %mul3A_0 = arith.muli %arg1, %mul3A : i32
    %add3A = arith.addi %mul3A_0, %arg0 : i32
    "tpu.region"() ({
      %run_scoped3A_79 = tpu.sem_alloc : memref<!tpu.dma_semaphore, #tpu.memory_space<semaphore_mem>>
      tpu.enqueue_dma source(%arg5 : memref<16xf32, #tpu.memory_space<hbm>>) target(%arg24 : memref<16xf32, #tpu.memory_space<vmem>>) target_semaphore(%run_scoped3A_79 : memref<!tpu.dma_semaphore, #tpu.memory_space<semaphore_mem>>)
      tpu.wait_dma2 semaphore(%run_scoped3A_79 : memref<!tpu.dma_semaphore, #tpu.memory_space<semaphore_mem>>) src(%arg5 : memref<16xf32, #tpu.memory_space<hbm>>) dst(%arg24 : memref<16xf32, #tpu.memory_space<vmem>>)
      tpu.yield
    }) : () -> ()
    %mul3A_1 = arith.constant 624 : i32
    %mul3A_2 = arith.muli %arg1, %mul3A_1 : i32
    "tpu.region"() ({
      %run_scoped3A_79 = tpu.sem_alloc : memref<!tpu.dma_semaphore, #tpu.memory_space<semaphore_mem>>
      %dma_start3A_80 = arith.constant 0 : i32
      %dma_start3A_81 = tpu.memref_slice %arg27[%mul3A_2, %dma_start3A_80] : memref<10000x128xf32, #tpu.memory_space<vmem_shared>> -> memref<624x128xf32, #tpu.memory_space<vmem_shared>>
      tpu.enqueue_dma source(%arg8 : memref<624x128xf32, #tpu.memory_space<hbm>>) target(%dma_start3A_81 : memref<624x128xf32, #tpu.memory_space<vmem_shared>>) target_semaphore(%run_scoped3A_79 : memref<!tpu.dma_semaphore, #tpu.memory_space<semaphore_mem>>)
      %dma_wait3A_82 = arith.constant 0 : i32
      %dma_wait3A_83 = tpu.memref_slice %arg27[%mul3A_2, %dma_wait3A_82] : memref<10000x128xf32, #tpu.memory_space<vmem_shared>> -> memref<624x128xf32, #tpu.memory_space<vmem_shared>>
      tpu.wait_dma2 semaphore(%run_scoped3A_79 : memref<!tpu.dma_semaphore, #tpu.memory_space<semaphore_mem>>) src(%arg8 : memref<624x128xf32, #tpu.memory_space<hbm>>) dst(%dma_wait3A_83 : memref<624x128xf32, #tpu.memory_space<vmem_shared>>)
      tpu.yield
    }) : () -> ()
    "tpu.region"() ({
      %run_scoped3A_79 = tpu.sem_alloc : memref<!tpu.dma_semaphore, #tpu.memory_space<semaphore_mem>>
      tpu.enqueue_dma source(%arg9 : memref<640xf32, #tpu.memory_space<hbm>>) target(%arg26 : memref<640xf32, #tpu.memory_space<vmem>>) target_semaphore(%run_scoped3A_79 : memref<!tpu.dma_semaphore, #tpu.memory_space<semaphore_mem>>)
      tpu.wait_dma2 semaphore(%run_scoped3A_79 : memref<!tpu.dma_semaphore, #tpu.memory_space<semaphore_mem>>) src(%arg9 : memref<640xf32, #tpu.memory_space<hbm>>) dst(%arg26 : memref<640xf32, #tpu.memory_space<vmem>>)
      tpu.yield
    }) : () -> ()
    %mul3A_3 = arith.constant 640 : i32
    %mul3A_4 = arith.muli %arg1, %mul3A_3 : i32
    "tpu.region"() ({
      %run_scoped3A_79 = tpu.sem_alloc : memref<!tpu.dma_semaphore, #tpu.memory_space<semaphore_mem>>
      %dma_start3A_80 = tpu.memref_slice %arg28[%mul3A_4] : memref<10240xf32, #tpu.memory_space<vmem_shared>> -> memref<640xf32, #tpu.memory_space<vmem_shared>>
      %dma_start3A_81 = tpu.memref_slice %arg28[%mul3A_4] : memref<10240xf32, #tpu.memory_space<vmem_shared>> -> memref<640xf32, #tpu.memory_space<vmem_shared>>
      tpu.enqueue_dma source(%arg26 : memref<640xf32, #tpu.memory_space<vmem>>) target(%dma_start3A_81 : memref<640xf32, #tpu.memory_space<vmem_shared>>) target_semaphore(%run_scoped3A_79 : memref<!tpu.dma_semaphore, #tpu.memory_space<semaphore_mem>>)
      %dma_wait3A_82 = tpu.memref_slice %arg28[%mul3A_4] : memref<10240xf32, #tpu.memory_space<vmem_shared>> -> memref<640xf32, #tpu.memory_space<vmem_shared>>
      %dma_wait3A_83 = tpu.memref_slice %arg28[%mul3A_4] : memref<10240xf32, #tpu.memory_space<vmem_shared>> -> memref<640xf32, #tpu.memory_space<vmem_shared>>
      tpu.wait_dma2 semaphore(%run_scoped3A_79 : memref<!tpu.dma_semaphore, #tpu.memory_space<semaphore_mem>>) src(%arg26 : memref<640xf32, #tpu.memory_space<vmem>>) dst(%dma_wait3A_83 : memref<640xf32, #tpu.memory_space<vmem_shared>>)
      tpu.yield
    }) : () -> ()
    %eq3A = arith.constant 15 : i32
    %eq3A_5 = arith.cmpi eq, %arg1, %eq3A : i32
    %convert_element_type3A = arith.extui %eq3A_5 : i1 to i32
    %cond3A = arith.constant 0 : i32
    %cond3A_6 = arith.cmpi ne, %convert_element_type3A, %cond3A : i32
    scf.if %cond3A_6 {
      "tpu.region"() ({
        %run_scoped3A_79 = tpu.sem_alloc : memref<!tpu.dma_semaphore, #tpu.memory_space<semaphore_mem>>
        %dma_start3A_80 = arith.constant 9984 : i32
        %dma_start3A_81 = arith.constant 0 : i32
        %dma_start3A_82 = tpu.memref_slice %arg27[%dma_start3A_80, %dma_start3A_81] : memref<10000x128xf32, #tpu.memory_space<vmem_shared>> -> memref<16x128xf32, #tpu.memory_space<vmem_shared>>
        %dma_start3A_83 = arith.constant 0 : i32
        %dma_start3A_84 = arith.constant 0 : i32
        %dma_start3A_85 = tpu.memref_slice %arg8[%dma_start3A_83, %dma_start3A_84] : memref<624x128xf32, #tpu.memory_space<hbm>> -> memref<16x128xf32, #tpu.memory_space<hbm>>
        tpu.enqueue_dma source(%dma_start3A_85 : memref<16x128xf32, #tpu.memory_space<hbm>>) target(%dma_start3A_82 : memref<16x128xf32, #tpu.memory_space<vmem_shared>>) target_semaphore(%run_scoped3A_79 : memref<!tpu.dma_semaphore, #tpu.memory_space<semaphore_mem>>)
        %dma_wait3A_86 = arith.constant 9984 : i32
        %dma_wait3A_87 = arith.constant 0 : i32
        %dma_wait3A_88 = tpu.memref_slice %arg27[%dma_wait3A_86, %dma_wait3A_87] : memref<10000x128xf32, #tpu.memory_space<vmem_shared>> -> memref<16x128xf32, #tpu.memory_space<vmem_shared>>
        %dma_wait3A_89 = arith.constant 0 : i32
        %dma_wait3A_90 = arith.constant 0 : i32
        %dma_wait3A_91 = tpu.memref_slice %arg8[%dma_wait3A_89, %dma_wait3A_90] : memref<624x128xf32, #tpu.memory_space<hbm>> -> memref<16x128xf32, #tpu.memory_space<hbm>>
        tpu.wait_dma2 semaphore(%run_scoped3A_79 : memref<!tpu.dma_semaphore, #tpu.memory_space<semaphore_mem>>) src(%dma_wait3A_91 : memref<16x128xf32, #tpu.memory_space<hbm>>) dst(%dma_wait3A_88 : memref<16x128xf32, #tpu.memory_space<vmem_shared>>)
        tpu.yield
      }) : () -> ()
    } else {
    }
    %barrier3A = arith.constant 0 : index
    tpu.barrier barrier_id(%barrier3A)
    %mul3A_7 = arith.constant 20000 : i32
    %mul3A_8 = arith.muli %add3A, %mul3A_7 : i32
    %get3A = arith.constant 0 : index
    %get3A_9 = tpu.vector_load %arg24[%get3A] {strides = array<i32>} : memref<16xf32, #tpu.memory_space<vmem>>, vector<16xf32>,
    %get3A_10 = vector.shape_cast %get3A_9 : vector<16xf32> to vector<16xf32>
    %scan3A = arith.constant 0 : i32
    %scan3A_11 = arith.constant 156 : i32
    %scan3A_12 = arith.addi %scan3A, %scan3A_11 : i32
    %scan3A_13 = arith.constant 1 : i32
    scf.for %scan3A_79 = %scan3A to %scan3A_12 step %scan3A_13  : i32 {
      %mul3A_80 = arith.constant 128 : i32
      %mul3A_81 = arith.muli %scan3A_79, %mul3A_80 : i32
      %add3A_82 = arith.addi %mul3A_8, %mul3A_81 : i32
      "tpu.region"() ({
        %run_scoped3A_262 = tpu.sem_alloc : memref<!tpu.dma_semaphore, #tpu.memory_space<semaphore_mem>>
        %dma_start3A_263 = tpu.memref_slice %arg6[%add3A_82] : memref<640000xi32, #tpu.memory_space<hbm>> -> memref<128xi32, #tpu.memory_space<hbm>>
        %dma_start3A_264 = tpu.memref_slice %arg6[%add3A_82] : memref<640000xi32, #tpu.memory_space<hbm>> -> memref<128xi32, #tpu.memory_space<hbm>>
        tpu.enqueue_dma source(%dma_start3A_264 : memref<128xi32, #tpu.memory_space<hbm>>) target(%arg12 : memref<128xi32, #tpu.memory_space<vmem>>) target_semaphore(%run_scoped3A_262 : memref<!tpu.dma_semaphore, #tpu.memory_space<semaphore_mem>>)
        %dma_wait3A_265 = tpu.memref_slice %arg6[%add3A_82] : memref<640000xi32, #tpu.memory_space<hbm>> -> memref<128xi32, #tpu.memory_space<hbm>>
        %dma_wait3A_266 = tpu.memref_slice %arg6[%add3A_82] : memref<640000xi32, #tpu.memory_space<hbm>> -> memref<128xi32, #tpu.memory_space<hbm>>
        tpu.wait_dma2 semaphore(%run_scoped3A_262 : memref<!tpu.dma_semaphore, #tpu.memory_space<semaphore_mem>>) src(%dma_wait3A_266 : memref<128xi32, #tpu.memory_space<hbm>>) dst(%arg12 : memref<128xi32, #tpu.memory_space<vmem>>)
        tpu.yield
      }) : () -> ()
      "tpu.region"() ({
        %run_scoped3A_262 = tpu.sem_alloc : memref<!tpu.dma_semaphore, #tpu.memory_space<semaphore_mem>>
        %dma_start3A_263 = tpu.memref_slice %arg7[%add3A_82] : memref<640000xi32, #tpu.memory_space<hbm>> -> memref<128xi32, #tpu.memory_space<hbm>>
        %dma_start3A_264 = tpu.memref_slice %arg7[%add3A_82] : memref<640000xi32, #tpu.memory_space<hbm>> -> memref<128xi32, #tpu.memory_space<hbm>>
        tpu.enqueue_dma source(%dma_start3A_264 : memref<128xi32, #tpu.memory_space<hbm>>) target(%arg13 : memref<128xi32, #tpu.memory_space<vmem>>) target_semaphore(%run_scoped3A_262 : memref<!tpu.dma_semaphore, #tpu.memory_space<semaphore_mem>>)
        %dma_wait3A_265 = tpu.memref_slice %arg7[%add3A_82] : memref<640000xi32, #tpu.memory_space<hbm>> -> memref<128xi32, #tpu.memory_space<hbm>>
        %dma_wait3A_266 = tpu.memref_slice %arg7[%add3A_82] : memref<640000xi32, #tpu.memory_space<hbm>> -> memref<128xi32, #tpu.memory_space<hbm>>
        tpu.wait_dma2 semaphore(%run_scoped3A_262 : memref<!tpu.dma_semaphore, #tpu.memory_space<semaphore_mem>>) src(%dma_wait3A_266 : memref<128xi32, #tpu.memory_space<hbm>>) dst(%arg13 : memref<128xi32, #tpu.memory_space<vmem>>)
        tpu.yield
      }) : () -> ()
      %dma_start3A_83 = arith.constant 0 : i32
      %dma_start3A_84 = tpu.memref_slice %arg3[%dma_start3A_83] : memref<10000xf32, #tpu.memory_space<hbm>> -> memref<10000xf32, #tpu.memory_space<hbm>>
      tpu.enqueue_indirect_dma source(%dma_start3A_84 : memref<10000xf32, #tpu.memory_space<hbm>>) target(%arg20 : memref<128xf32, #tpu.memory_space<vmem>>) offsets(%arg12 : memref<128xi32, #tpu.memory_space<vmem>>) semaphore(%arg29 : memref<!tpu.dma_semaphore, #tpu.memory_space<semaphore_mem>>)
      %dma_wait3A_85 = arith.constant 0 : i32
      %dma_wait3A_86 = tpu.memref_slice %arg3[%dma_wait3A_85] : memref<10000xf32, #tpu.memory_space<hbm>> -> memref<10000xf32, #tpu.memory_space<hbm>>
      tpu.wait_indirect_dma semaphore(%arg29 : memref<!tpu.dma_semaphore, #tpu.memory_space<semaphore_mem>>) src(%dma_wait3A_86 : memref<10000xf32, #tpu.memory_space<hbm>>) dst(%arg20 : memref<128xf32, #tpu.memory_space<vmem>>)
      %dma_start3A_87 = arith.constant 0 : i32
      %dma_start3A_88 = tpu.memref_slice %arg4[%dma_start3A_87] : memref<10000xf32, #tpu.memory_space<hbm>> -> memref<10000xf32, #tpu.memory_space<hbm>>
      tpu.enqueue_indirect_dma source(%dma_start3A_88 : memref<10000xf32, #tpu.memory_space<hbm>>) target(%arg21 : memref<128xf32, #tpu.memory_space<vmem>>) offsets(%arg13 : memref<128xi32, #tpu.memory_space<vmem>>) semaphore(%arg29 : memref<!tpu.dma_semaphore, #tpu.memory_space<semaphore_mem>>)
      %dma_wait3A_89 = arith.constant 0 : i32
      %dma_wait3A_90 = tpu.memref_slice %arg4[%dma_wait3A_89] : memref<10000xf32, #tpu.memory_space<hbm>> -> memref<10000xf32, #tpu.memory_space<hbm>>
      tpu.wait_indirect_dma semaphore(%arg29 : memref<!tpu.dma_semaphore, #tpu.memory_space<semaphore_mem>>) src(%dma_wait3A_90 : memref<10000xf32, #tpu.memory_space<hbm>>) dst(%arg21 : memref<128xf32, #tpu.memory_space<vmem>>)
      %dma_start3A_91 = arith.constant 0 : i32
      %dma_start3A_92 = arith.constant 0 : i32
      %dma_start3A_93 = tpu.memref_slice %arg2[%dma_start3A_91, %dma_start3A_92] : memref<10000x128xf32, #tpu.memory_space<hbm>> -> memref<10000x128xf32, #tpu.memory_space<hbm>>
      tpu.enqueue_indirect_dma source(%dma_start3A_93 : memref<10000x128xf32, #tpu.memory_space<hbm>>) target(%arg16 : memref<128x128xf32, #tpu.memory_space<vmem>>) offsets(%arg12 : memref<128xi32, #tpu.memory_space<vmem>>) semaphore(%arg29 : memref<!tpu.dma_semaphore, #tpu.memory_space<semaphore_mem>>)
      %dma_wait3A_94 = arith.constant 0 : i32
      %dma_wait3A_95 = arith.constant 0 : i32
      %dma_wait3A_96 = tpu.memref_slice %arg2[%dma_wait3A_94, %dma_wait3A_95] : memref<10000x128xf32, #tpu.memory_space<hbm>> -> memref<10000x128xf32, #tpu.memory_space<hbm>>
      tpu.wait_indirect_dma semaphore(%arg29 : memref<!tpu.dma_semaphore, #tpu.memory_space<semaphore_mem>>) src(%dma_wait3A_96 : memref<10000x128xf32, #tpu.memory_space<hbm>>) dst(%arg16 : memref<128x128xf32, #tpu.memory_space<vmem>>)
      %get3A_97 = arith.constant 0 : index
      %get3A_98 = tpu.vector_load %arg20[%get3A_97] {strides = array<i32>} : memref<128xf32, #tpu.memory_space<vmem>>, vector<16xf32>,
      %get3A_99 = vector.shape_cast %get3A_98 : vector<16xf32> to vector<16xf32>
      %get3A_100 = arith.constant 0 : index
      %get3A_101 = tpu.vector_load %arg21[%get3A_100] {strides = array<i32>} : memref<128xf32, #tpu.memory_space<vmem>>, vector<16xf32>,
      %get3A_102 = vector.shape_cast %get3A_101 : vector<16xf32> to vector<16xf32>
      %add3A_103 = arith.addf %get3A_99, %get3A_102 : vector<16xf32>
      %gt3A_104 = arith.constant 0.000000e+00 : f32
      %gt3A_105 = vector.broadcast %gt3A_104 : f32 to vector<16xf32>
      %gt3A_106 = arith.cmpf ogt, %add3A_103, %gt3A_105 : vector<16xf32>
      %mul3A_107 = arith.constant 2.000000e-01 : f32
      %mul3A_108 = vector.broadcast %mul3A_107 : f32 to vector<16xf32>
      %mul3A_109 = arith.mulf %mul3A_108, %add3A_103 : vector<16xf32>
      %select_n3A_110 = arith.select %gt3A_106, %add3A_103, %mul3A_109 : vector<16xi1>, vector<16xf32>
      %sub3A_111 = arith.subf %select_n3A_110, %get3A_10 : vector<16xf32>
      %exp3A_112 = math.exp %sub3A_111 : vector<16xf32>
      %swap3A_113 = arith.constant 0 : index
      %swap3A_114 = tpu.vector_load %arg25[%swap3A_113] {strides = array<i32>} : memref<144xf32, #tpu.memory_space<vmem>>, vector<16xf32>,
      %swap3A_115 = vector.shape_cast %swap3A_114 : vector<16xf32> to vector<16xf32>
      %swap3A_116 = vector.shape_cast %exp3A_112 : vector<16xf32> to vector<16xf32>
      tpu.vector_store %arg25[%swap3A_113], %swap3A_116 {strides = array<i32>} : memref<144xf32, #tpu.memory_space<vmem>>, vector<16xf32>,
      %get3A_117 = arith.constant 16 : index
      %get3A_118 = tpu.vector_load %arg20[%get3A_117] {strides = array<i32>} : memref<128xf32, #tpu.memory_space<vmem>>, vector<16xf32>,
      %get3A_119 = vector.shape_cast %get3A_118 : vector<16xf32> to vector<16xf32>
      %get3A_120 = arith.constant 16 : index
      %get3A_121 = tpu.vector_load %arg21[%get3A_120] {strides = array<i32>} : memref<128xf32, #tpu.memory_space<vmem>>, vector<16xf32>,
      %get3A_122 = vector.shape_cast %get3A_121 : vector<16xf32> to vector<16xf32>
      %add3A_123 = arith.addf %get3A_119, %get3A_122 : vector<16xf32>
      %gt3A_124 = arith.constant 0.000000e+00 : f32
      %gt3A_125 = vector.broadcast %gt3A_124 : f32 to vector<16xf32>
      %gt3A_126 = arith.cmpf ogt, %add3A_123, %gt3A_125 : vector<16xf32>
      %mul3A_127 = arith.constant 2.000000e-01 : f32
      %mul3A_128 = vector.broadcast %mul3A_127 : f32 to vector<16xf32>
      %mul3A_129 = arith.mulf %mul3A_128, %add3A_123 : vector<16xf32>
      %select_n3A_130 = arith.select %gt3A_126, %add3A_123, %mul3A_129 : vector<16xi1>, vector<16xf32>
      %sub3A_131 = arith.subf %select_n3A_130, %get3A_10 : vector<16xf32>
      %exp3A_132 = math.exp %sub3A_131 : vector<16xf32>
      %swap3A_133 = arith.constant 16 : index
      %swap3A_134 = tpu.vector_load %arg25[%swap3A_133] {strides = array<i32>} : memref<144xf32, #tpu.memory_space<vmem>>, vector<16xf32>,
      %swap3A_135 = vector.shape_cast %swap3A_134 : vector<16xf32> to vector<16xf32>
      %swap3A_136 = vector.shape_cast %exp3A_132 : vector<16xf32> to vector<16xf32>
      tpu.vector_store %arg25[%swap3A_133], %swap3A_136 {strides = array<i32>} : memref<144xf32, #tpu.memory_space<vmem>>, vector<16xf32>,
      %get3A_137 = arith.constant 32 : index
      %get3A_138 = tpu.vector_load %arg20[%get3A_137] {strides = array<i32>} : memref<128xf32, #tpu.memory_space<vmem>>, vector<16xf32>,
      %get3A_139 = vector.shape_cast %get3A_138 : vector<16xf32> to vector<16xf32>
      %get3A_140 = arith.constant 32 : index
      %get3A_141 = tpu.vector_load %arg21[%get3A_140] {strides = array<i32>} : memref<128xf32, #tpu.memory_space<vmem>>, vector<16xf32>,
      %get3A_142 = vector.shape_cast %get3A_141 : vector<16xf32> to vector<16xf32>
      %add3A_143 = arith.addf %get3A_139, %get3A_142 : vector<16xf32>
      %gt3A_144 = arith.constant 0.000000e+00 : f32
      %gt3A_145 = vector.broadcast %gt3A_144 : f32 to vector<16xf32>
      %gt3A_146 = arith.cmpf ogt, %add3A_143, %gt3A_145 : vector<16xf32>
      %mul3A_147 = arith.constant 2.000000e-01 : f32
      %mul3A_148 = vector.broadcast %mul3A_147 : f32 to vector<16xf32>
      %mul3A_149 = arith.mulf %mul3A_148, %add3A_143 : vector<16xf32>
      %select_n3A_150 = arith.select %gt3A_146, %add3A_143, %mul3A_149 : vector<16xi1>, vector<16xf32>
      %sub3A_151 = arith.subf %select_n3A_150, %get3A_10 : vector<16xf32>
      %exp3A_152 = math.exp %sub3A_151 : vector<16xf32>
      %swap3A_153 = arith.constant 32 : index
      %swap3A_154 = tpu.vector_load %arg25[%swap3A_153] {strides = array<i32>} : memref<144xf32, #tpu.memory_space<vmem>>, vector<16xf32>,
      %swap3A_155 = vector.shape_cast %swap3A_154 : vector<16xf32> to vector<16xf32>
      %swap3A_156 = vector.shape_cast %exp3A_152 : vector<16xf32> to vector<16xf32>
      tpu.vector_store %arg25[%swap3A_153], %swap3A_156 {strides = array<i32>} : memref<144xf32, #tpu.memory_space<vmem>>, vector<16xf32>,
      %get3A_157 = arith.constant 48 : index
      %get3A_158 = tpu.vector_load %arg20[%get3A_157] {strides = array<i32>} : memref<128xf32, #tpu.memory_space<vmem>>, vector<16xf32>,
      %get3A_159 = vector.shape_cast %get3A_158 : vector<16xf32> to vector<16xf32>
      %get3A_160 = arith.constant 48 : index
      %get3A_161 = tpu.vector_load %arg21[%get3A_160] {strides = array<i32>} : memref<128xf32, #tpu.memory_space<vmem>>, vector<16xf32>,
      %get3A_162 = vector.shape_cast %get3A_161 : vector<16xf32> to vector<16xf32>
      %add3A_163 = arith.addf %get3A_159, %get3A_162 : vector<16xf32>
      %gt3A_164 = arith.constant 0.000000e+00 : f32
      %gt3A_165 = vector.broadcast %gt3A_164 : f32 to vector<16xf32>
      %gt3A_166 = arith.cmpf ogt, %add3A_163, %gt3A_165 : vector<16xf32>
      %mul3A_167 = arith.constant 2.000000e-01 : f32
      %mul3A_168 = vector.broadcast %mul3A_167 : f32 to vector<16xf32>
      %mul3A_169 = arith.mulf %mul3A_168, %add3A_163 : vector<16xf32>
      %select_n3A_170 = arith.select %gt3A_166, %add3A_163, %mul3A_169 : vector<16xi1>, vector<16xf32>
      %sub3A_171 = arith.subf %select_n3A_170, %get3A_10 : vector<16xf32>
      %exp3A_172 = math.exp %sub3A_171 : vector<16xf32>
      %swap3A_173 = arith.constant 48 : index
      %swap3A_174 = tpu.vector_load %arg25[%swap3A_173] {strides = array<i32>} : memref<144xf32, #tpu.memory_space<vmem>>, vector<16xf32>,
      %swap3A_175 = vector.shape_cast %swap3A_174 : vector<16xf32> to vector<16xf32>
      %swap3A_176 = vector.shape_cast %exp3A_172 : vector<16xf32> to vector<16xf32>
      tpu.vector_store %arg25[%swap3A_173], %swap3A_176 {strides = array<i32>} : memref<144xf32, #tpu.memory_space<vmem>>, vector<16xf32>,
      %get3A_177 = arith.constant 64 : index
      %get3A_178 = tpu.vector_load %arg20[%get3A_177] {strides = array<i32>} : memref<128xf32, #tpu.memory_space<vmem>>, vector<16xf32>,
      %get3A_179 = vector.shape_cast %get3A_178 : vector<16xf32> to vector<16xf32>
      %get3A_180 = arith.constant 64 : index
      %get3A_181 = tpu.vector_load %arg21[%get3A_180] {strides = array<i32>} : memref<128xf32, #tpu.memory_space<vmem>>, vector<16xf32>,
      %get3A_182 = vector.shape_cast %get3A_181 : vector<16xf32> to vector<16xf32>
      %add3A_183 = arith.addf %get3A_179, %get3A_182 : vector<16xf32>
      %gt3A_184 = arith.constant 0.000000e+00 : f32
      %gt3A_185 = vector.broadcast %gt3A_184 : f32 to vector<16xf32>
      %gt3A_186 = arith.cmpf ogt, %add3A_183, %gt3A_185 : vector<16xf32>
      %mul3A_187 = arith.constant 2.000000e-01 : f32
      %mul3A_188 = vector.broadcast %mul3A_187 : f32 to vector<16xf32>
      %mul3A_189 = arith.mulf %mul3A_188, %add3A_183 : vector<16xf32>
      %select_n3A_190 = arith.select %gt3A_186, %add3A_183, %mul3A_189 : vector<16xi1>, vector<16xf32>
      %sub3A_191 = arith.subf %select_n3A_190, %get3A_10 : vector<16xf32>
      %exp3A_192 = math.exp %sub3A_191 : vector<16xf32>
      %swap3A_193 = arith.constant 64 : index
      %swap3A_194 = tpu.vector_load %arg25[%swap3A_193] {strides = array<i32>} : memref<144xf32, #tpu.memory_space<vmem>>, vector<16xf32>,
      %swap3A_195 = vector.shape_cast %swap3A_194 : vector<16xf32> to vector<16xf32>
      %swap3A_196 = vector.shape_cast %exp3A_192 : vector<16xf32> to vector<16xf32>
      tpu.vector_store %arg25[%swap3A_193], %swap3A_196 {strides = array<i32>} : memref<144xf32, #tpu.memory_space<vmem>>, vector<16xf32>,
      %get3A_197 = arith.constant 80 : index
      %get3A_198 = tpu.vector_load %arg20[%get3A_197] {strides = array<i32>} : memref<128xf32, #tpu.memory_space<vmem>>, vector<16xf32>,
      %get3A_199 = vector.shape_cast %get3A_198 : vector<16xf32> to vector<16xf32>
      %get3A_200 = arith.constant 80 : index
      %get3A_201 = tpu.vector_load %arg21[%get3A_200] {strides = array<i32>} : memref<128xf32, #tpu.memory_space<vmem>>, vector<16xf32>,
      %get3A_202 = vector.shape_cast %get3A_201 : vector<16xf32> to vector<16xf32>
      %add3A_203 = arith.addf %get3A_199, %get3A_202 : vector<16xf32>
      %gt3A_204 = arith.constant 0.000000e+00 : f32
      %gt3A_205 = vector.broadcast %gt3A_204 : f32 to vector<16xf32>
      %gt3A_206 = arith.cmpf ogt, %add3A_203, %gt3A_205 : vector<16xf32>
      %mul3A_207 = arith.constant 2.000000e-01 : f32
      %mul3A_208 = vector.broadcast %mul3A_207 : f32 to vector<16xf32>
      %mul3A_209 = arith.mulf %mul3A_208, %add3A_203 : vector<16xf32>
      %select_n3A_210 = arith.select %gt3A_206, %add3A_203, %mul3A_209 : vector<16xi1>, vector<16xf32>
      %sub3A_211 = arith.subf %select_n3A_210, %get3A_10 : vector<16xf32>
      %exp3A_212 = math.exp %sub3A_211 : vector<16xf32>
      %swap3A_213 = arith.constant 80 : index
      %swap3A_214 = tpu.vector_load %arg25[%swap3A_213] {strides = array<i32>} : memref<144xf32, #tpu.memory_space<vmem>>, vector<16xf32>,
      %swap3A_215 = vector.shape_cast %swap3A_214 : vector<16xf32> to vector<16xf32>
      %swap3A_216 = vector.shape_cast %exp3A_212 : vector<16xf32> to vector<16xf32>
      tpu.vector_store %arg25[%swap3A_213], %swap3A_216 {strides = array<i32>} : memref<144xf32, #tpu.memory_space<vmem>>, vector<16xf32>,
      %get3A_217 = arith.constant 96 : index
      %get3A_218 = tpu.vector_load %arg20[%get3A_217] {strides = array<i32>} : memref<128xf32, #tpu.memory_space<vmem>>, vector<16xf32>,
      %get3A_219 = vector.shape_cast %get3A_218 : vector<16xf32> to vector<16xf32>
      %get3A_220 = arith.constant 96 : index
      %get3A_221 = tpu.vector_load %arg21[%get3A_220] {strides = array<i32>} : memref<128xf32, #tpu.memory_space<vmem>>, vector<16xf32>,
      %get3A_222 = vector.shape_cast %get3A_221 : vector<16xf32> to vector<16xf32>
      %add3A_223 = arith.addf %get3A_219, %get3A_222 : vector<16xf32>
      %gt3A_224 = arith.constant 0.000000e+00 : f32
      %gt3A_225 = vector.broadcast %gt3A_224 : f32 to vector<16xf32>
      %gt3A_226 = arith.cmpf ogt, %add3A_223, %gt3A_225 : vector<16xf32>
      %mul3A_227 = arith.constant 2.000000e-01 : f32
      %mul3A_228 = vector.broadcast %mul3A_227 : f32 to vector<16xf32>
      %mul3A_229 = arith.mulf %mul3A_228, %add3A_223 : vector<16xf32>
      %select_n3A_230 = arith.select %gt3A_226, %add3A_223, %mul3A_229 : vector<16xi1>, vector<16xf32>
      %sub3A_231 = arith.subf %select_n3A_230, %get3A_10 : vector<16xf32>
      %exp3A_232 = math.exp %sub3A_231 : vector<16xf32>
      %swap3A_233 = arith.constant 96 : index
      %swap3A_234 = tpu.vector_load %arg25[%swap3A_233] {strides = array<i32>} : memref<144xf32, #tpu.memory_space<vmem>>, vector<16xf32>,
      %swap3A_235 = vector.shape_cast %swap3A_234 : vector<16xf32> to vector<16xf32>
      %swap3A_236 = vector.shape_cast %exp3A_232 : vector<16xf32> to vector<16xf32>
      tpu.vector_store %arg25[%swap3A_233], %swap3A_236 {strides = array<i32>} : memref<144xf32, #tpu.memory_space<vmem>>, vector<16xf32>,
      %get3A_237 = arith.constant 112 : index
      %get3A_238 = tpu.vector_load %arg20[%get3A_237] {strides = array<i32>} : memref<128xf32, #tpu.memory_space<vmem>>, vector<16xf32>,
      %get3A_239 = vector.shape_cast %get3A_238 : vector<16xf32> to vector<16xf32>
      %get3A_240 = arith.constant 112 : index
      %get3A_241 = tpu.vector_load %arg21[%get3A_240] {strides = array<i32>} : memref<128xf32, #tpu.memory_space<vmem>>, vector<16xf32>,
      %get3A_242 = vector.shape_cast %get3A_241 : vector<16xf32> to vector<16xf32>
      %add3A_243 = arith.addf %get3A_239, %get3A_242 : vector<16xf32>
      %gt3A_244 = arith.constant 0.000000e+00 : f32
      %gt3A_245 = vector.broadcast %gt3A_244 : f32 to vector<16xf32>
      %gt3A_246 = arith.cmpf ogt, %add3A_243, %gt3A_245 : vector<16xf32>
      %mul3A_247 = arith.constant 2.000000e-01 : f32
      %mul3A_248 = vector.broadcast %mul3A_247 : f32 to vector<16xf32>
      %mul3A_249 = arith.mulf %mul3A_248, %add3A_243 : vector<16xf32>
      %select_n3A_250 = arith.select %gt3A_246, %add3A_243, %mul3A_249 : vector<16xi1>, vector<16xf32>
      %sub3A_251 = arith.subf %select_n3A_250, %get3A_10 : vector<16xf32>
      %exp3A_252 = math.exp %sub3A_251 : vector<16xf32>
      %swap3A_253 = arith.constant 112 : index
      %swap3A_254 = tpu.vector_load %arg25[%swap3A_253] {strides = array<i32>} : memref<144xf32, #tpu.memory_space<vmem>>, vector<16xf32>,
      %swap3A_255 = vector.shape_cast %swap3A_254 : vector<16xf32> to vector<16xf32>
      %swap3A_256 = vector.shape_cast %exp3A_252 : vector<16xf32> to vector<16xf32>
      tpu.vector_store %arg25[%swap3A_253], %swap3A_256 {strides = array<i32>} : memref<144xf32, #tpu.memory_space<vmem>>, vector<16xf32>,
      %scan3A_257 = arith.constant 0 : i32
      %scan3A_258 = arith.constant 128 : i32
      %scan3A_259 = arith.addi %scan3A_257, %scan3A_258 : i32
      %scan3A_260 = arith.constant 1 : i32
      scf.for %scan3A_262 = %scan3A_257 to %scan3A_259 step %scan3A_260  : i32 {
        %get3A_263 = arith.index_cast %scan3A_262 : i32 to index
        %get3A_264 = tpu.vector_load %arg25[%get3A_263] {strides = array<i32>} : memref<144xf32, #tpu.memory_space<vmem>>, vector<16xf32>,
        %get3A_265 = vector.shape_cast %get3A_264 : vector<16xf32> to vector<16xf32>
        %slice3A = vector.extract_strided_slice %get3A_265 {offsets = [0], sizes = [1], strides = [1]} : vector<16xf32> to vector<1xf32>
        %squeeze3A = vector.extract %slice3A[0] : f32 from vector<1xf32>
        %get3A_266 = arith.index_cast %scan3A_262 : i32 to index
        %get3A_267 = arith.constant 0 : index
        %get3A_268 = tpu.vector_load %arg16[%get3A_266, %get3A_267] {strides = array<i32>} : memref<128x128xf32, #tpu.memory_space<vmem>>, vector<1x16xf32>,
        %get3A_269 = vector.shape_cast %get3A_268 : vector<1x16xf32> to vector<16xf32>
        %mul3A_270 = vector.broadcast %squeeze3A : f32 to vector<16xf32>
        %mul3A_271 = arith.mulf %get3A_269, %mul3A_270 : vector<16xf32>
        %swap3A_272 = arith.index_cast %scan3A_262 : i32 to index
        %swap3A_273 = arith.constant 0 : index
        %swap3A_274 = tpu.vector_load %arg18[%swap3A_272, %swap3A_273] {strides = array<i32>} : memref<128x128xf32, #tpu.memory_space<vmem>>, vector<1x16xf32>,
        %swap3A_275 = vector.shape_cast %swap3A_274 : vector<1x16xf32> to vector<16xf32>
        %swap3A_276 = vector.shape_cast %mul3A_271 : vector<16xf32> to vector<1x16xf32>
        tpu.vector_store %arg18[%swap3A_272, %swap3A_273], %swap3A_276 {strides = array<i32>} : memref<128x128xf32, #tpu.memory_space<vmem>>, vector<1x16xf32>,
        %get3A_277 = arith.index_cast %scan3A_262 : i32 to index
        %get3A_278 = arith.constant 16 : index
        %get3A_279 = tpu.vector_load %arg16[%get3A_277, %get3A_278] {strides = array<i32>} : memref<128x128xf32, #tpu.memory_space<vmem>>, vector<1x16xf32>,
        %get3A_280 = vector.shape_cast %get3A_279 : vector<1x16xf32> to vector<16xf32>
        %mul3A_281 = vector.broadcast %squeeze3A : f32 to vector<16xf32>
        %mul3A_282 = arith.mulf %get3A_280, %mul3A_281 : vector<16xf32>
        %swap3A_283 = arith.index_cast %scan3A_262 : i32 to index
        %swap3A_284 = arith.constant 16 : index
        %swap3A_285 = tpu.vector_load %arg18[%swap3A_283, %swap3A_284] {strides = array<i32>} : memref<128x128xf32, #tpu.memory_space<vmem>>, vector<1x16xf32>,
        %swap3A_286 = vector.shape_cast %swap3A_285 : vector<1x16xf32> to vector<16xf32>
        %swap3A_287 = vector.shape_cast %mul3A_282 : vector<16xf32> to vector<1x16xf32>
        tpu.vector_store %arg18[%swap3A_283, %swap3A_284], %swap3A_287 {strides = array<i32>} : memref<128x128xf32, #tpu.memory_space<vmem>>, vector<1x16xf32>,
        %get3A_288 = arith.index_cast %scan3A_262 : i32 to index
        %get3A_289 = arith.constant 32 : index
        %get3A_290 = tpu.vector_load %arg16[%get3A_288, %get3A_289] {strides = array<i32>} : memref<128x128xf32, #tpu.memory_space<vmem>>, vector<1x16xf32>,
        %get3A_291 = vector.shape_cast %get3A_290 : vector<1x16xf32> to vector<16xf32>
        %mul3A_292 = vector.broadcast %squeeze3A : f32 to vector<16xf32>
        %mul3A_293 = arith.mulf %get3A_291, %mul3A_292 : vector<16xf32>
        %swap3A_294 = arith.index_cast %scan3A_262 : i32 to index
        %swap3A_295 = arith.constant 32 : index
        %swap3A_296 = tpu.vector_load %arg18[%swap3A_294, %swap3A_295] {strides = array<i32>} : memref<128x128xf32, #tpu.memory_space<vmem>>, vector<1x16xf32>,
        %swap3A_297 = vector.shape_cast %swap3A_296 : vector<1x16xf32> to vector<16xf32>
        %swap3A_298 = vector.shape_cast %mul3A_293 : vector<16xf32> to vector<1x16xf32>
        tpu.vector_store %arg18[%swap3A_294, %swap3A_295], %swap3A_298 {strides = array<i32>} : memref<128x128xf32, #tpu.memory_space<vmem>>, vector<1x16xf32>,
        %get3A_299 = arith.index_cast %scan3A_262 : i32 to index
        %get3A_300 = arith.constant 48 : index
        %get3A_301 = tpu.vector_load %arg16[%get3A_299, %get3A_300] {strides = array<i32>} : memref<128x128xf32, #tpu.memory_space<vmem>>, vector<1x16xf32>,
        %get3A_302 = vector.shape_cast %get3A_301 : vector<1x16xf32> to vector<16xf32>
        %mul3A_303 = vector.broadcast %squeeze3A : f32 to vector<16xf32>
        %mul3A_304 = arith.mulf %get3A_302, %mul3A_303 : vector<16xf32>
        %swap3A_305 = arith.index_cast %scan3A_262 : i32 to index
        %swap3A_306 = arith.constant 48 : index
        %swap3A_307 = tpu.vector_load %arg18[%swap3A_305, %swap3A_306] {strides = array<i32>} : memref<128x128xf32, #tpu.memory_space<vmem>>, vector<1x16xf32>,
        %swap3A_308 = vector.shape_cast %swap3A_307 : vector<1x16xf32> to vector<16xf32>
        %swap3A_309 = vector.shape_cast %mul3A_304 : vector<16xf32> to vector<1x16xf32>
        tpu.vector_store %arg18[%swap3A_305, %swap3A_306], %swap3A_309 {strides = array<i32>} : memref<128x128xf32, #tpu.memory_space<vmem>>, vector<1x16xf32>,
        %get3A_310 = arith.index_cast %scan3A_262 : i32 to index
        %get3A_311 = arith.constant 64 : index
        %get3A_312 = tpu.vector_load %arg16[%get3A_310, %get3A_311] {strides = array<i32>} : memref<128x128xf32, #tpu.memory_space<vmem>>, vector<1x16xf32>,
        %get3A_313 = vector.shape_cast %get3A_312 : vector<1x16xf32> to vector<16xf32>
        %mul3A_314 = vector.broadcast %squeeze3A : f32 to vector<16xf32>
        %mul3A_315 = arith.mulf %get3A_313, %mul3A_314 : vector<16xf32>
        %swap3A_316 = arith.index_cast %scan3A_262 : i32 to index
        %swap3A_317 = arith.constant 64 : index
        %swap3A_318 = tpu.vector_load %arg18[%swap3A_316, %swap3A_317] {strides = array<i32>} : memref<128x128xf32, #tpu.memory_space<vmem>>, vector<1x16xf32>,
        %swap3A_319 = vector.shape_cast %swap3A_318 : vector<1x16xf32> to vector<16xf32>
        %swap3A_320 = vector.shape_cast %mul3A_315 : vector<16xf32> to vector<1x16xf32>
        tpu.vector_store %arg18[%swap3A_316, %swap3A_317], %swap3A_320 {strides = array<i32>} : memref<128x128xf32, #tpu.memory_space<vmem>>, vector<1x16xf32>,
        %get3A_321 = arith.index_cast %scan3A_262 : i32 to index
        %get3A_322 = arith.constant 80 : index
        %get3A_323 = tpu.vector_load %arg16[%get3A_321, %get3A_322] {strides = array<i32>} : memref<128x128xf32, #tpu.memory_space<vmem>>, vector<1x16xf32>,
        %get3A_324 = vector.shape_cast %get3A_323 : vector<1x16xf32> to vector<16xf32>
        %mul3A_325 = vector.broadcast %squeeze3A : f32 to vector<16xf32>
        %mul3A_326 = arith.mulf %get3A_324, %mul3A_325 : vector<16xf32>
        %swap3A_327 = arith.index_cast %scan3A_262 : i32 to index
        %swap3A_328 = arith.constant 80 : index
        %swap3A_329 = tpu.vector_load %arg18[%swap3A_327, %swap3A_328] {strides = array<i32>} : memref<128x128xf32, #tpu.memory_space<vmem>>, vector<1x16xf32>,
        %swap3A_330 = vector.shape_cast %swap3A_329 : vector<1x16xf32> to vector<16xf32>
        %swap3A_331 = vector.shape_cast %mul3A_326 : vector<16xf32> to vector<1x16xf32>
        tpu.vector_store %arg18[%swap3A_327, %swap3A_328], %swap3A_331 {strides = array<i32>} : memref<128x128xf32, #tpu.memory_space<vmem>>, vector<1x16xf32>,
        %get3A_332 = arith.index_cast %scan3A_262 : i32 to index
        %get3A_333 = arith.constant 96 : index
        %get3A_334 = tpu.vector_load %arg16[%get3A_332, %get3A_333] {strides = array<i32>} : memref<128x128xf32, #tpu.memory_space<vmem>>, vector<1x16xf32>,
        %get3A_335 = vector.shape_cast %get3A_334 : vector<1x16xf32> to vector<16xf32>
        %mul3A_336 = vector.broadcast %squeeze3A : f32 to vector<16xf32>
        %mul3A_337 = arith.mulf %get3A_335, %mul3A_336 : vector<16xf32>
        %swap3A_338 = arith.index_cast %scan3A_262 : i32 to index
        %swap3A_339 = arith.constant 96 : index
        %swap3A_340 = tpu.vector_load %arg18[%swap3A_338, %swap3A_339] {strides = array<i32>} : memref<128x128xf32, #tpu.memory_space<vmem>>, vector<1x16xf32>,
        %swap3A_341 = vector.shape_cast %swap3A_340 : vector<1x16xf32> to vector<16xf32>
        %swap3A_342 = vector.shape_cast %mul3A_337 : vector<16xf32> to vector<1x16xf32>
        tpu.vector_store %arg18[%swap3A_338, %swap3A_339], %swap3A_342 {strides = array<i32>} : memref<128x128xf32, #tpu.memory_space<vmem>>, vector<1x16xf32>,
        %get3A_343 = arith.index_cast %scan3A_262 : i32 to index
        %get3A_344 = arith.constant 112 : index
        %get3A_345 = tpu.vector_load %arg16[%get3A_343, %get3A_344] {strides = array<i32>} : memref<128x128xf32, #tpu.memory_space<vmem>>, vector<1x16xf32>,
        %get3A_346 = vector.shape_cast %get3A_345 : vector<1x16xf32> to vector<16xf32>
        %mul3A_347 = vector.broadcast %squeeze3A : f32 to vector<16xf32>
        %mul3A_348 = arith.mulf %get3A_346, %mul3A_347 : vector<16xf32>
        %swap3A_349 = arith.index_cast %scan3A_262 : i32 to index
        %swap3A_350 = arith.constant 112 : index
        %swap3A_351 = tpu.vector_load %arg18[%swap3A_349, %swap3A_350] {strides = array<i32>} : memref<128x128xf32, #tpu.memory_space<vmem>>, vector<1x16xf32>,
        %swap3A_352 = vector.shape_cast %swap3A_351 : vector<1x16xf32> to vector<16xf32>
        %swap3A_353 = vector.shape_cast %mul3A_348 : vector<16xf32> to vector<1x16xf32>
        tpu.vector_store %arg18[%swap3A_349, %swap3A_350], %swap3A_353 {strides = array<i32>} : memref<128x128xf32, #tpu.memory_space<vmem>>, vector<1x16xf32>,
      }
      %scan3A_261 = arith.constant 128 : i32
      "tpu.region"() ({
        %run_scoped3A_262 = tpu.sem_alloc : memref<!tpu.dma_semaphore, #tpu.memory_space<semaphore_mem>>
        %dma_start3A_263 = arith.constant 0 : i32
        %dma_start3A_264 = arith.constant 0 : i32
        %dma_start3A_265 = tpu.memref_slice %arg27[%dma_start3A_263, %dma_start3A_264] : memref<10000x128xf32, #tpu.memory_space<vmem_shared>> -> memref<10000x128xf32, #tpu.memory_space<vmem_shared>>
        tpu.enqueue_indirect_dma source(%arg18 : memref<128x128xf32, #tpu.memory_space<vmem>>) target(%dma_start3A_265 : memref<10000x128xf32, #tpu.memory_space<vmem_shared>>) offsets(%arg13 : memref<128xi32, #tpu.memory_space<vmem>>) semaphore(%run_scoped3A_262 : memref<!tpu.dma_semaphore, #tpu.memory_space<semaphore_mem>>) {add = true}
        %dma_wait3A_266 = arith.constant 0 : i32
        %dma_wait3A_267 = arith.constant 0 : i32
        %dma_wait3A_268 = tpu.memref_slice %arg27[%dma_wait3A_266, %dma_wait3A_267] : memref<10000x128xf32, #tpu.memory_space<vmem_shared>> -> memref<10000x128xf32, #tpu.memory_space<vmem_shared>>
        tpu.wait_indirect_dma semaphore(%run_scoped3A_262 : memref<!tpu.dma_semaphore, #tpu.memory_space<semaphore_mem>>) src(%arg18 : memref<128x128xf32, #tpu.memory_space<vmem>>) dst(%dma_wait3A_268 : memref<10000x128xf32, #tpu.memory_space<vmem_shared>>)
        tpu.yield
      }) : () -> ()
      "tpu.region"() ({
        %run_scoped3A_262 = tpu.sem_alloc : memref<!tpu.dma_semaphore, #tpu.memory_space<semaphore_mem>>
        %dma_start3A_263 = arith.constant 0 : i32
        %dma_start3A_264 = tpu.memref_slice %arg25[%dma_start3A_263] : memref<144xf32, #tpu.memory_space<vmem>> -> memref<128xf32, #tpu.memory_space<vmem>>
        %dma_start3A_265 = arith.constant 0 : i32
        %dma_start3A_266 = tpu.memref_slice %arg28[%dma_start3A_265] : memref<10240xf32, #tpu.memory_space<vmem_shared>> -> memref<10240xf32, #tpu.memory_space<vmem_shared>>
        tpu.enqueue_indirect_dma source(%dma_start3A_264 : memref<128xf32, #tpu.memory_space<vmem>>) target(%dma_start3A_266 : memref<10240xf32, #tpu.memory_space<vmem_shared>>) offsets(%arg13 : memref<128xi32, #tpu.memory_space<vmem>>) semaphore(%run_scoped3A_262 : memref<!tpu.dma_semaphore, #tpu.memory_space<semaphore_mem>>) {add = true}
        %dma_wait3A_267 = arith.constant 0 : i32
        %dma_wait3A_268 = tpu.memref_slice %arg25[%dma_wait3A_267] : memref<144xf32, #tpu.memory_space<vmem>> -> memref<128xf32, #tpu.memory_space<vmem>>
        %dma_wait3A_269 = arith.constant 0 : i32
        %dma_wait3A_270 = tpu.memref_slice %arg28[%dma_wait3A_269] : memref<10240xf32, #tpu.memory_space<vmem_shared>> -> memref<10240xf32, #tpu.memory_space<vmem_shared>>
        tpu.wait_indirect_dma semaphore(%run_scoped3A_262 : memref<!tpu.dma_semaphore, #tpu.memory_space<semaphore_mem>>) src(%dma_wait3A_268 : memref<128xf32, #tpu.memory_space<vmem>>) dst(%dma_wait3A_270 : memref<10240xf32, #tpu.memory_space<vmem_shared>>)
        tpu.yield
      }) : () -> ()
    }
    %scan3A_14 = arith.constant 156 : i32
    %add3A_15 = arith.constant 19968 : i32
    %add3A_16 = arith.addi %mul3A_8, %add3A_15 : i32
    "tpu.region"() ({
      %run_scoped3A_79 = tpu.sem_alloc : memref<!tpu.dma_semaphore, #tpu.memory_space<semaphore_mem>>
      %dma_start3A_80 = tpu.memref_slice %arg6[%add3A_16] : memref<640000xi32, #tpu.memory_space<hbm>> -> memref<32xi32, #tpu.memory_space<hbm>>
      %dma_start3A_81 = tpu.memref_slice %arg6[%add3A_16] : memref<640000xi32, #tpu.memory_space<hbm>> -> memref<32xi32, #tpu.memory_space<hbm>>
      tpu.enqueue_dma source(%dma_start3A_81 : memref<32xi32, #tpu.memory_space<hbm>>) target(%arg14 : memref<32xi32, #tpu.memory_space<vmem>>) target_semaphore(%run_scoped3A_79 : memref<!tpu.dma_semaphore, #tpu.memory_space<semaphore_mem>>)
      %dma_wait3A_82 = tpu.memref_slice %arg6[%add3A_16] : memref<640000xi32, #tpu.memory_space<hbm>> -> memref<32xi32, #tpu.memory_space<hbm>>
      %dma_wait3A_83 = tpu.memref_slice %arg6[%add3A_16] : memref<640000xi32, #tpu.memory_space<hbm>> -> memref<32xi32, #tpu.memory_space<hbm>>
      tpu.wait_dma2 semaphore(%run_scoped3A_79 : memref<!tpu.dma_semaphore, #tpu.memory_space<semaphore_mem>>) src(%dma_wait3A_83 : memref<32xi32, #tpu.memory_space<hbm>>) dst(%arg14 : memref<32xi32, #tpu.memory_space<vmem>>)
      tpu.yield
    }) : () -> ()
    "tpu.region"() ({
      %run_scoped3A_79 = tpu.sem_alloc : memref<!tpu.dma_semaphore, #tpu.memory_space<semaphore_mem>>
      %dma_start3A_80 = tpu.memref_slice %arg7[%add3A_16] : memref<640000xi32, #tpu.memory_space<hbm>> -> memref<32xi32, #tpu.memory_space<hbm>>
      %dma_start3A_81 = tpu.memref_slice %arg7[%add3A_16] : memref<640000xi32, #tpu.memory_space<hbm>> -> memref<32xi32, #tpu.memory_space<hbm>>
      tpu.enqueue_dma source(%dma_start3A_81 : memref<32xi32, #tpu.memory_space<hbm>>) target(%arg15 : memref<32xi32, #tpu.memory_space<vmem>>) target_semaphore(%run_scoped3A_79 : memref<!tpu.dma_semaphore, #tpu.memory_space<semaphore_mem>>)
      %dma_wait3A_82 = tpu.memref_slice %arg7[%add3A_16] : memref<640000xi32, #tpu.memory_space<hbm>> -> memref<32xi32, #tpu.memory_space<hbm>>
      %dma_wait3A_83 = tpu.memref_slice %arg7[%add3A_16] : memref<640000xi32, #tpu.memory_space<hbm>> -> memref<32xi32, #tpu.memory_space<hbm>>
      tpu.wait_dma2 semaphore(%run_scoped3A_79 : memref<!tpu.dma_semaphore, #tpu.memory_space<semaphore_mem>>) src(%dma_wait3A_83 : memref<32xi32, #tpu.memory_space<hbm>>) dst(%arg15 : memref<32xi32, #tpu.memory_space<vmem>>)
      tpu.yield
    }) : () -> ()
    %dma_start3A = arith.constant 0 : i32
    %dma_start3A_17 = tpu.memref_slice %arg3[%dma_start3A] : memref<10000xf32, #tpu.memory_space<hbm>> -> memref<10000xf32, #tpu.memory_space<hbm>>
    tpu.enqueue_indirect_dma source(%dma_start3A_17 : memref<10000xf32, #tpu.memory_space<hbm>>) target(%arg22 : memref<32xf32, #tpu.memory_space<vmem>>) offsets(%arg14 : memref<32xi32, #tpu.memory_space<vmem>>) semaphore(%arg29 : memref<!tpu.dma_semaphore, #tpu.memory_space<semaphore_mem>>)
    %dma_wait3A = arith.constant 0 : i32
    %dma_wait3A_18 = tpu.memref_slice %arg3[%dma_wait3A] : memref<10000xf32, #tpu.memory_space<hbm>> -> memref<10000xf32, #tpu.memory_space<hbm>>
    tpu.wait_indirect_dma semaphore(%arg29 : memref<!tpu.dma_semaphore, #tpu.memory_space<semaphore_mem>>) src(%dma_wait3A_18 : memref<10000xf32, #tpu.memory_space<hbm>>) dst(%arg22 : memref<32xf32, #tpu.memory_space<vmem>>)
    %dma_start3A_19 = arith.constant 0 : i32
    %dma_start3A_20 = tpu.memref_slice %arg4[%dma_start3A_19] : memref<10000xf32, #tpu.memory_space<hbm>> -> memref<10000xf32, #tpu.memory_space<hbm>>
    tpu.enqueue_indirect_dma source(%dma_start3A_20 : memref<10000xf32, #tpu.memory_space<hbm>>) target(%arg23 : memref<32xf32, #tpu.memory_space<vmem>>) offsets(%arg15 : memref<32xi32, #tpu.memory_space<vmem>>) semaphore(%arg29 : memref<!tpu.dma_semaphore, #tpu.memory_space<semaphore_mem>>)
    %dma_wait3A_21 = arith.constant 0 : i32
    %dma_wait3A_22 = tpu.memref_slice %arg4[%dma_wait3A_21] : memref<10000xf32, #tpu.memory_space<hbm>> -> memref<10000xf32, #tpu.memory_space<hbm>>
    tpu.wait_indirect_dma semaphore(%arg29 : memref<!tpu.dma_semaphore, #tpu.memory_space<semaphore_mem>>) src(%dma_wait3A_22 : memref<10000xf32, #tpu.memory_space<hbm>>) dst(%arg23 : memref<32xf32, #tpu.memory_space<vmem>>)
    %dma_start3A_23 = arith.constant 0 : i32
    %dma_start3A_24 = arith.constant 0 : i32
    %dma_start3A_25 = tpu.memref_slice %arg2[%dma_start3A_23, %dma_start3A_24] : memref<10000x128xf32, #tpu.memory_space<hbm>> -> memref<10000x128xf32, #tpu.memory_space<hbm>>
    tpu.enqueue_indirect_dma source(%dma_start3A_25 : memref<10000x128xf32, #tpu.memory_space<hbm>>) target(%arg17 : memref<32x128xf32, #tpu.memory_space<vmem>>) offsets(%arg14 : memref<32xi32, #tpu.memory_space<vmem>>) semaphore(%arg29 : memref<!tpu.dma_semaphore, #tpu.memory_space<semaphore_mem>>)
    %dma_wait3A_26 = arith.constant 0 : i32
    %dma_wait3A_27 = arith.constant 0 : i32
    %dma_wait3A_28 = tpu.memref_slice %arg2[%dma_wait3A_26, %dma_wait3A_27] : memref<10000x128xf32, #tpu.memory_space<hbm>> -> memref<10000x128xf32, #tpu.memory_space<hbm>>
    tpu.wait_indirect_dma semaphore(%arg29 : memref<!tpu.dma_semaphore, #tpu.memory_space<semaphore_mem>>) src(%dma_wait3A_28 : memref<10000x128xf32, #tpu.memory_space<hbm>>) dst(%arg17 : memref<32x128xf32, #tpu.memory_space<vmem>>)
    %get3A_29 = arith.constant 0 : index
    %get3A_30 = tpu.vector_load %arg22[%get3A_29] {strides = array<i32>} : memref<32xf32, #tpu.memory_space<vmem>>, vector<16xf32>,
    %get3A_31 = vector.shape_cast %get3A_30 : vector<16xf32> to vector<16xf32>
    %get3A_32 = arith.constant 0 : index
    %get3A_33 = tpu.vector_load %arg23[%get3A_32] {strides = array<i32>} : memref<32xf32, #tpu.memory_space<vmem>>, vector<16xf32>,
    %get3A_34 = vector.shape_cast %get3A_33 : vector<16xf32> to vector<16xf32>
    %add3A_35 = arith.addf %get3A_31, %get3A_34 : vector<16xf32>
    %gt3A = arith.constant 0.000000e+00 : f32
    %gt3A_36 = vector.broadcast %gt3A : f32 to vector<16xf32>
    %gt3A_37 = arith.cmpf ogt, %add3A_35, %gt3A_36 : vector<16xf32>
    %mul3A_38 = arith.constant 2.000000e-01 : f32
    %mul3A_39 = vector.broadcast %mul3A_38 : f32 to vector<16xf32>
    %mul3A_40 = arith.mulf %mul3A_39, %add3A_35 : vector<16xf32>
    %select_n3A = arith.select %gt3A_37, %add3A_35, %mul3A_40 : vector<16xi1>, vector<16xf32>
    %sub3A = arith.subf %select_n3A, %get3A_10 : vector<16xf32>
    %exp3A = math.exp %sub3A : vector<16xf32>
    %swap3A = arith.constant 0 : index
    %swap3A_41 = tpu.vector_load %arg25[%swap3A] {strides = array<i32>} : memref<144xf32, #tpu.memory_space<vmem>>, vector<16xf32>,
    %swap3A_42 = vector.shape_cast %swap3A_41 : vector<16xf32> to vector<16xf32>
    %swap3A_43 = vector.shape_cast %exp3A : vector<16xf32> to vector<16xf32>
    tpu.vector_store %arg25[%swap3A], %swap3A_43 {strides = array<i32>} : memref<144xf32, #tpu.memory_space<vmem>>, vector<16xf32>,
    %get3A_44 = arith.constant 16 : index
    %get3A_45 = tpu.vector_load %arg22[%get3A_44] {strides = array<i32>} : memref<32xf32, #tpu.memory_space<vmem>>, vector<16xf32>,
    %get3A_46 = vector.shape_cast %get3A_45 : vector<16xf32> to vector<16xf32>
    %get3A_47 = arith.constant 16 : index
    %get3A_48 = tpu.vector_load %arg23[%get3A_47] {strides = array<i32>} : memref<32xf32, #tpu.memory_space<vmem>>, vector<16xf32>,
    %get3A_49 = vector.shape_cast %get3A_48 : vector<16xf32> to vector<16xf32>
    %add3A_50 = arith.addf %get3A_46, %get3A_49 : vector<16xf32>
    %gt3A_51 = arith.constant 0.000000e+00 : f32
    %gt3A_52 = vector.broadcast %gt3A_51 : f32 to vector<16xf32>
    %gt3A_53 = arith.cmpf ogt, %add3A_50, %gt3A_52 : vector<16xf32>
    %mul3A_54 = arith.constant 2.000000e-01 : f32
    %mul3A_55 = vector.broadcast %mul3A_54 : f32 to vector<16xf32>
    %mul3A_56 = arith.mulf %mul3A_55, %add3A_50 : vector<16xf32>
    %select_n3A_57 = arith.select %gt3A_53, %add3A_50, %mul3A_56 : vector<16xi1>, vector<16xf32>
    %sub3A_58 = arith.subf %select_n3A_57, %get3A_10 : vector<16xf32>
    %exp3A_59 = math.exp %sub3A_58 : vector<16xf32>
    %swap3A_60 = arith.constant 16 : index
    %swap3A_61 = tpu.vector_load %arg25[%swap3A_60] {strides = array<i32>} : memref<144xf32, #tpu.memory_space<vmem>>, vector<16xf32>,
    %swap3A_62 = vector.shape_cast %swap3A_61 : vector<16xf32> to vector<16xf32>
    %swap3A_63 = vector.shape_cast %exp3A_59 : vector<16xf32> to vector<16xf32>
    tpu.vector_store %arg25[%swap3A_60], %swap3A_63 {strides = array<i32>} : memref<144xf32, #tpu.memory_space<vmem>>, vector<16xf32>,
    %scan3A_64 = arith.constant 0 : i32
    %scan3A_65 = arith.constant 32 : i32
    %scan3A_66 = arith.addi %scan3A_64, %scan3A_65 : i32
    %scan3A_67 = arith.constant 1 : i32
    scf.for %scan3A_79 = %scan3A_64 to %scan3A_66 step %scan3A_67  : i32 {
      %get3A_80 = arith.index_cast %scan3A_79 : i32 to index
      %get3A_81 = tpu.vector_load %arg25[%get3A_80] {strides = array<i32>} : memref<144xf32, #tpu.memory_space<vmem>>, vector<16xf32>,
      %get3A_82 = vector.shape_cast %get3A_81 : vector<16xf32> to vector<16xf32>
      %slice3A = vector.extract_strided_slice %get3A_82 {offsets = [0], sizes = [1], strides = [1]} : vector<16xf32> to vector<1xf32>
      %squeeze3A = vector.extract %slice3A[0] : f32 from vector<1xf32>
      %get3A_83 = arith.index_cast %scan3A_79 : i32 to index
      %get3A_84 = arith.constant 0 : index
      %get3A_85 = tpu.vector_load %arg17[%get3A_83, %get3A_84] {strides = array<i32>} : memref<32x128xf32, #tpu.memory_space<vmem>>, vector<1x16xf32>,
      %get3A_86 = vector.shape_cast %get3A_85 : vector<1x16xf32> to vector<16xf32>
      %mul3A_87 = vector.broadcast %squeeze3A : f32 to vector<16xf32>
      %mul3A_88 = arith.mulf %get3A_86, %mul3A_87 : vector<16xf32>
      %swap3A_89 = arith.index_cast %scan3A_79 : i32 to index
      %swap3A_90 = arith.constant 0 : index
      %swap3A_91 = tpu.vector_load %arg19[%swap3A_89, %swap3A_90] {strides = array<i32>} : memref<32x128xf32, #tpu.memory_space<vmem>>, vector<1x16xf32>,
      %swap3A_92 = vector.shape_cast %swap3A_91 : vector<1x16xf32> to vector<16xf32>
      %swap3A_93 = vector.shape_cast %mul3A_88 : vector<16xf32> to vector<1x16xf32>
      tpu.vector_store %arg19[%swap3A_89, %swap3A_90], %swap3A_93 {strides = array<i32>} : memref<32x128xf32, #tpu.memory_space<vmem>>, vector<1x16xf32>,
      %get3A_94 = arith.index_cast %scan3A_79 : i32 to index
      %get3A_95 = arith.constant 16 : index
      %get3A_96 = tpu.vector_load %arg17[%get3A_94, %get3A_95] {strides = array<i32>} : memref<32x128xf32, #tpu.memory_space<vmem>>, vector<1x16xf32>,
      %get3A_97 = vector.shape_cast %get3A_96 : vector<1x16xf32> to vector<16xf32>
      %mul3A_98 = vector.broadcast %squeeze3A : f32 to vector<16xf32>
      %mul3A_99 = arith.mulf %get3A_97, %mul3A_98 : vector<16xf32>
      %swap3A_100 = arith.index_cast %scan3A_79 : i32 to index
      %swap3A_101 = arith.constant 16 : index
      %swap3A_102 = tpu.vector_load %arg19[%swap3A_100, %swap3A_101] {strides = array<i32>} : memref<32x128xf32, #tpu.memory_space<vmem>>, vector<1x16xf32>,
      %swap3A_103 = vector.shape_cast %swap3A_102 : vector<1x16xf32> to vector<16xf32>
      %swap3A_104 = vector.shape_cast %mul3A_99 : vector<16xf32> to vector<1x16xf32>
      tpu.vector_store %arg19[%swap3A_100, %swap3A_101], %swap3A_104 {strides = array<i32>} : memref<32x128xf32, #tpu.memory_space<vmem>>, vector<1x16xf32>,
      %get3A_105 = arith.index_cast %scan3A_79 : i32 to index
      %get3A_106 = arith.constant 32 : index
      %get3A_107 = tpu.vector_load %arg17[%get3A_105, %get3A_106] {strides = array<i32>} : memref<32x128xf32, #tpu.memory_space<vmem>>, vector<1x16xf32>,
      %get3A_108 = vector.shape_cast %get3A_107 : vector<1x16xf32> to vector<16xf32>
      %mul3A_109 = vector.broadcast %squeeze3A : f32 to vector<16xf32>
      %mul3A_110 = arith.mulf %get3A_108, %mul3A_109 : vector<16xf32>
      %swap3A_111 = arith.index_cast %scan3A_79 : i32 to index
      %swap3A_112 = arith.constant 32 : index
      %swap3A_113 = tpu.vector_load %arg19[%swap3A_111, %swap3A_112] {strides = array<i32>} : memref<32x128xf32, #tpu.memory_space<vmem>>, vector<1x16xf32>,
      %swap3A_114 = vector.shape_cast %swap3A_113 : vector<1x16xf32> to vector<16xf32>
      %swap3A_115 = vector.shape_cast %mul3A_110 : vector<16xf32> to vector<1x16xf32>
      tpu.vector_store %arg19[%swap3A_111, %swap3A_112], %swap3A_115 {strides = array<i32>} : memref<32x128xf32, #tpu.memory_space<vmem>>, vector<1x16xf32>,
      %get3A_116 = arith.index_cast %scan3A_79 : i32 to index
      %get3A_117 = arith.constant 48 : index
      %get3A_118 = tpu.vector_load %arg17[%get3A_116, %get3A_117] {strides = array<i32>} : memref<32x128xf32, #tpu.memory_space<vmem>>, vector<1x16xf32>,
      %get3A_119 = vector.shape_cast %get3A_118 : vector<1x16xf32> to vector<16xf32>
      %mul3A_120 = vector.broadcast %squeeze3A : f32 to vector<16xf32>
      %mul3A_121 = arith.mulf %get3A_119, %mul3A_120 : vector<16xf32>
      %swap3A_122 = arith.index_cast %scan3A_79 : i32 to index
      %swap3A_123 = arith.constant 48 : index
      %swap3A_124 = tpu.vector_load %arg19[%swap3A_122, %swap3A_123] {strides = array<i32>} : memref<32x128xf32, #tpu.memory_space<vmem>>, vector<1x16xf32>,
      %swap3A_125 = vector.shape_cast %swap3A_124 : vector<1x16xf32> to vector<16xf32>
      %swap3A_126 = vector.shape_cast %mul3A_121 : vector<16xf32> to vector<1x16xf32>
      tpu.vector_store %arg19[%swap3A_122, %swap3A_123], %swap3A_126 {strides = array<i32>} : memref<32x128xf32, #tpu.memory_space<vmem>>, vector<1x16xf32>,
      %get3A_127 = arith.index_cast %scan3A_79 : i32 to index
      %get3A_128 = arith.constant 64 : index
      %get3A_129 = tpu.vector_load %arg17[%get3A_127, %get3A_128] {strides = array<i32>} : memref<32x128xf32, #tpu.memory_space<vmem>>, vector<1x16xf32>,
      %get3A_130 = vector.shape_cast %get3A_129 : vector<1x16xf32> to vector<16xf32>
      %mul3A_131 = vector.broadcast %squeeze3A : f32 to vector<16xf32>
      %mul3A_132 = arith.mulf %get3A_130, %mul3A_131 : vector<16xf32>
      %swap3A_133 = arith.index_cast %scan3A_79 : i32 to index
      %swap3A_134 = arith.constant 64 : index
      %swap3A_135 = tpu.vector_load %arg19[%swap3A_133, %swap3A_134] {strides = array<i32>} : memref<32x128xf32, #tpu.memory_space<vmem>>, vector<1x16xf32>,
      %swap3A_136 = vector.shape_cast %swap3A_135 : vector<1x16xf32> to vector<16xf32>
      %swap3A_137 = vector.shape_cast %mul3A_132 : vector<16xf32> to vector<1x16xf32>
      tpu.vector_store %arg19[%swap3A_133, %swap3A_134], %swap3A_137 {strides = array<i32>} : memref<32x128xf32, #tpu.memory_space<vmem>>, vector<1x16xf32>,
      %get3A_138 = arith.index_cast %scan3A_79 : i32 to index
      %get3A_139 = arith.constant 80 : index
      %get3A_140 = tpu.vector_load %arg17[%get3A_138, %get3A_139] {strides = array<i32>} : memref<32x128xf32, #tpu.memory_space<vmem>>, vector<1x16xf32>,
      %get3A_141 = vector.shape_cast %get3A_140 : vector<1x16xf32> to vector<16xf32>
      %mul3A_142 = vector.broadcast %squeeze3A : f32 to vector<16xf32>
      %mul3A_143 = arith.mulf %get3A_141, %mul3A_142 : vector<16xf32>
      %swap3A_144 = arith.index_cast %scan3A_79 : i32 to index
      %swap3A_145 = arith.constant 80 : index
      %swap3A_146 = tpu.vector_load %arg19[%swap3A_144, %swap3A_145] {strides = array<i32>} : memref<32x128xf32, #tpu.memory_space<vmem>>, vector<1x16xf32>,
      %swap3A_147 = vector.shape_cast %swap3A_146 : vector<1x16xf32> to vector<16xf32>
      %swap3A_148 = vector.shape_cast %mul3A_143 : vector<16xf32> to vector<1x16xf32>
      tpu.vector_store %arg19[%swap3A_144, %swap3A_145], %swap3A_148 {strides = array<i32>} : memref<32x128xf32, #tpu.memory_space<vmem>>, vector<1x16xf32>,
      %get3A_149 = arith.index_cast %scan3A_79 : i32 to index
      %get3A_150 = arith.constant 96 : index
      %get3A_151 = tpu.vector_load %arg17[%get3A_149, %get3A_150] {strides = array<i32>} : memref<32x128xf32, #tpu.memory_space<vmem>>, vector<1x16xf32>,
      %get3A_152 = vector.shape_cast %get3A_151 : vector<1x16xf32> to vector<16xf32>
      %mul3A_153 = vector.broadcast %squeeze3A : f32 to vector<16xf32>
      %mul3A_154 = arith.mulf %get3A_152, %mul3A_153 : vector<16xf32>
      %swap3A_155 = arith.index_cast %scan3A_79 : i32 to index
      %swap3A_156 = arith.constant 96 : index
      %swap3A_157 = tpu.vector_load %arg19[%swap3A_155, %swap3A_156] {strides = array<i32>} : memref<32x128xf32, #tpu.memory_space<vmem>>, vector<1x16xf32>,
      %swap3A_158 = vector.shape_cast %swap3A_157 : vector<1x16xf32> to vector<16xf32>
      %swap3A_159 = vector.shape_cast %mul3A_154 : vector<16xf32> to vector<1x16xf32>
      tpu.vector_store %arg19[%swap3A_155, %swap3A_156], %swap3A_159 {strides = array<i32>} : memref<32x128xf32, #tpu.memory_space<vmem>>, vector<1x16xf32>,
      %get3A_160 = arith.index_cast %scan3A_79 : i32 to index
      %get3A_161 = arith.constant 112 : index
      %get3A_162 = tpu.vector_load %arg17[%get3A_160, %get3A_161] {strides = array<i32>} : memref<32x128xf32, #tpu.memory_space<vmem>>, vector<1x16xf32>,
      %get3A_163 = vector.shape_cast %get3A_162 : vector<1x16xf32> to vector<16xf32>
      %mul3A_164 = vector.broadcast %squeeze3A : f32 to vector<16xf32>
      %mul3A_165 = arith.mulf %get3A_163, %mul3A_164 : vector<16xf32>
      %swap3A_166 = arith.index_cast %scan3A_79 : i32 to index
      %swap3A_167 = arith.constant 112 : index
      %swap3A_168 = tpu.vector_load %arg19[%swap3A_166, %swap3A_167] {strides = array<i32>} : memref<32x128xf32, #tpu.memory_space<vmem>>, vector<1x16xf32>,
      %swap3A_169 = vector.shape_cast %swap3A_168 : vector<1x16xf32> to vector<16xf32>
      %swap3A_170 = vector.shape_cast %mul3A_165 : vector<16xf32> to vector<1x16xf32>
      tpu.vector_store %arg19[%swap3A_166, %swap3A_167], %swap3A_170 {strides = array<i32>} : memref<32x128xf32, #tpu.memory_space<vmem>>, vector<1x16xf32>,
    }
    %scan3A_68 = arith.constant 32 : i32
    "tpu.region"() ({
      %run_scoped3A_79 = tpu.sem_alloc : memref<!tpu.dma_semaphore, #tpu.memory_space<semaphore_mem>>
      %dma_start3A_80 = arith.constant 0 : i32
      %dma_start3A_81 = arith.constant 0 : i32
      %dma_start3A_82 = tpu.memref_slice %arg27[%dma_start3A_80, %dma_start3A_81] : memref<10000x128xf32, #tpu.memory_space<vmem_shared>> -> memref<10000x128xf32, #tpu.memory_space<vmem_shared>>
      tpu.enqueue_indirect_dma source(%arg19 : memref<32x128xf32, #tpu.memory_space<vmem>>) target(%dma_start3A_82 : memref<10000x128xf32, #tpu.memory_space<vmem_shared>>) offsets(%arg15 : memref<32xi32, #tpu.memory_space<vmem>>) semaphore(%run_scoped3A_79 : memref<!tpu.dma_semaphore, #tpu.memory_space<semaphore_mem>>) {add = true}
      %dma_wait3A_83 = arith.constant 0 : i32
      %dma_wait3A_84 = arith.constant 0 : i32
      %dma_wait3A_85 = tpu.memref_slice %arg27[%dma_wait3A_83, %dma_wait3A_84] : memref<10000x128xf32, #tpu.memory_space<vmem_shared>> -> memref<10000x128xf32, #tpu.memory_space<vmem_shared>>
      tpu.wait_indirect_dma semaphore(%run_scoped3A_79 : memref<!tpu.dma_semaphore, #tpu.memory_space<semaphore_mem>>) src(%arg19 : memref<32x128xf32, #tpu.memory_space<vmem>>) dst(%dma_wait3A_85 : memref<10000x128xf32, #tpu.memory_space<vmem_shared>>)
      tpu.yield
    }) : () -> ()
    "tpu.region"() ({
      %run_scoped3A_79 = tpu.sem_alloc : memref<!tpu.dma_semaphore, #tpu.memory_space<semaphore_mem>>
      %dma_start3A_80 = arith.constant 0 : i32
      %dma_start3A_81 = tpu.memref_slice %arg25[%dma_start3A_80] : memref<144xf32, #tpu.memory_space<vmem>> -> memref<32xf32, #tpu.memory_space<vmem>>
      %dma_start3A_82 = arith.constant 0 : i32
      %dma_start3A_83 = tpu.memref_slice %arg28[%dma_start3A_82] : memref<10240xf32, #tpu.memory_space<vmem_shared>> -> memref<10240xf32, #tpu.memory_space<vmem_shared>>
      tpu.enqueue_indirect_dma source(%dma_start3A_81 : memref<32xf32, #tpu.memory_space<vmem>>) target(%dma_start3A_83 : memref<10240xf32, #tpu.memory_space<vmem_shared>>) offsets(%arg15 : memref<32xi32, #tpu.memory_space<vmem>>) semaphore(%run_scoped3A_79 : memref<!tpu.dma_semaphore, #tpu.memory_space<semaphore_mem>>) {add = true}
      %dma_wait3A_84 = arith.constant 0 : i32
      %dma_wait3A_85 = tpu.memref_slice %arg25[%dma_wait3A_84] : memref<144xf32, #tpu.memory_space<vmem>> -> memref<32xf32, #tpu.memory_space<vmem>>
      %dma_wait3A_86 = arith.constant 0 : i32
      %dma_wait3A_87 = tpu.memref_slice %arg28[%dma_wait3A_86] : memref<10240xf32, #tpu.memory_space<vmem_shared>> -> memref<10240xf32, #tpu.memory_space<vmem_shared>>
      tpu.wait_indirect_dma semaphore(%run_scoped3A_79 : memref<!tpu.dma_semaphore, #tpu.memory_space<semaphore_mem>>) src(%dma_wait3A_85 : memref<32xf32, #tpu.memory_space<vmem>>) dst(%dma_wait3A_87 : memref<10240xf32, #tpu.memory_space<vmem_shared>>)
      tpu.yield
    }) : () -> ()
    %barrier3A_69 = arith.constant 0 : index
    tpu.barrier barrier_id(%barrier3A_69)
    %mul3A_70 = arith.constant 624 : i32
    %mul3A_71 = arith.muli %arg1, %mul3A_70 : i32
    "tpu.region"() ({
      %run_scoped3A_79 = tpu.sem_alloc : memref<!tpu.dma_semaphore, #tpu.memory_space<semaphore_mem>>
      %dma_start3A_80 = arith.constant 0 : i32
      %dma_start3A_81 = tpu.memref_slice %arg10[%arg0, %mul3A_71, %dma_start3A_80] : memref<2x10000x128xf32, #tpu.memory_space<hbm>> -> memref<1x624x128xf32, #tpu.memory_space<hbm>>
      %dma_start3A_82 = tpu.memref_squeeze %dma_start3A_81 : memref<1x624x128xf32, #tpu.memory_space<hbm>> -> memref<624x128xf32, #tpu.memory_space<hbm>>
      %dma_start3A_83 = arith.constant 0 : i32
      %dma_start3A_84 = tpu.memref_slice %arg27[%mul3A_71, %dma_start3A_83] : memref<10000x128xf32, #tpu.memory_space<vmem_shared>> -> memref<624x128xf32, #tpu.memory_space<vmem_shared>>
      tpu.enqueue_dma source(%dma_start3A_84 : memref<624x128xf32, #tpu.memory_space<vmem_shared>>) target(%dma_start3A_82 : memref<624x128xf32, #tpu.memory_space<hbm>>) target_semaphore(%run_scoped3A_79 : memref<!tpu.dma_semaphore, #tpu.memory_space<semaphore_mem>>)
      %dma_wait3A_85 = arith.constant 0 : i32
      %dma_wait3A_86 = tpu.memref_slice %arg10[%arg0, %mul3A_71, %dma_wait3A_85] : memref<2x10000x128xf32, #tpu.memory_space<hbm>> -> memref<1x624x128xf32, #tpu.memory_space<hbm>>
      %dma_wait3A_87 = tpu.memref_squeeze %dma_wait3A_86 : memref<1x624x128xf32, #tpu.memory_space<hbm>> -> memref<624x128xf32, #tpu.memory_space<hbm>>
      %dma_wait3A_88 = arith.constant 0 : i32
      %dma_wait3A_89 = tpu.memref_slice %arg27[%mul3A_71, %dma_wait3A_88] : memref<10000x128xf32, #tpu.memory_space<vmem_shared>> -> memref<624x128xf32, #tpu.memory_space<vmem_shared>>
      tpu.wait_dma2 semaphore(%run_scoped3A_79 : memref<!tpu.dma_semaphore, #tpu.memory_space<semaphore_mem>>) src(%dma_wait3A_89 : memref<624x128xf32, #tpu.memory_space<vmem_shared>>) dst(%dma_wait3A_87 : memref<624x128xf32, #tpu.memory_space<hbm>>)
      tpu.yield
    }) : () -> ()
    %mul3A_72 = arith.constant 640 : i32
    %mul3A_73 = arith.muli %arg1, %mul3A_72 : i32
    "tpu.region"() ({
      %run_scoped3A_79 = tpu.sem_alloc : memref<!tpu.dma_semaphore, #tpu.memory_space<semaphore_mem>>
      %dma_start3A_80 = tpu.memref_slice %arg28[%mul3A_73] : memref<10240xf32, #tpu.memory_space<vmem_shared>> -> memref<640xf32, #tpu.memory_space<vmem_shared>>
      %dma_start3A_81 = tpu.memref_slice %arg28[%mul3A_73] : memref<10240xf32, #tpu.memory_space<vmem_shared>> -> memref<640xf32, #tpu.memory_space<vmem_shared>>
      tpu.enqueue_dma source(%dma_start3A_81 : memref<640xf32, #tpu.memory_space<vmem_shared>>) target(%arg26 : memref<640xf32, #tpu.memory_space<vmem>>) target_semaphore(%run_scoped3A_79 : memref<!tpu.dma_semaphore, #tpu.memory_space<semaphore_mem>>)
      %dma_wait3A_82 = tpu.memref_slice %arg28[%mul3A_73] : memref<10240xf32, #tpu.memory_space<vmem_shared>> -> memref<640xf32, #tpu.memory_space<vmem_shared>>
      %dma_wait3A_83 = tpu.memref_slice %arg28[%mul3A_73] : memref<10240xf32, #tpu.memory_space<vmem_shared>> -> memref<640xf32, #tpu.memory_space<vmem_shared>>
      tpu.wait_dma2 semaphore(%run_scoped3A_79 : memref<!tpu.dma_semaphore, #tpu.memory_space<semaphore_mem>>) src(%dma_wait3A_83 : memref<640xf32, #tpu.memory_space<vmem_shared>>) dst(%arg26 : memref<640xf32, #tpu.memory_space<vmem>>)
      tpu.yield
    }) : () -> ()
    %run_scoped3A = arith.constant 0 : i32
    "tpu.region"() ({
      %run_scoped3A_79 = tpu.sem_alloc : memref<!tpu.dma_semaphore, #tpu.memory_space<semaphore_mem>>
      %dma_start3A_80 = tpu.memref_slice %arg11[%arg0, %run_scoped3A, %mul3A_73] : memref<2x1x10240xf32, #tpu.memory_space<hbm>> -> memref<1x1x640xf32, #tpu.memory_space<hbm>>
      %dma_start3A_81 = tpu.memref_squeeze %dma_start3A_80 : memref<1x1x640xf32, #tpu.memory_space<hbm>> -> memref<640xf32, #tpu.memory_space<hbm>>
      %dma_start3A_82 = tpu.memref_slice %arg11[%arg0, %run_scoped3A, %mul3A_73] : memref<2x1x10240xf32, #tpu.memory_space<hbm>> -> memref<1x1x640xf32, #tpu.memory_space<hbm>>
      %dma_start3A_83 = tpu.memref_squeeze %dma_start3A_82 : memref<1x1x640xf32, #tpu.memory_space<hbm>> -> memref<640xf32, #tpu.memory_space<hbm>>
      tpu.enqueue_dma source(%arg26 : memref<640xf32, #tpu.memory_space<vmem>>) target(%dma_start3A_83 : memref<640xf32, #tpu.memory_space<hbm>>) target_semaphore(%run_scoped3A_79 : memref<!tpu.dma_semaphore, #tpu.memory_space<semaphore_mem>>)
      %dma_wait3A_84 = tpu.memref_slice %arg11[%arg0, %run_scoped3A, %mul3A_73] : memref<2x1x10240xf32, #tpu.memory_space<hbm>> -> memref<1x1x640xf32, #tpu.memory_space<hbm>>
      %dma_wait3A_85 = tpu.memref_squeeze %dma_wait3A_84 : memref<1x1x640xf32, #tpu.memory_space<hbm>> -> memref<640xf32, #tpu.memory_space<hbm>>
      %dma_wait3A_86 = tpu.memref_slice %arg11[%arg0, %run_scoped3A, %mul3A_73] : memref<2x1x10240xf32, #tpu.memory_space<hbm>> -> memref<1x1x640xf32, #tpu.memory_space<hbm>>
      %dma_wait3A_87 = tpu.memref_squeeze %dma_wait3A_86 : memref<1x1x640xf32, #tpu.memory_space<hbm>> -> memref<640xf32, #tpu.memory_space<hbm>>
      tpu.wait_dma2 semaphore(%run_scoped3A_79 : memref<!tpu.dma_semaphore, #tpu.memory_space<semaphore_mem>>) src(%arg26 : memref<640xf32, #tpu.memory_space<vmem>>) dst(%dma_wait3A_87 : memref<640xf32, #tpu.memory_space<hbm>>)
      tpu.yield
    }) : () -> ()
    %eq3A_74 = arith.constant 15 : i32
    %eq3A_75 = arith.cmpi eq, %arg1, %eq3A_74 : i32
    %convert_element_type3A_76 = arith.extui %eq3A_75 : i1 to i32
    %cond3A_77 = arith.constant 0 : i32
    %cond3A_78 = arith.cmpi ne, %convert_element_type3A_76, %cond3A_77 : i32
    scf.if %cond3A_78 {
      "tpu.region"() ({
        %run_scoped3A_79 = tpu.sem_alloc : memref<!tpu.dma_semaphore, #tpu.memory_space<semaphore_mem>>
        %dma_start3A_80 = arith.constant 9984 : i32
        %dma_start3A_81 = arith.constant 0 : i32
        %dma_start3A_82 = tpu.memref_slice %arg10[%arg0, %dma_start3A_80, %dma_start3A_81] : memref<2x10000x128xf32, #tpu.memory_space<hbm>> -> memref<1x16x128xf32, #tpu.memory_space<hbm>>
        %dma_start3A_83 = tpu.memref_squeeze %dma_start3A_82 : memref<1x16x128xf32, #tpu.memory_space<hbm>> -> memref<16x128xf32, #tpu.memory_space<hbm>>
        %dma_start3A_84 = arith.constant 9984 : i32
        %dma_start3A_85 = arith.constant 0 : i32
        %dma_start3A_86 = tpu.memref_slice %arg27[%dma_start3A_84, %dma_start3A_85] : memref<10000x128xf32, #tpu.memory_space<vmem_shared>> -> memref<16x128xf32, #tpu.memory_space<vmem_shared>>
        tpu.enqueue_dma source(%dma_start3A_86 : memref<16x128xf32, #tpu.memory_space<vmem_shared>>) target(%dma_start3A_83 : memref<16x128xf32, #tpu.memory_space<hbm>>) target_semaphore(%run_scoped3A_79 : memref<!tpu.dma_semaphore, #tpu.memory_space<semaphore_mem>>)
        %dma_wait3A_87 = arith.constant 9984 : i32
        %dma_wait3A_88 = arith.constant 0 : i32
        %dma_wait3A_89 = tpu.memref_slice %arg10[%arg0, %dma_wait3A_87, %dma_wait3A_88] : memref<2x10000x128xf32, #tpu.memory_space<hbm>> -> memref<1x16x128xf32, #tpu.memory_space<hbm>>
        %dma_wait3A_90 = tpu.memref_squeeze %dma_wait3A_89 : memref<1x16x128xf32, #tpu.memory_space<hbm>> -> memref<16x128xf32, #tpu.memory_space<hbm>>
        %dma_wait3A_91 = arith.constant 9984 : i32
        %dma_wait3A_92 = arith.constant 0 : i32
        %dma_wait3A_93 = tpu.memref_slice %arg27[%dma_wait3A_91, %dma_wait3A_92] : memref<10000x128xf32, #tpu.memory_space<vmem_shared>> -> memref<16x128xf32, #tpu.memory_space<vmem_shared>>
        tpu.wait_dma2 semaphore(%run_scoped3A_79 : memref<!tpu.dma_semaphore, #tpu.memory_space<semaphore_mem>>) src(%dma_wait3A_93 : memref<16x128xf32, #tpu.memory_space<vmem_shared>>) dst(%dma_wait3A_90 : memref<16x128xf32, #tpu.memory_space<hbm>>)
        tpu.yield
      }) : () -> ()
    } else {
    }
    return
  }
}

module attributes {stable_mosaic.version = 14 : i64} {
  func.func @_gcn_post_body(%arg0: memref<2x10000x128xf32, #tpu.memory_space<vmem>>, %arg1: memref<10000x128xf32, #tpu.memory_space<vmem>>, %arg2: memref<2x1x10240xf32, #tpu.memory_space<vmem>>, %arg3: memref<128xf32, #tpu.memory_space<vmem>>, %arg4: memref<128xf32, #tpu.memory_space<vmem>>, %arg5: memref<128xf32, #tpu.memory_space<vmem>>, %arg6: memref<10000x128xf32, #tpu.memory_space<vmem>>) attributes {dimension_semantics = [], scalar_prefetch = 0 : i64, scratch_operands = 0 : i64, tpu.core_type = #tpu.core_type<tc>} {
    %get3A = arith.constant 0 : index
    %get3A_0 = arith.constant 0 : index
    %get3A_1 = arith.constant 0 : index
    %get3A_2 = vector.load %arg0[%get3A, %get3A_0, %get3A_1] : memref<2x10000x128xf32, #tpu.memory_space<vmem>>, vector<1x10000x128xf32>
    %get3A_3 = vector.shape_cast %get3A_2 : vector<1x10000x128xf32> to vector<10000x128xf32>
    %get3A_4 = arith.constant 1 : index
    %get3A_5 = arith.constant 0 : index
    %get3A_6 = arith.constant 0 : index
    %get3A_7 = vector.load %arg0[%get3A_4, %get3A_5, %get3A_6] : memref<2x10000x128xf32, #tpu.memory_space<vmem>>, vector<1x10000x128xf32>
    %get3A_8 = vector.shape_cast %get3A_7 : vector<1x10000x128xf32> to vector<10000x128xf32>
    %add3A = arith.addf %get3A_3, %get3A_8 : vector<10000x128xf32>
    %get3A_9 = arith.constant 0 : index
    %get3A_10 = arith.constant 0 : index
    %get3A_11 = vector.load %arg1[%get3A_9, %get3A_10] : memref<10000x128xf32, #tpu.memory_space<vmem>>, vector<10000x128xf32>
    %get3A_12 = arith.constant 0 : index
    %get3A_13 = arith.constant 0 : index
    %get3A_14 = arith.constant 0 : index
    %get3A_15 = vector.load %arg2[%get3A_12, %get3A_13, %get3A_14] : memref<2x1x10240xf32, #tpu.memory_space<vmem>>, vector<1x1x10000xf32>
    %get3A_16 = vector.shape_cast %get3A_15 : vector<1x1x10000xf32> to vector<10000xf32>
    %get3A_17 = arith.constant 1 : index
    %get3A_18 = arith.constant 0 : index
    %get3A_19 = arith.constant 0 : index
    %get3A_20 = vector.load %arg2[%get3A_17, %get3A_18, %get3A_19] : memref<2x1x10240xf32, #tpu.memory_space<vmem>>, vector<1x1x10000xf32>
    %get3A_21 = vector.shape_cast %get3A_20 : vector<1x1x10000xf32> to vector<10000xf32>
    %add3A_22 = arith.addf %get3A_16, %get3A_21 : vector<10000xf32>
    %add3A_23 = arith.constant 1.000000e+00 : f32
    %add3A_24 = vector.broadcast %add3A_23 : f32 to vector<10000xf32>
    %add3A_25 = arith.addf %add3A_22, %add3A_24 : vector<10000xf32>
    %rsqrt3A = math.rsqrt %add3A_25 : vector<10000xf32>
    %broadcast_in_dim3A = vector.shape_cast %rsqrt3A : vector<10000xf32> to vector<10000x1xf32>
    %broadcast_in_dim3A_26 = vector.shape_cast %rsqrt3A : vector<10000xf32> to vector<10000x1xf32>
    %mul3A = vector.broadcast %broadcast_in_dim3A_26 : vector<10000x1xf32> to vector<10000x128xf32>
    %mul3A_27 = arith.mulf %mul3A, %get3A_11 : vector<10000x128xf32>
    %add3A_28 = arith.addf %add3A, %mul3A_27 : vector<10000x128xf32>
    %mul3A_29 = vector.broadcast %broadcast_in_dim3A : vector<10000x1xf32> to vector<10000x128xf32>
    %mul3A_30 = arith.mulf %mul3A_29, %add3A_28 : vector<10000x128xf32>
    %get3A_31 = arith.constant 0 : index
    %get3A_32 = vector.load %arg3[%get3A_31] : memref<128xf32, #tpu.memory_space<vmem>>, vector<128xf32>
    %broadcast_in_dim3A_33 = vector.shape_cast %get3A_32 : vector<128xf32> to vector<1x128xf32>
    %add3A_34 = vector.broadcast %broadcast_in_dim3A_33 : vector<1x128xf32> to vector<10000x128xf32>
    %add3A_35 = arith.addf %mul3A_30, %add3A_34 : vector<10000x128xf32>
    %reduce_sum3A = arith.constant dense<0.000000e+00> : vector<128xf32>
    %reduce_sum3A_36 = vector.multi_reduction <add>, %add3A_35, %reduce_sum3A [0] : vector<10000x128xf32> to vector<128xf32>
    %div3A = arith.constant 1.000000e+04 : f32
    %div3A_37 = vector.broadcast %div3A : f32 to vector<128xf32>
    %div3A_38 = arith.divf %reduce_sum3A_36, %div3A_37 : vector<128xf32>
    %broadcast_in_dim3A_39 = vector.shape_cast %div3A_38 : vector<128xf32> to vector<1x128xf32>
    %sub3A = vector.broadcast %broadcast_in_dim3A_39 : vector<1x128xf32> to vector<10000x128xf32>
    %sub3A_40 = arith.subf %add3A_35, %sub3A : vector<10000x128xf32>
    %integer_pow3A = arith.mulf %sub3A_40, %sub3A_40 : vector<10000x128xf32>
    %reduce_sum3A_41 = arith.constant dense<0.000000e+00> : vector<128xf32>
    %reduce_sum3A_42 = vector.multi_reduction <add>, %integer_pow3A, %reduce_sum3A_41 [0] : vector<10000x128xf32> to vector<128xf32>
    %div3A_43 = arith.constant 1.000000e+04 : f32
    %div3A_44 = vector.broadcast %div3A_43 : f32 to vector<128xf32>
    %div3A_45 = arith.divf %reduce_sum3A_42, %div3A_44 : vector<128xf32>
    %broadcast_in_dim3A_46 = vector.shape_cast %div3A_38 : vector<128xf32> to vector<1x128xf32>
    %sub3A_47 = vector.broadcast %broadcast_in_dim3A_46 : vector<1x128xf32> to vector<10000x128xf32>
    %sub3A_48 = arith.subf %add3A_35, %sub3A_47 : vector<10000x128xf32>
    %add3A_49 = arith.constant 9.99999974E-6 : f32
    %add3A_50 = vector.broadcast %add3A_49 : f32 to vector<128xf32>
    %add3A_51 = arith.addf %div3A_45, %add3A_50 : vector<128xf32>
    %rsqrt3A_52 = math.rsqrt %add3A_51 : vector<128xf32>
    %broadcast_in_dim3A_53 = vector.shape_cast %rsqrt3A_52 : vector<128xf32> to vector<1x128xf32>
    %mul3A_54 = vector.broadcast %broadcast_in_dim3A_53 : vector<1x128xf32> to vector<10000x128xf32>
    %mul3A_55 = arith.mulf %sub3A_48, %mul3A_54 : vector<10000x128xf32>
    %get3A_56 = arith.constant 0 : index
    %get3A_57 = vector.load %arg4[%get3A_56] : memref<128xf32, #tpu.memory_space<vmem>>, vector<128xf32>
    %broadcast_in_dim3A_58 = vector.shape_cast %get3A_57 : vector<128xf32> to vector<1x128xf32>
    %mul3A_59 = vector.broadcast %broadcast_in_dim3A_58 : vector<1x128xf32> to vector<10000x128xf32>
    %mul3A_60 = arith.mulf %mul3A_55, %mul3A_59 : vector<10000x128xf32>
    %get3A_61 = arith.constant 0 : index
    %get3A_62 = vector.load %arg5[%get3A_61] : memref<128xf32, #tpu.memory_space<vmem>>, vector<128xf32>
    %broadcast_in_dim3A_63 = vector.shape_cast %get3A_62 : vector<128xf32> to vector<1x128xf32>
    %add3A_64 = vector.broadcast %broadcast_in_dim3A_63 : vector<1x128xf32> to vector<10000x128xf32>
    %add3A_65 = arith.addf %mul3A_60, %add3A_64 : vector<10000x128xf32>
    %max3A = arith.constant 0.000000e+00 : f32
    %max3A_66 = vector.broadcast %max3A : f32 to vector<10000x128xf32>
    %max3A_67 = arith.maximumf %add3A_65, %max3A_66 : vector<10000x128xf32>
    %swap3A = arith.constant 0 : index
    %swap3A_68 = arith.constant 0 : index
    %swap3A_69 = vector.load %arg6[%swap3A, %swap3A_68] : memref<10000x128xf32, #tpu.memory_space<vmem>>, vector<10000x128xf32>
    tpu.vector_store %arg6[%swap3A, %swap3A_68], %max3A_67 {strides = array<i32>} : memref<10000x128xf32, #tpu.memory_space<vmem>>, vector<10000x128xf32>,
    return
  }
}

module attributes {stable_mosaic.version = 14 : i64} {
  func.func @_gcn_pre_body(%arg0: memref<10000x256xf32, #tpu.memory_space<vmem>>, %arg1: memref<10000x256xf32, #tpu.memory_space<vmem>>, %arg2: memref<512x128xf32, #tpu.memory_space<vmem>>, %arg3: memref<2x1x10240xf32, #tpu.memory_space<vmem>>, %arg4: memref<10000x128xf32, #tpu.memory_space<vmem>>, %arg5: memref<10000x128xf32, #tpu.memory_space<vmem>>) attributes {dimension_semantics = [], scalar_prefetch = 0 : i64, scratch_operands = 0 : i64, tpu.core_type = #tpu.core_type<tc>} {
    %get3A = arith.constant 0 : index
    %get3A_0 = arith.constant 0 : index
    %get3A_1 = vector.load %arg0[%get3A, %get3A_0] : memref<10000x256xf32, #tpu.memory_space<vmem>>, vector<10000x256xf32>
    %get3A_2 = arith.constant 0 : index
    %get3A_3 = arith.constant 0 : index
    %get3A_4 = vector.load %arg2[%get3A_2, %get3A_3] : memref<512x128xf32, #tpu.memory_space<vmem>>, vector<256x128xf32>
    %dot_general3A = arith.constant dense<0.000000e+00> : vector<10000x128xf32>
    %dot_general3A_5 = tpu.matmul %get3A_1, %get3A_4, %dot_general3A {dimension_numbers = #tpu.dot_dimension_numbers<[1], [0], [0], [1], [0, 0, 1, 1], [], []>, transpose_lhs_hint = false} : vector<10000x256xf32>, vector<256x128xf32>, vector<10000x128xf32> -> vector<10000x128xf32>
    %get3A_6 = arith.constant 0 : index
    %get3A_7 = arith.constant 0 : index
    %get3A_8 = vector.load %arg1[%get3A_6, %get3A_7] : memref<10000x256xf32, #tpu.memory_space<vmem>>, vector<10000x256xf32>
    %get3A_9 = arith.constant 256 : index
    %get3A_10 = arith.constant 0 : index
    %get3A_11 = vector.load %arg2[%get3A_9, %get3A_10] : memref<512x128xf32, #tpu.memory_space<vmem>>, vector<256x128xf32>
    %dot_general3A_12 = arith.constant dense<0.000000e+00> : vector<10000x128xf32>
    %dot_general3A_13 = tpu.matmul %get3A_8, %get3A_11, %dot_general3A_12 {dimension_numbers = #tpu.dot_dimension_numbers<[1], [0], [0], [1], [0, 0, 1, 1], [], []>, transpose_lhs_hint = false} : vector<10000x256xf32>, vector<256x128xf32>, vector<10000x128xf32> -> vector<10000x128xf32>
    %add3A = arith.addf %dot_general3A_5, %dot_general3A_13 : vector<10000x128xf32>
    %get3A_14 = arith.constant 0 : index
    %get3A_15 = arith.constant 0 : index
    %get3A_16 = arith.constant 0 : index
    %get3A_17 = vector.load %arg3[%get3A_14, %get3A_15, %get3A_16] : memref<2x1x10240xf32, #tpu.memory_space<vmem>>, vector<1x1x10000xf32>
    %get3A_18 = vector.shape_cast %get3A_17 : vector<1x1x10000xf32> to vector<10000xf32>
    %get3A_19 = arith.constant 1 : index
    %get3A_20 = arith.constant 0 : index
    %get3A_21 = arith.constant 0 : index
    %get3A_22 = vector.load %arg3[%get3A_19, %get3A_20, %get3A_21] : memref<2x1x10240xf32, #tpu.memory_space<vmem>>, vector<1x1x10000xf32>
    %get3A_23 = vector.shape_cast %get3A_22 : vector<1x1x10000xf32> to vector<10000xf32>
    %add3A_24 = arith.addf %get3A_18, %get3A_23 : vector<10000xf32>
    %add3A_25 = arith.constant 1.000000e+00 : f32
    %add3A_26 = vector.broadcast %add3A_25 : f32 to vector<10000xf32>
    %add3A_27 = arith.addf %add3A_24, %add3A_26 : vector<10000xf32>
    %rsqrt3A = math.rsqrt %add3A_27 : vector<10000xf32>
    %swap3A = arith.constant 0 : index
    %swap3A_28 = arith.constant 0 : index
    %swap3A_29 = vector.load %arg4[%swap3A, %swap3A_28] : memref<10000x128xf32, #tpu.memory_space<vmem>>, vector<10000x128xf32>
    tpu.vector_store %arg4[%swap3A, %swap3A_28], %add3A {strides = array<i32>} : memref<10000x128xf32, #tpu.memory_space<vmem>>, vector<10000x128xf32>,
    %broadcast_in_dim3A = vector.shape_cast %rsqrt3A : vector<10000xf32> to vector<10000x1xf32>
    %mul3A = vector.broadcast %broadcast_in_dim3A : vector<10000x1xf32> to vector<10000x128xf32>
    %mul3A_30 = arith.mulf %add3A, %mul3A : vector<10000x128xf32>
    %swap3A_31 = arith.constant 0 : index
    %swap3A_32 = arith.constant 0 : index
    %swap3A_33 = vector.load %arg5[%swap3A_31, %swap3A_32] : memref<10000x128xf32, #tpu.memory_space<vmem>>, vector<10000x128xf32>
    tpu.vector_store %arg5[%swap3A_31, %swap3A_32], %mul3A_30 {strides = array<i32>} : memref<10000x128xf32, #tpu.memory_space<vmem>>, vector<10000x128xf32>,
    return
  }
}

module attributes {stable_mosaic.version = 14 : i64} {
  func.func @_sage_body(%arg0: memref<2x10000x128xf32, #tpu.memory_space<vmem>>, %arg1: memref<10000x128xf32, #tpu.memory_space<vmem>>, %arg2: memref<2x1x10240xf32, #tpu.memory_space<vmem>>, %arg3: memref<128x128xf32, #tpu.memory_space<vmem>>, %arg4: memref<128xf32, #tpu.memory_space<vmem>>, %arg5: memref<128x128xf32, #tpu.memory_space<vmem>>, %arg6: memref<2x1x10240xf32, #tpu.memory_space<vmem>>, %arg7: memref<10000x128xf32, #tpu.memory_space<vmem>>, %arg8: memref<10000x128xf32, #tpu.memory_space<vmem>>) attributes {dimension_semantics = [], scalar_prefetch = 0 : i64, scratch_operands = 0 : i64, tpu.core_type = #tpu.core_type<tc>} {
    %get3A = arith.constant 0 : index
    %get3A_0 = arith.constant 0 : index
    %get3A_1 = arith.constant 0 : index
    %get3A_2 = vector.load %arg0[%get3A, %get3A_0, %get3A_1] : memref<2x10000x128xf32, #tpu.memory_space<vmem>>, vector<1x10000x128xf32>
    %get3A_3 = vector.shape_cast %get3A_2 : vector<1x10000x128xf32> to vector<10000x128xf32>
    %get3A_4 = arith.constant 1 : index
    %get3A_5 = arith.constant 0 : index
    %get3A_6 = arith.constant 0 : index
    %get3A_7 = vector.load %arg0[%get3A_4, %get3A_5, %get3A_6] : memref<2x10000x128xf32, #tpu.memory_space<vmem>>, vector<1x10000x128xf32>
    %get3A_8 = vector.shape_cast %get3A_7 : vector<1x10000x128xf32> to vector<10000x128xf32>
    %add3A = arith.addf %get3A_3, %get3A_8 : vector<10000x128xf32>
    %get3A_9 = arith.constant 0 : index
    %get3A_10 = arith.constant 0 : index
    %get3A_11 = vector.load %arg1[%get3A_9, %get3A_10] : memref<10000x128xf32, #tpu.memory_space<vmem>>, vector<10000x128xf32>
    %get3A_12 = arith.constant 0 : index
    %get3A_13 = arith.constant 0 : index
    %get3A_14 = arith.constant 0 : index
    %get3A_15 = vector.load %arg2[%get3A_12, %get3A_13, %get3A_14] : memref<2x1x10240xf32, #tpu.memory_space<vmem>>, vector<1x1x10000xf32>
    %get3A_16 = vector.shape_cast %get3A_15 : vector<1x1x10000xf32> to vector<10000xf32>
    %get3A_17 = arith.constant 1 : index
    %get3A_18 = arith.constant 0 : index
    %get3A_19 = arith.constant 0 : index
    %get3A_20 = vector.load %arg2[%get3A_17, %get3A_18, %get3A_19] : memref<2x1x10240xf32, #tpu.memory_space<vmem>>, vector<1x1x10000xf32>
    %get3A_21 = vector.shape_cast %get3A_20 : vector<1x1x10000xf32> to vector<10000xf32>
    %add3A_22 = arith.addf %get3A_16, %get3A_21 : vector<10000xf32>
    %jit3A = arith.constant 1.000000e+00 : f32
    %max3A = vector.broadcast %jit3A : f32 to vector<10000xf32>
    %max3A_23 = arith.maximumf %max3A, %add3A_22 : vector<10000xf32>
    %broadcast_in_dim3A = vector.shape_cast %max3A_23 : vector<10000xf32> to vector<10000x1xf32>
    %div3A = vector.broadcast %broadcast_in_dim3A : vector<10000x1xf32> to vector<10000x128xf32>
    %div3A_24 = arith.divf %add3A, %div3A : vector<10000x128xf32>
    %get3A_25 = arith.constant 0 : index
    %get3A_26 = arith.constant 0 : index
    %get3A_27 = vector.load %arg3[%get3A_25, %get3A_26] : memref<128x128xf32, #tpu.memory_space<vmem>>, vector<128x128xf32>
    %dot_general3A = arith.constant dense<0.000000e+00> : vector<10000x128xf32>
    %dot_general3A_28 = tpu.matmul %div3A_24, %get3A_27, %dot_general3A {dimension_numbers = #tpu.dot_dimension_numbers<[1], [0], [0], [1], [0, 0, 1, 1], [], []>, transpose_lhs_hint = false} : vector<10000x128xf32>, vector<128x128xf32>, vector<10000x128xf32> -> vector<10000x128xf32>
    %get3A_29 = arith.constant 0 : index
    %get3A_30 = vector.load %arg4[%get3A_29] : memref<128xf32, #tpu.memory_space<vmem>>, vector<128xf32>
    %broadcast_in_dim3A_31 = vector.shape_cast %get3A_30 : vector<128xf32> to vector<1x128xf32>
    %add3A_32 = vector.broadcast %broadcast_in_dim3A_31 : vector<1x128xf32> to vector<10000x128xf32>
    %add3A_33 = arith.addf %dot_general3A_28, %add3A_32 : vector<10000x128xf32>
    %get3A_34 = arith.constant 0 : index
    %get3A_35 = arith.constant 0 : index
    %get3A_36 = vector.load %arg5[%get3A_34, %get3A_35] : memref<128x128xf32, #tpu.memory_space<vmem>>, vector<128x128xf32>
    %dot_general3A_37 = arith.constant dense<0.000000e+00> : vector<10000x128xf32>
    %dot_general3A_38 = tpu.matmul %get3A_11, %get3A_36, %dot_general3A_37 {dimension_numbers = #tpu.dot_dimension_numbers<[1], [0], [0], [1], [0, 0, 1, 1], [], []>, transpose_lhs_hint = false} : vector<10000x128xf32>, vector<128x128xf32>, vector<10000x128xf32> -> vector<10000x128xf32>
    %add3A_39 = arith.addf %add3A_33, %dot_general3A_38 : vector<10000x128xf32>
    %max3A_40 = arith.constant 0.000000e+00 : f32
    %max3A_41 = vector.broadcast %max3A_40 : f32 to vector<10000x128xf32>
    %max3A_42 = arith.maximumf %add3A_39, %max3A_41 : vector<10000x128xf32>
    %get3A_43 = arith.constant 0 : index
    %get3A_44 = arith.constant 0 : index
    %get3A_45 = arith.constant 0 : index
    %get3A_46 = vector.load %arg6[%get3A_43, %get3A_44, %get3A_45] : memref<2x1x10240xf32, #tpu.memory_space<vmem>>, vector<1x1x10000xf32>
    %get3A_47 = vector.shape_cast %get3A_46 : vector<1x1x10000xf32> to vector<10000xf32>
    %get3A_48 = arith.constant 1 : index
    %get3A_49 = arith.constant 0 : index
    %get3A_50 = arith.constant 0 : index
    %get3A_51 = vector.load %arg6[%get3A_48, %get3A_49, %get3A_50] : memref<2x1x10240xf32, #tpu.memory_space<vmem>>, vector<1x1x10000xf32>
    %get3A_52 = vector.shape_cast %get3A_51 : vector<1x1x10000xf32> to vector<10000xf32>
    %add3A_53 = arith.addf %get3A_47, %get3A_52 : vector<10000xf32>
    %gt3A = arith.constant 0.000000e+00 : f32
    %gt3A_54 = vector.broadcast %gt3A : f32 to vector<10000xf32>
    %gt3A_55 = arith.cmpf ogt, %add3A_53, %gt3A_54 : vector<10000xf32>
    %max3A_56 = arith.constant 1.000000e-30 : f32
    %max3A_57 = vector.broadcast %max3A_56 : f32 to vector<10000xf32>
    %max3A_58 = arith.maximumf %add3A_53, %max3A_57 : vector<10000xf32>
    %rsqrt3A = math.rsqrt %max3A_58 : vector<10000xf32>
    %jit3A_59 = arith.constant 0.000000e+00 : f32
    %broadcast_in_dim3A_60 = vector.broadcast %jit3A_59 : f32 to vector<10000xf32>
    %select_n3A = arith.select %gt3A_55, %rsqrt3A, %broadcast_in_dim3A_60 : vector<10000xi1>, vector<10000xf32>
    %swap3A = arith.constant 0 : index
    %swap3A_61 = arith.constant 0 : index
    %swap3A_62 = vector.load %arg7[%swap3A, %swap3A_61] : memref<10000x128xf32, #tpu.memory_space<vmem>>, vector<10000x128xf32>
    tpu.vector_store %arg7[%swap3A, %swap3A_61], %max3A_42 {strides = array<i32>} : memref<10000x128xf32, #tpu.memory_space<vmem>>, vector<10000x128xf32>,
    %broadcast_in_dim3A_63 = vector.shape_cast %select_n3A : vector<10000xf32> to vector<10000x1xf32>
    %mul3A = vector.broadcast %broadcast_in_dim3A_63 : vector<10000x1xf32> to vector<10000x128xf32>
    %mul3A_64 = arith.mulf %max3A_42, %mul3A : vector<10000x128xf32>
    %swap3A_65 = arith.constant 0 : index
    %swap3A_66 = arith.constant 0 : index
    %swap3A_67 = vector.load %arg8[%swap3A_65, %swap3A_66] : memref<10000x128xf32, #tpu.memory_space<vmem>>, vector<10000x128xf32>
    tpu.vector_store %arg8[%swap3A_65, %swap3A_66], %mul3A_64 {strides = array<i32>} : memref<10000x128xf32, #tpu.memory_space<vmem>>, vector<10000x128xf32>,
    return
  }
}

module attributes {stable_mosaic.version = 14 : i64} {
  func.func @_cheb_gat_prep_body(%arg0: memref<2x10000x128xf32, #tpu.memory_space<vmem>>, %arg1: memref<10000x128xf32, #tpu.memory_space<vmem>>, %arg2: memref<2x1x10240xf32, #tpu.memory_space<vmem>>, %arg3: memref<128x128xf32, #tpu.memory_space<vmem>>, %arg4: memref<128x128xf32, #tpu.memory_space<vmem>>, %arg5: memref<128xf32, #tpu.memory_space<vmem>>, %arg6: memref<128x128xf32, #tpu.memory_space<vmem>>, %arg7: memref<128xf32, #tpu.memory_space<vmem>>, %arg8: memref<128xf32, #tpu.memory_space<vmem>>, %arg9: memref<10000x128xf32, #tpu.memory_space<vmem>>, %arg10: memref<10000xf32, #tpu.memory_space<vmem>>, %arg11: memref<10000xf32, #tpu.memory_space<vmem>>, %arg12: memref<16xf32, #tpu.memory_space<vmem>>) attributes {dimension_semantics = [], scalar_prefetch = 0 : i64, scratch_operands = 0 : i64, tpu.core_type = #tpu.core_type<tc>} {
    %get3A = arith.constant 0 : index
    %get3A_0 = arith.constant 0 : index
    %get3A_1 = arith.constant 0 : index
    %get3A_2 = vector.load %arg2[%get3A, %get3A_0, %get3A_1] : memref<2x1x10240xf32, #tpu.memory_space<vmem>>, vector<1x1x10000xf32>
    %get3A_3 = vector.shape_cast %get3A_2 : vector<1x1x10000xf32> to vector<10000xf32>
    %get3A_4 = arith.constant 1 : index
    %get3A_5 = arith.constant 0 : index
    %get3A_6 = arith.constant 0 : index
    %get3A_7 = vector.load %arg2[%get3A_4, %get3A_5, %get3A_6] : memref<2x1x10240xf32, #tpu.memory_space<vmem>>, vector<1x1x10000xf32>
    %get3A_8 = vector.shape_cast %get3A_7 : vector<1x1x10000xf32> to vector<10000xf32>
    %add3A = arith.addf %get3A_3, %get3A_8 : vector<10000xf32>
    %gt3A = arith.constant 0.000000e+00 : f32
    %gt3A_9 = vector.broadcast %gt3A : f32 to vector<10000xf32>
    %gt3A_10 = arith.cmpf ogt, %add3A, %gt3A_9 : vector<10000xf32>
    %max3A = arith.constant 1.000000e-30 : f32
    %max3A_11 = vector.broadcast %max3A : f32 to vector<10000xf32>
    %max3A_12 = arith.maximumf %add3A, %max3A_11 : vector<10000xf32>
    %rsqrt3A = math.rsqrt %max3A_12 : vector<10000xf32>
    %jit3A = arith.constant 0.000000e+00 : f32
    %broadcast_in_dim3A = vector.broadcast %jit3A : f32 to vector<10000xf32>
    %select_n3A = arith.select %gt3A_10, %rsqrt3A, %broadcast_in_dim3A : vector<10000xi1>, vector<10000xf32>
    %broadcast_in_dim3A_13 = vector.shape_cast %select_n3A : vector<10000xf32> to vector<10000x1xf32>
    %neg3A = arith.constant 0.000000e+00 : f32
    %neg3A_14 = vector.broadcast %neg3A : f32 to vector<10000x1xf32>
    %neg3A_15 = arith.subf %neg3A_14, %broadcast_in_dim3A_13 : vector<10000x1xf32>
    %get3A_16 = arith.constant 0 : index
    %get3A_17 = arith.constant 0 : index
    %get3A_18 = arith.constant 0 : index
    %get3A_19 = vector.load %arg0[%get3A_16, %get3A_17, %get3A_18] : memref<2x10000x128xf32, #tpu.memory_space<vmem>>, vector<1x10000x128xf32>
    %get3A_20 = vector.shape_cast %get3A_19 : vector<1x10000x128xf32> to vector<10000x128xf32>
    %get3A_21 = arith.constant 1 : index
    %get3A_22 = arith.constant 0 : index
    %get3A_23 = arith.constant 0 : index
    %get3A_24 = vector.load %arg0[%get3A_21, %get3A_22, %get3A_23] : memref<2x10000x128xf32, #tpu.memory_space<vmem>>, vector<1x10000x128xf32>
    %get3A_25 = vector.shape_cast %get3A_24 : vector<1x10000x128xf32> to vector<10000x128xf32>
    %add3A_26 = arith.addf %get3A_20, %get3A_25 : vector<10000x128xf32>
    %mul3A = vector.broadcast %neg3A_15 : vector<10000x1xf32> to vector<10000x128xf32>
    %mul3A_27 = arith.mulf %mul3A, %add3A_26 : vector<10000x128xf32>
    %get3A_28 = arith.constant 0 : index
    %get3A_29 = arith.constant 0 : index
    %get3A_30 = vector.load %arg1[%get3A_28, %get3A_29] : memref<10000x128xf32, #tpu.memory_space<vmem>>, vector<10000x128xf32>
    %get3A_31 = arith.constant 0 : index
    %get3A_32 = arith.constant 0 : index
    %get3A_33 = vector.load %arg3[%get3A_31, %get3A_32] : memref<128x128xf32, #tpu.memory_space<vmem>>, vector<128x128xf32>
    %dot_general3A = arith.constant dense<0.000000e+00> : vector<10000x128xf32>
    %dot_general3A_34 = tpu.matmul %get3A_30, %get3A_33, %dot_general3A {dimension_numbers = #tpu.dot_dimension_numbers<[1], [0], [0], [1], [0, 0, 1, 1], [], []>, transpose_lhs_hint = false} : vector<10000x128xf32>, vector<128x128xf32>, vector<10000x128xf32> -> vector<10000x128xf32>
    %get3A_35 = arith.constant 0 : index
    %get3A_36 = arith.constant 0 : index
    %get3A_37 = vector.load %arg4[%get3A_35, %get3A_36] : memref<128x128xf32, #tpu.memory_space<vmem>>, vector<128x128xf32>
    %dot_general3A_38 = arith.constant dense<0.000000e+00> : vector<10000x128xf32>
    %dot_general3A_39 = tpu.matmul %mul3A_27, %get3A_37, %dot_general3A_38 {dimension_numbers = #tpu.dot_dimension_numbers<[1], [0], [0], [1], [0, 0, 1, 1], [], []>, transpose_lhs_hint = false} : vector<10000x128xf32>, vector<128x128xf32>, vector<10000x128xf32> -> vector<10000x128xf32>
    %add3A_40 = arith.addf %dot_general3A_34, %dot_general3A_39 : vector<10000x128xf32>
    %get3A_41 = arith.constant 0 : index
    %get3A_42 = vector.load %arg5[%get3A_41] : memref<128xf32, #tpu.memory_space<vmem>>, vector<128xf32>
    %broadcast_in_dim3A_43 = vector.shape_cast %get3A_42 : vector<128xf32> to vector<1x128xf32>
    %add3A_44 = vector.broadcast %broadcast_in_dim3A_43 : vector<1x128xf32> to vector<10000x128xf32>
    %add3A_45 = arith.addf %add3A_40, %add3A_44 : vector<10000x128xf32>
    %max3A_46 = arith.constant 0.000000e+00 : f32
    %max3A_47 = vector.broadcast %max3A_46 : f32 to vector<10000x128xf32>
    %max3A_48 = arith.maximumf %add3A_45, %max3A_47 : vector<10000x128xf32>
    %get3A_49 = arith.constant 0 : index
    %get3A_50 = arith.constant 0 : index
    %get3A_51 = vector.load %arg6[%get3A_49, %get3A_50] : memref<128x128xf32, #tpu.memory_space<vmem>>, vector<128x128xf32>
    %dot_general3A_52 = arith.constant dense<0.000000e+00> : vector<10000x128xf32>
    %dot_general3A_53 = tpu.matmul %max3A_48, %get3A_51, %dot_general3A_52 {dimension_numbers = #tpu.dot_dimension_numbers<[1], [0], [0], [1], [0, 0, 1, 1], [], []>, transpose_lhs_hint = false} : vector<10000x128xf32>, vector<128x128xf32>, vector<10000x128xf32> -> vector<10000x128xf32>
    %get3A_54 = arith.constant 0 : index
    %get3A_55 = vector.load %arg7[%get3A_54] : memref<128xf32, #tpu.memory_space<vmem>>, vector<128xf32>
    %broadcast_in_dim3A_56 = vector.shape_cast %get3A_55 : vector<128xf32> to vector<128x1xf32>
    %dot_general3A_57 = arith.constant dense<0.000000e+00> : vector<10000x1xf32>
    %dot_general3A_58 = tpu.matmul %dot_general3A_53, %broadcast_in_dim3A_56, %dot_general3A_57 {dimension_numbers = #tpu.dot_dimension_numbers<[1], [0], [0], [1], [0, 0, 1, 1], [], []>, transpose_lhs_hint = false} : vector<10000x128xf32>, vector<128x1xf32>, vector<10000x1xf32> -> vector<10000x1xf32>
    %squeeze3A = vector.shape_cast %dot_general3A_58 : vector<10000x1xf32> to vector<10000xf32>
    %get3A_59 = arith.constant 0 : index
    %get3A_60 = vector.load %arg8[%get3A_59] : memref<128xf32, #tpu.memory_space<vmem>>, vector<128xf32>
    %broadcast_in_dim3A_61 = vector.shape_cast %get3A_60 : vector<128xf32> to vector<128x1xf32>
    %dot_general3A_62 = arith.constant dense<0.000000e+00> : vector<10000x1xf32>
    %dot_general3A_63 = tpu.matmul %dot_general3A_53, %broadcast_in_dim3A_61, %dot_general3A_62 {dimension_numbers = #tpu.dot_dimension_numbers<[1], [0], [0], [1], [0, 0, 1, 1], [], []>, transpose_lhs_hint = false} : vector<10000x128xf32>, vector<128x1xf32>, vector<10000x1xf32> -> vector<10000x1xf32>
    %squeeze3A_64 = vector.shape_cast %dot_general3A_63 : vector<10000x1xf32> to vector<10000xf32>
    %reduce_max3A = vector.shape_cast %squeeze3A : vector<10000xf32> to vector<1x10000xf32>
    %reduce_max3A_65 = arith.constant dense<0xFF800000> : vector<1xf32>
    %reduce_max3A_66 = vector.multi_reduction <maximumf>, %reduce_max3A, %reduce_max3A_65 [1] : vector<1x10000xf32> to vector<1xf32>
    %reduce_max3A_67 = vector.shape_cast %reduce_max3A_66 : vector<1xf32> to vector<1x1xf32>
    %reduce_max3A_68 = vector.extract %reduce_max3A_67[0, 0] : f32 from vector<1x1xf32>
    %reduce_max3A_69 = vector.shape_cast %squeeze3A_64 : vector<10000xf32> to vector<1x10000xf32>
    %reduce_max3A_70 = arith.constant dense<0xFF800000> : vector<1xf32>
    %reduce_max3A_71 = vector.multi_reduction <maximumf>, %reduce_max3A_69, %reduce_max3A_70 [1] : vector<1x10000xf32> to vector<1xf32>
    %reduce_max3A_72 = vector.shape_cast %reduce_max3A_71 : vector<1xf32> to vector<1x1xf32>
    %reduce_max3A_73 = vector.extract %reduce_max3A_72[0, 0] : f32 from vector<1x1xf32>
    %add3A_74 = arith.addf %reduce_max3A_68, %reduce_max3A_73 : f32
    %max3A_75 = arith.constant 0.000000e+00 : f32
    %max3A_76 = arith.maximumf %add3A_74, %max3A_75 : f32
    %swap3A = arith.constant 0 : index
    %swap3A_77 = arith.constant 0 : index
    %swap3A_78 = vector.load %arg9[%swap3A, %swap3A_77] : memref<10000x128xf32, #tpu.memory_space<vmem>>, vector<10000x128xf32>
    tpu.vector_store %arg9[%swap3A, %swap3A_77], %dot_general3A_53 {strides = array<i32>} : memref<10000x128xf32, #tpu.memory_space<vmem>>, vector<10000x128xf32>,
    %swap3A_79 = arith.constant 0 : index
    %swap3A_80 = vector.load %arg10[%swap3A_79] : memref<10000xf32, #tpu.memory_space<vmem>>, vector<10000xf32>
    tpu.vector_store %arg10[%swap3A_79], %squeeze3A {strides = array<i32>} : memref<10000xf32, #tpu.memory_space<vmem>>, vector<10000xf32>,
    %swap3A_81 = arith.constant 0 : index
    %swap3A_82 = vector.load %arg11[%swap3A_81] : memref<10000xf32, #tpu.memory_space<vmem>>, vector<10000xf32>
    tpu.vector_store %arg11[%swap3A_81], %squeeze3A_64 {strides = array<i32>} : memref<10000xf32, #tpu.memory_space<vmem>>, vector<10000xf32>,
    %broadcast_in_dim3A_83 = vector.broadcast %max3A_76 : f32 to vector<16xf32>
    %swap3A_84 = arith.constant 0 : index
    %swap3A_85 = vector.load %arg12[%swap3A_84] : memref<16xf32, #tpu.memory_space<vmem>>, vector<16xf32>
    tpu.vector_store %arg12[%swap3A_84], %broadcast_in_dim3A_83 {strides = array<i32>} : memref<16xf32, #tpu.memory_space<vmem>>, vector<16xf32>,
    return
  }
}

module attributes {stable_mosaic.version = 14 : i64} {
  func.func @_gat1_post_body(%arg0: memref<2x10000x128xf32, #tpu.memory_space<vmem>>, %arg1: memref<2x1x10240xf32, #tpu.memory_space<vmem>>, %arg2: memref<10000x128xf32, #tpu.memory_space<vmem>>, %arg3: memref<10000xf32, #tpu.memory_space<vmem>>, %arg4: memref<10000xf32, #tpu.memory_space<vmem>>, %arg5: memref<128xf32, #tpu.memory_space<vmem>>, %arg6: memref<128x128xf32, #tpu.memory_space<vmem>>, %arg7: memref<128xf32, #tpu.memory_space<vmem>>, %arg8: memref<128xf32, #tpu.memory_space<vmem>>, %arg9: memref<10000x128xf32, #tpu.memory_space<vmem>>, %arg10: memref<10000xf32, #tpu.memory_space<vmem>>, %arg11: memref<10000xf32, #tpu.memory_space<vmem>>, %arg12: memref<16xf32, #tpu.memory_space<vmem>>) attributes {dimension_semantics = [], scalar_prefetch = 0 : i64, scratch_operands = 0 : i64, tpu.core_type = #tpu.core_type<tc>} {
    %get3A = arith.constant 0 : index
    %get3A_0 = arith.constant 0 : index
    %get3A_1 = arith.constant 0 : index
    %get3A_2 = vector.load %arg0[%get3A, %get3A_0, %get3A_1] : memref<2x10000x128xf32, #tpu.memory_space<vmem>>, vector<1x10000x128xf32>
    %get3A_3 = vector.shape_cast %get3A_2 : vector<1x10000x128xf32> to vector<10000x128xf32>
    %get3A_4 = arith.constant 1 : index
    %get3A_5 = arith.constant 0 : index
    %get3A_6 = arith.constant 0 : index
    %get3A_7 = vector.load %arg0[%get3A_4, %get3A_5, %get3A_6] : memref<2x10000x128xf32, #tpu.memory_space<vmem>>, vector<1x10000x128xf32>
    %get3A_8 = vector.shape_cast %get3A_7 : vector<1x10000x128xf32> to vector<10000x128xf32>
    %add3A = arith.addf %get3A_3, %get3A_8 : vector<10000x128xf32>
    %get3A_9 = arith.constant 0 : index
    %get3A_10 = arith.constant 0 : index
    %get3A_11 = arith.constant 0 : index
    %get3A_12 = vector.load %arg1[%get3A_9, %get3A_10, %get3A_11] : memref<2x1x10240xf32, #tpu.memory_space<vmem>>, vector<1x1x10000xf32>
    %get3A_13 = vector.shape_cast %get3A_12 : vector<1x1x10000xf32> to vector<10000xf32>
    %get3A_14 = arith.constant 1 : index
    %get3A_15 = arith.constant 0 : index
    %get3A_16 = arith.constant 0 : index
    %get3A_17 = vector.load %arg1[%get3A_14, %get3A_15, %get3A_16] : memref<2x1x10240xf32, #tpu.memory_space<vmem>>, vector<1x1x10000xf32>
    %get3A_18 = vector.shape_cast %get3A_17 : vector<1x1x10000xf32> to vector<10000xf32>
    %add3A_19 = arith.addf %get3A_13, %get3A_18 : vector<10000xf32>
    %get3A_20 = arith.constant 0 : index
    %get3A_21 = vector.load %arg3[%get3A_20] : memref<10000xf32, #tpu.memory_space<vmem>>, vector<10000xf32>
    %get3A_22 = arith.constant 0 : index
    %get3A_23 = vector.load %arg4[%get3A_22] : memref<10000xf32, #tpu.memory_space<vmem>>, vector<10000xf32>
    %reduce_max3A = vector.shape_cast %get3A_21 : vector<10000xf32> to vector<1x10000xf32>
    %reduce_max3A_24 = arith.constant dense<0xFF800000> : vector<1xf32>
    %reduce_max3A_25 = vector.multi_reduction <maximumf>, %reduce_max3A, %reduce_max3A_24 [1] : vector<1x10000xf32> to vector<1xf32>
    %reduce_max3A_26 = vector.shape_cast %reduce_max3A_25 : vector<1xf32> to vector<1x1xf32>
    %reduce_max3A_27 = vector.extract %reduce_max3A_26[0, 0] : f32 from vector<1x1xf32>
    %reduce_max3A_28 = vector.shape_cast %get3A_23 : vector<10000xf32> to vector<1x10000xf32>
    %reduce_max3A_29 = arith.constant dense<0xFF800000> : vector<1xf32>
    %reduce_max3A_30 = vector.multi_reduction <maximumf>, %reduce_max3A_28, %reduce_max3A_29 [1] : vector<1x10000xf32> to vector<1xf32>
    %reduce_max3A_31 = vector.shape_cast %reduce_max3A_30 : vector<1xf32> to vector<1x1xf32>
    %reduce_max3A_32 = vector.extract %reduce_max3A_31[0, 0] : f32 from vector<1x1xf32>
    %add3A_33 = arith.addf %reduce_max3A_27, %reduce_max3A_32 : f32
    %max3A = arith.constant 0.000000e+00 : f32
    %max3A_34 = arith.maximumf %add3A_33, %max3A : f32
    %add3A_35 = arith.addf %get3A_21, %get3A_23 : vector<10000xf32>
    %gt3A = arith.constant 0.000000e+00 : f32
    %gt3A_36 = vector.broadcast %gt3A : f32 to vector<10000xf32>
    %gt3A_37 = arith.cmpf ogt, %add3A_35, %gt3A_36 : vector<10000xf32>
    %mul3A = arith.constant 2.000000e-01 : f32
    %mul3A_38 = vector.broadcast %mul3A : f32 to vector<10000xf32>
    %mul3A_39 = arith.mulf %mul3A_38, %add3A_35 : vector<10000xf32>
    %select_n3A = arith.select %gt3A_37, %add3A_35, %mul3A_39 : vector<10000xi1>, vector<10000xf32>
    %sub3A = vector.broadcast %max3A_34 : f32 to vector<10000xf32>
    %sub3A_40 = arith.subf %select_n3A, %sub3A : vector<10000xf32>
    %exp3A = math.exp %sub3A_40 : vector<10000xf32>
    %get3A_41 = arith.constant 0 : index
    %get3A_42 = arith.constant 0 : index
    %get3A_43 = vector.load %arg2[%get3A_41, %get3A_42] : memref<10000x128xf32, #tpu.memory_space<vmem>>, vector<10000x128xf32>
    %broadcast_in_dim3A = vector.shape_cast %exp3A : vector<10000xf32> to vector<10000x1xf32>
    %mul3A_44 = vector.broadcast %broadcast_in_dim3A : vector<10000x1xf32> to vector<10000x128xf32>
    %mul3A_45 = arith.mulf %mul3A_44, %get3A_43 : vector<10000x128xf32>
    %add3A_46 = arith.addf %add3A, %mul3A_45 : vector<10000x128xf32>
    %add3A_47 = arith.addf %add3A_19, %exp3A : vector<10000xf32>
    %broadcast_in_dim3A_48 = vector.shape_cast %add3A_47 : vector<10000xf32> to vector<10000x1xf32>
    %div3A = vector.broadcast %broadcast_in_dim3A_48 : vector<10000x1xf32> to vector<10000x128xf32>
    %div3A_49 = arith.divf %add3A_46, %div3A : vector<10000x128xf32>
    %get3A_50 = arith.constant 0 : index
    %get3A_51 = vector.load %arg5[%get3A_50] : memref<128xf32, #tpu.memory_space<vmem>>, vector<128xf32>
    %broadcast_in_dim3A_52 = vector.shape_cast %get3A_51 : vector<128xf32> to vector<1x128xf32>
    %add3A_53 = vector.broadcast %broadcast_in_dim3A_52 : vector<1x128xf32> to vector<10000x128xf32>
    %add3A_54 = arith.addf %div3A_49, %add3A_53 : vector<10000x128xf32>
    %gt3A_55 = arith.constant 0.000000e+00 : f32
    %gt3A_56 = vector.broadcast %gt3A_55 : f32 to vector<10000x128xf32>
    %gt3A_57 = arith.cmpf ogt, %add3A_54, %gt3A_56 : vector<10000x128xf32>
    %min3A = arith.constant 0.000000e+00 : f32
    %min3A_58 = vector.broadcast %min3A : f32 to vector<10000x128xf32>
    %min3A_59 = arith.minimumf %add3A_54, %min3A_58 : vector<10000x128xf32>
    %exp3A_60 = math.exp %min3A_59 : vector<10000x128xf32>
    %sub3A_61 = arith.constant 1.000000e+00 : f32
    %sub3A_62 = vector.broadcast %sub3A_61 : f32 to vector<10000x128xf32>
    %sub3A_63 = arith.subf %exp3A_60, %sub3A_62 : vector<10000x128xf32>
    %select_n3A_64 = arith.select %gt3A_57, %add3A_54, %sub3A_63 : vector<10000x128xi1>, vector<10000x128xf32>
    %get3A_65 = arith.constant 0 : index
    %get3A_66 = arith.constant 0 : index
    %get3A_67 = vector.load %arg6[%get3A_65, %get3A_66] : memref<128x128xf32, #tpu.memory_space<vmem>>, vector<128x128xf32>
    %dot_general3A = arith.constant dense<0.000000e+00> : vector<10000x128xf32>
    %dot_general3A_68 = tpu.matmul %select_n3A_64, %get3A_67, %dot_general3A {dimension_numbers = #tpu.dot_dimension_numbers<[1], [0], [0], [1], [0, 0, 1, 1], [], []>, transpose_lhs_hint = false} : vector<10000x128xf32>, vector<128x128xf32>, vector<10000x128xf32> -> vector<10000x128xf32>
    %get3A_69 = arith.constant 0 : index
    %get3A_70 = vector.load %arg7[%get3A_69] : memref<128xf32, #tpu.memory_space<vmem>>, vector<128xf32>
    %broadcast_in_dim3A_71 = vector.shape_cast %get3A_70 : vector<128xf32> to vector<128x1xf32>
    %dot_general3A_72 = arith.constant dense<0.000000e+00> : vector<10000x1xf32>
    %dot_general3A_73 = tpu.matmul %dot_general3A_68, %broadcast_in_dim3A_71, %dot_general3A_72 {dimension_numbers = #tpu.dot_dimension_numbers<[1], [0], [0], [1], [0, 0, 1, 1], [], []>, transpose_lhs_hint = false} : vector<10000x128xf32>, vector<128x1xf32>, vector<10000x1xf32> -> vector<10000x1xf32>
    %squeeze3A = vector.shape_cast %dot_general3A_73 : vector<10000x1xf32> to vector<10000xf32>
    %get3A_74 = arith.constant 0 : index
    %get3A_75 = vector.load %arg8[%get3A_74] : memref<128xf32, #tpu.memory_space<vmem>>, vector<128xf32>
    %broadcast_in_dim3A_76 = vector.shape_cast %get3A_75 : vector<128xf32> to vector<128x1xf32>
    %dot_general3A_77 = arith.constant dense<0.000000e+00> : vector<10000x1xf32>
    %dot_general3A_78 = tpu.matmul %dot_general3A_68, %broadcast_in_dim3A_76, %dot_general3A_77 {dimension_numbers = #tpu.dot_dimension_numbers<[1], [0], [0], [1], [0, 0, 1, 1], [], []>, transpose_lhs_hint = false} : vector<10000x128xf32>, vector<128x1xf32>, vector<10000x1xf32> -> vector<10000x1xf32>
    %squeeze3A_79 = vector.shape_cast %dot_general3A_78 : vector<10000x1xf32> to vector<10000xf32>
    %reduce_max3A_80 = vector.shape_cast %squeeze3A : vector<10000xf32> to vector<1x10000xf32>
    %reduce_max3A_81 = arith.constant dense<0xFF800000> : vector<1xf32>
    %reduce_max3A_82 = vector.multi_reduction <maximumf>, %reduce_max3A_80, %reduce_max3A_81 [1] : vector<1x10000xf32> to vector<1xf32>
    %reduce_max3A_83 = vector.shape_cast %reduce_max3A_82 : vector<1xf32> to vector<1x1xf32>
    %reduce_max3A_84 = vector.extract %reduce_max3A_83[0, 0] : f32 from vector<1x1xf32>
    %reduce_max3A_85 = vector.shape_cast %squeeze3A_79 : vector<10000xf32> to vector<1x10000xf32>
    %reduce_max3A_86 = arith.constant dense<0xFF800000> : vector<1xf32>
    %reduce_max3A_87 = vector.multi_reduction <maximumf>, %reduce_max3A_85, %reduce_max3A_86 [1] : vector<1x10000xf32> to vector<1xf32>
    %reduce_max3A_88 = vector.shape_cast %reduce_max3A_87 : vector<1xf32> to vector<1x1xf32>
    %reduce_max3A_89 = vector.extract %reduce_max3A_88[0, 0] : f32 from vector<1x1xf32>
    %add3A_90 = arith.addf %reduce_max3A_84, %reduce_max3A_89 : f32
    %max3A_91 = arith.constant 0.000000e+00 : f32
    %max3A_92 = arith.maximumf %add3A_90, %max3A_91 : f32
    %swap3A = arith.constant 0 : index
    %swap3A_93 = arith.constant 0 : index
    %swap3A_94 = vector.load %arg9[%swap3A, %swap3A_93] : memref<10000x128xf32, #tpu.memory_space<vmem>>, vector<10000x128xf32>
    tpu.vector_store %arg9[%swap3A, %swap3A_93], %dot_general3A_68 {strides = array<i32>} : memref<10000x128xf32, #tpu.memory_space<vmem>>, vector<10000x128xf32>,
    %swap3A_95 = arith.constant 0 : index
    %swap3A_96 = vector.load %arg10[%swap3A_95] : memref<10000xf32, #tpu.memory_space<vmem>>, vector<10000xf32>
    tpu.vector_store %arg10[%swap3A_95], %squeeze3A {strides = array<i32>} : memref<10000xf32, #tpu.memory_space<vmem>>, vector<10000xf32>,
    %swap3A_97 = arith.constant 0 : index
    %swap3A_98 = vector.load %arg11[%swap3A_97] : memref<10000xf32, #tpu.memory_space<vmem>>, vector<10000xf32>
    tpu.vector_store %arg11[%swap3A_97], %squeeze3A_79 {strides = array<i32>} : memref<10000xf32, #tpu.memory_space<vmem>>, vector<10000xf32>,
    %broadcast_in_dim3A_99 = vector.broadcast %max3A_92 : f32 to vector<16xf32>
    %swap3A_100 = arith.constant 0 : index
    %swap3A_101 = vector.load %arg12[%swap3A_100] : memref<16xf32, #tpu.memory_space<vmem>>, vector<16xf32>
    tpu.vector_store %arg12[%swap3A_100], %broadcast_in_dim3A_99 {strides = array<i32>} : memref<16xf32, #tpu.memory_space<vmem>>, vector<16xf32>,
    return
  }
}

module attributes {stable_mosaic.version = 14 : i64} {
  func.func @_gat2_post_body(%arg0: memref<2x10000x128xf32, #tpu.memory_space<vmem>>, %arg1: memref<2x1x10240xf32, #tpu.memory_space<vmem>>, %arg2: memref<10000x128xf32, #tpu.memory_space<vmem>>, %arg3: memref<10000xf32, #tpu.memory_space<vmem>>, %arg4: memref<10000xf32, #tpu.memory_space<vmem>>, %arg5: memref<128xf32, #tpu.memory_space<vmem>>, %arg6: memref<10000x128xf32, #tpu.memory_space<vmem>>) attributes {dimension_semantics = [], scalar_prefetch = 0 : i64, scratch_operands = 0 : i64, tpu.core_type = #tpu.core_type<tc>} {
    %get3A = arith.constant 0 : index
    %get3A_0 = arith.constant 0 : index
    %get3A_1 = arith.constant 0 : index
    %get3A_2 = vector.load %arg0[%get3A, %get3A_0, %get3A_1] : memref<2x10000x128xf32, #tpu.memory_space<vmem>>, vector<1x10000x128xf32>
    %get3A_3 = vector.shape_cast %get3A_2 : vector<1x10000x128xf32> to vector<10000x128xf32>
    %get3A_4 = arith.constant 1 : index
    %get3A_5 = arith.constant 0 : index
    %get3A_6 = arith.constant 0 : index
    %get3A_7 = vector.load %arg0[%get3A_4, %get3A_5, %get3A_6] : memref<2x10000x128xf32, #tpu.memory_space<vmem>>, vector<1x10000x128xf32>
    %get3A_8 = vector.shape_cast %get3A_7 : vector<1x10000x128xf32> to vector<10000x128xf32>
    %add3A = arith.addf %get3A_3, %get3A_8 : vector<10000x128xf32>
    %get3A_9 = arith.constant 0 : index
    %get3A_10 = arith.constant 0 : index
    %get3A_11 = arith.constant 0 : index
    %get3A_12 = vector.load %arg1[%get3A_9, %get3A_10, %get3A_11] : memref<2x1x10240xf32, #tpu.memory_space<vmem>>, vector<1x1x10000xf32>
    %get3A_13 = vector.shape_cast %get3A_12 : vector<1x1x10000xf32> to vector<10000xf32>
    %get3A_14 = arith.constant 1 : index
    %get3A_15 = arith.constant 0 : index
    %get3A_16 = arith.constant 0 : index
    %get3A_17 = vector.load %arg1[%get3A_14, %get3A_15, %get3A_16] : memref<2x1x10240xf32, #tpu.memory_space<vmem>>, vector<1x1x10000xf32>
    %get3A_18 = vector.shape_cast %get3A_17 : vector<1x1x10000xf32> to vector<10000xf32>
    %add3A_19 = arith.addf %get3A_13, %get3A_18 : vector<10000xf32>
    %get3A_20 = arith.constant 0 : index
    %get3A_21 = vector.load %arg3[%get3A_20] : memref<10000xf32, #tpu.memory_space<vmem>>, vector<10000xf32>
    %get3A_22 = arith.constant 0 : index
    %get3A_23 = vector.load %arg4[%get3A_22] : memref<10000xf32, #tpu.memory_space<vmem>>, vector<10000xf32>
    %reduce_max3A = vector.shape_cast %get3A_21 : vector<10000xf32> to vector<1x10000xf32>
    %reduce_max3A_24 = arith.constant dense<0xFF800000> : vector<1xf32>
    %reduce_max3A_25 = vector.multi_reduction <maximumf>, %reduce_max3A, %reduce_max3A_24 [1] : vector<1x10000xf32> to vector<1xf32>
    %reduce_max3A_26 = vector.shape_cast %reduce_max3A_25 : vector<1xf32> to vector<1x1xf32>
    %reduce_max3A_27 = vector.extract %reduce_max3A_26[0, 0] : f32 from vector<1x1xf32>
    %reduce_max3A_28 = vector.shape_cast %get3A_23 : vector<10000xf32> to vector<1x10000xf32>
    %reduce_max3A_29 = arith.constant dense<0xFF800000> : vector<1xf32>
    %reduce_max3A_30 = vector.multi_reduction <maximumf>, %reduce_max3A_28, %reduce_max3A_29 [1] : vector<1x10000xf32> to vector<1xf32>
    %reduce_max3A_31 = vector.shape_cast %reduce_max3A_30 : vector<1xf32> to vector<1x1xf32>
    %reduce_max3A_32 = vector.extract %reduce_max3A_31[0, 0] : f32 from vector<1x1xf32>
    %add3A_33 = arith.addf %reduce_max3A_27, %reduce_max3A_32 : f32
    %max3A = arith.constant 0.000000e+00 : f32
    %max3A_34 = arith.maximumf %add3A_33, %max3A : f32
    %add3A_35 = arith.addf %get3A_21, %get3A_23 : vector<10000xf32>
    %gt3A = arith.constant 0.000000e+00 : f32
    %gt3A_36 = vector.broadcast %gt3A : f32 to vector<10000xf32>
    %gt3A_37 = arith.cmpf ogt, %add3A_35, %gt3A_36 : vector<10000xf32>
    %mul3A = arith.constant 2.000000e-01 : f32
    %mul3A_38 = vector.broadcast %mul3A : f32 to vector<10000xf32>
    %mul3A_39 = arith.mulf %mul3A_38, %add3A_35 : vector<10000xf32>
    %select_n3A = arith.select %gt3A_37, %add3A_35, %mul3A_39 : vector<10000xi1>, vector<10000xf32>
    %sub3A = vector.broadcast %max3A_34 : f32 to vector<10000xf32>
    %sub3A_40 = arith.subf %select_n3A, %sub3A : vector<10000xf32>
    %exp3A = math.exp %sub3A_40 : vector<10000xf32>
    %get3A_41 = arith.constant 0 : index
    %get3A_42 = arith.constant 0 : index
    %get3A_43 = vector.load %arg2[%get3A_41, %get3A_42] : memref<10000x128xf32, #tpu.memory_space<vmem>>, vector<10000x128xf32>
    %broadcast_in_dim3A = vector.shape_cast %exp3A : vector<10000xf32> to vector<10000x1xf32>
    %mul3A_44 = vector.broadcast %broadcast_in_dim3A : vector<10000x1xf32> to vector<10000x128xf32>
    %mul3A_45 = arith.mulf %mul3A_44, %get3A_43 : vector<10000x128xf32>
    %add3A_46 = arith.addf %add3A, %mul3A_45 : vector<10000x128xf32>
    %add3A_47 = arith.addf %add3A_19, %exp3A : vector<10000xf32>
    %broadcast_in_dim3A_48 = vector.shape_cast %add3A_47 : vector<10000xf32> to vector<10000x1xf32>
    %div3A = vector.broadcast %broadcast_in_dim3A_48 : vector<10000x1xf32> to vector<10000x128xf32>
    %div3A_49 = arith.divf %add3A_46, %div3A : vector<10000x128xf32>
    %get3A_50 = arith.constant 0 : index
    %get3A_51 = vector.load %arg5[%get3A_50] : memref<128xf32, #tpu.memory_space<vmem>>, vector<128xf32>
    %broadcast_in_dim3A_52 = vector.shape_cast %get3A_51 : vector<128xf32> to vector<1x128xf32>
    %add3A_53 = vector.broadcast %broadcast_in_dim3A_52 : vector<1x128xf32> to vector<10000x128xf32>
    %add3A_54 = arith.addf %div3A_49, %add3A_53 : vector<10000x128xf32>
    %gt3A_55 = arith.constant 0.000000e+00 : f32
    %gt3A_56 = vector.broadcast %gt3A_55 : f32 to vector<10000x128xf32>
    %gt3A_57 = arith.cmpf ogt, %add3A_54, %gt3A_56 : vector<10000x128xf32>
    %min3A = arith.constant 0.000000e+00 : f32
    %min3A_58 = vector.broadcast %min3A : f32 to vector<10000x128xf32>
    %min3A_59 = arith.minimumf %add3A_54, %min3A_58 : vector<10000x128xf32>
    %exp3A_60 = math.exp %min3A_59 : vector<10000x128xf32>
    %sub3A_61 = arith.constant 1.000000e+00 : f32
    %sub3A_62 = vector.broadcast %sub3A_61 : f32 to vector<10000x128xf32>
    %sub3A_63 = arith.subf %exp3A_60, %sub3A_62 : vector<10000x128xf32>
    %select_n3A_64 = arith.select %gt3A_57, %add3A_54, %sub3A_63 : vector<10000x128xi1>, vector<10000x128xf32>
    %swap3A = arith.constant 0 : index
    %swap3A_65 = arith.constant 0 : index
    %swap3A_66 = vector.load %arg6[%swap3A, %swap3A_65] : memref<10000x128xf32, #tpu.memory_space<vmem>>, vector<10000x128xf32>
    tpu.vector_store %arg6[%swap3A, %swap3A_65], %select_n3A_64 {strides = array<i32>} : memref<10000x128xf32, #tpu.memory_space<vmem>>, vector<10000x128xf32>,
    return
  }
}

module attributes {stable_mosaic.version = 14 : i64} {
  func.func @_final_body(%arg0: i32, %arg1: memref<10000x128xf32, #tpu.memory_space<vmem>>, %arg2: memref<128x256xf32, #tpu.memory_space<vmem>>, %arg3: memref<256xf32, #tpu.memory_space<vmem>>, %arg4: memref<10000x256xf32, #tpu.memory_space<vmem>>) attributes {dimension_semantics = [#tpu.dimension_semantics<arbitrary>], iteration_bounds = array<i64: 163>, scalar_prefetch = 0 : i64, scratch_operands = 0 : i64, tpu.core_type = #tpu.core_type<tc>, window_params = [{pipeline_mode = #tpu.pipeline_mode<synchronous>, transform_indices = @transform_0, window_bounds = array<i64: 10000, 128>}, {transform_indices = @transform_1, window_bounds = array<i64: 128, 256>}, {transform_indices = @transform_2, window_bounds = array<i64: 256>}, {transform_indices = @transform_3, window_bounds = array<i64: 10000, 256>}]} {
    %get3A = arith.constant 0 : index
    %get3A_0 = arith.constant 0 : index
    %get3A_1 = vector.load %arg1[%get3A, %get3A_0] : memref<10000x128xf32, #tpu.memory_space<vmem>>, vector<10000x128xf32>
    %get3A_2 = arith.constant 0 : index
    %get3A_3 = arith.constant 0 : index
    %get3A_4 = vector.load %arg2[%get3A_2, %get3A_3] : memref<128x256xf32, #tpu.memory_space<vmem>>, vector<128x256xf32>
    %dot_general3A = arith.constant dense<0.000000e+00> : vector<10000x256xf32>
    %dot_general3A_5 = tpu.matmul %get3A_1, %get3A_4, %dot_general3A {dimension_numbers = #tpu.dot_dimension_numbers<[1], [0], [0], [1], [0, 0, 1, 1], [], []>, transpose_lhs_hint = false} : vector<10000x128xf32>, vector<128x256xf32>, vector<10000x256xf32> -> vector<10000x256xf32>
    %get3A_6 = arith.constant 0 : index
    %get3A_7 = vector.load %arg3[%get3A_6] : memref<256xf32, #tpu.memory_space<vmem>>, vector<256xf32>
    %broadcast_in_dim3A = vector.shape_cast %get3A_7 : vector<256xf32> to vector<1x256xf32>
    %add3A = vector.broadcast %broadcast_in_dim3A : vector<1x256xf32> to vector<10000x256xf32>
    %add3A_8 = arith.addf %dot_general3A_5, %add3A : vector<10000x256xf32>
    %swap3A = arith.constant 0 : index
    %swap3A_9 = arith.constant 0 : index
    %swap3A_10 = vector.load %arg4[%swap3A, %swap3A_9] : memref<10000x256xf32, #tpu.memory_space<vmem>>, vector<10000x256xf32>
    tpu.vector_store %arg4[%swap3A, %swap3A_9], %add3A_8 {strides = array<i32>} : memref<10000x256xf32, #tpu.memory_space<vmem>>, vector<10000x256xf32>,
    return
  }
  func.func @transform_0(%arg0: i32) -> (i32, i32) {
    %c0_i32 = arith.constant 0 : i32
    %c0_i32_0 = arith.constant 0 : i32
    %c0_i32_1 = arith.constant 0 : i32
    return %c0_i32, %c0_i32_0 : i32, i32
  }
  func.func @transform_1(%arg0: i32) -> (i32, i32) {
    %c0_i32 = arith.constant 0 : i32
    %c0_i32_0 = arith.constant 0 : i32
    return %c0_i32, %arg0 : i32, i32
  }
  func.func @transform_2(%arg0: i32) -> i32 {
    %c0_i32 = arith.constant 0 : i32
    return %arg0 : i32
  }
  func.func @transform_3(%arg0: i32) -> (i32, i32) {
    %c0_i32 = arith.constant 0 : i32
    %c0_i32_0 = arith.constant 0 : i32
    return %c0_i32, %arg0 : i32, i32
  }
}

</mosaic_0001>

<sc_bundles>
// kernel: kernel.16.cloned.1.call-start
scs
__scs_entry_jumppad:
0x0: {  	(pc) =	sbr.rel $0x88, $3  }
0x1: {  	(tag) =	ssettag $0x0;
	lr =	simm.s32 $0x1  }
0x2: {  	[smem:$0x3F89] =	sst lr;
	_ =	strace $0xD0000000  }
0x3: {  	_ = 	snop  }
0x4: {  	_ = 	snop  }
0x5: {  	_ = 	snop  }
0x6: {  	_ = 	snop  }
0x7: {  	_ = 	snop  }
__scs_overlays_trampoline_lowered:
0x8: {  	[smem:$0x3F98] =	sst s0  }
0x9: {  	[smem:$0x3F99] =	sst s1  }
0xa: {  	[smem:$0x3F9A] =	sst s2  }
0xb: {  	[smem:$0x3F9B] =	sst s3  }
0xc: {  	[smem:$0x3F9C] =	sst s4  }
0xd: {  	[smem:$0x3F9D] =	sst s5  }
0xe: {  	[smem:$0x3F9E] =	sst s6  }
0xf: {  	[smem:$0x3F9F] =	sst s7  }
0x10: {  	[smem:$0x3FA0] =	sst s8  }
0x11: {  	[smem:$0x3FA1] =	sst s9;
	s0 =	simm.s32 @!p0 $0x0  }
0x12: {  	s1 =	sld [smem:$0x3F87];
	s0 =	simm.s32 @p0 $0x1  }
0x13: {  	[smem:$0x3FA2] =	sst s0;
	s0 =	simm.s32 @!p1 $0x0  }
0x14: {  	s2 =	sld [smem:$0x3F86];
	s0 =	simm.s32 @p1 $0x1  }
0x15: {  	[smem:$0x3FA3] =	sst s0;
	s0 =	simm.s32 @!p2 $0x0  }
0x16: {  	s3 =	sld [smem:$0x3FDB];
	s0 =	simm.s32 @p2 $0x1  }
0x17: {  	s4 =	simm.s32 $0x1BF5;
	[smem:$0x3FA5] =	sst s0  }
0x18: {  	s0 =	sld [smem:$0x3F88];
	_ =	swait.ge [sflag:s4], $0x0  }
0x19: {  	s7 =	sld [smem:$0x3F89]  }
0x1a: {  	s8 =	sadd.s32 $0xFFFFE003, lr  }
0x1b: {  	s9 =	sadd.s32 $0xFFFFFEF7, lr;
	s5 =	simm.s32 $0xFFFFFFFF;
	p2 =	slt.u32 s8, $0xFFFFF086  }
0x1c: {  	p1 =	slt.u32 s9, $0xF7A;
	s5 =	simm.s32 @!p2 $0x0  }
0x1d: {  	s5 =	simm.s32 @p1 $0x1;
	p0 =	seq.s32 s7, s2  }
0x1e: {  	s7 =	smul.u32 @!p0 $0xF7A, s2;
	p2 =	seq.s32 @!p0 s5, $0x0  }
0x1f: {  	s9 =	smul.u32 $0xF7A, s1;
	s8 =	simm.s32 @!p0 $0x1BF5;
	p2 =	por !p2, p0  }
0x20: {  	[sflag:s8] =	ssyncset.s32 @!p0 $0xFFFFF086;
	s6 =	sadd.s32 @!p0 s3, s7;
	s7 =	simm.s32 @!p0 $0x108  }
0x21: {  	s3 =	sadd.s32 s3, s9;
	s6 =	sadd.s32 @!p0 $0x88, s6;
	s7 =	simm.s32 @p2 $0x1082  }
0x22: {  	[simem:s7], [sflag:s8] =	dma.local @!p0 [hbm:s6], $0xF7A  }
0x23: {  	s9 =	sor.u32 $0xD0000000, s2;
	s6 =	simm.s32 $0x108;
	_ =	swait.ge @!p0 [sflag:s8], $0x0  }
0x24: {  	s3 =	sadd.s32 $0x88, s3;
	s6 =	simm.s32 @!p1 $0x1082;
	[sflag:s4] =	ssyncset.s32 $0xFFFFF086  }
0x25: {  	[simem:s6], [sflag:s4] =	dma.local [hbm:s3], $0xF7A  }
0x26: {  	[smem:$0x3F89] =	sst s1;
	(tag) =	ssettag s2;
	_ =	strace s9  }
0x27: {  	s1 =	sld [smem:$0x3F99]  }
0x28: {  	s2 =	sld [smem:$0x3F9A]  }
0x29: {  	s4 =	sld [smem:$0x3F9C]  }
0x2a: {  	p0 =	seq.s32 s5, $0x0;
	s5 =	sld [smem:$0x3F9D]  }
0x2b: {  	s6 =	sld [smem:$0x3F9E]  }
0x2c: {  	s7 =	sld [smem:$0x3F9F]  }
0x2d: {  	s3 =	simm.s32 $0x108;
	s8 =	sld [smem:$0x3FA0]  }
0x2e: {  	s3 =	simm.s32 @!p0 $0x1082;
	s9 =	sld [smem:$0x3FA1]  }
0x2f: {  	lr =	sadd.s32 s0, s3;
	s0 =	sld [smem:$0x3F98]  }
0x30: {  	s3 =	sld [smem:$0x3F9B]  }
0x31: {  	[smem:$0x3FA4] =	sst s10  }
0x32: {  	s10 =	sld [smem:$0x3FA2];
	_ =	sdelay $0x3  }
0x33: {  	p0 =	seq.s32 s10, $0x1;
	s10 =	sld [smem:$0x3FA4];
	_ =	sdelay $0x3  }
0x34: {  	[smem:$0x3FA4] =	sst s10  }
0x35: {  	s10 =	sld [smem:$0x3FA3];
	_ =	sdelay $0x3  }
0x36: {  	p1 =	seq.s32 s10, $0x1;
	s10 =	sld [smem:$0x3FA4];
	_ =	sdelay $0x3  }
0x37: {  	[smem:$0x3FA4] =	sst s10  }
0x38: {  	s10 =	sld [smem:$0x3FA5]  }
0x39: {  	_ = 	snop;
	(pc) =	sbr.ind lr, $3  }
0x3a: {  	_ = 	snop  }
0x3b: {  	_ = 	snop  }
0x3c: {  	p2 =	seq.s32 s10, $0x1;
	s10 =	sld [smem:$0x3FA4]  }
0x3d: {  	_ =	shalt  }
0x3e: {  	_ =	shalt  }
0x3f: {  	_ =	shalt  }
0x40: {  	_ =	shalt  }
0x41: {  	_ =	shalt  }
0x42: {  	_ =	shalt  }
0x43: {  	_ =	shalt  }
0x44: {  	_ =	shalt  }
0x45: {  	_ =	shalt  }
0x46: {  	_ =	shalt  }
0x47: {  	_ =	shalt  }
0x48: {  	_ =	shalt  }
0x49: {  	_ =	shalt  }
0x4a: {  	_ =	shalt  }
0x4b: {  	_ =	shalt  }
0x4c: {  	_ =	shalt  }
0x4d: {  	_ =	shalt  }
0x4e: {  	_ =	shalt  }
0x4f: {  	_ =	shalt  }
0x50: {  	_ =	shalt  }
0x51: {  	_ =	shalt  }
0x52: {  	_ =	shalt  }
0x53: {  	_ =	shalt  }
0x54: {  	_ =	shalt  }
0x55: {  	_ =	shalt  }
0x56: {  	_ =	shalt  }
0x57: {  	_ =	shalt  }
0x58: {  	_ =	shalt  }
0x59: {  	_ =	shalt  }
0x5a: {  	_ =	shalt  }
0x5b: {  	_ =	shalt  }
0x5c: {  	_ =	shalt  }
0x5d: {  	_ =	shalt  }
0x5e: {  	_ =	shalt  }
0x5f: {  	_ =	shalt  }
0x60: {  	_ =	shalt  }
0x61: {  	_ =	shalt  }
0x62: {  	_ =	shalt  }
0x63: {  	_ =	shalt  }
0x64: {  	_ =	shalt  }
0x65: {  	_ =	shalt  }
0x66: {  	_ =	shalt  }
0x67: {  	_ =	shalt  }
0x68: {  	_ =	shalt  }
0x69: {  	_ =	shalt  }
0x6a: {  	_ =	shalt  }
0x6b: {  	_ =	shalt  }
0x6c: {  	_ =	shalt  }
0x6d: {  	_ =	shalt  }
0x6e: {  	_ =	shalt  }
0x6f: {  	_ =	shalt  }
0x70: {  	_ =	shalt  }
0x71: {  	_ =	shalt  }
0x72: {  	_ =	shalt  }
0x73: {  	_ =	shalt  }
0x74: {  	_ =	shalt  }
0x75: {  	_ =	shalt  }
0x76: {  	_ =	shalt  }
0x77: {  	_ =	shalt  }
0x78: {  	_ =	shalt  }
0x79: {  	_ =	shalt  }
0x7a: {  	_ =	shalt  }
0x7b: {  	_ =	shalt  }
0x7c: {  	_ =	shalt  }
0x7d: {  	_ =	shalt  }
0x7e: {  	_ =	shalt  }
0x7f: {  	_ =	shalt  }
0x80: {  	_ =	shalt  }
0x81: {  	_ =	shalt  }
0x82: {  	_ =	shalt  }
0x83: {  	_ =	shalt  }
0x84: {  	_ =	shalt  }
0x85: {  	_ =	shalt  }
0x86: {  	_ =	shalt  }
0x87: {  	_ =	shalt  }
.Lfunc_end0:
.L_simem_size_0:
called_computation_lowered:
.L_overlay_start_0:
0x88: {  	s2 =	sld [smem:$0x3FD9]  }
0x89: {  	s3 =	sld [smem:$0x3FFE];
	_ =	sdelay $0x1  }
0x8a: {  	s1 =	srdreg.scid  }
0x8b: {  	s0 =	sand.u32 $0x1, s1  }
0x8c: {  	s16 =	sshll.u32 s0, $0xA;
	s2 =	sadd.s32 s3, s2  }
0x8d: {  	s2 =	sadd.s32 s2, s16  }
0x8e: {  	[smem:$0x3FB0] =	sst s2  }
0x8f: {  	_ = 	snop  }
0x90: {  	(tm) =	ssettm $0x1  }
0x91: {  	s17 =	sld [smem:$0x3FFB];
	_ =	sdelay $0x3  }
0x92: {  	_ =	strace s17  }
0x93: {  	s2 =	sld [smem:$0x3FFC];
	_ =	sdelay $0x3  }
0x94: {  	_ =	strace s2  }
0x95: {  	s2 =	sld [smem:$0x3FFD];
	_ =	sdelay $0x3  }
0x96: {  	_ =	strace s2  }
0x97: {  	_ =	strace $0x8FFFFFFF  }
0x98: {  	s18 =	sld [smem:$0x3FDB];
	_ =	sdelay $0x1  }
0x99: {  	s19 =	simm.s32 $_scs_section_size  }
0x9a: {  	s4 =	simm.s32 $_size__tile_overlayer_lowered;
	s5 =	simm.s32 $_tile_overlayer_lowered  }
0x9b: {  	s22 =	simm.s32 $0x1BFF;
	s21 =	sshll.u32 s5, $0x1;
	s2 =	sadd.s32 s19, s18  }
0x9c: {  	s6 =	simm.s32 $0x0;
	s20 =	sshll.u32 s4, $0x1;
	s4 =	sadd.s32 s21, s2  }
0x9d: {  	[timem:s6], [sflag:s22] =	dma.local [hbm:s4], s20  }
0x9e: {  	_ =	swait.ge [sflag:s22], s20  }
0x9f: {  	s3 =	ssub.s32 $0x0, s20;
	[sflag:s22] =	ssyncset.done $0x0  }
0xa0: {  	[sflag:s22] =	ssyncadd.s32 s3;
	_ =	sdelay $0x1  }
0xa1: {  	s23 =	simm.s32 $0x1B8B  }
0xa2: {  	_ =	swait.ge [sflag:s23], $0x1  }
0xa3: {  	[sflag:s23] =	ssyncset.done $0x0  }
0xa4: {  	s25 =	simm.s32 $0x1B8E;
	s24 =	sld [smem:$0x3FFE];
	[sflag:s23] =	ssyncadd.s32 $0xFFFFFFFF  }
0xa5: {  	s26 =	simm.s32 $execute0_lowered;
	[smem:$0x3FD2] =	sst s25  }
0xa6: {  	s4 =	sshll.u32 s26, $0x1;
	_ =	strace $0x80000046;
	[dreg:$0x1] =	wrdreg $0xFFFFFFFF  }
0xa7: {  	s28 =	simm.s32 $_size_execute0_lowered;
	s2 =	sadd.s32 s2, s4;
	[dreg:$0x0] =	wrdreg $0x0  }
0xa8: {  	s4 =	sshll.u32 s28, $0x1;
	[dreg:$0x2] =	wrdreg s2  }
0xa9: {  	[dreg:$0x3] =	wrdreg s4  }
0xaa: {  	[dreg:$0x4] =	wrdreg $0xC0  }
0xab: {  	_ =	task [dreg:s6], $0x5FFFF  }
0xac: {  	[dreg:$0x1] =	wrdreg $0xFFFFFFFF  }
0xad: {  	[dreg:$0x0] =	wrdreg $0x60  }
0xae: {  	[dreg:$0x2] =	wrdreg s24  }
0xaf: {  	[dreg:$0x3] =	wrdreg $0x5000  }
0xb0: {  	[dreg:$0x4] =	wrdreg $0x7800  }
0xb1: {  	[dreg:$0x5] =	wrdreg $0x9  }
0xb2: {  	_ =	task.clear_ibuf [dreg:s6], $0x6FFFF;
	_ =	strace $0x90000046  }
0xb3: {  	s29 =	simm.s32 $0x9;
	_ =	strace $0x80000048  }
0xb4: {  	_ =	swait.ge [sflag:s29], $0x1  }
0xb5: {  	[sflag:s29] =	ssyncadd.s32 $0xFFFFFFFF  }
0xb6: {  	_ =	strace $0x90000048  }
0xb7: {  	_ =	sfence  }
0xb8: {  	s30 =	sld [smem:$0x0];
	_ =	sdelay $0x2  }
0xb9: {  	s31 =	sshll.u32 s1, $0xD;
	s1 =	sshrl.u32 s1, $0x2  }
0xba: {  	s3 =	sand.u32 $0x4000, s31;
	s1 =	sadd.s32 s1, s30  }
0xbb: {  	s0 =	sor.u32 s3, s0;
	s1 =	sshll.u32 s1, $0x11  }
0xbc: {  	s0 =	sor.u32 s1, s0  }
0xbd: {  	s0 =	sadd.s32 $0x8F2B, s0  }
0xbe: {  	[sflag:s0] =	ssyncadd.remote.s32 $0x1  }
0xbf: {  	_ =	sfence.sel $0xFFFF  }
0xc0: {  	[dreg:$0x0] =	wrdreg $0xFFFFFFFF;
	(pc) =	sbr.abs _section_cstart, $3  }
0xc1: {  	[dreg:$0x1] =	wrdreg $0xFFFFFFFF  }
0xc2: {  	_ =	task.clear_ibuf [dreg:s6], $0x2FFFF;
	_ =	strace $0x9FFFFFFF  }
0xc3: {  	(tm) =	ssettm $0x7FFFFFFF  }
tec
execute0_lowered:
.L_overlay_start_1:
0x0: {  	(tag) =	ssettag $0x1  }
0x1: {  	s7 =	rddreg [dreg:$0x0]  }
0x2: {  	s1 =	rddreg [dreg:$0x1]  }
0x3: {  	s3 =	rddreg [dreg:$0x2]  }
0x4: {  	s0 =	rddreg [dreg:$0x3];
	s4 =	simm.s32 $0x0;
	s5 =	srdreg.scid  }
0x5: {  	s2 =	stileid.u32;
	s17 =	simm.s32 $0x1;
	s18 =	simm.s32 $0x280  }
0x6: {  	s19 =	simm.s32 $0x80;
	s20 =	simm.s32 $0x100;
	s21 =	simm.s32 $0x180  }
0x7: {  	s22 =	simm.s32 $0x20;
	s23 =	simm.s32 $0x0;
	[smem:$0x7FF] =	sst s4  }
0x8: {  	s8 =	sand.u32 $0x1, s5;
	s9 =	smul.u32 $0x280, s2;
	s15 =	sadd.s32 $0x16A00, s7  }
0x9: {  	s14 =	sadd.s32 $0x3000, s7;
	s10 =	sshll.u32 s2, $0x1;
	s31 =	smul.u32 $0x9C40, s2  }
0xa: {  	s5 =	sadd.s32 $0x2A400, s7;
	_ =	strace $0x80000047;
	s6 =	smul.u32 $0x2800, s8  }
0xb: {  	s10 =	sor.u32 s8, s10;
	s30 =	ssub.s32 $0x2, s8;
	s16 =	smul.u32 $0x4E20, s8  }
0xc: {  	s10 =	smul.u32 $0x4E20, s10;
	s13 =	sshrl.u32 s30, $0x1;
	s8 =	sadd.s32 s9, s3  }
0xd: {  	s11 =	sadd.s32 s9, s6;
	s6 =	sadd.s32 $0x2A600, s7;
	s13 =	ssub.s32 s30, s13  }
0xe: {  	s16 =	sadd.s32 s16, s31;
	s11 =	sshrl.u32 s11, $0x3;
	s10 =	sshrl.u32 s10, $0x3  }
0xf: {  	s16 =	sshrl.u32 s16, $0x3;
	s13 =	smax.u32 s13, $0x1;
	s10 =	sadd.s32 $0x9C0, s10  }
0x10: {  	s12 =	sadd.s32 s11, s7;
	s7 =	sadd.s32 s9, s1;
	s9 =	sadd.s32 s15, s10  }
0x11: {  	s10 =	sadd.s32 s14, s10;
	s11 =	sadd.s32 $0x2A800, s12;
	s12 =	sadd.s32 $0x2B200, s12  }
0x12: {  	s14 =	sadd.s32 s16, s14;
	s15 =	sadd.s32 s16, s15;
	s16 =	simm.s32 $0x200  }
.LBB2_1:
0x13: {  	[tilespmem:s16], [sflag:$0x1] =	stream.linear.gather [hbm4b:s5+s4], $0x80, $0x38;
	[tilespmem:$0xA00] =	vst v63  }
0x14: {  	_ =	swait.ge [sflag:s17], $0x80  }
0x15: {  	[sflag:s17] =	ssyncset.done $0x0  }
0x16: {  	[sflag:s17] =	ssyncadd.s32 $0xFFFFFF80  }
0x17: {  	[tilespmem:s18], [sflag:$0x1] =	stream.linear.gather [hbm4b:s6+s4], $0x280, $0x38;
	[tilespmem:$0xA00] =	vst v63  }
0x18: {  	_ =	swait.ge [sflag:s17], $0x280  }
0x19: {  	[sflag:s17] =	ssyncset.done $0x0  }
0x1a: {  	[sflag:s17] =	ssyncadd.s32 $0xFFFFFD80  }
0x1b: {  	[spmem:s7] =	stream.linear.scatter [tilespmem:s18], [sflag:$0x1], $0x280, $0x38;
	[tilespmem:$0xA00] =	vst v63  }
0x1c: {  	_ =	swait.ge [sflag:s17], $0x280  }
0x1d: {  	[sflag:s17] =	ssyncset.done $0x0  }
0x1e: {  	[sflag:s17] =	ssyncadd.s32 $0xFFFFFD80  }
0x1f: {  	[spmem:s8] =	stream.linear.scatter [tilespmem:s18], [sflag:$0x1], $0x280, $0x38;
	[tilespmem:$0xA00] =	vst v63  }
0x20: {  	_ =	swait.ge [sflag:s17], $0x280  }
0x21: {  	[sflag:s17] =	ssyncset.done $0x0  }
0x22: {  	[sflag:s17] =	ssyncadd.s32 $0xFFFFFD80  }
0x23: {  	s24 =	sadd.s32 $0x0, s15;
	[bflag:$0x0] =	sbarrier.arrive $0xFFFF  }
0x24: {  	[tilespmem:s4], [sflag:$0x1] =	stream.linear.gather [hbm4b:s24+s4], $0x80, $0x38;
	[tilespmem:$0xA00] =	vst v63  }
0x25: {  	_ =	swait.ge [sflag:s17], $0x80  }
0x26: {  	[sflag:s17] =	ssyncset.done $0x0  }
0x27: {  	s31 =	sadd.s32 $0x0, s14;
	[sflag:s17] =	ssyncadd.s32 $0xFFFFFF80  }
0x28: {  	[tilespmem:s19], [sflag:$0x1] =	stream.linear.gather [hbm4b:s31+s4], $0x80, $0x38;
	[tilespmem:$0xA00] =	vst v63  }
0x29: {  	_ =	swait.ge [sflag:s17], $0x80  }
0x2a: {  	[sflag:s17] =	ssyncset.done $0x0  }
0x2b: {  	[sflag:s17] =	ssyncadd.s32 $0xFFFFFF80  }
0x2c: {  	[spmem:s1] =	stream.indirect.scatter.add.f32 [tilespmem:s16], [sflag:$0x1], $0x1, s19, s19, $0xb8;
	[tilespmem:$0xA00] =	vst v63  }
0x2d: {  	_ =	swait.ge [sflag:s17], $0x80  }
0x2e: {  	[sflag:s17] =	ssyncset.done $0x0  }
0x2f: {  	[sflag:s17] =	ssyncadd.s32 $0xFFFFFF80  }
0x30: {  	[spmem:s3] =	stream.indirect.scatter.add.f32 [tilespmem:s16], [sflag:$0x1], $0x1, s4, s19, $0xb8;
	[tilespmem:$0xA00] =	vst v63  }
0x31: {  	_ =	swait.ge [sflag:s17], $0x80  }
0x32: {  	s25 =	simm.s32 $0x20;
	s24 =	simm.s32 $0x10;
	[sflag:s17] =	ssyncset.done $0x0  }
.LBB2_2:
0x33: {  	s26 =	sadd.s32 s24, s15  }
0x34: {  	[sflag:s17] =	ssyncadd.s32 $0xFFFFFF80;
	s28 =	smov.u32 s25;
	s29 =	sadd.s32 $0x10, s25  }
0x35: {  	[tilespmem:s4], [sflag:$0x1] =	stream.linear.gather [hbm4b:s26+s4], $0x80, $0x38;
	[tilespmem:$0xA00] =	vst v63  }
0x36: {  	p0 =	sne.s32 s25, $0x9B0;
	_ =	swait.ge [sflag:s17], $0x80  }
0x37: {  	[sflag:s17] =	ssyncset.done $0x0  }
0x38: {  	s25 =	sadd.s32 s24, s14;
	s24 =	smov.u32 s28;
	[sflag:s17] =	ssyncadd.s32 $0xFFFFFF80  }
0x39: {  	[tilespmem:s19], [sflag:$0x1] =	stream.linear.gather [hbm4b:s25+s4], $0x80, $0x38;
	[tilespmem:$0xA00] =	vst v63  }
0x3a: {  	_ =	swait.ge [sflag:s17], $0x80  }
0x3b: {  	[sflag:s17] =	ssyncset.done $0x0  }
0x3c: {  	[sflag:s17] =	ssyncadd.s32 $0xFFFFFF80  }
0x3d: {  	[spmem:s1] =	stream.indirect.scatter.add.f32 [tilespmem:s16], [sflag:$0x1], $0x1, s19, s19, $0xb8;
	[tilespmem:$0xA00] =	vst v63  }
0x3e: {  	_ =	swait.ge [sflag:s17], $0x80  }
.Ltmp0:
0x3f: {  	[sflag:s17] =	ssyncset.done $0x0;
	(pc) =	sbr.rel @p0 .LBB2_2-.Ltmp0, $4  }
0x40: {  	[sflag:s17] =	ssyncadd.s32 $0xFFFFFF80  }
0x41: {  	[spmem:s3] =	stream.indirect.scatter.add.f32 [tilespmem:s16], [sflag:$0x1], $0x1, s4, s19, $0xb8;
	[tilespmem:$0xA00] =	vst v63  }
0x42: {  	_ =	swait.ge [sflag:s17], $0x80  }
0x43: {  	s25 =	smov.u32 s29;
	[sflag:s17] =	ssyncset.done $0x0  }
0x44: {  	s25 =	sadd.s32 s24, s15;
	[sflag:s17] =	ssyncadd.s32 $0xFFFFFF80  }
0x45: {  	[tilespmem:s4], [sflag:$0x1] =	stream.linear.gather [hbm4b:s25+s4], $0x80, $0x38;
	[tilespmem:$0xA00] =	vst v63  }
0x46: {  	_ =	swait.ge [sflag:s17], $0x80  }
0x47: {  	[sflag:s17] =	ssyncset.done $0x0  }
0x48: {  	s31 =	sadd.s32 s24, s14;
	[sflag:s17] =	ssyncadd.s32 $0xFFFFFF80  }
0x49: {  	[tilespmem:s19], [sflag:$0x1] =	stream.linear.gather [hbm4b:s31+s4], $0x80, $0x38;
	[tilespmem:$0xA00] =	vst v63  }
0x4a: {  	_ =	swait.ge [sflag:s17], $0x80  }
0x4b: {  	[sflag:s17] =	ssyncset.done $0x0  }
0x4c: {  	[sflag:s17] =	ssyncadd.s32 $0xFFFFFF80  }
0x4d: {  	[spmem:s1] =	stream.indirect.scatter.add.f32 [tilespmem:s16], [sflag:$0x1], $0x1, s19, s19, $0xb8;
	[tilespmem:$0xA00] =	vst v63  }
0x4e: {  	_ =	swait.ge [sflag:s17], $0x80  }
0x4f: {  	[sflag:s17] =	ssyncset.done $0x0  }
0x50: {  	[sflag:s17] =	ssyncadd.s32 $0xFFFFFF80  }
0x51: {  	[spmem:s3] =	stream.indirect.scatter.add.f32 [tilespmem:s16], [sflag:$0x1], $0x1, s4, s19, $0xb8;
	[tilespmem:$0xA00] =	vst v63  }
0x52: {  	_ =	swait.ge [sflag:s17], $0x80  }
0x53: {  	[sflag:s17] =	ssyncset.done $0x0  }
0x54: {  	[sflag:s17] =	ssyncadd.s32 $0xFFFFFF80  }
0x55: {  	[tilespmem:s20], [sflag:$0x1] =	stream.linear.gather [hbm4b:s9+s4], $0x20, $0x38;
	[tilespmem:$0xA00] =	vst v63  }
0x56: {  	_ =	swait.ge [sflag:s17], $0x20  }
0x57: {  	[sflag:s17] =	ssyncset.done $0x0  }
0x58: {  	[sflag:s17] =	ssyncadd.s32 $0xFFFFFFE0  }
0x59: {  	[tilespmem:s21], [sflag:$0x1] =	stream.linear.gather [hbm4b:s10+s4], $0x20, $0x38;
	[tilespmem:$0xA00] =	vst v63  }
0x5a: {  	_ =	swait.ge [sflag:s17], $0x20  }
0x5b: {  	[sflag:s17] =	ssyncset.done $0x0  }
0x5c: {  	[sflag:s17] =	ssyncadd.s32 $0xFFFFFFE0  }
0x5d: {  	[spmem:s1] =	stream.indirect.scatter.add.f32 [tilespmem:s16], [sflag:$0x1], $0x1, s21, s22, $0xb8;
	[tilespmem:$0xA00] =	vst v63  }
0x5e: {  	_ =	swait.ge [sflag:s17], $0x20  }
0x5f: {  	[sflag:s17] =	ssyncset.done $0x0  }
0x60: {  	[sflag:s17] =	ssyncadd.s32 $0xFFFFFFE0  }
0x61: {  	[spmem:s3] =	stream.indirect.scatter.add.f32 [tilespmem:s16], [sflag:$0x1], $0x1, s20, s22, $0xb8;
	[tilespmem:$0xA00] =	vst v63  }
0x62: {  	_ =	swait.ge [sflag:s17], $0x20  }
0x63: {  	[sflag:s17] =	ssyncset.done $0x0  }
0x64: {  	[sflag:s17] =	ssyncadd.s32 $0xFFFFFFE0  }
0x65: {  	[bflag:$0x0] =	sbarrier.arrive $0xFFFF  }
0x66: {  	[tilespmem:s18], [sflag:$0x1] =	stream.linear.gather [spmem:s7], $0x280, $0x38;
	[tilespmem:$0xA00] =	vst v63  }
0x67: {  	_ =	swait.ge [sflag:s17], $0x280  }
0x68: {  	[sflag:s17] =	ssyncset.done $0x0  }
0x69: {  	[sflag:s17] =	ssyncadd.s32 $0xFFFFFD80  }
0x6a: {  	[hbm4b:s11+s4] =	stream.linear.scatter [tilespmem:s18], [sflag:$0x1], $0x280, $0x38;
	[tilespmem:$0xA00] =	vst v63  }
0x6b: {  	_ =	swait.ge [sflag:s17], $0x280  }
0x6c: {  	[sflag:s17] =	ssyncset.done $0x0  }
0x6d: {  	[sflag:s17] =	ssyncadd.s32 $0xFFFFFD80  }
0x6e: {  	[tilespmem:s18], [sflag:$0x1] =	stream.linear.gather [spmem:s8], $0x280, $0x38;
	[tilespmem:$0xA00] =	vst v63  }
0x6f: {  	s23 =	sadd.s32 $0x1, s23;
	_ =	swait.ge [sflag:s17], $0x280  }
0x70: {  	p0 =	sne.s32 s23, s13;
	[sflag:s17] =	ssyncset.done $0x0  }
.Ltmp1:
0x71: {  	[sflag:s17] =	ssyncadd.s32 $0xFFFFFD80;
	(pc) =	sbr.rel @p0 .LBB2_1-.Ltmp1, $4  }
0x72: {  	[hbm4b:s12+s4] =	stream.linear.scatter [tilespmem:s18], [sflag:$0x1], $0x280, $0x38;
	[tilespmem:$0xA00] =	vst v63  }
0x73: {  	_ =	swait.ge [sflag:s17], $0x280  }
0x74: {  	[sflag:s17] =	ssyncset.done $0x0  }
0x75: {  	[sflag:s17] =	ssyncadd.s32 $0xFFFFFD80  }
0x76: {  	_ =	sfence.sel $0x180000  }
0x77: {  	[bflag:$0x0] =	sbarrier.arrive $0xFFFF  }
0x78: {  	p0 =	sne.s32 s2, $0x0;
	_ =	strace $0x90000047  }
0x79: {  	s0 =	sadd.s32 @!p0 $0x100000, s0;
	[bflag:$0x2] =	sbarrier.arrive $0xFFFF  }
0x7a: {  	[sflag:s0] =	ssyncadd.tile.s32 @!p0 $0x1;
	_ =	shalt  }
.Lfunc_end2:
_tile_overlayer_lowered:
.L_overlay_start_2:
0x7b: {  	(tag) =	ssettag $0x2  }
0x7c: {  	s0 =	rddreg [dreg:$0x0];
	s2 =	stileid.u32  }
0x7d: {  	s1 =	rddreg [dreg:$0x1];
	p0 =	sne.s32 s2, $0x0  }
0x7e: {  	s3 =	rddreg [dreg:$0x2];
	[bflag:$0x3] =	sbarrier.arrive $0xFFFF;
	s2 =	simm.s32 @!p0 $0x1C01  }
0x7f: {  	[timem:s3], [sflag:s2] =	dma.local @!p0 [hbm:s0], s1  }
0x80: {  	s0 =	simm.s32 @!p0 $0x1  }
0x81: {  	_ =	swait.ge @!p0 [sflag:s0], s1  }
0x82: {  	s1 =	ssub.s32 @!p0 $0x0, s1;
	[sflag:s0] =	ssyncset.done @!p0 $0x0  }
0x83: {  	[sflag:s0] =	ssyncadd.s32 @!p0 s1  }
0x84: {  	[bflag:$0x3] =	sbarrier.arrive $0xFFFF  }
0x85: {  	_ =	shalt  }

// kernel: kernel.19.cloned.1.call-start
scs
__scs_entry_jumppad:
0x0: {  	(pc) =	sbr.rel $0x88, $3  }
0x1: {  	(tag) =	ssettag $0x0;
	lr =	simm.s32 $0x1  }
0x2: {  	[smem:$0x3F89] =	sst lr;
	_ =	strace $0xD0000000  }
0x3: {  	_ = 	snop  }
0x4: {  	_ = 	snop  }
0x5: {  	_ = 	snop  }
0x6: {  	_ = 	snop  }
0x7: {  	_ = 	snop  }
__scs_overlays_trampoline_lowered:
0x8: {  	[smem:$0x3F98] =	sst s0  }
0x9: {  	[smem:$0x3F99] =	sst s1  }
0xa: {  	[smem:$0x3F9A] =	sst s2  }
0xb: {  	[smem:$0x3F9B] =	sst s3  }
0xc: {  	[smem:$0x3F9C] =	sst s4  }
0xd: {  	[smem:$0x3F9D] =	sst s5  }
0xe: {  	[smem:$0x3F9E] =	sst s6  }
0xf: {  	[smem:$0x3F9F] =	sst s7  }
0x10: {  	[smem:$0x3FA0] =	sst s8  }
0x11: {  	[smem:$0x3FA1] =	sst s9;
	s0 =	simm.s32 @!p0 $0x0  }
0x12: {  	s1 =	sld [smem:$0x3F87];
	s0 =	simm.s32 @p0 $0x1  }
0x13: {  	[smem:$0x3FA2] =	sst s0;
	s0 =	simm.s32 @!p1 $0x0  }
0x14: {  	s2 =	sld [smem:$0x3F86];
	s0 =	simm.s32 @p1 $0x1  }
0x15: {  	[smem:$0x3FA3] =	sst s0;
	s0 =	simm.s32 @!p2 $0x0  }
0x16: {  	s3 =	sld [smem:$0x3FDB];
	s0 =	simm.s32 @p2 $0x1  }
0x17: {  	s4 =	simm.s32 $0x1BF5;
	[smem:$0x3FA5] =	sst s0  }
0x18: {  	s0 =	sld [smem:$0x3F88];
	_ =	swait.ge [sflag:s4], $0x0  }
0x19: {  	s7 =	sld [smem:$0x3F89]  }
0x1a: {  	s8 =	sadd.s32 $0xFFFFE003, lr  }
0x1b: {  	s9 =	sadd.s32 $0xFFFFFEF7, lr;
	s5 =	simm.s32 $0xFFFFFFFF;
	p2 =	slt.u32 s8, $0xFFFFF086  }
0x1c: {  	p1 =	slt.u32 s9, $0xF7A;
	s5 =	simm.s32 @!p2 $0x0  }
0x1d: {  	s5 =	simm.s32 @p1 $0x1;
	p0 =	seq.s32 s7, s2  }
0x1e: {  	s7 =	smul.u32 @!p0 $0xF7A, s2;
	p2 =	seq.s32 @!p0 s5, $0x0  }
0x1f: {  	s9 =	smul.u32 $0xF7A, s1;
	s8 =	simm.s32 @!p0 $0x1BF5;
	p2 =	por !p2, p0  }
0x20: {  	[sflag:s8] =	ssyncset.s32 @!p0 $0xFFFFF086;
	s6 =	sadd.s32 @!p0 s3, s7;
	s7 =	simm.s32 @!p0 $0x108  }
0x21: {  	s3 =	sadd.s32 s3, s9;
	s6 =	sadd.s32 @!p0 $0x88, s6;
	s7 =	simm.s32 @p2 $0x1082  }
0x22: {  	[simem:s7], [sflag:s8] =	dma.local @!p0 [hbm:s6], $0xF7A  }
0x23: {  	s9 =	sor.u32 $0xD0000000, s2;
	s6 =	simm.s32 $0x108;
	_ =	swait.ge @!p0 [sflag:s8], $0x0  }
0x24: {  	s3 =	sadd.s32 $0x88, s3;
	s6 =	simm.s32 @!p1 $0x1082;
	[sflag:s4] =	ssyncset.s32 $0xFFFFF086  }
0x25: {  	[simem:s6], [sflag:s4] =	dma.local [hbm:s3], $0xF7A  }
0x26: {  	[smem:$0x3F89] =	sst s1;
	(tag) =	ssettag s2;
	_ =	strace s9  }
0x27: {  	s1 =	sld [smem:$0x3F99]  }
0x28: {  	s2 =	sld [smem:$0x3F9A]  }
0x29: {  	s4 =	sld [smem:$0x3F9C]  }
0x2a: {  	p0 =	seq.s32 s5, $0x0;
	s5 =	sld [smem:$0x3F9D]  }
0x2b: {  	s6 =	sld [smem:$0x3F9E]  }
0x2c: {  	s7 =	sld [smem:$0x3F9F]  }
0x2d: {  	s3 =	simm.s32 $0x108;
	s8 =	sld [smem:$0x3FA0]  }
0x2e: {  	s3 =	simm.s32 @!p0 $0x1082;
	s9 =	sld [smem:$0x3FA1]  }
0x2f: {  	lr =	sadd.s32 s0, s3;
	s0 =	sld [smem:$0x3F98]  }
0x30: {  	s3 =	sld [smem:$0x3F9B]  }
0x31: {  	[smem:$0x3FA4] =	sst s10  }
0x32: {  	s10 =	sld [smem:$0x3FA2];
	_ =	sdelay $0x3  }
0x33: {  	p0 =	seq.s32 s10, $0x1;
	s10 =	sld [smem:$0x3FA4];
	_ =	sdelay $0x3  }
0x34: {  	[smem:$0x3FA4] =	sst s10  }
0x35: {  	s10 =	sld [smem:$0x3FA3];
	_ =	sdelay $0x3  }
0x36: {  	p1 =	seq.s32 s10, $0x1;
	s10 =	sld [smem:$0x3FA4];
	_ =	sdelay $0x3  }
0x37: {  	[smem:$0x3FA4] =	sst s10  }
0x38: {  	s10 =	sld [smem:$0x3FA5]  }
0x39: {  	_ = 	snop;
	(pc) =	sbr.ind lr, $3  }
0x3a: {  	_ = 	snop  }
0x3b: {  	_ = 	snop  }
0x3c: {  	p2 =	seq.s32 s10, $0x1;
	s10 =	sld [smem:$0x3FA4]  }
0x3d: {  	_ =	shalt  }
0x3e: {  	_ =	shalt  }
0x3f: {  	_ =	shalt  }
0x40: {  	_ =	shalt  }
0x41: {  	_ =	shalt  }
0x42: {  	_ =	shalt  }
0x43: {  	_ =	shalt  }
0x44: {  	_ =	shalt  }
0x45: {  	_ =	shalt  }
0x46: {  	_ =	shalt  }
0x47: {  	_ =	shalt  }
0x48: {  	_ =	shalt  }
0x49: {  	_ =	shalt  }
0x4a: {  	_ =	shalt  }
0x4b: {  	_ =	shalt  }
0x4c: {  	_ =	shalt  }
0x4d: {  	_ =	shalt  }
0x4e: {  	_ =	shalt  }
0x4f: {  	_ =	shalt  }
0x50: {  	_ =	shalt  }
0x51: {  	_ =	shalt  }
0x52: {  	_ =	shalt  }
0x53: {  	_ =	shalt  }
0x54: {  	_ =	shalt  }
0x55: {  	_ =	shalt  }
0x56: {  	_ =	shalt  }
0x57: {  	_ =	shalt  }
0x58: {  	_ =	shalt  }
0x59: {  	_ =	shalt  }
0x5a: {  	_ =	shalt  }
0x5b: {  	_ =	shalt  }
0x5c: {  	_ =	shalt  }
0x5d: {  	_ =	shalt  }
0x5e: {  	_ =	shalt  }
0x5f: {  	_ =	shalt  }
0x60: {  	_ =	shalt  }
0x61: {  	_ =	shalt  }
0x62: {  	_ =	shalt  }
0x63: {  	_ =	shalt  }
0x64: {  	_ =	shalt  }
0x65: {  	_ =	shalt  }
0x66: {  	_ =	shalt  }
0x67: {  	_ =	shalt  }
0x68: {  	_ =	shalt  }
0x69: {  	_ =	shalt  }
0x6a: {  	_ =	shalt  }
0x6b: {  	_ =	shalt  }
0x6c: {  	_ =	shalt  }
0x6d: {  	_ =	shalt  }
0x6e: {  	_ =	shalt  }
0x6f: {  	_ =	shalt  }
0x70: {  	_ =	shalt  }
0x71: {  	_ =	shalt  }
0x72: {  	_ =	shalt  }
0x73: {  	_ =	shalt  }
0x74: {  	_ =	shalt  }
0x75: {  	_ =	shalt  }
0x76: {  	_ =	shalt  }
0x77: {  	_ =	shalt  }
0x78: {  	_ =	shalt  }
0x79: {  	_ =	shalt  }
0x7a: {  	_ =	shalt  }
0x7b: {  	_ =	shalt  }
0x7c: {  	_ =	shalt  }
0x7d: {  	_ =	shalt  }
0x7e: {  	_ =	shalt  }
0x7f: {  	_ =	shalt  }
0x80: {  	_ =	shalt  }
0x81: {  	_ =	shalt  }
0x82: {  	_ =	shalt  }
0x83: {  	_ =	shalt  }
0x84: {  	_ =	shalt  }
0x85: {  	_ =	shalt  }
0x86: {  	_ =	shalt  }
0x87: {  	_ =	shalt  }
.Lfunc_end0:
.L_simem_size_0:
called_computation.1_lowered:
.L_overlay_start_0:
0x88: {  	s2 =	sld [smem:$0x3FD9]  }
0x89: {  	s3 =	sld [smem:$0x3FFE];
	_ =	sdelay $0x1  }
0x8a: {  	s1 =	srdreg.scid  }
0x8b: {  	s0 =	sand.u32 $0x1, s1  }
0x8c: {  	s17 =	sshll.u32 s0, $0xA;
	s2 =	sadd.s32 s3, s2  }
0x8d: {  	s2 =	sadd.s32 s2, s17  }
0x8e: {  	[smem:$0x3FB0] =	sst s2  }
0x8f: {  	_ = 	snop  }
0x90: {  	s18 =	sld [smem:$0x3FC7]  }
0x91: {  	s4 =	sld [smem:$0x3FC6]  }
0x92: {  	s5 =	sld [smem:$0x3FD0];
	(tm) =	ssettm $0x1  }
0x93: {  	s19 =	sld [smem:$0x3FFB];
	_ =	sdelay $0x3  }
0x94: {  	_ =	strace s19  }
0x95: {  	s2 =	sld [smem:$0x3FFC];
	_ =	sdelay $0x3  }
0x96: {  	_ =	strace s2  }
0x97: {  	s2 =	sld [smem:$0x3FFD];
	_ =	sdelay $0x3  }
0x98: {  	_ =	strace s2  }
0x99: {  	_ =	strace $0x8FFFFFFF  }
0x9a: {  	s20 =	sld [smem:$0x3FDB];
	_ =	sdelay $0x1  }
0x9b: {  	s6 =	simm.s32 $_scs_section_size  }
0x9c: {  	s7 =	simm.s32 $_size__tile_overlayer_lowered;
	s8 =	simm.s32 $_tile_overlayer_lowered  }
0x9d: {  	s9 =	simm.s32 $0x1BFF;
	s21 =	sshll.u32 s8, $0x1;
	s6 =	sadd.s32 s6, s20  }
0x9e: {  	s22 =	simm.s32 $0x0;
	s7 =	sshll.u32 s7, $0x1;
	s8 =	sadd.s32 s21, s6  }
0x9f: {  	[timem:s22], [sflag:s9] =	dma.local [hbm:s8], s7  }
0xa0: {  	_ =	swait.ge [sflag:s9], s7  }
0xa1: {  	s7 =	ssub.s32 $0x0, s7;
	[sflag:s9] =	ssyncset.done $0x0  }
0xa2: {  	[sflag:s9] =	ssyncadd.s32 s7;
	_ =	sdelay $0x1  }
0xa3: {  	s23 =	simm.s32 $0x1B8B  }
0xa4: {  	_ =	swait.ge [sflag:s23], $0x1  }
0xa5: {  	[sflag:s23] =	ssyncset.done $0x0  }
0xa6: {  	[sflag:s23] =	ssyncadd.s32 $0xFFFFFFFF  }
0xa7: {  	s7 =	sld [smem:$0x0]  }
0xa8: {  	s8 =	sand.u32 $0xFFFFFFFE, s1  }
0xa9: {  	p0 =	sne.s32 s1, s8  }
0xaa: {  	s8 =	sshll.u32 @p0 s8, $0xE  }
0xab: {  	s8 =	sadd.s32 @p0 $0x11B8D, s8;
	s9 =	sshll.u32 @p0 s7, $0x11  }
0xac: {  	s8 =	sor.u32 @p0 s9, s8  }
0xad: {  	[sflag:s8] =	ssyncadd.remote.s32 @p0 $0x1;
	_ =	sdelay $0x1  }
0xae: {  	s8 =	simm.s32 @p0 $0x1B8D  }
0xaf: {  	_ =	swait.eq @p0 [sflag:s8], $0x1  }
0xb0: {  	[sflag:s8] =	ssyncadd.s32 @p0 $0xFFFFFFFF  }
0xb1: {  	s9 =	sshll.u32 @!p0 s1, $0xE  }
0xb2: {  	s9 =	sor.u32 @!p0 $0x4000, s9;
	s8 =	simm.s32 @!p0 $0x1B8D  }
0xb3: {  	s7 =	sshll.u32 @!p0 s7, $0x11;
	s9 =	sadd.s32 @!p0 $0x11B8D, s9;
	_ =	swait.eq @!p0 [sflag:s8], $0x1  }
0xb4: {  	s7 =	sor.u32 @!p0 s7, s9;
	[sflag:s8] =	ssyncadd.s32 @!p0 $0xFFFFFFFF  }
0xb5: {  	s25 =	simm.s32 $0x1B8E;
	s24 =	sld [smem:$0x3FFE];
	[sflag:s7] =	ssyncadd.remote.s32 @!p0 $0x1  }
0xb6: {  	s26 =	simm.s32 $execute0_lowered;
	[smem:$0x3FD2] =	sst s25  }
0xb7: {  	s8 =	sshll.u32 s26, $0x1;
	_ =	strace $0x80000049;
	[dreg:$0x1] =	wrdreg $0xFFFFFFFF  }
0xb8: {  	s28 =	simm.s32 $_size_execute0_lowered;
	s6 =	sadd.s32 s6, s8;
	[dreg:$0x0] =	wrdreg $0x0  }
0xb9: {  	s8 =	sshll.u32 s28, $0x1;
	[dreg:$0x2] =	wrdreg s6  }
0xba: {  	[dreg:$0x3] =	wrdreg s8  }
0xbb: {  	[dreg:$0x4] =	wrdreg $0xC0  }
0xbc: {  	_ =	task [dreg:s22], $0x5FFFF  }
0xbd: {  	[dreg:$0x1] =	wrdreg $0xFFFFFFFF  }
0xbe: {  	[dreg:$0x0] =	wrdreg $0x60  }
0xbf: {  	[dreg:$0x2] =	wrdreg s24  }
0xc0: {  	[dreg:$0x3] =	wrdreg s18  }
0xc1: {  	[dreg:$0x4] =	wrdreg s4  }
0xc2: {  	[dreg:$0x5] =	wrdreg s5  }
0xc3: {  	[dreg:$0x6] =	wrdreg $0xA  }
0xc4: {  	_ =	task.clear_ibuf [dreg:s22], $0x7FFFF;
	_ =	strace $0x90000049  }
0xc5: {  	s29 =	simm.s32 $0xA;
	_ =	strace $0x8000004B  }
0xc6: {  	_ =	swait.ge [sflag:s29], $0x1  }
0xc7: {  	[sflag:s29] =	ssyncadd.s32 $0xFFFFFFFF  }
0xc8: {  	_ =	strace $0x9000004B  }
0xc9: {  	_ =	sfence  }
0xca: {  	s30 =	sld [smem:$0x0];
	_ =	sdelay $0x2  }
0xcb: {  	s31 =	sshll.u32 s1, $0xD;
	s1 =	sshrl.u32 s1, $0x2  }
0xcc: {  	s4 =	sand.u32 $0x4000, s31;
	s1 =	sadd.s32 s1, s30  }
0xcd: {  	s0 =	sor.u32 s4, s0;
	s1 =	sshll.u32 s1, $0x11  }
0xce: {  	s0 =	sor.u32 s1, s0  }
0xcf: {  	s0 =	sadd.s32 $0x8F2B, s0  }
0xd0: {  	[sflag:s0] =	ssyncadd.remote.s32 $0x1  }
0xd1: {  	_ =	sfence.sel $0xFFFF  }
0xd2: {  	[dreg:$0x0] =	wrdreg $0xFFFFFFFF;
	(pc) =	sbr.abs _section_cstart, $3  }
0xd3: {  	[dreg:$0x1] =	wrdreg $0xFFFFFFFF  }
0xd4: {  	_ =	task.clear_ibuf [dreg:s22], $0x2FFFF;
	_ =	strace $0x9FFFFFFF  }
0xd5: {  	(tm) =	ssettm $0x7FFFFFFF  }
tec
execute0_lowered:
.L_overlay_start_1:
0x0: {  	(tag) =	ssettag $0x1  }
0x1: {  	s0 =	rddreg [dreg:$0x0]  }
0x2: {  	s1 =	rddreg [dreg:$0x1]  }
0x3: {  	s2 =	rddreg [dreg:$0x2]  }
0x4: {  	s3 =	rddreg [dreg:$0x3];
	s4 =	simm.s32 $0x0;
	s5 =	srdreg.scid  }
0x5: {  	s11 =	stileid.u32;
	s15 =	simm.s32 $0x3;
	s16 =	simm.s32 $0x80  }
0x6: {  	s17 =	simm.s32 $0x880;
	s18 =	simm.s32 $0x1080;
	s28 =	simm.s32 $0x5880  }
0x7: {  	s29 =	simm.s32 $0x6080;
	s30 =	simm.s32 $0x6880;
	s31 =	simm.s32 $0x7080  }
0x8: {  	[smem:$0x7FF] =	sst s4;
	s5 =	sand.u32 $0x1, s5;
	s6 =	sshll.u32 s11, $0x5  }
0x9: {  	s8 =	sshll.u32 s11, $0xD;
	s19 =	sshll.u32 s11, $0x1;
	s20 =	sadd.s32 $0x2C6E0, s0  }
0xa: {  	s21 =	sadd.s32 $0x4E000, s3;
	_ =	strace $0x8000004A;
	[dreg:$0x6] =	wrdreg s20  }
0xb: {  	s22 =	sadd.s32 $0x2C0E0, s0;
	s7 =	ssub.s32 $0x2, s5;
	[dreg:$0x7] =	wrdreg s21  }
0xc: {  	s6 =	sadd.s32 s6, s0;
	s10 =	sadd.s32 s8, s0;
	[dreg:$0x8] =	wrdreg s22  }
0xd: {  	s0 =	sadd.s32 $0x7A800, s0;
	s23 =	sshll.u32 s5, $0x4;
	s3 =	sadd.s32 s8, s3  }
0xe: {  	s20 =	simm.s32 $0x2080;
	s21 =	simm.s32 $0x2880;
	s22 =	simm.s32 $0x3080  }
0xf: {  	s9 =	sshrl.u32 s7, $0x1;
	[dreg:$0x9] =	wrdreg s0;
	s0 =	sadd.s32 s23, s6  }
0x10: {  	s23 =	simm.s32 $0x3880;
	s6 =	simm.s32 $0x2;
	s7 =	ssub.s32 s7, s9  }
0x11: {  	s9 =	sor.u32 s5, s19;
	s5 =	sshll.u32 s5, $0xC;
	s11 =	sadd.s32 $0x2BC00, s0  }
0x12: {  	s12 =	sadd.s32 $0x2C200, s0;
	s19 =	simm.s32 $0x1880;
	s0 =	simm.s32 $0x7880  }
.Ltmp0:
0x13: {  	s7 =	smax.u32 s7, $0x1;
	s24 =	sadd.s32 s5, s10;
	(pc) =	sbr.rel .LBB2_1-.Ltmp0, $4  }
0x14: {  	s26 =	sadd.s32 s5, s3;
	[dreg:$0x5] =	wrdreg s9;
	p0 =	sne.s32 s9, $0xE  }
0x15: {  	v2 =	vlaneseq.u32;
	s3 =	simm.s32 $0x1;
	[dreg:$0xa] =	wrdreg s7;
	s25 =	sadd.s32 $0x2C800, s24  }
0x16: {  	vm0 =	vmmov $0xffff;
	v1 =	vshrl.u32 v2, $0x3;
	v0 =	vand.u32 $0x7, v2;
	[dreg:$0xc] =	wrdreg s26;
	s24 =	simm.s32 $0x4080;
	s26 =	simm.s32 $0x5080  }
0x17: {  	v2 =	vor.u32 $0x8, v2;
	v1 =	vmul.u32 $0x8, v1;
	vm1 =	vmmov @!p0 $0xffff;
	s7 =	simm.s32 $0x0;
	[dreg:$0xb] =	wrdreg s25;
	s25 =	simm.s32 $0x4880  }
.LBB2_5:
0x18: {  	s5 =	simm.s32 @!p0 $0x0  }
0x19: {  	s8 =	simm.s32 @!p0 $0x8080;
	s9 =	rddreg [dreg:$0x6];
	s10 =	simm.s32 @!p0 $0x2  }
0x1a: {  	[tilespmem:s8], [sflag:$0x2] =	stream.linear.gather @!p0 [hbm4b:s9+s5], $0x10, $0x38;
	[tilespmem:$0x9100] =	vst v63  }
0x1b: {  	_ =	swait.ge @!p0 [sflag:s10], $0x10  }
0x1c: {  	[sflag:s10] =	ssyncset.done @!p0 $0x0  }
0x1d: {  	[sflag:s10] =	ssyncadd.s32 @!p0 $0xFFFFFFF0  }
0x1e: {  	v3 =	vld @!p0 [tilespmem:$0x8080];
	_ =	sdelay $0x4  }
0x1f: {  	v4 =	vshll.u32 @!p0 v3, $0x1  }
0x20: {  	v5 =	vlaneseq.u32 @!p0;
	v3 =	vand.u32 @!p0 $0x7, v3;
	v4 =	vand.u32 @!p0 $0xFFFFFFF0, v4  }
0x21: {  	v6 =	vshrl.u32 @!p0 v5, $0x3;
	v3 =	vor.u32 @!p0 v3, v4;
	v4 =	vand.u32 @!p0 $0x7, v5  }
0x22: {  	v6 =	vmul.u32 @!p0 $0x8, v6;
	v7 =	vperm.xlane @!p0 v3, v4  }
0x23: {  	v5 =	vor.u32 @!p0 $0x8, v5  }
0x24: {  	v3 =	vperm.xlane @!p0 v3, v5;
	v7 =	vadd.s32 @!p0 v6, v7;
	_ =	sdelay $0x1  }
0x25: {  	v3 =	vadd.s32 @!p0 v6, v3;
	_ =	sdelay $0x1  }
0x26: {  	s13 =	simm.s32 @!p0 $0x8100  }
0x27: {  	[tilespmem:s13], [sflag:$0x1] =	stream.indirect_vreg.gather @!p0 [hbm4b:s1+s5], $0x80, v7, vm1, $0xb8;
	[tilespmem:$0x9100] =	vst v63  }
0x28: {  	s14 =	simm.s32 @!p0 $0x8900;
	s9 =	simm.s32 @!p0 $0x1  }
0x29: {  	[tilespmem:s14], [sflag:$0x1] =	stream.indirect_vreg.gather @!p0 [hbm4b:s1+s5], $0x80, v3, vm1, $0xb8;
	[tilespmem:$0x9100] =	vst v63  }
0x2a: {  	_ =	swait.ge @!p0 [sflag:s9], $0x1000  }
0x2b: {  	[sflag:s9] =	ssyncset.done @!p0 $0x0  }
0x2c: {  	s7 =	rddreg [dreg:$0x7];
	[sflag:s9] =	ssyncadd.s32 @!p0 $0xFFFFF000  }
0x2d: {  	[hbm4b:s7+s5] =	stream.linear.scatter @!p0 [tilespmem:s13], [sflag:$0x2], $0x1000, $0x38;
	[tilespmem:$0x9100] =	vst v63  }
0x2e: {  	_ =	swait.ge @!p0 [sflag:s10], $0x1000  }
0x2f: {  	[sflag:s10] =	ssyncset.done @!p0 $0x0  }
0x30: {  	s7 =	rddreg [dreg:$0x8];
	[sflag:s10] =	ssyncadd.s32 @!p0 $0xFFFFF000  }
0x31: {  	[tilespmem:s8], [sflag:$0x2] =	stream.linear.gather @!p0 [hbm4b:s7+s5], $0x10, $0x38;
	[tilespmem:$0x9100] =	vst v63  }
0x32: {  	_ =	swait.ge @!p0 [sflag:s10], $0x10  }
0x33: {  	[sflag:s10] =	ssyncset.done @!p0 $0x0  }
0x34: {  	[sflag:s10] =	ssyncadd.s32 @!p0 $0xFFFFFFF0  }
0x35: {  	v3 =	vld @!p0 [tilespmem:$0x8080];
	_ =	sdelay $0x4  }
0x36: {  	v7 =	vshll.u32 @!p0 v3, $0x1  }
0x37: {  	v3 =	vand.u32 @!p0 $0x7, v3;
	v7 =	vand.u32 @!p0 $0xFFFFFFF0, v7  }
0x38: {  	v3 =	vor.u32 @!p0 v3, v7  }
0x39: {  	v4 =	vperm.xlane @!p0 v3, v4;
	_ =	sdelay $0x1  }
0x3a: {  	v3 =	vperm.xlane @!p0 v3, v5;
	v4 =	vadd.s32 @!p0 v6, v4;
	_ =	sdelay $0x1  }
0x3b: {  	v3 =	vadd.s32 @!p0 v6, v3;
	_ =	sdelay $0x2  }
0x3c: {  	[tilespmem:s13], [sflag:$0x1] =	stream.indirect_vreg.gather @!p0 [hbm4b:s2+s5], $0x80, v4, vm1, $0xb8;
	[tilespmem:$0x9100] =	vst v63  }
0x3d: {  	_ = 	snop  }
0x3e: {  	[tilespmem:s14], [sflag:$0x1] =	stream.indirect_vreg.gather @!p0 [hbm4b:s2+s5], $0x80, v3, vm1, $0xb8;
	[tilespmem:$0x9100] =	vst v63  }
0x3f: {  	_ =	swait.ge @!p0 [sflag:s9], $0x1000  }
0x40: {  	[sflag:s9] =	ssyncset.done @!p0 $0x0  }
0x41: {  	s7 =	rddreg [dreg:$0x9];
	[sflag:s9] =	ssyncadd.s32 @!p0 $0xFFFFF000  }
0x42: {  	[hbm4b:s7+s5] =	stream.linear.scatter @!p0 [tilespmem:s13], [sflag:$0x2], $0x1000, $0x38;
	[tilespmem:$0x9100] =	vst v63  }
0x43: {  	_ =	swait.ge @!p0 [sflag:s10], $0x1000  }
0x44: {  	s13 =	rddreg [dreg:$0xd]  }
0x45: {  	s14 =	rddreg [dreg:$0xa];
	s7 =	sadd.s32 $0x1, s13  }
0x46: {  	p1 =	sne.s32 s7, s14  }
.Ltmp1:
0x47: {  	_ = 	snop;
	(pc) =	sbr.rel @!p1 .LBB2_6-.Ltmp1, $3  }
0x48: {  	_ =	sdelay $0x1  }
0x49: {  	[sflag:s10] =	ssyncset.done @!p0 $0x0  }
0x4a: {  	[sflag:s10] =	ssyncadd.s32 @!p0 $0xFFFFF000  }
.LBB2_1:
.Ltmp2:
0x4b: {  	(pc) =	sbr.rel .LBB2_2-.Ltmp2, $4  }
0x4c: {  	[dreg:$0xd] =	wrdreg s7  }
0x4d: {  	s5 =	rddreg [dreg:$0x5]  }
0x4e: {  	s14 =	rddreg [dreg:$0xc]  }
0x4f: {  	s13 =	rddreg [dreg:$0xb];
	s8 =	simm.s32 $0x0  }
.LBB2_4:
0x50: {  	s8 =	sadd.s32 $0x200, s8  }
0x51: {  	p1 =	sne.s32 s8, $0x600  }
.Ltmp3:
0x52: {  	_ = 	snop;
	(pc) =	sbr.rel @!p1 .LBB2_5-.Ltmp3, $2  }
0x53: {  	_ =	sdelay $0x2  }
0x54: {  	s13 =	sadd.s32 $0x20000, s13;
	s14 =	sadd.s32 $0x20000, s14;
	s5 =	sadd.s32 $0x20, s5  }
.LBB2_2:
0x55: {  	p1 =	sgt.u32 s5, $0x4D  }
.Ltmp4:
0x56: {  	_ = 	snop;
	(pc) =	sbr.rel @p1 .LBB2_4-.Ltmp4, $1  }
0x57: {  	_ =	sdelay $0x3  }
0x58: {  	s10 =	sadd.s32 s8, s12  }
0x59: {  	[tilespmem:s4], [sflag:$0x3] =	stream.linear.gather [hbm4b:s10+s4], $0x80, $0x38;
	[tilespmem:$0x9100] =	vst v63  }
0x5a: {  	_ =	swait.ge [sflag:s15], $0x80  }
0x5b: {  	[sflag:s15] =	ssyncset.done $0x0  }
0x5c: {  	[sflag:s15] =	ssyncadd.s32 $0xFFFFFF80  }
0x5d: {  	v3 =	vld [tilespmem:$0x0];
	_ =	sdelay $0x4  }
0x5e: {  	v4 =	vshll.u32 v3, $0x1  }
0x5f: {  	v3 =	vand.u32 $0x7, v3;
	v4 =	vand.u32 $0xFFFFFFF0, v4  }
0x60: {  	v3 =	vor.u32 v3, v4  }
0x61: {  	v4 =	vperm.xlane v3, v0;
	_ =	sdelay $0x1  }
0x62: {  	v3 =	vperm.xlane v3, v2;
	v4 =	vadd.s32 v1, v4;
	_ =	sdelay $0x1  }
0x63: {  	v3 =	vadd.s32 v1, v3;
	_ =	sdelay $0x2  }
0x64: {  	[tilespmem:s16], [sflag:$0x1] =	stream.indirect_vreg.gather [hbm4b:s1+s4], $0x80, v4, vm0, $0xb8;
	[tilespmem:$0x9100] =	vst v63  }
0x65: {  	_ = 	snop  }
0x66: {  	[tilespmem:s17], [sflag:$0x1] =	stream.indirect_vreg.gather [hbm4b:s1+s4], $0x80, v3, vm0, $0xb8;
	[tilespmem:$0x9100] =	vst v63  }
0x67: {  	v3 =	vld [tilespmem:$0x10];
	_ =	sdelay $0x4  }
0x68: {  	v49 =	vshll.u32 v3, $0x1  }
0x69: {  	v3 =	vand.u32 $0x7, v3;
	v4 =	vand.u32 $0xFFFFFFF0, v49  }
0x6a: {  	v3 =	vor.u32 v3, v4  }
0x6b: {  	v4 =	vperm.xlane v3, v0;
	_ =	sdelay $0x1  }
0x6c: {  	v3 =	vperm.xlane v3, v2;
	v4 =	vadd.s32 v1, v4;
	_ =	sdelay $0x1  }
0x6d: {  	v3 =	vadd.s32 v1, v3;
	_ =	sdelay $0x2  }
0x6e: {  	[tilespmem:s18], [sflag:$0x1] =	stream.indirect_vreg.gather [hbm4b:s1+s4], $0x80, v4, vm0, $0xb8;
	[tilespmem:$0x9100] =	vst v63  }
0x6f: {  	_ = 	snop  }
0x70: {  	[tilespmem:s19], [sflag:$0x1] =	stream.indirect_vreg.gather [hbm4b:s1+s4], $0x80, v3, vm0, $0xb8;
	[tilespmem:$0x9100] =	vst v63  }
0x71: {  	v3 =	vld [tilespmem:$0x20];
	_ =	sdelay $0x4  }
0x72: {  	v50 =	vshll.u32 v3, $0x1  }
0x73: {  	v3 =	vand.u32 $0x7, v3;
	v4 =	vand.u32 $0xFFFFFFF0, v50  }
0x74: {  	v3 =	vor.u32 v3, v4  }
0x75: {  	v4 =	vperm.xlane v3, v0;
	_ =	sdelay $0x1  }
0x76: {  	v3 =	vperm.xlane v3, v2;
	v4 =	vadd.s32 v1, v4;
	_ =	sdelay $0x1  }
0x77: {  	v3 =	vadd.s32 v1, v3;
	_ =	sdelay $0x2  }
0x78: {  	[tilespmem:s20], [sflag:$0x1] =	stream.indirect_vreg.gather [hbm4b:s1+s4], $0x80, v4, vm0, $0xb8;
	[tilespmem:$0x9100] =	vst v63  }
0x79: {  	_ = 	snop  }
0x7a: {  	[tilespmem:s21], [sflag:$0x1] =	stream.indirect_vreg.gather [hbm4b:s1+s4], $0x80, v3, vm0, $0xb8;
	[tilespmem:$0x9100] =	vst v63  }
0x7b: {  	v3 =	vld [tilespmem:$0x30];
	_ =	sdelay $0x4  }
0x7c: {  	v51 =	vshll.u32 v3, $0x1  }
0x7d: {  	v3 =	vand.u32 $0x7, v3;
	v4 =	vand.u32 $0xFFFFFFF0, v51  }
0x7e: {  	v3 =	vor.u32 v3, v4  }
0x7f: {  	v4 =	vperm.xlane v3, v0;
	_ =	sdelay $0x1  }
0x80: {  	v3 =	vperm.xlane v3, v2;
	v4 =	vadd.s32 v1, v4;
	_ =	sdelay $0x1  }
0x81: {  	v3 =	vadd.s32 v1, v3;
	_ =	sdelay $0x2  }
0x82: {  	[tilespmem:s22], [sflag:$0x1] =	stream.indirect_vreg.gather [hbm4b:s1+s4], $0x80, v4, vm0, $0xb8;
	[tilespmem:$0x9100] =	vst v63  }
0x83: {  	_ = 	snop  }
0x84: {  	[tilespmem:s23], [sflag:$0x1] =	stream.indirect_vreg.gather [hbm4b:s1+s4], $0x80, v3, vm0, $0xb8;
	[tilespmem:$0x9100] =	vst v63  }
0x85: {  	v3 =	vld [tilespmem:$0x40];
	_ =	sdelay $0x4  }
0x86: {  	v52 =	vshll.u32 v3, $0x1  }
0x87: {  	v3 =	vand.u32 $0x7, v3;
	v4 =	vand.u32 $0xFFFFFFF0, v52  }
0x88: {  	v3 =	vor.u32 v3, v4  }
0x89: {  	v4 =	vperm.xlane v3, v0;
	_ =	sdelay $0x1  }
0x8a: {  	v3 =	vperm.xlane v3, v2;
	v4 =	vadd.s32 v1, v4;
	_ =	sdelay $0x1  }
0x8b: {  	v3 =	vadd.s32 v1, v3;
	_ =	sdelay $0x2  }
0x8c: {  	[tilespmem:s24], [sflag:$0x1] =	stream.indirect_vreg.gather [hbm4b:s1+s4], $0x80, v4, vm0, $0xb8;
	[tilespmem:$0x9100] =	vst v63  }
0x8d: {  	_ = 	snop  }
0x8e: {  	[tilespmem:s25], [sflag:$0x1] =	stream.indirect_vreg.gather [hbm4b:s1+s4], $0x80, v3, vm0, $0xb8;
	[tilespmem:$0x9100] =	vst v63  }
0x8f: {  	v3 =	vld [tilespmem:$0x50];
	_ =	sdelay $0x4  }
0x90: {  	v53 =	vshll.u32 v3, $0x1  }
0x91: {  	v3 =	vand.u32 $0x7, v3;
	v4 =	vand.u32 $0xFFFFFFF0, v53  }
0x92: {  	v3 =	vor.u32 v3, v4  }
0x93: {  	v4 =	vperm.xlane v3, v0;
	_ =	sdelay $0x1  }
0x94: {  	v3 =	vperm.xlane v3, v2;
	v4 =	vadd.s32 v1, v4;
	_ =	sdelay $0x1  }
0x95: {  	v3 =	vadd.s32 v1, v3;
	_ =	sdelay $0x2  }
0x96: {  	[tilespmem:s26], [sflag:$0x1] =	stream.indirect_vreg.gather [hbm4b:s1+s4], $0x80, v4, vm0, $0xb8;
	[tilespmem:$0x9100] =	vst v63  }
0x97: {  	_ = 	snop  }
0x98: {  	[tilespmem:s28], [sflag:$0x1] =	stream.indirect_vreg.gather [hbm4b:s1+s4], $0x80, v3, vm0, $0xb8;
	[tilespmem:$0x9100] =	vst v63  }
0x99: {  	v3 =	vld [tilespmem:$0x60];
	_ =	sdelay $0x4  }
0x9a: {  	v54 =	vshll.u32 v3, $0x1  }
0x9b: {  	v3 =	vand.u32 $0x7, v3;
	v4 =	vand.u32 $0xFFFFFFF0, v54  }
0x9c: {  	v3 =	vor.u32 v3, v4  }
0x9d: {  	v4 =	vperm.xlane v3, v0;
	_ =	sdelay $0x1  }
0x9e: {  	v3 =	vperm.xlane v3, v2;
	v4 =	vadd.s32 v1, v4;
	_ =	sdelay $0x1  }
0x9f: {  	v3 =	vadd.s32 v1, v3;
	_ =	sdelay $0x2  }
0xa0: {  	[tilespmem:s29], [sflag:$0x1] =	stream.indirect_vreg.gather [hbm4b:s1+s4], $0x80, v4, vm0, $0xb8;
	[tilespmem:$0x9100] =	vst v63  }
0xa1: {  	_ = 	snop  }
0xa2: {  	[tilespmem:s30], [sflag:$0x1] =	stream.indirect_vreg.gather [hbm4b:s1+s4], $0x80, v3, vm0, $0xb8;
	[tilespmem:$0x9100] =	vst v63  }
0xa3: {  	v3 =	vld [tilespmem:$0x70];
	_ =	sdelay $0x4  }
0xa4: {  	v55 =	vshll.u32 v3, $0x1  }
0xa5: {  	v3 =	vand.u32 $0x7, v3;
	v4 =	vand.u32 $0xFFFFFFF0, v55  }
0xa6: {  	v3 =	vor.u32 v3, v4  }
0xa7: {  	v4 =	vperm.xlane v3, v0;
	_ =	sdelay $0x1  }
0xa8: {  	v3 =	vperm.xlane v3, v2;
	v4 =	vadd.s32 v1, v4;
	_ =	sdelay $0x1  }
0xa9: {  	v3 =	vadd.s32 v1, v3;
	_ =	sdelay $0x2  }
0xaa: {  	[tilespmem:s31], [sflag:$0x1] =	stream.indirect_vreg.gather [hbm4b:s1+s4], $0x80, v4, vm0, $0xb8;
	[tilespmem:$0x9100] =	vst v63  }
0xab: {  	_ = 	snop  }
0xac: {  	[tilespmem:s0], [sflag:$0x1] =	stream.indirect_vreg.gather [hbm4b:s1+s4], $0x80, v3, vm0, $0xb8;
	[tilespmem:$0x9100] =	vst v63  }
0xad: {  	_ =	swait.ge [sflag:s3], $0x8000  }
0xae: {  	[sflag:s3] =	ssyncset.done $0x0  }
0xaf: {  	[sflag:s3] =	ssyncadd.s32 $0xFFFF8000  }
0xb0: {  	[hbm4b:s14+s4] =	stream.linear.scatter [tilespmem:s16], [sflag:$0x3], $0x8000, $0x38;
	[tilespmem:$0x9100] =	vst v63  }
0xb1: {  	_ =	swait.ge [sflag:s15], $0x8000  }
0xb2: {  	[sflag:s15] =	ssyncset.done $0x0  }
0xb3: {  	s9 =	sadd.s32 s8, s11;
	[sflag:s15] =	ssyncadd.s32 $0xFFFF8000  }
0xb4: {  	[tilespmem:s4], [sflag:$0x3] =	stream.linear.gather [hbm4b:s9+s4], $0x80, $0x38;
	[tilespmem:$0x9100] =	vst v63  }
0xb5: {  	_ =	swait.ge [sflag:s15], $0x80  }
0xb6: {  	[sflag:s15] =	ssyncset.done $0x0  }
0xb7: {  	[sflag:s15] =	ssyncadd.s32 $0xFFFFFF80  }
0xb8: {  	v3 =	vld [tilespmem:$0x0];
	_ =	sdelay $0x4  }
0xb9: {  	v56 =	vshll.u32 v3, $0x1  }
0xba: {  	v3 =	vand.u32 $0x7, v3;
	v4 =	vand.u32 $0xFFFFFFF0, v56  }
0xbb: {  	v3 =	vor.u32 v3, v4  }
0xbc: {  	v4 =	vperm.xlane v3, v0;
	_ =	sdelay $0x1  }
0xbd: {  	v3 =	vperm.xlane v3, v2;
	v4 =	vadd.s32 v1, v4;
	_ =	sdelay $0x1  }
0xbe: {  	v3 =	vadd.s32 v1, v3;
	_ =	sdelay $0x2  }
0xbf: {  	[tilespmem:s16], [sflag:$0x1] =	stream.indirect_vreg.gather [hbm4b:s2+s4], $0x80, v4, vm0, $0xb8;
	[tilespmem:$0x9100] =	vst v63  }
0xc0: {  	_ = 	snop  }
0xc1: {  	[tilespmem:s17], [sflag:$0x1] =	stream.indirect_vreg.gather [hbm4b:s2+s4], $0x80, v3, vm0, $0xb8;
	[tilespmem:$0x9100] =	vst v63  }
0xc2: {  	v3 =	vld [tilespmem:$0x10];
	_ =	sdelay $0x4  }
0xc3: {  	v57 =	vshll.u32 v3, $0x1  }
0xc4: {  	v3 =	vand.u32 $0x7, v3;
	v4 =	vand.u32 $0xFFFFFFF0, v57  }
0xc5: {  	v3 =	vor.u32 v3, v4  }
0xc6: {  	v4 =	vperm.xlane v3, v0;
	_ =	sdelay $0x1  }
0xc7: {  	v3 =	vperm.xlane v3, v2;
	v4 =	vadd.s32 v1, v4;
	_ =	sdelay $0x1  }
0xc8: {  	v3 =	vadd.s32 v1, v3;
	_ =	sdelay $0x2  }
0xc9: {  	[tilespmem:s18], [sflag:$0x1] =	stream.indirect_vreg.gather [hbm4b:s2+s4], $0x80, v4, vm0, $0xb8;
	[tilespmem:$0x9100] =	vst v63  }
0xca: {  	_ = 	snop  }
0xcb: {  	[tilespmem:s19], [sflag:$0x1] =	stream.indirect_vreg.gather [hbm4b:s2+s4], $0x80, v3, vm0, $0xb8;
	[tilespmem:$0x9100] =	vst v63  }
0xcc: {  	v3 =	vld [tilespmem:$0x20];
	_ =	sdelay $0x4  }
0xcd: {  	v58 =	vshll.u32 v3, $0x1  }
0xce: {  	v3 =	vand.u32 $0x7, v3;
	v4 =	vand.u32 $0xFFFFFFF0, v58  }
0xcf: {  	v3 =	vor.u32 v3, v4  }
0xd0: {  	v4 =	vperm.xlane v3, v0;
	_ =	sdelay $0x1  }
0xd1: {  	v3 =	vperm.xlane v3, v2;
	v4 =	vadd.s32 v1, v4;
	_ =	sdelay $0x1  }
0xd2: {  	v3 =	vadd.s32 v1, v3;
	_ =	sdelay $0x2  }
0xd3: {  	[tilespmem:s20], [sflag:$0x1] =	stream.indirect_vreg.gather [hbm4b:s2+s4], $0x80, v4, vm0, $0xb8;
	[tilespmem:$0x9100] =	vst v63  }
0xd4: {  	_ = 	snop  }
0xd5: {  	[tilespmem:s21], [sflag:$0x1] =	stream.indirect_vreg.gather [hbm4b:s2+s4], $0x80, v3, vm0, $0xb8;
	[tilespmem:$0x9100] =	vst v63  }
0xd6: {  	v3 =	vld [tilespmem:$0x30];
	_ =	sdelay $0x4  }
0xd7: {  	v59 =	vshll.u32 v3, $0x1  }
0xd8: {  	v3 =	vand.u32 $0x7, v3;
	v4 =	vand.u32 $0xFFFFFFF0, v59  }
0xd9: {  	v3 =	vor.u32 v3, v4  }
0xda: {  	v4 =	vperm.xlane v3, v0;
	_ =	sdelay $0x1  }
0xdb: {  	v3 =	vperm.xlane v3, v2;
	v4 =	vadd.s32 v1, v4;
	_ =	sdelay $0x1  }
0xdc: {  	v3 =	vadd.s32 v1, v3;
	_ =	sdelay $0x2  }
0xdd: {  	[tilespmem:s22], [sflag:$0x1] =	stream.indirect_vreg.gather [hbm4b:s2+s4], $0x80, v4, vm0, $0xb8;
	[tilespmem:$0x9100] =	vst v63  }
0xde: {  	_ = 	snop  }
0xdf: {  	[tilespmem:s23], [sflag:$0x1] =	stream.indirect_vreg.gather [hbm4b:s2+s4], $0x80, v3, vm0, $0xb8;
	[tilespmem:$0x9100] =	vst v63  }
0xe0: {  	v3 =	vld [tilespmem:$0x40];
	_ =	sdelay $0x4  }
0xe1: {  	v60 =	vshll.u32 v3, $0x1  }
0xe2: {  	v3 =	vand.u32 $0x7, v3;
	v4 =	vand.u32 $0xFFFFFFF0, v60  }
0xe3: {  	v3 =	vor.u32 v3, v4  }
0xe4: {  	v4 =	vperm.xlane v3, v0;
	_ =	sdelay $0x1  }
0xe5: {  	v3 =	vperm.xlane v3, v2;
	v4 =	vadd.s32 v1, v4;
	_ =	sdelay $0x1  }
0xe6: {  	v3 =	vadd.s32 v1, v3;
	_ =	sdelay $0x2  }
0xe7: {  	[tilespmem:s24], [sflag:$0x1] =	stream.indirect_vreg.gather [hbm4b:s2+s4], $0x80, v4, vm0, $0xb8;
	[tilespmem:$0x9100] =	vst v63  }
0xe8: {  	_ = 	snop  }
0xe9: {  	[tilespmem:s25], [sflag:$0x1] =	stream.indirect_vreg.gather [hbm4b:s2+s4], $0x80, v3, vm0, $0xb8;
	[tilespmem:$0x9100] =	vst v63  }
0xea: {  	v3 =	vld [tilespmem:$0x50];
	_ =	sdelay $0x4  }
0xeb: {  	v61 =	vshll.u32 v3, $0x1  }
0xec: {  	v3 =	vand.u32 $0x7, v3;
	v4 =	vand.u32 $0xFFFFFFF0, v61  }
0xed: {  	v3 =	vor.u32 v3, v4  }
0xee: {  	v4 =	vperm.xlane v3, v0;
	_ =	sdelay $0x1  }
0xef: {  	v3 =	vperm.xlane v3, v2;
	v4 =	vadd.s32 v1, v4;
	_ =	sdelay $0x1  }
0xf0: {  	v3 =	vadd.s32 v1, v3;
	_ =	sdelay $0x2  }
0xf1: {  	[tilespmem:s26], [sflag:$0x1] =	stream.indirect_vreg.gather [hbm4b:s2+s4], $0x80, v4, vm0, $0xb8;
	[tilespmem:$0x9100] =	vst v63  }
0xf2: {  	_ = 	snop  }
0xf3: {  	[tilespmem:s28], [sflag:$0x1] =	stream.indirect_vreg.gather [hbm4b:s2+s4], $0x80, v3, vm0, $0xb8;
	[tilespmem:$0x9100] =	vst v63  }
0xf4: {  	v3 =	vld [tilespmem:$0x60];
	_ =	sdelay $0x4  }
0xf5: {  	v62 =	vshll.u32 v3, $0x1  }
0xf6: {  	v3 =	vand.u32 $0x7, v3;
	v4 =	vand.u32 $0xFFFFFFF0, v62  }
0xf7: {  	v3 =	vor.u32 v3, v4  }
0xf8: {  	v4 =	vperm.xlane v3, v0;
	_ =	sdelay $0x1  }
0xf9: {  	v3 =	vperm.xlane v3, v2;
	v4 =	vadd.s32 v1, v4;
	_ =	sdelay $0x1  }
0xfa: {  	v3 =	vadd.s32 v1, v3;
	_ =	sdelay $0x2  }
0xfb: {  	[tilespmem:s29], [sflag:$0x1] =	stream.indirect_vreg.gather [hbm4b:s2+s4], $0x80, v4, vm0, $0xb8;
	[tilespmem:$0x9100] =	vst v63  }
0xfc: {  	_ = 	snop  }
0xfd: {  	[tilespmem:s30], [sflag:$0x1] =	stream.indirect_vreg.gather [hbm4b:s2+s4], $0x80, v3, vm0, $0xb8;
	[tilespmem:$0x9100] =	vst v63  }
0xfe: {  	v3 =	vld [tilespmem:$0x70];
	_ =	sdelay $0x4  }
0xff: {  	v63 =	vshll.u32 v3, $0x1  }
0x100: {  	v3 =	vand.u32 $0x7, v3;
	v4 =	vand.u32 $0xFFFFFFF0, v63  }
0x101: {  	v3 =	vor.u32 v3, v4  }
0x102: {  	v4 =	vperm.xlane v3, v0;
	_ =	sdelay $0x1  }
0x103: {  	v3 =	vperm.xlane v3, v2;
	v4 =	vadd.s32 v1, v4;
	_ =	sdelay $0x1  }
0x104: {  	v3 =	vadd.s32 v1, v3;
	_ =	sdelay $0x2  }
0x105: {  	[tilespmem:s31], [sflag:$0x1] =	stream.indirect_vreg.gather [hbm4b:s2+s4], $0x80, v4, vm0, $0xb8;
	[tilespmem:$0x9100] =	vst v63  }
0x106: {  	_ = 	snop  }
0x107: {  	[tilespmem:s0], [sflag:$0x1] =	stream.indirect_vreg.gather [hbm4b:s2+s4], $0x80, v3, vm0, $0xb8;
	[tilespmem:$0x9100] =	vst v63  }
0x108: {  	_ =	swait.ge [sflag:s3], $0x8000  }
0x109: {  	[sflag:s3] =	ssyncset.done $0x0  }
.Ltmp5:
0x10a: {  	[sflag:s3] =	ssyncadd.s32 $0xFFFF8000;
	(pc) =	sbr.rel .LBB2_4-.Ltmp5, $4  }
0x10b: {  	[hbm4b:s13+s4] =	stream.linear.scatter [tilespmem:s16], [sflag:$0x2], $0x8000, $0x38;
	[tilespmem:$0x9100] =	vst v63  }
0x10c: {  	_ =	swait.ge [sflag:s6], $0x8000  }
0x10d: {  	[sflag:s6] =	ssyncset.done $0x0  }
0x10e: {  	[sflag:s6] =	ssyncadd.s32 $0xFFFF8000  }
.LBB2_6:
0x10f: {  	_ =	sfence.sel $0x180000  }
0x110: {  	[bflag:$0x0] =	sbarrier.arrive $0xFFFF  }
0x111: {  	_ =	strace $0x9000004A  }
0x112: {  	s0 =	stileid.u32;
	[bflag:$0x2] =	sbarrier.arrive $0xFFFF  }
0x113: {  	p0 =	sne.s32 s0, $0x0;
	s0 =	rddreg [dreg:$0x4]  }
0x114: {  	s0 =	sadd.s32 @!p0 $0x100000, s0  }
0x115: {  	[sflag:s0] =	ssyncadd.tile.s32 @!p0 $0x1;
	_ =	shalt  }
.Lfunc_end2:
_tile_overlayer_lowered:
.L_overlay_start_2:
0x116: {  	(tag) =	ssettag $0x2  }
0x117: {  	s0 =	rddreg [dreg:$0x0];
	s2 =	stileid.u32  }
0x118: {  	s1 =	rddreg [dreg:$0x1];
	p0 =	sne.s32 s2, $0x0  }
0x119: {  	s3 =	rddreg [dreg:$0x2];
	[bflag:$0x3] =	sbarrier.arrive $0xFFFF;
	s2 =	simm.s32 @!p0 $0x1C02  }
0x11a: {  	[timem:s3], [sflag:s2] =	dma.local @!p0 [hbm:s0], s1  }
0x11b: {  	s0 =	simm.s32 @!p0 $0x2  }
0x11c: {  	_ =	swait.ge @!p0 [sflag:s0], s1  }
0x11d: {  	s1 =	ssub.s32 @!p0 $0x0, s1;
	[sflag:s0] =	ssyncset.done @!p0 $0x0  }
0x11e: {  	[sflag:s0] =	ssyncadd.s32 @!p0 s1  }
0x11f: {  	[bflag:$0x3] =	sbarrier.arrive $0xFFFF  }
0x120: {  	_ =	shalt  }

// kernel: kernel.22.cloned.1.call-start
scs
__scs_entry_jumppad:
0x0: {  	(pc) =	sbr.rel $0x88, $3  }
0x1: {  	(tag) =	ssettag $0x0;
	lr =	simm.s32 $0x1  }
0x2: {  	[smem:$0x3F89] =	sst lr;
	_ =	strace $0xD0000000  }
0x3: {  	_ = 	snop  }
0x4: {  	_ = 	snop  }
0x5: {  	_ = 	snop  }
0x6: {  	_ = 	snop  }
0x7: {  	_ = 	snop  }
__scs_overlays_trampoline_lowered:
0x8: {  	[smem:$0x3F98] =	sst s0  }
0x9: {  	[smem:$0x3F99] =	sst s1  }
0xa: {  	[smem:$0x3F9A] =	sst s2  }
0xb: {  	[smem:$0x3F9B] =	sst s3  }
0xc: {  	[smem:$0x3F9C] =	sst s4  }
0xd: {  	[smem:$0x3F9D] =	sst s5  }
0xe: {  	[smem:$0x3F9E] =	sst s6  }
0xf: {  	[smem:$0x3F9F] =	sst s7  }
0x10: {  	[smem:$0x3FA0] =	sst s8  }
0x11: {  	[smem:$0x3FA1] =	sst s9;
	s0 =	simm.s32 @!p0 $0x0  }
0x12: {  	s1 =	sld [smem:$0x3F87];
	s0 =	simm.s32 @p0 $0x1  }
0x13: {  	[smem:$0x3FA2] =	sst s0;
	s0 =	simm.s32 @!p1 $0x0  }
0x14: {  	s2 =	sld [smem:$0x3F86];
	s0 =	simm.s32 @p1 $0x1  }
0x15: {  	[smem:$0x3FA3] =	sst s0;
	s0 =	simm.s32 @!p2 $0x0  }
0x16: {  	s3 =	sld [smem:$0x3FDB];
	s0 =	simm.s32 @p2 $0x1  }
0x17: {  	s4 =	simm.s32 $0x1BF5;
	[smem:$0x3FA5] =	sst s0  }
0x18: {  	s0 =	sld [smem:$0x3F88];
	_ =	swait.ge [sflag:s4], $0x0  }
0x19: {  	s7 =	sld [smem:$0x3F89]  }
0x1a: {  	s8 =	sadd.s32 $0xFFFFE003, lr  }
0x1b: {  	s9 =	sadd.s32 $0xFFFFFEF7, lr;
	s5 =	simm.s32 $0xFFFFFFFF;
	p2 =	slt.u32 s8, $0xFFFFF086  }
0x1c: {  	p1 =	slt.u32 s9, $0xF7A;
	s5 =	simm.s32 @!p2 $0x0  }
0x1d: {  	s5 =	simm.s32 @p1 $0x1;
	p0 =	seq.s32 s7, s2  }
0x1e: {  	s7 =	smul.u32 @!p0 $0xF7A, s2;
	p2 =	seq.s32 @!p0 s5, $0x0  }
0x1f: {  	s9 =	smul.u32 $0xF7A, s1;
	s8 =	simm.s32 @!p0 $0x1BF5;
	p2 =	por !p2, p0  }
0x20: {  	[sflag:s8] =	ssyncset.s32 @!p0 $0xFFFFF086;
	s6 =	sadd.s32 @!p0 s3, s7;
	s7 =	simm.s32 @!p0 $0x108  }
0x21: {  	s3 =	sadd.s32 s3, s9;
	s6 =	sadd.s32 @!p0 $0x88, s6;
	s7 =	simm.s32 @p2 $0x1082  }
0x22: {  	[simem:s7], [sflag:s8] =	dma.local @!p0 [hbm:s6], $0xF7A  }
0x23: {  	s9 =	sor.u32 $0xD0000000, s2;
	s6 =	simm.s32 $0x108;
	_ =	swait.ge @!p0 [sflag:s8], $0x0  }
0x24: {  	s3 =	sadd.s32 $0x88, s3;
	s6 =	simm.s32 @!p1 $0x1082;
	[sflag:s4] =	ssyncset.s32 $0xFFFFF086  }
0x25: {  	[simem:s6], [sflag:s4] =	dma.local [hbm:s3], $0xF7A  }
0x26: {  	[smem:$0x3F89] =	sst s1;
	(tag) =	ssettag s2;
	_ =	strace s9  }
0x27: {  	s1 =	sld [smem:$0x3F99]  }
0x28: {  	s2 =	sld [smem:$0x3F9A]  }
0x29: {  	s4 =	sld [smem:$0x3F9C]  }
0x2a: {  	p0 =	seq.s32 s5, $0x0;
	s5 =	sld [smem:$0x3F9D]  }
0x2b: {  	s6 =	sld [smem:$0x3F9E]  }
0x2c: {  	s7 =	sld [smem:$0x3F9F]  }
0x2d: {  	s3 =	simm.s32 $0x108;
	s8 =	sld [smem:$0x3FA0]  }
0x2e: {  	s3 =	simm.s32 @!p0 $0x1082;
	s9 =	sld [smem:$0x3FA1]  }
0x2f: {  	lr =	sadd.s32 s0, s3;
	s0 =	sld [smem:$0x3F98]  }
0x30: {  	s3 =	sld [smem:$0x3F9B]  }
0x31: {  	[smem:$0x3FA4] =	sst s10  }
0x32: {  	s10 =	sld [smem:$0x3FA2];
	_ =	sdelay $0x3  }
0x33: {  	p0 =	seq.s32 s10, $0x1;
	s10 =	sld [smem:$0x3FA4];
	_ =	sdelay $0x3  }
0x34: {  	[smem:$0x3FA4] =	sst s10  }
0x35: {  	s10 =	sld [smem:$0x3FA3];
	_ =	sdelay $0x3  }
0x36: {  	p1 =	seq.s32 s10, $0x1;
	s10 =	sld [smem:$0x3FA4];
	_ =	sdelay $0x3  }
0x37: {  	[smem:$0x3FA4] =	sst s10  }
0x38: {  	s10 =	sld [smem:$0x3FA5]  }
0x39: {  	_ = 	snop;
	(pc) =	sbr.ind lr, $3  }
0x3a: {  	_ = 	snop  }
0x3b: {  	_ = 	snop  }
0x3c: {  	p2 =	seq.s32 s10, $0x1;
	s10 =	sld [smem:$0x3FA4]  }
0x3d: {  	_ =	shalt  }
0x3e: {  	_ =	shalt  }
0x3f: {  	_ =	shalt  }
0x40: {  	_ =	shalt  }
0x41: {  	_ =	shalt  }
0x42: {  	_ =	shalt  }
0x43: {  	_ =	shalt  }
0x44: {  	_ =	shalt  }
0x45: {  	_ =	shalt  }
0x46: {  	_ =	shalt  }
0x47: {  	_ =	shalt  }
0x48: {  	_ =	shalt  }
0x49: {  	_ =	shalt  }
0x4a: {  	_ =	shalt  }
0x4b: {  	_ =	shalt  }
0x4c: {  	_ =	shalt  }
0x4d: {  	_ =	shalt  }
0x4e: {  	_ =	shalt  }
0x4f: {  	_ =	shalt  }
0x50: {  	_ =	shalt  }
0x51: {  	_ =	shalt  }
0x52: {  	_ =	shalt  }
0x53: {  	_ =	shalt  }
0x54: {  	_ =	shalt  }
0x55: {  	_ =	shalt  }
0x56: {  	_ =	shalt  }
0x57: {  	_ =	shalt  }
0x58: {  	_ =	shalt  }
0x59: {  	_ =	shalt  }
0x5a: {  	_ =	shalt  }
0x5b: {  	_ =	shalt  }
0x5c: {  	_ =	shalt  }
0x5d: {  	_ =	shalt  }
0x5e: {  	_ =	shalt  }
0x5f: {  	_ =	shalt  }
0x60: {  	_ =	shalt  }
0x61: {  	_ =	shalt  }
0x62: {  	_ =	shalt  }
0x63: {  	_ =	shalt  }
0x64: {  	_ =	shalt  }
0x65: {  	_ =	shalt  }
0x66: {  	_ =	shalt  }
0x67: {  	_ =	shalt  }
0x68: {  	_ =	shalt  }
0x69: {  	_ =	shalt  }
0x6a: {  	_ =	shalt  }
0x6b: {  	_ =	shalt  }
0x6c: {  	_ =	shalt  }
0x6d: {  	_ =	shalt  }
0x6e: {  	_ =	shalt  }
0x6f: {  	_ =	shalt  }
0x70: {  	_ =	shalt  }
0x71: {  	_ =	shalt  }
0x72: {  	_ =	shalt  }
0x73: {  	_ =	shalt  }
0x74: {  	_ =	shalt  }
0x75: {  	_ =	shalt  }
0x76: {  	_ =	shalt  }
0x77: {  	_ =	shalt  }
0x78: {  	_ =	shalt  }
0x79: {  	_ =	shalt  }
0x7a: {  	_ =	shalt  }
0x7b: {  	_ =	shalt  }
0x7c: {  	_ =	shalt  }
0x7d: {  	_ =	shalt  }
0x7e: {  	_ =	shalt  }
0x7f: {  	_ =	shalt  }
0x80: {  	_ =	shalt  }
0x81: {  	_ =	shalt  }
0x82: {  	_ =	shalt  }
0x83: {  	_ =	shalt  }
0x84: {  	_ =	shalt  }
0x85: {  	_ =	shalt  }
0x86: {  	_ =	shalt  }
0x87: {  	_ =	shalt  }
.Lfunc_end0:
.L_simem_size_0:
called_computation.2_lowered:
.L_overlay_start_0:
0x88: {  	s2 =	sld [smem:$0x3FD9]  }
0x89: {  	s3 =	sld [smem:$0x3FFE];
	_ =	sdelay $0x1  }
0x8a: {  	s1 =	srdreg.scid  }
0x8b: {  	s0 =	sand.u32 $0x1, s1  }
0x8c: {  	s17 =	sshll.u32 s0, $0xA;
	s2 =	sadd.s32 s3, s2  }
0x8d: {  	s2 =	sadd.s32 s2, s17  }
0x8e: {  	[smem:$0x3FB0] =	sst s2  }
0x8f: {  	_ = 	snop  }
0x90: {  	s2 =	sld [smem:$0x3FD0];
	(tm) =	ssettm $0x1  }
0x91: {  	s18 =	sld [smem:$0x3FFB];
	_ =	sdelay $0x3  }
0x92: {  	_ =	strace s18  }
0x93: {  	s3 =	sld [smem:$0x3FFC];
	_ =	sdelay $0x3  }
0x94: {  	_ =	strace s3  }
0x95: {  	s3 =	sld [smem:$0x3FFD];
	_ =	sdelay $0x3  }
0x96: {  	_ =	strace s3  }
0x97: {  	_ =	strace $0x8FFFFFFF  }
0x98: {  	s19 =	sld [smem:$0x3FDB];
	_ =	sdelay $0x1  }
0x99: {  	s4 =	simm.s32 $_scs_section_size  }
0x9a: {  	s5 =	simm.s32 $_size__tile_overlayer_lowered;
	s6 =	simm.s32 $_tile_overlayer_lowered  }
0x9b: {  	s22 =	simm.s32 $0x1BFF;
	s21 =	sshll.u32 s6, $0x1;
	s3 =	sadd.s32 s4, s19  }
0x9c: {  	s7 =	simm.s32 $0x0;
	s20 =	sshll.u32 s5, $0x1;
	s5 =	sadd.s32 s21, s3  }
0x9d: {  	[timem:s7], [sflag:s22] =	dma.local [hbm:s5], s20  }
0x9e: {  	_ =	swait.ge [sflag:s22], s20  }
0x9f: {  	s4 =	ssub.s32 $0x0, s20;
	[sflag:s22] =	ssyncset.done $0x0  }
0xa0: {  	[sflag:s22] =	ssyncadd.s32 s4;
	_ =	sdelay $0x1  }
0xa1: {  	s23 =	simm.s32 $0x1B8B  }
0xa2: {  	_ =	swait.ge [sflag:s23], $0x1  }
0xa3: {  	[sflag:s23] =	ssyncset.done $0x0  }
0xa4: {  	s25 =	simm.s32 $0x1B8E;
	s24 =	sld [smem:$0x3FFE];
	[sflag:s23] =	ssyncadd.s32 $0xFFFFFFFF  }
0xa5: {  	s26 =	simm.s32 $execute0_lowered;
	[smem:$0x3FD2] =	sst s25  }
0xa6: {  	s5 =	sshll.u32 s26, $0x1;
	_ =	strace $0x8000004C;
	[dreg:$0x1] =	wrdreg $0xFFFFFFFF  }
0xa7: {  	s28 =	simm.s32 $_size_execute0_lowered;
	s3 =	sadd.s32 s3, s5;
	[dreg:$0x0] =	wrdreg $0x0  }
0xa8: {  	s5 =	sshll.u32 s28, $0x1;
	[dreg:$0x2] =	wrdreg s3  }
0xa9: {  	[dreg:$0x3] =	wrdreg s5  }
0xaa: {  	[dreg:$0x4] =	wrdreg $0xC0  }
0xab: {  	_ =	task [dreg:s7], $0x5FFFF  }
0xac: {  	[dreg:$0x1] =	wrdreg $0xFFFFFFFF  }
0xad: {  	[dreg:$0x0] =	wrdreg $0x60  }
0xae: {  	[dreg:$0x2] =	wrdreg s24  }
0xaf: {  	[dreg:$0x3] =	wrdreg s2  }
0xb0: {  	[dreg:$0x4] =	wrdreg $0x52000  }
0xb1: {  	[dreg:$0x5] =	wrdreg $0x9  }
0xb2: {  	_ =	task.clear_ibuf [dreg:s7], $0x6FFFF;
	_ =	strace $0x9000004C  }
0xb3: {  	s29 =	simm.s32 $0x9;
	_ =	strace $0x8000004E  }
0xb4: {  	_ =	swait.ge [sflag:s29], $0x1  }
0xb5: {  	[sflag:s29] =	ssyncadd.s32 $0xFFFFFFFF  }
0xb6: {  	_ =	strace $0x9000004E  }
0xb7: {  	_ =	sfence  }
0xb8: {  	s30 =	sld [smem:$0x0];
	_ =	sdelay $0x2  }
0xb9: {  	s31 =	sshll.u32 s1, $0xD;
	s1 =	sshrl.u32 s1, $0x2  }
0xba: {  	s3 =	sand.u32 $0x4000, s31;
	s1 =	sadd.s32 s1, s30  }
0xbb: {  	s0 =	sor.u32 s3, s0;
	s1 =	sshll.u32 s1, $0x11  }
0xbc: {  	s0 =	sor.u32 s1, s0  }
0xbd: {  	s0 =	sadd.s32 $0x8F2B, s0  }
0xbe: {  	[sflag:s0] =	ssyncadd.remote.s32 $0x1  }
0xbf: {  	_ =	sfence.sel $0xFFFF  }
0xc0: {  	[dreg:$0x0] =	wrdreg $0xFFFFFFFF;
	(pc) =	sbr.abs _section_cstart, $3  }
0xc1: {  	[dreg:$0x1] =	wrdreg $0xFFFFFFFF  }
0xc2: {  	_ =	task.clear_ibuf [dreg:s7], $0x2FFFF;
	_ =	strace $0x9FFFFFFF  }
0xc3: {  	(tm) =	ssettm $0x7FFFFFFF  }
tec
execute0_lowered:
.L_overlay_start_1:
0x0: {  	(tag) =	ssettag $0x1  }
0x1: {  	s5 =	rddreg [dreg:$0x0]  }
0x2: {  	s9 =	rddreg [dreg:$0x1]  }
0x3: {  	s1 =	rddreg [dreg:$0x2]  }
0x4: {  	s0 =	rddreg [dreg:$0x3];
	s2 =	simm.s32 $0x0;
	s6 =	srdreg.scid  }
0x5: {  	s3 =	stileid.u32;
	s20 =	simm.s32 $0x100;
	s21 =	simm.s32 $0x180  }
0x6: {  	s22 =	simm.s32 $0x20;
	s23 =	simm.s32 $0x4200;
	s24 =	simm.s32 $0x0  }
0x7: {  	[smem:$0x7FF] =	sst s2;
	s4 =	sadd.s32 $0x7AA00, s5;
	s13 =	sadd.s32 $0x16A00, s5  }
0x8: {  	s12 =	sadd.s32 $0x3000, s5;
	s8 =	sand.u32 $0x1, s6;
	s7 =	smul.u32 $0x4E000, s3  }
0x9: {  	s25 =	sshll.u32 s3, $0x1;
	s5 =	sadd.s32 $0x2BC00, s5;
	s16 =	smul.u32 $0x13800, s3  }
0xa: {  	s17 =	smul.u32 $0x9C40, s3;
	s18 =	sadd.s32 $0x138000, s1;
	p0 =	sne.s32 s3, $0xF  }
0xb: {  	s28 =	sshll.u32 s3, $0x6;
	_ =	strace $0x8000004D;
	s26 =	smul.u32 $0x138800, s8  }
0xc: {  	s10 =	ssub.s32 $0x2, s8;
	s6 =	sor.u32 s8, s25;
	s19 =	smul.u32 $0x4E20, s8  }
0xd: {  	s11 =	sshrl.u32 s10, $0x1;
	s7 =	sshrl.u32 s7, $0x2;
	s6 =	smul.u32 $0x4E20, s6  }
0xe: {  	s11 =	ssub.s32 s10, s11;
	s14 =	sadd.s32 s7, s1;
	s29 =	sadd.s32 s16, s26  }
0xf: {  	s10 =	sshrl.u32 s26, $0x3;
	s30 =	sadd.s32 s19, s17;
	s16 =	sshrl.u32 @!p0 s18, $0x3  }
0x10: {  	s17 =	simm.s32 $0x80;
	s18 =	simm.s32 $0x200;
	s19 =	simm.s32 $0x1  }
0x11: {  	s15 =	sshrl.u32 s6, $0x3;
	s6 =	sor.u32 $0x1C02, s28;
	s10 =	sadd.s32 s9, s10  }
0x12: {  	s31 =	sshrl.u32 s30, $0x3;
	s11 =	smax.u32 s11, $0x1;
	s15 =	sadd.s32 $0x9C0, s15  }
0x13: {  	s14 =	sshrl.u32 s14, $0x3;
	s10 =	sadd.s32 $0x27000, s10;
	s7 =	sadd.s32 s13, s15  }
0x14: {  	s8 =	sadd.s32 s12, s15;
	s15 =	sshrl.u32 s29, $0x3;
	s12 =	sadd.s32 s31, s12  }
0x15: {  	s13 =	sadd.s32 s31, s13;
	s9 =	sadd.s32 s9, s15;
	s15 =	simm.s32 $0x2  }
.LBB2_1:
0x16: {  	[spmem:s14], [sflag:s6] =	dma.local [hbm:s5], $0x2700  }
0x17: {  	_ =	swait.ge [sflag:s15], $0x2700  }
0x18: {  	[sflag:s15] =	ssyncset.done $0x0  }
0x19: {  	s25 =	simm.s32 @!p0 $0x2;
	[sflag:s15] =	ssyncadd.s32 $0xFFFFD900  }
0x1a: {  	[spmem:s16], [sflag:s6] =	dma.local @!p0 [hbm:s5], $0x100  }
0x1b: {  	_ =	swait.ge @!p0 [sflag:s25], $0x100  }
0x1c: {  	[sflag:s25] =	ssyncset.done @!p0 $0x0  }
0x1d: {  	[sflag:s25] =	ssyncadd.s32 @!p0 $0xFFFFFF00  }
0x1e: {  	s30 =	sadd.s32 $0x0, s13;
	[bflag:$0x0] =	sbarrier.arrive $0xFFFF  }
0x1f: {  	[tilespmem:s2], [sflag:$0x2] =	stream.linear.gather [hbm4b:s30+s2], $0x80, $0x38;
	[tilespmem:$0x18A80] =	vst v63  }
0x20: {  	_ =	swait.ge [sflag:s15], $0x80  }
0x21: {  	[sflag:s15] =	ssyncset.done $0x0  }
0x22: {  	s31 =	sadd.s32 $0x0, s12;
	[sflag:s15] =	ssyncadd.s32 $0xFFFFFF80  }
0x23: {  	[tilespmem:s17], [sflag:$0x2] =	stream.linear.gather [hbm4b:s31+s2], $0x80, $0x38;
	[tilespmem:$0x18A80] =	vst v63  }
0x24: {  	_ =	swait.ge [sflag:s15], $0x80  }
0x25: {  	[sflag:s15] =	ssyncset.done $0x0  }
0x26: {  	[sflag:s15] =	ssyncadd.s32 $0xFFFFFF80  }
0x27: {  	[tilespmem:s18], [sflag:$0x1] =	stream.indirect.gather [hbm4b:s4+s17], $0x80, s2, s17, $0xb8;
	[tilespmem:$0x18A80] =	vst v63  }
0x28: {  	_ =	swait.ge [sflag:s19], $0x4000  }
0x29: {  	[sflag:s19] =	ssyncset.done $0x0  }
0x2a: {  	[sflag:s19] =	ssyncadd.s32 $0xFFFFC000  }
0x2b: {  	[spmem:s1] =	stream.indirect.scatter.add.f32 [tilespmem:s18], [sflag:$0x2], $0x80, s17, s17, $0xb8;
	[tilespmem:$0x18A80] =	vst v63  }
0x2c: {  	_ =	swait.ge [sflag:s15], $0x4000  }
0x2d: {  	s26 =	simm.s32 $0x20;
	s25 =	simm.s32 $0x10;
	[sflag:s15] =	ssyncset.done $0x0  }
.LBB2_2:
0x2e: {  	s28 =	sadd.s32 s25, s13  }
0x2f: {  	[sflag:s15] =	ssyncadd.s32 $0xFFFFC000;
	s29 =	smov.u32 s26;
	s30 =	sadd.s32 $0x10, s26  }
0x30: {  	[tilespmem:s2], [sflag:$0x2] =	stream.linear.gather [hbm4b:s28+s2], $0x80, $0x38;
	[tilespmem:$0x18A80] =	vst v63  }
0x31: {  	p1 =	sne.s32 s26, $0x9B0;
	_ =	swait.ge [sflag:s15], $0x80  }
0x32: {  	[sflag:s15] =	ssyncset.done $0x0  }
0x33: {  	s26 =	sadd.s32 s25, s12;
	s25 =	smov.u32 s29;
	[sflag:s15] =	ssyncadd.s32 $0xFFFFFF80  }
0x34: {  	[tilespmem:s17], [sflag:$0x2] =	stream.linear.gather [hbm4b:s26+s2], $0x80, $0x38;
	[tilespmem:$0x18A80] =	vst v63  }
0x35: {  	_ =	swait.ge [sflag:s15], $0x80  }
0x36: {  	[sflag:s15] =	ssyncset.done $0x0  }
0x37: {  	[sflag:s15] =	ssyncadd.s32 $0xFFFFFF80  }
0x38: {  	[tilespmem:s18], [sflag:$0x1] =	stream.indirect.gather [hbm4b:s4+s17], $0x80, s2, s17, $0xb8;
	[tilespmem:$0x18A80] =	vst v63  }
0x39: {  	_ =	swait.ge [sflag:s19], $0x4000  }
.Ltmp0:
0x3a: {  	[sflag:s19] =	ssyncset.done $0x0;
	(pc) =	sbr.rel @p1 .LBB2_2-.Ltmp0, $4  }
0x3b: {  	[sflag:s19] =	ssyncadd.s32 $0xFFFFC000  }
0x3c: {  	[spmem:s1] =	stream.indirect.scatter.add.f32 [tilespmem:s18], [sflag:$0x2], $0x80, s17, s17, $0xb8;
	[tilespmem:$0x18A80] =	vst v63  }
0x3d: {  	_ =	swait.ge [sflag:s15], $0x4000  }
0x3e: {  	s26 =	smov.u32 s30;
	[sflag:s15] =	ssyncset.done $0x0  }
0x3f: {  	s26 =	sadd.s32 s25, s13;
	[sflag:s15] =	ssyncadd.s32 $0xFFFFC000  }
0x40: {  	[tilespmem:s2], [sflag:$0x2] =	stream.linear.gather [hbm4b:s26+s2], $0x80, $0x38;
	[tilespmem:$0x18A80] =	vst v63  }
0x41: {  	_ =	swait.ge [sflag:s15], $0x80  }
0x42: {  	[sflag:s15] =	ssyncset.done $0x0  }
0x43: {  	s31 =	sadd.s32 s25, s12;
	[sflag:s15] =	ssyncadd.s32 $0xFFFFFF80  }
0x44: {  	[tilespmem:s17], [sflag:$0x2] =	stream.linear.gather [hbm4b:s31+s2], $0x80, $0x38;
	[tilespmem:$0x18A80] =	vst v63  }
0x45: {  	_ =	swait.ge [sflag:s15], $0x80  }
0x46: {  	[sflag:s15] =	ssyncset.done $0x0  }
0x47: {  	[sflag:s15] =	ssyncadd.s32 $0xFFFFFF80  }
0x48: {  	[tilespmem:s18], [sflag:$0x1] =	stream.indirect.gather [hbm4b:s4+s17], $0x80, s2, s17, $0xb8;
	[tilespmem:$0x18A80] =	vst v63  }
0x49: {  	_ =	swait.ge [sflag:s19], $0x4000  }
0x4a: {  	[sflag:s19] =	ssyncset.done $0x0  }
0x4b: {  	[sflag:s19] =	ssyncadd.s32 $0xFFFFC000  }
0x4c: {  	[spmem:s1] =	stream.indirect.scatter.add.f32 [tilespmem:s18], [sflag:$0x2], $0x80, s17, s17, $0xb8;
	[tilespmem:$0x18A80] =	vst v63  }
0x4d: {  	_ =	swait.ge [sflag:s15], $0x4000  }
0x4e: {  	[sflag:s15] =	ssyncset.done $0x0  }
0x4f: {  	[sflag:s15] =	ssyncadd.s32 $0xFFFFC000  }
0x50: {  	[tilespmem:s20], [sflag:$0x2] =	stream.linear.gather [hbm4b:s7+s2], $0x20, $0x38;
	[tilespmem:$0x18A80] =	vst v63  }
0x51: {  	_ =	swait.ge [sflag:s15], $0x20  }
0x52: {  	[sflag:s15] =	ssyncset.done $0x0  }
0x53: {  	[sflag:s15] =	ssyncadd.s32 $0xFFFFFFE0  }
0x54: {  	[tilespmem:s21], [sflag:$0x2] =	stream.linear.gather [hbm4b:s8+s2], $0x20, $0x38;
	[tilespmem:$0x18A80] =	vst v63  }
0x55: {  	_ =	swait.ge [sflag:s15], $0x20  }
0x56: {  	[sflag:s15] =	ssyncset.done $0x0  }
0x57: {  	[sflag:s15] =	ssyncadd.s32 $0xFFFFFFE0  }
0x58: {  	[tilespmem:s23], [sflag:$0x1] =	stream.indirect.gather [hbm4b:s4+s22], $0x80, s20, s22, $0xb8;
	[tilespmem:$0x18A80] =	vst v63  }
0x59: {  	_ =	swait.ge [sflag:s19], $0x1000  }
0x5a: {  	[sflag:s19] =	ssyncset.done $0x0  }
0x5b: {  	[sflag:s19] =	ssyncadd.s32 $0xFFFFF000  }
0x5c: {  	[spmem:s1] =	stream.indirect.scatter.add.f32 [tilespmem:s23], [sflag:$0x2], $0x80, s21, s22, $0xb8;
	[tilespmem:$0x18A80] =	vst v63  }
0x5d: {  	_ =	swait.ge [sflag:s15], $0x1000  }
0x5e: {  	[sflag:s15] =	ssyncset.done $0x0  }
0x5f: {  	[sflag:s15] =	ssyncadd.s32 $0xFFFFF000  }
0x60: {  	[bflag:$0x0] =	sbarrier.arrive $0xFFFF  }
0x61: {  	[hbm:s9], [sflag:s6] =	dma.local [spmem:s14], $0x2700  }
0x62: {  	s24 =	sadd.s32 $0x1, s24;
	_ =	swait.ge [sflag:s15], $0x2700  }
0x63: {  	p1 =	sne.s32 s24, s11;
	[sflag:s15] =	ssyncset.done $0x0  }
.Ltmp1:
0x64: {  	s25 =	simm.s32 @!p0 $0x2;
	[sflag:s15] =	ssyncadd.s32 $0xFFFFD900;
	(pc) =	sbr.rel @p1 .LBB2_1-.Ltmp1, $4  }
0x65: {  	[hbm:s10], [sflag:s6] =	dma.local @!p0 [spmem:s16], $0x100  }
0x66: {  	_ =	swait.ge @!p0 [sflag:s25], $0x100  }
0x67: {  	[sflag:s25] =	ssyncset.done @!p0 $0x0  }
0x68: {  	[sflag:s25] =	ssyncadd.s32 @!p0 $0xFFFFFF00  }
0x69: {  	_ =	sfence.sel $0x180000  }
0x6a: {  	[bflag:$0x0] =	sbarrier.arrive $0xFFFF  }
0x6b: {  	p0 =	sne.s32 s3, $0x0;
	_ =	strace $0x9000004D  }
0x6c: {  	s0 =	sadd.s32 @!p0 $0x100000, s0;
	[bflag:$0x2] =	sbarrier.arrive $0xFFFF  }
0x6d: {  	[sflag:s0] =	ssyncadd.tile.s32 @!p0 $0x1;
	_ =	shalt  }
.Lfunc_end2:
_tile_overlayer_lowered:
.L_overlay_start_2:
0x6e: {  	(tag) =	ssettag $0x2  }
0x6f: {  	s0 =	rddreg [dreg:$0x0];
	s2 =	stileid.u32  }
0x70: {  	s1 =	rddreg [dreg:$0x1];
	p0 =	sne.s32 s2, $0x0  }
0x71: {  	s3 =	rddreg [dreg:$0x2];
	[bflag:$0x3] =	sbarrier.arrive $0xFFFF;
	s2 =	simm.s32 @!p0 $0x1C02  }
0x72: {  	[timem:s3], [sflag:s2] =	dma.local @!p0 [hbm:s0], s1  }
0x73: {  	s0 =	simm.s32 @!p0 $0x2  }
0x74: {  	_ =	swait.ge @!p0 [sflag:s0], s1  }
0x75: {  	s1 =	ssub.s32 @!p0 $0x0, s1;
	[sflag:s0] =	ssyncset.done @!p0 $0x0  }
0x76: {  	[sflag:s0] =	ssyncadd.s32 @!p0 s1  }
0x77: {  	[bflag:$0x3] =	sbarrier.arrive $0xFFFF  }
0x78: {  	_ =	shalt  }

// kernel: kernel.25.cloned.1.call-start
scs
__scs_entry_jumppad:
0x0: {  	(pc) =	sbr.rel $0x88, $3  }
0x1: {  	(tag) =	ssettag $0x0;
	lr =	simm.s32 $0x1  }
0x2: {  	[smem:$0x3F89] =	sst lr;
	_ =	strace $0xD0000000  }
0x3: {  	_ = 	snop  }
0x4: {  	_ = 	snop  }
0x5: {  	_ = 	snop  }
0x6: {  	_ = 	snop  }
0x7: {  	_ = 	snop  }
__scs_overlays_trampoline_lowered:
0x8: {  	[smem:$0x3F98] =	sst s0  }
0x9: {  	[smem:$0x3F99] =	sst s1  }
0xa: {  	[smem:$0x3F9A] =	sst s2  }
0xb: {  	[smem:$0x3F9B] =	sst s3  }
0xc: {  	[smem:$0x3F9C] =	sst s4  }
0xd: {  	[smem:$0x3F9D] =	sst s5  }
0xe: {  	[smem:$0x3F9E] =	sst s6  }
0xf: {  	[smem:$0x3F9F] =	sst s7  }
0x10: {  	[smem:$0x3FA0] =	sst s8  }
0x11: {  	[smem:$0x3FA1] =	sst s9;
	s0 =	simm.s32 @!p0 $0x0  }
0x12: {  	s1 =	sld [smem:$0x3F87];
	s0 =	simm.s32 @p0 $0x1  }
0x13: {  	[smem:$0x3FA2] =	sst s0;
	s0 =	simm.s32 @!p1 $0x0  }
0x14: {  	s2 =	sld [smem:$0x3F86];
	s0 =	simm.s32 @p1 $0x1  }
0x15: {  	[smem:$0x3FA3] =	sst s0;
	s0 =	simm.s32 @!p2 $0x0  }
0x16: {  	s3 =	sld [smem:$0x3FDB];
	s0 =	simm.s32 @p2 $0x1  }
0x17: {  	s4 =	simm.s32 $0x1BF5;
	[smem:$0x3FA5] =	sst s0  }
0x18: {  	s0 =	sld [smem:$0x3F88];
	_ =	swait.ge [sflag:s4], $0x0  }
0x19: {  	s7 =	sld [smem:$0x3F89]  }
0x1a: {  	s8 =	sadd.s32 $0xFFFFE003, lr  }
0x1b: {  	s9 =	sadd.s32 $0xFFFFFEF7, lr;
	s5 =	simm.s32 $0xFFFFFFFF;
	p2 =	slt.u32 s8, $0xFFFFF086  }
0x1c: {  	p1 =	slt.u32 s9, $0xF7A;
	s5 =	simm.s32 @!p2 $0x0  }
0x1d: {  	s5 =	simm.s32 @p1 $0x1;
	p0 =	seq.s32 s7, s2  }
0x1e: {  	s7 =	smul.u32 @!p0 $0xF7A, s2;
	p2 =	seq.s32 @!p0 s5, $0x0  }
0x1f: {  	s9 =	smul.u32 $0xF7A, s1;
	s8 =	simm.s32 @!p0 $0x1BF5;
	p2 =	por !p2, p0  }
0x20: {  	[sflag:s8] =	ssyncset.s32 @!p0 $0xFFFFF086;
	s6 =	sadd.s32 @!p0 s3, s7;
	s7 =	simm.s32 @!p0 $0x108  }
0x21: {  	s3 =	sadd.s32 s3, s9;
	s6 =	sadd.s32 @!p0 $0x88, s6;
	s7 =	simm.s32 @p2 $0x1082  }
0x22: {  	[simem:s7], [sflag:s8] =	dma.local @!p0 [hbm:s6], $0xF7A  }
0x23: {  	s9 =	sor.u32 $0xD0000000, s2;
	s6 =	simm.s32 $0x108;
	_ =	swait.ge @!p0 [sflag:s8], $0x0  }
0x24: {  	s3 =	sadd.s32 $0x88, s3;
	s6 =	simm.s32 @!p1 $0x1082;
	[sflag:s4] =	ssyncset.s32 $0xFFFFF086  }
0x25: {  	[simem:s6], [sflag:s4] =	dma.local [hbm:s3], $0xF7A  }
0x26: {  	[smem:$0x3F89] =	sst s1;
	(tag) =	ssettag s2;
	_ =	strace s9  }
0x27: {  	s1 =	sld [smem:$0x3F99]  }
0x28: {  	s2 =	sld [smem:$0x3F9A]  }
0x29: {  	s4 =	sld [smem:$0x3F9C]  }
0x2a: {  	p0 =	seq.s32 s5, $0x0;
	s5 =	sld [smem:$0x3F9D]  }
0x2b: {  	s6 =	sld [smem:$0x3F9E]  }
0x2c: {  	s7 =	sld [smem:$0x3F9F]  }
0x2d: {  	s3 =	simm.s32 $0x108;
	s8 =	sld [smem:$0x3FA0]  }
0x2e: {  	s3 =	simm.s32 @!p0 $0x1082;
	s9 =	sld [smem:$0x3FA1]  }
0x2f: {  	lr =	sadd.s32 s0, s3;
	s0 =	sld [smem:$0x3F98]  }
0x30: {  	s3 =	sld [smem:$0x3F9B]  }
0x31: {  	[smem:$0x3FA4] =	sst s10  }
0x32: {  	s10 =	sld [smem:$0x3FA2];
	_ =	sdelay $0x3  }
0x33: {  	p0 =	seq.s32 s10, $0x1;
	s10 =	sld [smem:$0x3FA4];
	_ =	sdelay $0x3  }
0x34: {  	[smem:$0x3FA4] =	sst s10  }
0x35: {  	s10 =	sld [smem:$0x3FA3];
	_ =	sdelay $0x3  }
0x36: {  	p1 =	seq.s32 s10, $0x1;
	s10 =	sld [smem:$0x3FA4];
	_ =	sdelay $0x3  }
0x37: {  	[smem:$0x3FA4] =	sst s10  }
0x38: {  	s10 =	sld [smem:$0x3FA5]  }
0x39: {  	_ = 	snop;
	(pc) =	sbr.ind lr, $3  }
0x3a: {  	_ = 	snop  }
0x3b: {  	_ = 	snop  }
0x3c: {  	p2 =	seq.s32 s10, $0x1;
	s10 =	sld [smem:$0x3FA4]  }
0x3d: {  	_ =	shalt  }
0x3e: {  	_ =	shalt  }
0x3f: {  	_ =	shalt  }
0x40: {  	_ =	shalt  }
0x41: {  	_ =	shalt  }
0x42: {  	_ =	shalt  }
0x43: {  	_ =	shalt  }
0x44: {  	_ =	shalt  }
0x45: {  	_ =	shalt  }
0x46: {  	_ =	shalt  }
0x47: {  	_ =	shalt  }
0x48: {  	_ =	shalt  }
0x49: {  	_ =	shalt  }
0x4a: {  	_ =	shalt  }
0x4b: {  	_ =	shalt  }
0x4c: {  	_ =	shalt  }
0x4d: {  	_ =	shalt  }
0x4e: {  	_ =	shalt  }
0x4f: {  	_ =	shalt  }
0x50: {  	_ =	shalt  }
0x51: {  	_ =	shalt  }
0x52: {  	_ =	shalt  }
0x53: {  	_ =	shalt  }
0x54: {  	_ =	shalt  }
0x55: {  	_ =	shalt  }
0x56: {  	_ =	shalt  }
0x57: {  	_ =	shalt  }
0x58: {  	_ =	shalt  }
0x59: {  	_ =	shalt  }
0x5a: {  	_ =	shalt  }
0x5b: {  	_ =	shalt  }
0x5c: {  	_ =	shalt  }
0x5d: {  	_ =	shalt  }
0x5e: {  	_ =	shalt  }
0x5f: {  	_ =	shalt  }
0x60: {  	_ =	shalt  }
0x61: {  	_ =	shalt  }
0x62: {  	_ =	shalt  }
0x63: {  	_ =	shalt  }
0x64: {  	_ =	shalt  }
0x65: {  	_ =	shalt  }
0x66: {  	_ =	shalt  }
0x67: {  	_ =	shalt  }
0x68: {  	_ =	shalt  }
0x69: {  	_ =	shalt  }
0x6a: {  	_ =	shalt  }
0x6b: {  	_ =	shalt  }
0x6c: {  	_ =	shalt  }
0x6d: {  	_ =	shalt  }
0x6e: {  	_ =	shalt  }
0x6f: {  	_ =	shalt  }
0x70: {  	_ =	shalt  }
0x71: {  	_ =	shalt  }
0x72: {  	_ =	shalt  }
0x73: {  	_ =	shalt  }
0x74: {  	_ =	shalt  }
0x75: {  	_ =	shalt  }
0x76: {  	_ =	shalt  }
0x77: {  	_ =	shalt  }
0x78: {  	_ =	shalt  }
0x79: {  	_ =	shalt  }
0x7a: {  	_ =	shalt  }
0x7b: {  	_ =	shalt  }
0x7c: {  	_ =	shalt  }
0x7d: {  	_ =	shalt  }
0x7e: {  	_ =	shalt  }
0x7f: {  	_ =	shalt  }
0x80: {  	_ =	shalt  }
0x81: {  	_ =	shalt  }
0x82: {  	_ =	shalt  }
0x83: {  	_ =	shalt  }
0x84: {  	_ =	shalt  }
0x85: {  	_ =	shalt  }
0x86: {  	_ =	shalt  }
0x87: {  	_ =	shalt  }
.Lfunc_end0:
.L_simem_size_0:
called_computation.3_lowered:
.L_overlay_start_0:
0x88: {  	s2 =	sld [smem:$0x3FD9]  }
0x89: {  	s3 =	sld [smem:$0x3FFE];
	_ =	sdelay $0x1  }
0x8a: {  	s1 =	srdreg.scid  }
0x8b: {  	s0 =	sand.u32 $0x1, s1  }
0x8c: {  	s17 =	sshll.u32 s0, $0xA;
	s2 =	sadd.s32 s3, s2  }
0x8d: {  	s2 =	sadd.s32 s2, s17  }
0x8e: {  	[smem:$0x3FB0] =	sst s2  }
0x8f: {  	_ = 	snop  }
0x90: {  	s2 =	sld [smem:$0x3FD0];
	(tm) =	ssettm $0x1  }
0x91: {  	s18 =	sld [smem:$0x3FFB];
	_ =	sdelay $0x3  }
0x92: {  	_ =	strace s18  }
0x93: {  	s3 =	sld [smem:$0x3FFC];
	_ =	sdelay $0x3  }
0x94: {  	_ =	strace s3  }
0x95: {  	s3 =	sld [smem:$0x3FFD];
	_ =	sdelay $0x3  }
0x96: {  	_ =	strace s3  }
0x97: {  	_ =	strace $0x8FFFFFFF  }
0x98: {  	s19 =	sld [smem:$0x3FDB];
	_ =	sdelay $0x1  }
0x99: {  	s4 =	simm.s32 $_scs_section_size  }
0x9a: {  	s5 =	simm.s32 $_size__tile_overlayer_lowered;
	s6 =	simm.s32 $_tile_overlayer_lowered  }
0x9b: {  	s22 =	simm.s32 $0x1BFF;
	s21 =	sshll.u32 s6, $0x1;
	s3 =	sadd.s32 s4, s19  }
0x9c: {  	s7 =	simm.s32 $0x0;
	s20 =	sshll.u32 s5, $0x1;
	s5 =	sadd.s32 s21, s3  }
0x9d: {  	[timem:s7], [sflag:s22] =	dma.local [hbm:s5], s20  }
0x9e: {  	_ =	swait.ge [sflag:s22], s20  }
0x9f: {  	s4 =	ssub.s32 $0x0, s20;
	[sflag:s22] =	ssyncset.done $0x0  }
0xa0: {  	[sflag:s22] =	ssyncadd.s32 s4;
	_ =	sdelay $0x1  }
0xa1: {  	s23 =	simm.s32 $0x1B8B  }
0xa2: {  	_ =	swait.ge [sflag:s23], $0x1  }
0xa3: {  	[sflag:s23] =	ssyncset.done $0x0  }
0xa4: {  	s25 =	simm.s32 $0x1B8E;
	s24 =	sld [smem:$0x3FFE];
	[sflag:s23] =	ssyncadd.s32 $0xFFFFFFFF  }
0xa5: {  	s26 =	simm.s32 $execute0_lowered;
	[smem:$0x3FD2] =	sst s25  }
0xa6: {  	s5 =	sshll.u32 s26, $0x1;
	_ =	strace $0x8000004F;
	[dreg:$0x1] =	wrdreg $0xFFFFFFFF  }
0xa7: {  	s28 =	simm.s32 $_size_execute0_lowered;
	s3 =	sadd.s32 s3, s5;
	[dreg:$0x0] =	wrdreg $0x0  }
0xa8: {  	s5 =	sshll.u32 s28, $0x1;
	[dreg:$0x2] =	wrdreg s3  }
0xa9: {  	[dreg:$0x3] =	wrdreg s5  }
0xaa: {  	[dreg:$0x4] =	wrdreg $0xC0  }
0xab: {  	_ =	task [dreg:s7], $0x5FFFF  }
0xac: {  	[dreg:$0x1] =	wrdreg $0xFFFFFFFF  }
0xad: {  	[dreg:$0x0] =	wrdreg $0x60  }
0xae: {  	[dreg:$0x2] =	wrdreg s24  }
0xaf: {  	[dreg:$0x3] =	wrdreg s2  }
0xb0: {  	[dreg:$0x4] =	wrdreg $0x52000  }
0xb1: {  	[dreg:$0x5] =	wrdreg $0x9  }
0xb2: {  	_ =	task.clear_ibuf [dreg:s7], $0x6FFFF;
	_ =	strace $0x9000004F  }
0xb3: {  	s29 =	simm.s32 $0x9;
	_ =	strace $0x80000051  }
0xb4: {  	_ =	swait.ge [sflag:s29], $0x1  }
0xb5: {  	[sflag:s29] =	ssyncadd.s32 $0xFFFFFFFF  }
0xb6: {  	_ =	strace $0x90000051  }
0xb7: {  	_ =	sfence  }
0xb8: {  	s30 =	sld [smem:$0x0];
	_ =	sdelay $0x2  }
0xb9: {  	s31 =	sshll.u32 s1, $0xD;
	s1 =	sshrl.u32 s1, $0x2  }
0xba: {  	s3 =	sand.u32 $0x4000, s31;
	s1 =	sadd.s32 s1, s30  }
0xbb: {  	s0 =	sor.u32 s3, s0;
	s1 =	sshll.u32 s1, $0x11  }
0xbc: {  	s0 =	sor.u32 s1, s0  }
0xbd: {  	s0 =	sadd.s32 $0x8F2B, s0  }
0xbe: {  	[sflag:s0] =	ssyncadd.remote.s32 $0x1  }
0xbf: {  	_ =	sfence.sel $0xFFFF  }
0xc0: {  	[dreg:$0x0] =	wrdreg $0xFFFFFFFF;
	(pc) =	sbr.abs _section_cstart, $3  }
0xc1: {  	[dreg:$0x1] =	wrdreg $0xFFFFFFFF  }
0xc2: {  	_ =	task.clear_ibuf [dreg:s7], $0x2FFFF;
	_ =	strace $0x9FFFFFFF  }
0xc3: {  	(tm) =	ssettm $0x7FFFFFFF  }
tec
execute0_lowered:
.L_overlay_start_1:
0x0: {  	(tag) =	ssettag $0x1  }
0x1: {  	s5 =	rddreg [dreg:$0x0]  }
0x2: {  	s9 =	rddreg [dreg:$0x1]  }
0x3: {  	s1 =	rddreg [dreg:$0x2]  }
0x4: {  	s0 =	rddreg [dreg:$0x3];
	s2 =	simm.s32 $0x0;
	s6 =	srdreg.scid  }
0x5: {  	s3 =	stileid.u32;
	s20 =	simm.s32 $0x100;
	s21 =	simm.s32 $0x180  }
0x6: {  	s22 =	simm.s32 $0x20;
	s23 =	simm.s32 $0x4200;
	s24 =	simm.s32 $0x0  }
0x7: {  	[smem:$0x7FF] =	sst s2;
	s4 =	sadd.s32 $0x2E400, s5;
	s13 =	sadd.s32 $0x16A00, s5  }
0x8: {  	s12 =	sadd.s32 $0x3000, s5;
	s8 =	sand.u32 $0x1, s6;
	s7 =	smul.u32 $0x4E000, s3  }
0x9: {  	s25 =	sshll.u32 s3, $0x1;
	s5 =	sadd.s32 $0x2BC00, s5;
	s16 =	smul.u32 $0x13800, s3  }
0xa: {  	s17 =	smul.u32 $0x9C40, s3;
	s18 =	sadd.s32 $0x138000, s1;
	p0 =	sne.s32 s3, $0xF  }
0xb: {  	s28 =	sshll.u32 s3, $0x6;
	_ =	strace $0x80000050;
	s26 =	smul.u32 $0x138800, s8  }
0xc: {  	s10 =	ssub.s32 $0x2, s8;
	s6 =	sor.u32 s8, s25;
	s19 =	smul.u32 $0x4E20, s8  }
0xd: {  	s11 =	sshrl.u32 s10, $0x1;
	s7 =	sshrl.u32 s7, $0x2;
	s6 =	smul.u32 $0x4E20, s6  }
0xe: {  	s11 =	ssub.s32 s10, s11;
	s14 =	sadd.s32 s7, s1;
	s29 =	sadd.s32 s16, s26  }
0xf: {  	s10 =	sshrl.u32 s26, $0x3;
	s30 =	sadd.s32 s19, s17;
	s16 =	sshrl.u32 @!p0 s18, $0x3  }
0x10: {  	s17 =	simm.s32 $0x80;
	s18 =	simm.s32 $0x200;
	s19 =	simm.s32 $0x1  }
0x11: {  	s15 =	sshrl.u32 s6, $0x3;
	s6 =	sor.u32 $0x1C02, s28;
	s10 =	sadd.s32 s9, s10  }
0x12: {  	s31 =	sshrl.u32 s30, $0x3;
	s11 =	smax.u32 s11, $0x1;
	s15 =	sadd.s32 $0x9C0, s15  }
0x13: {  	s14 =	sshrl.u32 s14, $0x3;
	s10 =	sadd.s32 $0x27000, s10;
	s7 =	sadd.s32 s13, s15  }
0x14: {  	s8 =	sadd.s32 s12, s15;
	s15 =	sshrl.u32 s29, $0x3;
	s12 =	sadd.s32 s31, s12  }
0x15: {  	s13 =	sadd.s32 s31, s13;
	s9 =	sadd.s32 s9, s15;
	s15 =	simm.s32 $0x2  }
.LBB2_1:
0x16: {  	[spmem:s14], [sflag:s6] =	dma.local [hbm:s5], $0x2700  }
0x17: {  	_ =	swait.ge [sflag:s15], $0x2700  }
0x18: {  	[sflag:s15] =	ssyncset.done $0x0  }
0x19: {  	s25 =	simm.s32 @!p0 $0x2;
	[sflag:s15] =	ssyncadd.s32 $0xFFFFD900  }
0x1a: {  	[spmem:s16], [sflag:s6] =	dma.local @!p0 [hbm:s5], $0x100  }
0x1b: {  	_ =	swait.ge @!p0 [sflag:s25], $0x100  }
0x1c: {  	[sflag:s25] =	ssyncset.done @!p0 $0x0  }
0x1d: {  	[sflag:s25] =	ssyncadd.s32 @!p0 $0xFFFFFF00  }
0x1e: {  	s30 =	sadd.s32 $0x0, s13;
	[bflag:$0x0] =	sbarrier.arrive $0xFFFF  }
0x1f: {  	[tilespmem:s2], [sflag:$0x2] =	stream.linear.gather [hbm4b:s30+s2], $0x80, $0x38;
	[tilespmem:$0x18A80] =	vst v63  }
0x20: {  	_ =	swait.ge [sflag:s15], $0x80  }
0x21: {  	[sflag:s15] =	ssyncset.done $0x0  }
0x22: {  	s31 =	sadd.s32 $0x0, s12;
	[sflag:s15] =	ssyncadd.s32 $0xFFFFFF80  }
0x23: {  	[tilespmem:s17], [sflag:$0x2] =	stream.linear.gather [hbm4b:s31+s2], $0x80, $0x38;
	[tilespmem:$0x18A80] =	vst v63  }
0x24: {  	_ =	swait.ge [sflag:s15], $0x80  }
0x25: {  	[sflag:s15] =	ssyncset.done $0x0  }
0x26: {  	[sflag:s15] =	ssyncadd.s32 $0xFFFFFF80  }
0x27: {  	[tilespmem:s18], [sflag:$0x1] =	stream.indirect.gather [hbm4b:s4+s17], $0x80, s2, s17, $0xb8;
	[tilespmem:$0x18A80] =	vst v63  }
0x28: {  	_ =	swait.ge [sflag:s19], $0x4000  }
0x29: {  	[sflag:s19] =	ssyncset.done $0x0  }
0x2a: {  	[sflag:s19] =	ssyncadd.s32 $0xFFFFC000  }
0x2b: {  	[spmem:s1] =	stream.indirect.scatter.add.f32 [tilespmem:s18], [sflag:$0x2], $0x80, s17, s17, $0xb8;
	[tilespmem:$0x18A80] =	vst v63  }
0x2c: {  	_ =	swait.ge [sflag:s15], $0x4000  }
0x2d: {  	s26 =	simm.s32 $0x20;
	s25 =	simm.s32 $0x10;
	[sflag:s15] =	ssyncset.done $0x0  }
.LBB2_2:
0x2e: {  	s28 =	sadd.s32 s25, s13  }
0x2f: {  	[sflag:s15] =	ssyncadd.s32 $0xFFFFC000;
	s29 =	smov.u32 s26;
	s30 =	sadd.s32 $0x10, s26  }
0x30: {  	[tilespmem:s2], [sflag:$0x2] =	stream.linear.gather [hbm4b:s28+s2], $0x80, $0x38;
	[tilespmem:$0x18A80] =	vst v63  }
0x31: {  	p1 =	sne.s32 s26, $0x9B0;
	_ =	swait.ge [sflag:s15], $0x80  }
0x32: {  	[sflag:s15] =	ssyncset.done $0x0  }
0x33: {  	s26 =	sadd.s32 s25, s12;
	s25 =	smov.u32 s29;
	[sflag:s15] =	ssyncadd.s32 $0xFFFFFF80  }
0x34: {  	[tilespmem:s17], [sflag:$0x2] =	stream.linear.gather [hbm4b:s26+s2], $0x80, $0x38;
	[tilespmem:$0x18A80] =	vst v63  }
0x35: {  	_ =	swait.ge [sflag:s15], $0x80  }
0x36: {  	[sflag:s15] =	ssyncset.done $0x0  }
0x37: {  	[sflag:s15] =	ssyncadd.s32 $0xFFFFFF80  }
0x38: {  	[tilespmem:s18], [sflag:$0x1] =	stream.indirect.gather [hbm4b:s4+s17], $0x80, s2, s17, $0xb8;
	[tilespmem:$0x18A80] =	vst v63  }
0x39: {  	_ =	swait.ge [sflag:s19], $0x4000  }
.Ltmp0:
0x3a: {  	[sflag:s19] =	ssyncset.done $0x0;
	(pc) =	sbr.rel @p1 .LBB2_2-.Ltmp0, $4  }
0x3b: {  	[sflag:s19] =	ssyncadd.s32 $0xFFFFC000  }
0x3c: {  	[spmem:s1] =	stream.indirect.scatter.add.f32 [tilespmem:s18], [sflag:$0x2], $0x80, s17, s17, $0xb8;
	[tilespmem:$0x18A80] =	vst v63  }
0x3d: {  	_ =	swait.ge [sflag:s15], $0x4000  }
0x3e: {  	s26 =	smov.u32 s30;
	[sflag:s15] =	ssyncset.done $0x0  }
0x3f: {  	s26 =	sadd.s32 s25, s13;
	[sflag:s15] =	ssyncadd.s32 $0xFFFFC000  }
0x40: {  	[tilespmem:s2], [sflag:$0x2] =	stream.linear.gather [hbm4b:s26+s2], $0x80, $0x38;
	[tilespmem:$0x18A80] =	vst v63  }
0x41: {  	_ =	swait.ge [sflag:s15], $0x80  }
0x42: {  	[sflag:s15] =	ssyncset.done $0x0  }
0x43: {  	s31 =	sadd.s32 s25, s12;
	[sflag:s15] =	ssyncadd.s32 $0xFFFFFF80  }
0x44: {  	[tilespmem:s17], [sflag:$0x2] =	stream.linear.gather [hbm4b:s31+s2], $0x80, $0x38;
	[tilespmem:$0x18A80] =	vst v63  }
0x45: {  	_ =	swait.ge [sflag:s15], $0x80  }
0x46: {  	[sflag:s15] =	ssyncset.done $0x0  }
0x47: {  	[sflag:s15] =	ssyncadd.s32 $0xFFFFFF80  }
0x48: {  	[tilespmem:s18], [sflag:$0x1] =	stream.indirect.gather [hbm4b:s4+s17], $0x80, s2, s17, $0xb8;
	[tilespmem:$0x18A80] =	vst v63  }
0x49: {  	_ =	swait.ge [sflag:s19], $0x4000  }
0x4a: {  	[sflag:s19] =	ssyncset.done $0x0  }
0x4b: {  	[sflag:s19] =	ssyncadd.s32 $0xFFFFC000  }
0x4c: {  	[spmem:s1] =	stream.indirect.scatter.add.f32 [tilespmem:s18], [sflag:$0x2], $0x80, s17, s17, $0xb8;
	[tilespmem:$0x18A80] =	vst v63  }
0x4d: {  	_ =	swait.ge [sflag:s15], $0x4000  }
0x4e: {  	[sflag:s15] =	ssyncset.done $0x0  }
0x4f: {  	[sflag:s15] =	ssyncadd.s32 $0xFFFFC000  }
0x50: {  	[tilespmem:s20], [sflag:$0x2] =	stream.linear.gather [hbm4b:s7+s2], $0x20, $0x38;
	[tilespmem:$0x18A80] =	vst v63  }
0x51: {  	_ =	swait.ge [sflag:s15], $0x20  }
0x52: {  	[sflag:s15] =	ssyncset.done $0x0  }
0x53: {  	[sflag:s15] =	ssyncadd.s32 $0xFFFFFFE0  }
0x54: {  	[tilespmem:s21], [sflag:$0x2] =	stream.linear.gather [hbm4b:s8+s2], $0x20, $0x38;
	[tilespmem:$0x18A80] =	vst v63  }
0x55: {  	_ =	swait.ge [sflag:s15], $0x20  }
0x56: {  	[sflag:s15] =	ssyncset.done $0x0  }
0x57: {  	[sflag:s15] =	ssyncadd.s32 $0xFFFFFFE0  }
0x58: {  	[tilespmem:s23], [sflag:$0x1] =	stream.indirect.gather [hbm4b:s4+s22], $0x80, s20, s22, $0xb8;
	[tilespmem:$0x18A80] =	vst v63  }
0x59: {  	_ =	swait.ge [sflag:s19], $0x1000  }
0x5a: {  	[sflag:s19] =	ssyncset.done $0x0  }
0x5b: {  	[sflag:s19] =	ssyncadd.s32 $0xFFFFF000  }
0x5c: {  	[spmem:s1] =	stream.indirect.scatter.add.f32 [tilespmem:s23], [sflag:$0x2], $0x80, s21, s22, $0xb8;
	[tilespmem:$0x18A80] =	vst v63  }
0x5d: {  	_ =	swait.ge [sflag:s15], $0x1000  }
0x5e: {  	[sflag:s15] =	ssyncset.done $0x0  }
0x5f: {  	[sflag:s15] =	ssyncadd.s32 $0xFFFFF000  }
0x60: {  	[bflag:$0x0] =	sbarrier.arrive $0xFFFF  }
0x61: {  	[hbm:s9], [sflag:s6] =	dma.local [spmem:s14], $0x2700  }
0x62: {  	s24 =	sadd.s32 $0x1, s24;
	_ =	swait.ge [sflag:s15], $0x2700  }
0x63: {  	p1 =	sne.s32 s24, s11;
	[sflag:s15] =	ssyncset.done $0x0  }
.Ltmp1:
0x64: {  	s25 =	simm.s32 @!p0 $0x2;
	[sflag:s15] =	ssyncadd.s32 $0xFFFFD900;
	(pc) =	sbr.rel @p1 .LBB2_1-.Ltmp1, $4  }
0x65: {  	[hbm:s10], [sflag:s6] =	dma.local @!p0 [spmem:s16], $0x100  }
0x66: {  	_ =	swait.ge @!p0 [sflag:s25], $0x100  }
0x67: {  	[sflag:s25] =	ssyncset.done @!p0 $0x0  }
0x68: {  	[sflag:s25] =	ssyncadd.s32 @!p0 $0xFFFFFF00  }
0x69: {  	_ =	sfence.sel $0x180000  }
0x6a: {  	[bflag:$0x0] =	sbarrier.arrive $0xFFFF  }
0x6b: {  	p0 =	sne.s32 s3, $0x0;
	_ =	strace $0x90000050  }
0x6c: {  	s0 =	sadd.s32 @!p0 $0x100000, s0;
	[bflag:$0x2] =	sbarrier.arrive $0xFFFF  }
0x6d: {  	[sflag:s0] =	ssyncadd.tile.s32 @!p0 $0x1;
	_ =	shalt  }
.Lfunc_end2:
_tile_overlayer_lowered:
.L_overlay_start_2:
0x6e: {  	(tag) =	ssettag $0x2  }
0x6f: {  	s0 =	rddreg [dreg:$0x0];
	s2 =	stileid.u32  }
0x70: {  	s1 =	rddreg [dreg:$0x1];
	p0 =	sne.s32 s2, $0x0  }
0x71: {  	s3 =	rddreg [dreg:$0x2];
	[bflag:$0x3] =	sbarrier.arrive $0xFFFF;
	s2 =	simm.s32 @!p0 $0x1C02  }
0x72: {  	[timem:s3], [sflag:s2] =	dma.local @!p0 [hbm:s0], s1  }
0x73: {  	s0 =	simm.s32 @!p0 $0x2  }
0x74: {  	_ =	swait.ge @!p0 [sflag:s0], s1  }
0x75: {  	s1 =	ssub.s32 @!p0 $0x0, s1;
	[sflag:s0] =	ssyncset.done @!p0 $0x0  }
0x76: {  	[sflag:s0] =	ssyncadd.s32 @!p0 s1  }
0x77: {  	[bflag:$0x3] =	sbarrier.arrive $0xFFFF  }
0x78: {  	_ =	shalt  }

// kernel: kernel.28.cloned.1.call-start
scs
__scs_entry_jumppad:
0x0: {  	(pc) =	sbr.rel $0x88, $3  }
0x1: {  	(tag) =	ssettag $0x0;
	lr =	simm.s32 $0x1  }
0x2: {  	[smem:$0x3F89] =	sst lr;
	_ =	strace $0xD0000000  }
0x3: {  	_ = 	snop  }
0x4: {  	_ = 	snop  }
0x5: {  	_ = 	snop  }
0x6: {  	_ = 	snop  }
0x7: {  	_ = 	snop  }
__scs_overlays_trampoline_lowered:
0x8: {  	[smem:$0x3F98] =	sst s0  }
0x9: {  	[smem:$0x3F99] =	sst s1  }
0xa: {  	[smem:$0x3F9A] =	sst s2  }
0xb: {  	[smem:$0x3F9B] =	sst s3  }
0xc: {  	[smem:$0x3F9C] =	sst s4  }
0xd: {  	[smem:$0x3F9D] =	sst s5  }
0xe: {  	[smem:$0x3F9E] =	sst s6  }
0xf: {  	[smem:$0x3F9F] =	sst s7  }
0x10: {  	[smem:$0x3FA0] =	sst s8  }
0x11: {  	[smem:$0x3FA1] =	sst s9;
	s0 =	simm.s32 @!p0 $0x0  }
0x12: {  	s1 =	sld [smem:$0x3F87];
	s0 =	simm.s32 @p0 $0x1  }
0x13: {  	[smem:$0x3FA2] =	sst s0;
	s0 =	simm.s32 @!p1 $0x0  }
0x14: {  	s2 =	sld [smem:$0x3F86];
	s0 =	simm.s32 @p1 $0x1  }
0x15: {  	[smem:$0x3FA3] =	sst s0;
	s0 =	simm.s32 @!p2 $0x0  }
0x16: {  	s3 =	sld [smem:$0x3FDB];
	s0 =	simm.s32 @p2 $0x1  }
0x17: {  	s4 =	simm.s32 $0x1BF5;
	[smem:$0x3FA5] =	sst s0  }
0x18: {  	s0 =	sld [smem:$0x3F88];
	_ =	swait.ge [sflag:s4], $0x0  }
0x19: {  	s7 =	sld [smem:$0x3F89]  }
0x1a: {  	s8 =	sadd.s32 $0xFFFFE003, lr  }
0x1b: {  	s9 =	sadd.s32 $0xFFFFFEF7, lr;
	s5 =	simm.s32 $0xFFFFFFFF;
	p2 =	slt.u32 s8, $0xFFFFF086  }
0x1c: {  	p1 =	slt.u32 s9, $0xF7A;
	s5 =	simm.s32 @!p2 $0x0  }
0x1d: {  	s5 =	simm.s32 @p1 $0x1;
	p0 =	seq.s32 s7, s2  }
0x1e: {  	s7 =	smul.u32 @!p0 $0xF7A, s2;
	p2 =	seq.s32 @!p0 s5, $0x0  }
0x1f: {  	s9 =	smul.u32 $0xF7A, s1;
	s8 =	simm.s32 @!p0 $0x1BF5;
	p2 =	por !p2, p0  }
0x20: {  	[sflag:s8] =	ssyncset.s32 @!p0 $0xFFFFF086;
	s6 =	sadd.s32 @!p0 s3, s7;
	s7 =	simm.s32 @!p0 $0x108  }
0x21: {  	s3 =	sadd.s32 s3, s9;
	s6 =	sadd.s32 @!p0 $0x88, s6;
	s7 =	simm.s32 @p2 $0x1082  }
0x22: {  	[simem:s7], [sflag:s8] =	dma.local @!p0 [hbm:s6], $0xF7A  }
0x23: {  	s9 =	sor.u32 $0xD0000000, s2;
	s6 =	simm.s32 $0x108;
	_ =	swait.ge @!p0 [sflag:s8], $0x0  }
0x24: {  	s3 =	sadd.s32 $0x88, s3;
	s6 =	simm.s32 @!p1 $0x1082;
	[sflag:s4] =	ssyncset.s32 $0xFFFFF086  }
0x25: {  	[simem:s6], [sflag:s4] =	dma.local [hbm:s3], $0xF7A  }
0x26: {  	[smem:$0x3F89] =	sst s1;
	(tag) =	ssettag s2;
	_ =	strace s9  }
0x27: {  	s1 =	sld [smem:$0x3F99]  }
0x28: {  	s2 =	sld [smem:$0x3F9A]  }
0x29: {  	s4 =	sld [smem:$0x3F9C]  }
0x2a: {  	p0 =	seq.s32 s5, $0x0;
	s5 =	sld [smem:$0x3F9D]  }
0x2b: {  	s6 =	sld [smem:$0x3F9E]  }
0x2c: {  	s7 =	sld [smem:$0x3F9F]  }
0x2d: {  	s3 =	simm.s32 $0x108;
	s8 =	sld [smem:$0x3FA0]  }
0x2e: {  	s3 =	simm.s32 @!p0 $0x1082;
	s9 =	sld [smem:$0x3FA1]  }
0x2f: {  	lr =	sadd.s32 s0, s3;
	s0 =	sld [smem:$0x3F98]  }
0x30: {  	s3 =	sld [smem:$0x3F9B]  }
0x31: {  	[smem:$0x3FA4] =	sst s10  }
0x32: {  	s10 =	sld [smem:$0x3FA2];
	_ =	sdelay $0x3  }
0x33: {  	p0 =	seq.s32 s10, $0x1;
	s10 =	sld [smem:$0x3FA4];
	_ =	sdelay $0x3  }
0x34: {  	[smem:$0x3FA4] =	sst s10  }
0x35: {  	s10 =	sld [smem:$0x3FA3];
	_ =	sdelay $0x3  }
0x36: {  	p1 =	seq.s32 s10, $0x1;
	s10 =	sld [smem:$0x3FA4];
	_ =	sdelay $0x3  }
0x37: {  	[smem:$0x3FA4] =	sst s10  }
0x38: {  	s10 =	sld [smem:$0x3FA5]  }
0x39: {  	_ = 	snop;
	(pc) =	sbr.ind lr, $3  }
0x3a: {  	_ = 	snop  }
0x3b: {  	_ = 	snop  }
0x3c: {  	p2 =	seq.s32 s10, $0x1;
	s10 =	sld [smem:$0x3FA4]  }
0x3d: {  	_ =	shalt  }
0x3e: {  	_ =	shalt  }
0x3f: {  	_ =	shalt  }
0x40: {  	_ =	shalt  }
0x41: {  	_ =	shalt  }
0x42: {  	_ =	shalt  }
0x43: {  	_ =	shalt  }
0x44: {  	_ =	shalt  }
0x45: {  	_ =	shalt  }
0x46: {  	_ =	shalt  }
0x47: {  	_ =	shalt  }
0x48: {  	_ =	shalt  }
0x49: {  	_ =	shalt  }
0x4a: {  	_ =	shalt  }
0x4b: {  	_ =	shalt  }
0x4c: {  	_ =	shalt  }
0x4d: {  	_ =	shalt  }
0x4e: {  	_ =	shalt  }
0x4f: {  	_ =	shalt  }
0x50: {  	_ =	shalt  }
0x51: {  	_ =	shalt  }
0x52: {  	_ =	shalt  }
0x53: {  	_ =	shalt  }
0x54: {  	_ =	shalt  }
0x55: {  	_ =	shalt  }
0x56: {  	_ =	shalt  }
0x57: {  	_ =	shalt  }
0x58: {  	_ =	shalt  }
0x59: {  	_ =	shalt  }
0x5a: {  	_ =	shalt  }
0x5b: {  	_ =	shalt  }
0x5c: {  	_ =	shalt  }
0x5d: {  	_ =	shalt  }
0x5e: {  	_ =	shalt  }
0x5f: {  	_ =	shalt  }
0x60: {  	_ =	shalt  }
0x61: {  	_ =	shalt  }
0x62: {  	_ =	shalt  }
0x63: {  	_ =	shalt  }
0x64: {  	_ =	shalt  }
0x65: {  	_ =	shalt  }
0x66: {  	_ =	shalt  }
0x67: {  	_ =	shalt  }
0x68: {  	_ =	shalt  }
0x69: {  	_ =	shalt  }
0x6a: {  	_ =	shalt  }
0x6b: {  	_ =	shalt  }
0x6c: {  	_ =	shalt  }
0x6d: {  	_ =	shalt  }
0x6e: {  	_ =	shalt  }
0x6f: {  	_ =	shalt  }
0x70: {  	_ =	shalt  }
0x71: {  	_ =	shalt  }
0x72: {  	_ =	shalt  }
0x73: {  	_ =	shalt  }
0x74: {  	_ =	shalt  }
0x75: {  	_ =	shalt  }
0x76: {  	_ =	shalt  }
0x77: {  	_ =	shalt  }
0x78: {  	_ =	shalt  }
0x79: {  	_ =	shalt  }
0x7a: {  	_ =	shalt  }
0x7b: {  	_ =	shalt  }
0x7c: {  	_ =	shalt  }
0x7d: {  	_ =	shalt  }
0x7e: {  	_ =	shalt  }
0x7f: {  	_ =	shalt  }
0x80: {  	_ =	shalt  }
0x81: {  	_ =	shalt  }
0x82: {  	_ =	shalt  }
0x83: {  	_ =	shalt  }
0x84: {  	_ =	shalt  }
0x85: {  	_ =	shalt  }
0x86: {  	_ =	shalt  }
0x87: {  	_ =	shalt  }
.Lfunc_end0:
.L_simem_size_0:
called_computation.4_lowered:
.L_overlay_start_0:
0x88: {  	s2 =	sld [smem:$0x3FD9]  }
0x89: {  	s3 =	sld [smem:$0x3FFE];
	_ =	sdelay $0x1  }
0x8a: {  	s1 =	srdreg.scid  }
0x8b: {  	s0 =	sand.u32 $0x1, s1  }
0x8c: {  	s17 =	sshll.u32 s0, $0xA;
	s2 =	sadd.s32 s3, s2  }
0x8d: {  	s2 =	sadd.s32 s2, s17  }
0x8e: {  	[smem:$0x3FB0] =	sst s2  }
0x8f: {  	_ = 	snop  }
0x90: {  	s2 =	sld [smem:$0x3FD0];
	(tm) =	ssettm $0x1  }
0x91: {  	s18 =	sld [smem:$0x3FFB];
	_ =	sdelay $0x3  }
0x92: {  	_ =	strace s18  }
0x93: {  	s3 =	sld [smem:$0x3FFC];
	_ =	sdelay $0x3  }
0x94: {  	_ =	strace s3  }
0x95: {  	s3 =	sld [smem:$0x3FFD];
	_ =	sdelay $0x3  }
0x96: {  	_ =	strace s3  }
0x97: {  	_ =	strace $0x8FFFFFFF  }
0x98: {  	s19 =	sld [smem:$0x3FDB];
	_ =	sdelay $0x1  }
0x99: {  	s4 =	simm.s32 $_scs_section_size  }
0x9a: {  	s5 =	simm.s32 $_size__tile_overlayer_lowered;
	s6 =	simm.s32 $_tile_overlayer_lowered  }
0x9b: {  	s22 =	simm.s32 $0x1BFF;
	s21 =	sshll.u32 s6, $0x1;
	s3 =	sadd.s32 s4, s19  }
0x9c: {  	s7 =	simm.s32 $0x0;
	s20 =	sshll.u32 s5, $0x1;
	s5 =	sadd.s32 s21, s3  }
0x9d: {  	[timem:s7], [sflag:s22] =	dma.local [hbm:s5], s20  }
0x9e: {  	_ =	swait.ge [sflag:s22], s20  }
0x9f: {  	s4 =	ssub.s32 $0x0, s20;
	[sflag:s22] =	ssyncset.done $0x0  }
0xa0: {  	[sflag:s22] =	ssyncadd.s32 s4;
	_ =	sdelay $0x1  }
0xa1: {  	s23 =	simm.s32 $0x1B8B  }
0xa2: {  	_ =	swait.ge [sflag:s23], $0x1  }
0xa3: {  	[sflag:s23] =	ssyncset.done $0x0  }
0xa4: {  	s25 =	simm.s32 $0x1B8E;
	s24 =	sld [smem:$0x3FFE];
	[sflag:s23] =	ssyncadd.s32 $0xFFFFFFFF  }
0xa5: {  	s26 =	simm.s32 $execute0_lowered;
	[smem:$0x3FD2] =	sst s25  }
0xa6: {  	s5 =	sshll.u32 s26, $0x1;
	_ =	strace $0x80000052;
	[dreg:$0x1] =	wrdreg $0xFFFFFFFF  }
0xa7: {  	s28 =	simm.s32 $_size_execute0_lowered;
	s3 =	sadd.s32 s3, s5;
	[dreg:$0x0] =	wrdreg $0x0  }
0xa8: {  	s5 =	sshll.u32 s28, $0x1;
	[dreg:$0x2] =	wrdreg s3  }
0xa9: {  	[dreg:$0x3] =	wrdreg s5  }
0xaa: {  	[dreg:$0x4] =	wrdreg $0xC0  }
0xab: {  	_ =	task [dreg:s7], $0x5FFFF  }
0xac: {  	[dreg:$0x1] =	wrdreg $0xFFFFFFFF  }
0xad: {  	[dreg:$0x0] =	wrdreg $0x60  }
0xae: {  	[dreg:$0x2] =	wrdreg s24  }
0xaf: {  	[dreg:$0x3] =	wrdreg s2  }
0xb0: {  	[dreg:$0x4] =	wrdreg $0x52000  }
0xb1: {  	[dreg:$0x5] =	wrdreg $0x9  }
0xb2: {  	_ =	task.clear_ibuf [dreg:s7], $0x6FFFF;
	_ =	strace $0x90000052  }
0xb3: {  	s29 =	simm.s32 $0x9;
	_ =	strace $0x80000054  }
0xb4: {  	_ =	swait.ge [sflag:s29], $0x1  }
0xb5: {  	[sflag:s29] =	ssyncadd.s32 $0xFFFFFFFF  }
0xb6: {  	_ =	strace $0x90000054  }
0xb7: {  	_ =	sfence  }
0xb8: {  	s30 =	sld [smem:$0x0];
	_ =	sdelay $0x2  }
0xb9: {  	s31 =	sshll.u32 s1, $0xD;
	s1 =	sshrl.u32 s1, $0x2  }
0xba: {  	s3 =	sand.u32 $0x4000, s31;
	s1 =	sadd.s32 s1, s30  }
0xbb: {  	s0 =	sor.u32 s3, s0;
	s1 =	sshll.u32 s1, $0x11  }
0xbc: {  	s0 =	sor.u32 s1, s0  }
0xbd: {  	s0 =	sadd.s32 $0x8F2B, s0  }
0xbe: {  	[sflag:s0] =	ssyncadd.remote.s32 $0x1  }
0xbf: {  	_ =	sfence.sel $0xFFFF  }
0xc0: {  	[dreg:$0x0] =	wrdreg $0xFFFFFFFF;
	(pc) =	sbr.abs _section_cstart, $3  }
0xc1: {  	[dreg:$0x1] =	wrdreg $0xFFFFFFFF  }
0xc2: {  	_ =	task.clear_ibuf [dreg:s7], $0x2FFFF;
	_ =	strace $0x9FFFFFFF  }
0xc3: {  	(tm) =	ssettm $0x7FFFFFFF  }
tec
execute0_lowered:
.L_overlay_start_1:
0x0: {  	(tag) =	ssettag $0x1  }
0x1: {  	s5 =	rddreg [dreg:$0x0]  }
0x2: {  	s9 =	rddreg [dreg:$0x1]  }
0x3: {  	s1 =	rddreg [dreg:$0x2]  }
0x4: {  	s0 =	rddreg [dreg:$0x3];
	s2 =	simm.s32 $0x0;
	s6 =	srdreg.scid  }
0x5: {  	s3 =	stileid.u32;
	s20 =	simm.s32 $0x100;
	s21 =	simm.s32 $0x180  }
0x6: {  	s22 =	simm.s32 $0x20;
	s23 =	simm.s32 $0x4200;
	s24 =	simm.s32 $0x0  }
0x7: {  	[smem:$0x7FF] =	sst s2;
	s4 =	sadd.s32 $0x55600, s5;
	s13 =	sadd.s32 $0x16A00, s5  }
0x8: {  	s12 =	sadd.s32 $0x3000, s5;
	s8 =	sand.u32 $0x1, s6;
	s7 =	smul.u32 $0x4E000, s3  }
0x9: {  	s25 =	sshll.u32 s3, $0x1;
	s5 =	sadd.s32 $0x2BC00, s5;
	s16 =	smul.u32 $0x13800, s3  }
0xa: {  	s17 =	smul.u32 $0x9C40, s3;
	s18 =	sadd.s32 $0x138000, s1;
	p0 =	sne.s32 s3, $0xF  }
0xb: {  	s28 =	sshll.u32 s3, $0x6;
	_ =	strace $0x80000053;
	s26 =	smul.u32 $0x138800, s8  }
0xc: {  	s10 =	ssub.s32 $0x2, s8;
	s6 =	sor.u32 s8, s25;
	s19 =	smul.u32 $0x4E20, s8  }
0xd: {  	s11 =	sshrl.u32 s10, $0x1;
	s7 =	sshrl.u32 s7, $0x2;
	s6 =	smul.u32 $0x4E20, s6  }
0xe: {  	s11 =	ssub.s32 s10, s11;
	s14 =	sadd.s32 s7, s1;
	s29 =	sadd.s32 s16, s26  }
0xf: {  	s10 =	sshrl.u32 s26, $0x3;
	s30 =	sadd.s32 s19, s17;
	s16 =	sshrl.u32 @!p0 s18, $0x3  }
0x10: {  	s17 =	simm.s32 $0x80;
	s18 =	simm.s32 $0x200;
	s19 =	simm.s32 $0x1  }
0x11: {  	s15 =	sshrl.u32 s6, $0x3;
	s6 =	sor.u32 $0x1C02, s28;
	s10 =	sadd.s32 s9, s10  }
0x12: {  	s31 =	sshrl.u32 s30, $0x3;
	s11 =	smax.u32 s11, $0x1;
	s15 =	sadd.s32 $0x9C0, s15  }
0x13: {  	s14 =	sshrl.u32 s14, $0x3;
	s10 =	sadd.s32 $0x27000, s10;
	s7 =	sadd.s32 s13, s15  }
0x14: {  	s8 =	sadd.s32 s12, s15;
	s15 =	sshrl.u32 s29, $0x3;
	s12 =	sadd.s32 s31, s12  }
0x15: {  	s13 =	sadd.s32 s31, s13;
	s9 =	sadd.s32 s9, s15;
	s15 =	simm.s32 $0x2  }
.LBB2_1:
0x16: {  	[spmem:s14], [sflag:s6] =	dma.local [hbm:s5], $0x2700  }
0x17: {  	_ =	swait.ge [sflag:s15], $0x2700  }
0x18: {  	[sflag:s15] =	ssyncset.done $0x0  }
0x19: {  	s25 =	simm.s32 @!p0 $0x2;
	[sflag:s15] =	ssyncadd.s32 $0xFFFFD900  }
0x1a: {  	[spmem:s16], [sflag:s6] =	dma.local @!p0 [hbm:s5], $0x100  }
0x1b: {  	_ =	swait.ge @!p0 [sflag:s25], $0x100  }
0x1c: {  	[sflag:s25] =	ssyncset.done @!p0 $0x0  }
0x1d: {  	[sflag:s25] =	ssyncadd.s32 @!p0 $0xFFFFFF00  }
0x1e: {  	s30 =	sadd.s32 $0x0, s13;
	[bflag:$0x0] =	sbarrier.arrive $0xFFFF  }
0x1f: {  	[tilespmem:s2], [sflag:$0x2] =	stream.linear.gather [hbm4b:s30+s2], $0x80, $0x38;
	[tilespmem:$0x18A80] =	vst v63  }
0x20: {  	_ =	swait.ge [sflag:s15], $0x80  }
0x21: {  	[sflag:s15] =	ssyncset.done $0x0  }
0x22: {  	s31 =	sadd.s32 $0x0, s12;
	[sflag:s15] =	ssyncadd.s32 $0xFFFFFF80  }
0x23: {  	[tilespmem:s17], [sflag:$0x2] =	stream.linear.gather [hbm4b:s31+s2], $0x80, $0x38;
	[tilespmem:$0x18A80] =	vst v63  }
0x24: {  	_ =	swait.ge [sflag:s15], $0x80  }
0x25: {  	[sflag:s15] =	ssyncset.done $0x0  }
0x26: {  	[sflag:s15] =	ssyncadd.s32 $0xFFFFFF80  }
0x27: {  	[tilespmem:s18], [sflag:$0x1] =	stream.indirect.gather [hbm4b:s4+s17], $0x80, s2, s17, $0xb8;
	[tilespmem:$0x18A80] =	vst v63  }
0x28: {  	_ =	swait.ge [sflag:s19], $0x4000  }
0x29: {  	[sflag:s19] =	ssyncset.done $0x0  }
0x2a: {  	[sflag:s19] =	ssyncadd.s32 $0xFFFFC000  }
0x2b: {  	[spmem:s1] =	stream.indirect.scatter.add.f32 [tilespmem:s18], [sflag:$0x2], $0x80, s17, s17, $0xb8;
	[tilespmem:$0x18A80] =	vst v63  }
0x2c: {  	_ =	swait.ge [sflag:s15], $0x4000  }
0x2d: {  	s26 =	simm.s32 $0x20;
	s25 =	simm.s32 $0x10;
	[sflag:s15] =	ssyncset.done $0x0  }
.LBB2_2:
0x2e: {  	s28 =	sadd.s32 s25, s13  }
0x2f: {  	[sflag:s15] =	ssyncadd.s32 $0xFFFFC000;
	s29 =	smov.u32 s26;
	s30 =	sadd.s32 $0x10, s26  }
0x30: {  	[tilespmem:s2], [sflag:$0x2] =	stream.linear.gather [hbm4b:s28+s2], $0x80, $0x38;
	[tilespmem:$0x18A80] =	vst v63  }
0x31: {  	p1 =	sne.s32 s26, $0x9B0;
	_ =	swait.ge [sflag:s15], $0x80  }
0x32: {  	[sflag:s15] =	ssyncset.done $0x0  }
0x33: {  	s26 =	sadd.s32 s25, s12;
	s25 =	smov.u32 s29;
	[sflag:s15] =	ssyncadd.s32 $0xFFFFFF80  }
0x34: {  	[tilespmem:s17], [sflag:$0x2] =	stream.linear.gather [hbm4b:s26+s2], $0x80, $0x38;
	[tilespmem:$0x18A80] =	vst v63  }
0x35: {  	_ =	swait.ge [sflag:s15], $0x80  }
0x36: {  	[sflag:s15] =	ssyncset.done $0x0  }
0x37: {  	[sflag:s15] =	ssyncadd.s32 $0xFFFFFF80  }
0x38: {  	[tilespmem:s18], [sflag:$0x1] =	stream.indirect.gather [hbm4b:s4+s17], $0x80, s2, s17, $0xb8;
	[tilespmem:$0x18A80] =	vst v63  }
0x39: {  	_ =	swait.ge [sflag:s19], $0x4000  }
.Ltmp0:
0x3a: {  	[sflag:s19] =	ssyncset.done $0x0;
	(pc) =	sbr.rel @p1 .LBB2_2-.Ltmp0, $4  }
0x3b: {  	[sflag:s19] =	ssyncadd.s32 $0xFFFFC000  }
0x3c: {  	[spmem:s1] =	stream.indirect.scatter.add.f32 [tilespmem:s18], [sflag:$0x2], $0x80, s17, s17, $0xb8;
	[tilespmem:$0x18A80] =	vst v63  }
0x3d: {  	_ =	swait.ge [sflag:s15], $0x4000  }
0x3e: {  	s26 =	smov.u32 s30;
	[sflag:s15] =	ssyncset.done $0x0  }
0x3f: {  	s26 =	sadd.s32 s25, s13;
	[sflag:s15] =	ssyncadd.s32 $0xFFFFC000  }
0x40: {  	[tilespmem:s2], [sflag:$0x2] =	stream.linear.gather [hbm4b:s26+s2], $0x80, $0x38;
	[tilespmem:$0x18A80] =	vst v63  }
0x41: {  	_ =	swait.ge [sflag:s15], $0x80  }
0x42: {  	[sflag:s15] =	ssyncset.done $0x0  }
0x43: {  	s31 =	sadd.s32 s25, s12;
	[sflag:s15] =	ssyncadd.s32 $0xFFFFFF80  }
0x44: {  	[tilespmem:s17], [sflag:$0x2] =	stream.linear.gather [hbm4b:s31+s2], $0x80, $0x38;
	[tilespmem:$0x18A80] =	vst v63  }
0x45: {  	_ =	swait.ge [sflag:s15], $0x80  }
0x46: {  	[sflag:s15] =	ssyncset.done $0x0  }
0x47: {  	[sflag:s15] =	ssyncadd.s32 $0xFFFFFF80  }
0x48: {  	[tilespmem:s18], [sflag:$0x1] =	stream.indirect.gather [hbm4b:s4+s17], $0x80, s2, s17, $0xb8;
	[tilespmem:$0x18A80] =	vst v63  }
0x49: {  	_ =	swait.ge [sflag:s19], $0x4000  }
0x4a: {  	[sflag:s19] =	ssyncset.done $0x0  }
0x4b: {  	[sflag:s19] =	ssyncadd.s32 $0xFFFFC000  }
0x4c: {  	[spmem:s1] =	stream.indirect.scatter.add.f32 [tilespmem:s18], [sflag:$0x2], $0x80, s17, s17, $0xb8;
	[tilespmem:$0x18A80] =	vst v63  }
0x4d: {  	_ =	swait.ge [sflag:s15], $0x4000  }
0x4e: {  	[sflag:s15] =	ssyncset.done $0x0  }
0x4f: {  	[sflag:s15] =	ssyncadd.s32 $0xFFFFC000  }
0x50: {  	[tilespmem:s20], [sflag:$0x2] =	stream.linear.gather [hbm4b:s7+s2], $0x20, $0x38;
	[tilespmem:$0x18A80] =	vst v63  }
0x51: {  	_ =	swait.ge [sflag:s15], $0x20  }
0x52: {  	[sflag:s15] =	ssyncset.done $0x0  }
0x53: {  	[sflag:s15] =	ssyncadd.s32 $0xFFFFFFE0  }
0x54: {  	[tilespmem:s21], [sflag:$0x2] =	stream.linear.gather [hbm4b:s8+s2], $0x20, $0x38;
	[tilespmem:$0x18A80] =	vst v63  }
0x55: {  	_ =	swait.ge [sflag:s15], $0x20  }
0x56: {  	[sflag:s15] =	ssyncset.done $0x0  }
0x57: {  	[sflag:s15] =	ssyncadd.s32 $0xFFFFFFE0  }
0x58: {  	[tilespmem:s23], [sflag:$0x1] =	stream.indirect.gather [hbm4b:s4+s22], $0x80, s20, s22, $0xb8;
	[tilespmem:$0x18A80] =	vst v63  }
0x59: {  	_ =	swait.ge [sflag:s19], $0x1000  }
0x5a: {  	[sflag:s19] =	ssyncset.done $0x0  }
0x5b: {  	[sflag:s19] =	ssyncadd.s32 $0xFFFFF000  }
0x5c: {  	[spmem:s1] =	stream.indirect.scatter.add.f32 [tilespmem:s23], [sflag:$0x2], $0x80, s21, s22, $0xb8;
	[tilespmem:$0x18A80] =	vst v63  }
0x5d: {  	_ =	swait.ge [sflag:s15], $0x1000  }
0x5e: {  	[sflag:s15] =	ssyncset.done $0x0  }
0x5f: {  	[sflag:s15] =	ssyncadd.s32 $0xFFFFF000  }
0x60: {  	[bflag:$0x0] =	sbarrier.arrive $0xFFFF  }
0x61: {  	[hbm:s9], [sflag:s6] =	dma.local [spmem:s14], $0x2700  }
0x62: {  	s24 =	sadd.s32 $0x1, s24;
	_ =	swait.ge [sflag:s15], $0x2700  }
0x63: {  	p1 =	sne.s32 s24, s11;
	[sflag:s15] =	ssyncset.done $0x0  }
.Ltmp1:
0x64: {  	s25 =	simm.s32 @!p0 $0x2;
	[sflag:s15] =	ssyncadd.s32 $0xFFFFD900;
	(pc) =	sbr.rel @p1 .LBB2_1-.Ltmp1, $4  }
0x65: {  	[hbm:s10], [sflag:s6] =	dma.local @!p0 [spmem:s16], $0x100  }
0x66: {  	_ =	swait.ge @!p0 [sflag:s25], $0x100  }
0x67: {  	[sflag:s25] =	ssyncset.done @!p0 $0x0  }
0x68: {  	[sflag:s25] =	ssyncadd.s32 @!p0 $0xFFFFFF00  }
0x69: {  	_ =	sfence.sel $0x180000  }
0x6a: {  	[bflag:$0x0] =	sbarrier.arrive $0xFFFF  }
0x6b: {  	p0 =	sne.s32 s3, $0x0;
	_ =	strace $0x90000053  }
0x6c: {  	s0 =	sadd.s32 @!p0 $0x100000, s0;
	[bflag:$0x2] =	sbarrier.arrive $0xFFFF  }
0x6d: {  	[sflag:s0] =	ssyncadd.tile.s32 @!p0 $0x1;
	_ =	shalt  }
.Lfunc_end2:
_tile_overlayer_lowered:
.L_overlay_start_2:
0x6e: {  	(tag) =	ssettag $0x2  }
0x6f: {  	s0 =	rddreg [dreg:$0x0];
	s2 =	stileid.u32  }
0x70: {  	s1 =	rddreg [dreg:$0x1];
	p0 =	sne.s32 s2, $0x0  }
0x71: {  	s3 =	rddreg [dreg:$0x2];
	[bflag:$0x3] =	sbarrier.arrive $0xFFFF;
	s2 =	simm.s32 @!p0 $0x1C02  }
0x72: {  	[timem:s3], [sflag:s2] =	dma.local @!p0 [hbm:s0], s1  }
0x73: {  	s0 =	simm.s32 @!p0 $0x2  }
0x74: {  	_ =	swait.ge @!p0 [sflag:s0], s1  }
0x75: {  	s1 =	ssub.s32 @!p0 $0x0, s1;
	[sflag:s0] =	ssyncset.done @!p0 $0x0  }
0x76: {  	[sflag:s0] =	ssyncadd.s32 @!p0 s1  }
0x77: {  	[bflag:$0x3] =	sbarrier.arrive $0xFFFF  }
0x78: {  	_ =	shalt  }

// kernel: kernel.31.cloned.1.call-start
scs
__scs_entry_jumppad:
0x0: {  	(pc) =	sbr.rel $0x88, $3  }
0x1: {  	(tag) =	ssettag $0x0;
	lr =	simm.s32 $0x1  }
0x2: {  	[smem:$0x3F89] =	sst lr;
	_ =	strace $0xD0000000  }
0x3: {  	_ = 	snop  }
0x4: {  	_ = 	snop  }
0x5: {  	_ = 	snop  }
0x6: {  	_ = 	snop  }
0x7: {  	_ = 	snop  }
__scs_overlays_trampoline_lowered:
0x8: {  	[smem:$0x3F98] =	sst s0  }
0x9: {  	[smem:$0x3F99] =	sst s1  }
0xa: {  	[smem:$0x3F9A] =	sst s2  }
0xb: {  	[smem:$0x3F9B] =	sst s3  }
0xc: {  	[smem:$0x3F9C] =	sst s4  }
0xd: {  	[smem:$0x3F9D] =	sst s5  }
0xe: {  	[smem:$0x3F9E] =	sst s6  }
0xf: {  	[smem:$0x3F9F] =	sst s7  }
0x10: {  	[smem:$0x3FA0] =	sst s8  }
0x11: {  	[smem:$0x3FA1] =	sst s9;
	s0 =	simm.s32 @!p0 $0x0  }
0x12: {  	s1 =	sld [smem:$0x3F87];
	s0 =	simm.s32 @p0 $0x1  }
0x13: {  	[smem:$0x3FA2] =	sst s0;
	s0 =	simm.s32 @!p1 $0x0  }
0x14: {  	s2 =	sld [smem:$0x3F86];
	s0 =	simm.s32 @p1 $0x1  }
0x15: {  	[smem:$0x3FA3] =	sst s0;
	s0 =	simm.s32 @!p2 $0x0  }
0x16: {  	s3 =	sld [smem:$0x3FDB];
	s0 =	simm.s32 @p2 $0x1  }
0x17: {  	s4 =	simm.s32 $0x1BF5;
	[smem:$0x3FA5] =	sst s0  }
0x18: {  	s0 =	sld [smem:$0x3F88];
	_ =	swait.ge [sflag:s4], $0x0  }
0x19: {  	s7 =	sld [smem:$0x3F89]  }
0x1a: {  	s8 =	sadd.s32 $0xFFFFE003, lr  }
0x1b: {  	s9 =	sadd.s32 $0xFFFFFEF7, lr;
	s5 =	simm.s32 $0xFFFFFFFF;
	p2 =	slt.u32 s8, $0xFFFFF086  }
0x1c: {  	p1 =	slt.u32 s9, $0xF7A;
	s5 =	simm.s32 @!p2 $0x0  }
0x1d: {  	s5 =	simm.s32 @p1 $0x1;
	p0 =	seq.s32 s7, s2  }
0x1e: {  	s7 =	smul.u32 @!p0 $0xF7A, s2;
	p2 =	seq.s32 @!p0 s5, $0x0  }
0x1f: {  	s9 =	smul.u32 $0xF7A, s1;
	s8 =	simm.s32 @!p0 $0x1BF5;
	p2 =	por !p2, p0  }
0x20: {  	[sflag:s8] =	ssyncset.s32 @!p0 $0xFFFFF086;
	s6 =	sadd.s32 @!p0 s3, s7;
	s7 =	simm.s32 @!p0 $0x108  }
0x21: {  	s3 =	sadd.s32 s3, s9;
	s6 =	sadd.s32 @!p0 $0x88, s6;
	s7 =	simm.s32 @p2 $0x1082  }
0x22: {  	[simem:s7], [sflag:s8] =	dma.local @!p0 [hbm:s6], $0xF7A  }
0x23: {  	s9 =	sor.u32 $0xD0000000, s2;
	s6 =	simm.s32 $0x108;
	_ =	swait.ge @!p0 [sflag:s8], $0x0  }
0x24: {  	s3 =	sadd.s32 $0x88, s3;
	s6 =	simm.s32 @!p1 $0x1082;
	[sflag:s4] =	ssyncset.s32 $0xFFFFF086  }
0x25: {  	[simem:s6], [sflag:s4] =	dma.local [hbm:s3], $0xF7A  }
0x26: {  	[smem:$0x3F89] =	sst s1;
	(tag) =	ssettag s2;
	_ =	strace s9  }
0x27: {  	s1 =	sld [smem:$0x3F99]  }
0x28: {  	s2 =	sld [smem:$0x3F9A]  }
0x29: {  	s4 =	sld [smem:$0x3F9C]  }
0x2a: {  	p0 =	seq.s32 s5, $0x0;
	s5 =	sld [smem:$0x3F9D]  }
0x2b: {  	s6 =	sld [smem:$0x3F9E]  }
0x2c: {  	s7 =	sld [smem:$0x3F9F]  }
0x2d: {  	s3 =	simm.s32 $0x108;
	s8 =	sld [smem:$0x3FA0]  }
0x2e: {  	s3 =	simm.s32 @!p0 $0x1082;
	s9 =	sld [smem:$0x3FA1]  }
0x2f: {  	lr =	sadd.s32 s0, s3;
	s0 =	sld [smem:$0x3F98]  }
0x30: {  	s3 =	sld [smem:$0x3F9B]  }
0x31: {  	[smem:$0x3FA4] =	sst s10  }
0x32: {  	s10 =	sld [smem:$0x3FA2];
	_ =	sdelay $0x3  }
0x33: {  	p0 =	seq.s32 s10, $0x1;
	s10 =	sld [smem:$0x3FA4];
	_ =	sdelay $0x3  }
0x34: {  	[smem:$0x3FA4] =	sst s10  }
0x35: {  	s10 =	sld [smem:$0x3FA3];
	_ =	sdelay $0x3  }
0x36: {  	p1 =	seq.s32 s10, $0x1;
	s10 =	sld [smem:$0x3FA4];
	_ =	sdelay $0x3  }
0x37: {  	[smem:$0x3FA4] =	sst s10  }
0x38: {  	s10 =	sld [smem:$0x3FA5]  }
0x39: {  	_ = 	snop;
	(pc) =	sbr.ind lr, $3  }
0x3a: {  	_ = 	snop  }
0x3b: {  	_ = 	snop  }
0x3c: {  	p2 =	seq.s32 s10, $0x1;
	s10 =	sld [smem:$0x3FA4]  }
0x3d: {  	_ =	shalt  }
0x3e: {  	_ =	shalt  }
0x3f: {  	_ =	shalt  }
0x40: {  	_ =	shalt  }
0x41: {  	_ =	shalt  }
0x42: {  	_ =	shalt  }
0x43: {  	_ =	shalt  }
0x44: {  	_ =	shalt  }
0x45: {  	_ =	shalt  }
0x46: {  	_ =	shalt  }
0x47: {  	_ =	shalt  }
0x48: {  	_ =	shalt  }
0x49: {  	_ =	shalt  }
0x4a: {  	_ =	shalt  }
0x4b: {  	_ =	shalt  }
0x4c: {  	_ =	shalt  }
0x4d: {  	_ =	shalt  }
0x4e: {  	_ =	shalt  }
0x4f: {  	_ =	shalt  }
0x50: {  	_ =	shalt  }
0x51: {  	_ =	shalt  }
0x52: {  	_ =	shalt  }
0x53: {  	_ =	shalt  }
0x54: {  	_ =	shalt  }
0x55: {  	_ =	shalt  }
0x56: {  	_ =	shalt  }
0x57: {  	_ =	shalt  }
0x58: {  	_ =	shalt  }
0x59: {  	_ =	shalt  }
0x5a: {  	_ =	shalt  }
0x5b: {  	_ =	shalt  }
0x5c: {  	_ =	shalt  }
0x5d: {  	_ =	shalt  }
0x5e: {  	_ =	shalt  }
0x5f: {  	_ =	shalt  }
0x60: {  	_ =	shalt  }
0x61: {  	_ =	shalt  }
0x62: {  	_ =	shalt  }
0x63: {  	_ =	shalt  }
0x64: {  	_ =	shalt  }
0x65: {  	_ =	shalt  }
0x66: {  	_ =	shalt  }
0x67: {  	_ =	shalt  }
0x68: {  	_ =	shalt  }
0x69: {  	_ =	shalt  }
0x6a: {  	_ =	shalt  }
0x6b: {  	_ =	shalt  }
0x6c: {  	_ =	shalt  }
0x6d: {  	_ =	shalt  }
0x6e: {  	_ =	shalt  }
0x6f: {  	_ =	shalt  }
0x70: {  	_ =	shalt  }
0x71: {  	_ =	shalt  }
0x72: {  	_ =	shalt  }
0x73: {  	_ =	shalt  }
0x74: {  	_ =	shalt  }
0x75: {  	_ =	shalt  }
0x76: {  	_ =	shalt  }
0x77: {  	_ =	shalt  }
0x78: {  	_ =	shalt  }
0x79: {  	_ =	shalt  }
0x7a: {  	_ =	shalt  }
0x7b: {  	_ =	shalt  }
0x7c: {  	_ =	shalt  }
0x7d: {  	_ =	shalt  }
0x7e: {  	_ =	shalt  }
0x7f: {  	_ =	shalt  }
0x80: {  	_ =	shalt  }
0x81: {  	_ =	shalt  }
0x82: {  	_ =	shalt  }
0x83: {  	_ =	shalt  }
0x84: {  	_ =	shalt  }
0x85: {  	_ =	shalt  }
0x86: {  	_ =	shalt  }
0x87: {  	_ =	shalt  }
.Lfunc_end0:
.L_simem_size_0:
called_computation.5_lowered:
.L_overlay_start_0:
0x88: {  	s2 =	sld [smem:$0x3FD9]  }
0x89: {  	s3 =	sld [smem:$0x3FFE];
	_ =	sdelay $0x1  }
0x8a: {  	s1 =	srdreg.scid  }
0x8b: {  	s0 =	sand.u32 $0x1, s1  }
0x8c: {  	s17 =	sshll.u32 s0, $0xA;
	s2 =	sadd.s32 s3, s2  }
0x8d: {  	s2 =	sadd.s32 s2, s17  }
0x8e: {  	[smem:$0x3FB0] =	sst s2  }
0x8f: {  	_ = 	snop  }
0x90: {  	s2 =	sld [smem:$0x3FD0];
	(tm) =	ssettm $0x1  }
0x91: {  	s18 =	sld [smem:$0x3FFB];
	_ =	sdelay $0x3  }
0x92: {  	_ =	strace s18  }
0x93: {  	s3 =	sld [smem:$0x3FFC];
	_ =	sdelay $0x3  }
0x94: {  	_ =	strace s3  }
0x95: {  	s3 =	sld [smem:$0x3FFD];
	_ =	sdelay $0x3  }
0x96: {  	_ =	strace s3  }
0x97: {  	_ =	strace $0x8FFFFFFF  }
0x98: {  	s19 =	sld [smem:$0x3FDB];
	_ =	sdelay $0x1  }
0x99: {  	s4 =	simm.s32 $_scs_section_size  }
0x9a: {  	s5 =	simm.s32 $_size__tile_overlayer_lowered;
	s6 =	simm.s32 $_tile_overlayer_lowered  }
0x9b: {  	s22 =	simm.s32 $0x1BFF;
	s21 =	sshll.u32 s6, $0x1;
	s3 =	sadd.s32 s4, s19  }
0x9c: {  	s7 =	simm.s32 $0x0;
	s20 =	sshll.u32 s5, $0x1;
	s5 =	sadd.s32 s21, s3  }
0x9d: {  	[timem:s7], [sflag:s22] =	dma.local [hbm:s5], s20  }
0x9e: {  	_ =	swait.ge [sflag:s22], s20  }
0x9f: {  	s4 =	ssub.s32 $0x0, s20;
	[sflag:s22] =	ssyncset.done $0x0  }
0xa0: {  	[sflag:s22] =	ssyncadd.s32 s4;
	_ =	sdelay $0x1  }
0xa1: {  	s23 =	simm.s32 $0x1B8B  }
0xa2: {  	_ =	swait.ge [sflag:s23], $0x1  }
0xa3: {  	[sflag:s23] =	ssyncset.done $0x0  }
0xa4: {  	s25 =	simm.s32 $0x1B8E;
	s24 =	sld [smem:$0x3FFE];
	[sflag:s23] =	ssyncadd.s32 $0xFFFFFFFF  }
0xa5: {  	s26 =	simm.s32 $execute0_lowered;
	[smem:$0x3FD2] =	sst s25  }
0xa6: {  	s5 =	sshll.u32 s26, $0x1;
	_ =	strace $0x80000055;
	[dreg:$0x1] =	wrdreg $0xFFFFFFFF  }
0xa7: {  	s28 =	simm.s32 $_size_execute0_lowered;
	s3 =	sadd.s32 s3, s5;
	[dreg:$0x0] =	wrdreg $0x0  }
0xa8: {  	s5 =	sshll.u32 s28, $0x1;
	[dreg:$0x2] =	wrdreg s3  }
0xa9: {  	[dreg:$0x3] =	wrdreg s5  }
0xaa: {  	[dreg:$0x4] =	wrdreg $0xC0  }
0xab: {  	_ =	task [dreg:s7], $0x5FFFF  }
0xac: {  	[dreg:$0x1] =	wrdreg $0xFFFFFFFF  }
0xad: {  	[dreg:$0x0] =	wrdreg $0x60  }
0xae: {  	[dreg:$0x2] =	wrdreg s24  }
0xaf: {  	[dreg:$0x3] =	wrdreg s2  }
0xb0: {  	[dreg:$0x4] =	wrdreg $0xA8000  }
0xb1: {  	[dreg:$0x5] =	wrdreg $0x1E0800  }
0xb2: {  	[dreg:$0x6] =	wrdreg $0x9  }
0xb3: {  	_ =	task.clear_ibuf [dreg:s7], $0x7FFFF;
	_ =	strace $0x90000055  }
0xb4: {  	s29 =	simm.s32 $0x9;
	_ =	strace $0x80000057  }
0xb5: {  	_ =	swait.ge [sflag:s29], $0x1  }
0xb6: {  	[sflag:s29] =	ssyncadd.s32 $0xFFFFFFFF  }
0xb7: {  	_ =	strace $0x90000057  }
0xb8: {  	_ =	sfence  }
0xb9: {  	s30 =	sld [smem:$0x0];
	_ =	sdelay $0x2  }
0xba: {  	s31 =	sshll.u32 s1, $0xD;
	s1 =	sshrl.u32 s1, $0x2  }
0xbb: {  	s3 =	sand.u32 $0x4000, s31;
	s1 =	sadd.s32 s1, s30  }
0xbc: {  	s0 =	sor.u32 s3, s0;
	s1 =	sshll.u32 s1, $0x11  }
0xbd: {  	s0 =	sor.u32 s1, s0  }
0xbe: {  	s0 =	sadd.s32 $0x8F2B, s0  }
0xbf: {  	[sflag:s0] =	ssyncadd.remote.s32 $0x1  }
0xc0: {  	_ =	sfence.sel $0xFFFF  }
0xc1: {  	[dreg:$0x0] =	wrdreg $0xFFFFFFFF;
	(pc) =	sbr.abs _section_cstart, $3  }
0xc2: {  	[dreg:$0x1] =	wrdreg $0xFFFFFFFF  }
0xc3: {  	_ =	task.clear_ibuf [dreg:s7], $0x2FFFF;
	_ =	strace $0x9FFFFFFF  }
0xc4: {  	(tm) =	ssettm $0x7FFFFFFF  }
0xc5: {  	_ =	shalt  }
tec
execute0_lowered:
.L_overlay_start_1:
0x0: {  	(tag) =	ssettag $0x1  }
0x1: {  	s0 =	rddreg [dreg:$0x0]  }
0x2: {  	s4 =	rddreg [dreg:$0x1]  }
0x3: {  	s1 =	rddreg [dreg:$0x2]  }
0x4: {  	s2 =	rddreg [dreg:$0x3];
	s19 =	simm.s32 $0x0;
	s7 =	srdreg.scid  }
0x5: {  	s3 =	stileid.u32;
	s28 =	simm.s32 $0xA200;
	s29 =	simm.s32 $0x1  }
0x6: {  	s30 =	simm.s32 $0xA280;
	s31 =	simm.s32 $0x200;
	[smem:$0x7FF] =	sst s19  }
0x7: {  	s5 =	sadd.s32 $0x2E400, s0;
	s6 =	sadd.s32 $0x2A800, s0;
	s8 =	sand.u32 $0x1, s7  }
0x8: {  	s12 =	smul.u32 $0x280, s3;
	s7 =	sadd.s32 $0x55600, s0;
	s9 =	sadd.s32 $0x2A400, s0  }
0x9: {  	s10 =	sadd.s32 $0x3000, s0;
	s11 =	sadd.s32 $0x2BC00, s0;
	s14 =	sadd.s32 $0x2A600, s0  }
0xa: {  	s25 =	sshll.u32 s3, $0x1;
	s16 =	smul.u32 $0x4E000, s3;
	s21 =	sadd.s32 $0x138000, s1  }
0xb: {  	p0 =	sne.s32 s3, $0xF;
	_ =	strace $0x80000056;
	[dreg:$0x5] =	wrdreg s9  }
0xc: {  	s13 =	smul.u32 $0x2800, s8;
	s9 =	sadd.s32 $0x16A00, s0;
	[dreg:$0x6] =	wrdreg s14  }
0xd: {  	s15 =	ssub.s32 $0x2, s8;
	s14 =	sor.u32 s8, s25;
	s8 =	smul.u32 $0x138800, s8  }
0xe: {  	[dreg:$0x8] =	wrdreg s21;
	s18 =	sshrl.u32 s15, $0x1;
	s16 =	sshrl.u32 s16, $0x2  }
0xf: {  	s13 =	sadd.s32 s12, s13;
	s26 =	ssub.s32 s15, s18;
	s18 =	smul.u32 $0x13800, s3  }
0x10: {  	s15 =	sadd.s32 s16, s1;
	s17 =	sshrl.u32 s13, $0x3;
	s13 =	smul.u32 $0x4E20, s14  }
0x11: {  	[dreg:$0x7] =	wrdreg s15;
	s15 =	sadd.s32 s12, s2;
	s26 =	smax.u32 s26, $0x1  }
0x12: {  	s14 =	simm.s32 $0x0;
	s0 =	sadd.s32 s17, s0;
	s23 =	sadd.s32 s18, s8  }
0x13: {  	s8 =	sshrl.u32 s8, $0x3;
	[dreg:$0xe] =	wrdreg s26;
	s26 =	simm.s32 $0x80  }
0x14: {  	s17 =	sshrl.u32 s13, $0x3;
	s24 =	sshrl.u32 s23, $0x3;
	s0 =	sadd.s32 $0x2AE00, s0  }
0x15: {  	s25 =	sadd.s32 s4, s8;
	s23 =	simm.s32 $0xA480;
	s8 =	simm.s32 $0x180  }
0x16: {  	s20 =	sadd.s32 $0x9C0, s17;
	[dreg:$0xc] =	wrdreg s0;
	s0 =	sadd.s32 $0x27000, s25  }
0x17: {  	s25 =	simm.s32 $0xA580;
	s22 =	sadd.s32 s9, s20;
	[dreg:$0xd] =	wrdreg s0  }
0x18: {  	s12 =	sadd.s32 s10, s20;
	s0 =	simm.s32 $0x5200;
	[dreg:$0x9] =	wrdreg s22  }
0x19: {  	[dreg:$0xa] =	wrdreg s12;
	s12 =	sadd.s32 s4, s24;
	s24 =	simm.s32 $0x2  }
0x1a: {  	s4 =	simm.s32 $0x100;
	[dreg:$0xb] =	wrdreg s12;
	s12 =	simm.s32 $0x20  }
.LBB2_1:
0x1b: {  	s3 =	rddreg [dreg:$0x5];
	s16 =	simm.s32 $0xA400  }
0x1c: {  	[tilespmem:s16], [sflag:$0x2] =	stream.linear.gather [hbm4b:s3+s19], $0x80, $0x38;
	[tilespmem:$0x1E300] =	vst v63  }
0x1d: {  	s18 =	stileid.u32;
	_ =	swait.ge [sflag:s24], $0x80  }
0x1e: {  	s20 =	sshll.u32 s18, $0x6;
	[sflag:s24] =	ssyncset.done $0x0;
	s21 =	rddreg [dreg:$0x7]  }
0x1f: {  	s16 =	sor.u32 $0x1C02, s20;
	[sflag:s24] =	ssyncadd.s32 $0xFFFFFF80;
	s17 =	sshrl.u32 s21, $0x3  }
0x20: {  	[spmem:s17], [sflag:s16] =	dma.local [hbm:s11], $0x2700  }
0x21: {  	_ =	swait.ge [sflag:s24], $0x2700  }
0x22: {  	[sflag:s24] =	ssyncset.done $0x0  }
0x23: {  	s22 =	rddreg [dreg:$0x6];
	[sflag:s24] =	ssyncadd.s32 $0xFFFFD900  }
0x24: {  	[tilespmem:s25], [sflag:$0x2] =	stream.linear.gather [hbm4b:s22+s19], $0x280, $0x38;
	[tilespmem:$0x1E300] =	vst v63  }
0x25: {  	_ =	swait.ge [sflag:s24], $0x280  }
0x26: {  	[sflag:s24] =	ssyncset.done $0x0  }
0x27: {  	[sflag:s24] =	ssyncadd.s32 $0xFFFFFD80  }
0x28: {  	[spmem:s15] =	stream.linear.scatter [tilespmem:s25], [sflag:$0x2], $0x280, $0x38;
	[tilespmem:$0x1E300] =	vst v63  }
0x29: {  	_ =	swait.ge [sflag:s24], $0x280  }
0x2a: {  	[sflag:s24] =	ssyncset.done $0x0;
	s3 =	rddreg [dreg:$0x8]  }
0x2b: {  	s19 =	simm.s32 @!p0 $0x2;
	[sflag:s24] =	ssyncadd.s32 $0xFFFFFD80;
	s18 =	sshrl.u32 @!p0 s3, $0x3  }
0x2c: {  	[spmem:s18], [sflag:s16] =	dma.local @!p0 [hbm:s11], $0x100  }
0x2d: {  	_ =	swait.ge @!p0 [sflag:s19], $0x100  }
0x2e: {  	[sflag:s19] =	ssyncset.done @!p0 $0x0  }
0x2f: {  	[sflag:s19] =	ssyncadd.s32 @!p0 $0xFFFFFF00  }
0x30: {  	[bflag:$0x0] =	sbarrier.arrive $0xFFFF  }
0x31: {  	s19 =	simm.s32 $0x0;
	v0 =	vld [tilespmem:$0xA400]  }
.LBB2_2:
0x32: {  	s20 =	sshll.u32 s19, $0x7  }
0x33: {  	s20 =	sadd.s32 s13, s20  }
0x34: {  	s20 =	sshrl.u32 s20, $0x3  }
0x35: {  	s22 =	simm.s32 $0x0;
	s21 =	sadd.s32 s9, s20  }
0x36: {  	[tilespmem:s22], [sflag:$0x2] =	stream.linear.gather [hbm4b:s21+s22], $0x80, $0x38;
	[tilespmem:$0x1E300] =	vst v63  }
0x37: {  	_ =	swait.ge [sflag:s24], $0x80  }
0x38: {  	[sflag:s24] =	ssyncset.done $0x0  }
0x39: {  	s20 =	sadd.s32 s10, s20;
	[sflag:s24] =	ssyncadd.s32 $0xFFFFFF80  }
0x3a: {  	[tilespmem:s26], [sflag:$0x2] =	stream.linear.gather [hbm4b:s20+s22], $0x80, $0x38;
	[tilespmem:$0x1E300] =	vst v63  }
0x3b: {  	_ =	swait.ge [sflag:s24], $0x80  }
0x3c: {  	[sflag:s24] =	ssyncset.done $0x0  }
0x3d: {  	[sflag:s24] =	ssyncadd.s32 $0xFFFFFF80  }
0x3e: {  	[tilespmem:s28], [sflag:$0x1] =	stream.indirect.gather [hbm4b:s6+s26], $0x1, s22, s26, $0xb8;
	[tilespmem:$0x1E300] =	vst v63  }
0x3f: {  	_ =	swait.ge [sflag:s29], $0x80  }
0x40: {  	[sflag:s29] =	ssyncset.done $0x0  }
0x41: {  	[sflag:s29] =	ssyncadd.s32 $0xFFFFFF80  }
0x42: {  	[tilespmem:s30], [sflag:$0x1] =	stream.indirect.gather [hbm4b:s7+s26], $0x1, s26, s26, $0xb8;
	[tilespmem:$0x1E300] =	vst v63  }
0x43: {  	_ =	swait.ge [sflag:s29], $0x80  }
0x44: {  	[sflag:s29] =	ssyncset.done $0x0  }
0x45: {  	[sflag:s29] =	ssyncadd.s32 $0xFFFFFF80  }
0x46: {  	[tilespmem:s31], [sflag:$0x1] =	stream.indirect.gather [hbm4b:s5+s26], $0x80, s22, s26, $0xb8;
	[tilespmem:$0x1E300] =	vst v63  }
0x47: {  	_ =	swait.ge [sflag:s29], $0x4000  }
0x48: {  	[sflag:s29] =	ssyncset.done $0x0  }
0x49: {  	[sflag:s29] =	ssyncadd.s32 $0xFFFFC000  }
0x4a: {  	v1 =	vld [tilespmem:$0xA200]  }
0x4b: {  	v2 =	vld [tilespmem:$0xA280]  }
0x4c: {  	v3 =	vld [tilespmem:$0xA210]  }
0x4d: {  	v4 =	vld [tilespmem:$0xA290];
	_ =	sdelay $0x1  }
0x4e: {  	v5 =	vld [tilespmem:$0xA220]  }
0x4f: {  	v6 =	vld [tilespmem:$0xA2A0]  }
0x50: {  	v1 =	vadd.f32 v2, v1  }
0x51: {  	v7 =	vld [tilespmem:$0xA2B0];
	v2 =	vadd.f32 v4, v3  }
0x52: {  	v9 =	vld [tilespmem:$0xA240];
	v4 =	vmul.f32 $2.000000030e-01, v1  }
0x53: {  	v3 =	vld [tilespmem:$0xA230];
	vm0 =	vgt.f32 v1, $0.0e+00;
	v8 =	vmul.f32 $2.000000030e-01, v2  }
0x54: {  	v10 =	vld [tilespmem:$0xA2D0];
	vm9 =	vgt.f32 v2, $0.0e+00;
	v1 =	vsel vm0, v1, v4;
	v4 =	vadd.f32 v6, v5  }
0x55: {  	v5 =	vld [tilespmem:$0xA2C0];
	v2 =	vsel vm9, v2, v8;
	v1 =	vsub.f32 v1, v0  }
0x56: {  	v11 =	vld [tilespmem:$0xA260];
	v2 =	vsub.f32 v2, v0;
	v62 =	vmul.f32 $2.000000030e-01, v4  }
0x57: {  	v6 =	vld [tilespmem:$0xA250];
	vm10 =	vgt.f32 v4, $0.0e+00;
	v1 =	vmul.f32 $1.442695020e+00, v1  }
0x58: {  	v63 =	vld [tilespmem:$0xA2E0];
	v3 =	vadd.f32 v7, v3;
	v2 =	vmul.f32 $1.442695020e+00, v2;
	v4 =	vsel vm10, v4, v62  }
0x59: {  	(erf) = vpow2.f32 v1;
	v1 =	vsub.f32 v4, v0;
	v4 =	vld [tilespmem:$0xA270]  }
0x5a: {  	v7 =	vmul.f32 $2.000000030e-01, v3;
	(erf) = vpow2.f32 v2;
	v2 =	vadd.f32 v5, v9;
	v5 =	vld [tilespmem:$0xA2F0]  }
0x5b: {  	vm11 =	vgt.f32 v3, $0.0e+00  }
0x5c: {  	v6 =	vadd.f32 v10, v6;
	v3 =	vsel vm11, v3, v7;
	v1 =	vmul.f32 $1.442695020e+00, v1  }
0x5d: {  	v7 =	vadd.f32 v63, v11;
	v3 =	vsub.f32 v3, v0;
	v9 =	vmul.f32 $2.000000030e-01, v2  }
0x5e: {  	vm13 =	vgt.f32 v6, $0.0e+00;
	vm12 =	vgt.f32 v2, $0.0e+00;
	(erf) = vpow2.f32 v1  }
0x5f: {  	v1 =	vsel vm12, v2, v9;
	v2 =	vmul.f32 $2.000000030e-01, v6;
	v4 =	vadd.f32 v5, v4  }
0x60: {  	vm14 =	vgt.f32 v7, $0.0e+00;
	v3 =	vmul.f32 $1.442695020e+00, v3;
	v5 =	vmul.f32 $2.000000030e-01, v7  }
0x61: {  	v1 =	vsub.f32 v1, v0;
	v2 =	vsel vm13, v6, v2;
	v6 =	vmul.f32 $2.000000030e-01, v4  }
0x62: {  	v5 =	vsel vm14, v7, v5;
	v2 =	vsub.f32 v2, v0;
	vm15 =	vgt.f32 v4, $0.0e+00  }
0x63: {  	v1 =	vmul.f32 $1.442695020e+00, v1;
	v5 =	vsub.f32 v5, v0;
	v4 =	vsel vm15, v4, v6  }
0x64: {  	(erf) = vpow2.f32 v3;
	v2 =	vmul.f32 $1.442695020e+00, v2;
	v3 =	vsub.f32 v4, v0  }
0x65: {  	(erf) = vpow2.f32 v1;
	v1 =	vmul.f32 $1.442695020e+00, v5  }
0x66: {  	(erf) = vpow2.f32 v2;
	v2 =	vmul.f32 $1.442695020e+00, v3  }
0x67: {  	(erf) = vpow2.f32 v1  }
0x68: {  	(erf) = vpow2.f32 v2;
	_ =	sdelay $0x1  }
0x69: {  	v1 =	vpop (erf)  }
0x6a: {  	[tilespmem:$0xA480] =	vst v1;
	v2 =	vpop (erf)  }
0x6b: {  	v1 =	vpop (erf);
	[tilespmem:$0xA490] =	vst v2  }
0x6c: {  	v2 =	vpop (erf);
	[tilespmem:$0xA4A0] =	vst v1  }
0x6d: {  	v1 =	vpop (erf);
	[tilespmem:$0xA4B0] =	vst v2  }
0x6e: {  	v2 =	vpop (erf);
	[tilespmem:$0xA4C0] =	vst v1  }
0x6f: {  	v1 =	vpop (erf);
	[tilespmem:$0xA4D0] =	vst v2  }
0x70: {  	[tilespmem:$0xA4E0] =	vst v1;
	v1 =	vpop (erf)  }
0x71: {  	s20 =	simm.s32 $0x0;
	[tilespmem:$0xA4F0] =	vst v1  }
0x72: {  	v2 =	vld [tilespmem:s20+$0x200]  }
0x73: {  	v3 =	vld [tilespmem:s20+$0x210]  }
0x74: {  	v4 =	vld [tilespmem:s20+$0x220]  }
0x75: {  	s21 =	simm.s32 $0xA480;
	v5 =	vld [tilespmem:s20+$0x230]  }
0x76: {  	s22 =	simm.s32 $0x200;
	v1 =	vld.msk [tilespmem:s21+$0x0 ss:$0x0], $0xffff  }
.LBB2_3:
0x77: {  	p1 =	sne.s32 s22, $0xFE00;
	v6 =	vld [tilespmem:s20+$0x240]  }
0x78: {  	v7 =	vld [tilespmem:s20+$0x250]  }
0x79: {  	v8 =	vld [tilespmem:s20+$0x260]  }
0x7a: {  	v9 =	vld [tilespmem:s20+$0x270];
	_ =	sdelay $0x1  }
0x7b: {  	v2 =	vmul.f32 v1, v2;
	v3 =	vmul.f32 v3, v1  }
0x7c: {  	v4 =	vmul.f32 v4, v1;
	v5 =	vmul.f32 v5, v1  }
0x7d: {  	v6 =	vmul.f32 v6, v1;
	v7 =	vmul.f32 v7, v1;
	[tilespmem:s20+$0x5200] =	vst v2  }
0x7e: {  	v8 =	vmul.f32 v8, v1;
	[tilespmem:s20+$0x5210] =	vst v3;
	v1 =	vmul.f32 v9, v1  }
0x7f: {  	[tilespmem:s20+$0x5220] =	vst v4  }
0x80: {  	s3 =	sshra.s32 s22, $0x2;
	[tilespmem:s20+$0x5230] =	vst v5  }
.Ltmp0:
0x81: {  	v2 =	vld [tilespmem:s3+$0x200];
	[tilespmem:s20+$0x5240] =	vst v6;
	(pc) =	sbr.rel @p1 .LBB2_3-.Ltmp0, $4  }
0x82: {  	v3 =	vld [tilespmem:s3+$0x210];
	[tilespmem:s20+$0x5250] =	vst v7  }
0x83: {  	v4 =	vld [tilespmem:s3+$0x220];
	[tilespmem:s20+$0x5260] =	vst v8  }
0x84: {  	s21 =	sadd.s32 $0x1, s21;
	v5 =	vld [tilespmem:s3+$0x230];
	[tilespmem:s20+$0x5270] =	vst v1;
	s20 =	smov.u32 s3  }
0x85: {  	s22 =	sadd.s32 $0x200, s22;
	v1 =	vld.msk [tilespmem:s21+$0x0 ss:$0x0], $0xffff  }
0x86: {  	_ =	sdelay $0x1  }
0x87: {  	v7 =	vld [tilespmem:s20+$0x250];
	_ =	sdelay $0x1  }
0x88: {  	v6 =	vld [tilespmem:s20+$0x240];
	v2 =	vmul.f32 v1, v2  }
0x89: {  	v8 =	vld [tilespmem:s20+$0x260];
	v3 =	vmul.f32 v3, v1  }
0x8a: {  	v9 =	vld [tilespmem:s20+$0x270];
	v4 =	vmul.f32 v4, v1;
	[tilespmem:s20+$0x5200] =	vst v2  }
0x8b: {  	v63 =	vmul.f32 v7, v1;
	[tilespmem:s20+$0x5210] =	vst v3  }
0x8c: {  	v2 =	vmul.f32 v5, v1;
	[tilespmem:s20+$0x5220] =	vst v4  }
0x8d: {  	v3 =	vmul.f32 v6, v1;
	[tilespmem:s20+$0x5250] =	vst v63  }
0x8e: {  	[tilespmem:s20+$0x5230] =	vst v2;
	v2 =	vmul.f32 v8, v1  }
0x8f: {  	[tilespmem:s20+$0x5240] =	vst v3;
	v1 =	vmul.f32 v9, v1  }
0x90: {  	[tilespmem:s20+$0x5260] =	vst v2  }
0x91: {  	[tilespmem:s20+$0x5270] =	vst v1  }
0x92: {  	[spmem:s1] =	stream.indirect.scatter.add.f32 [tilespmem:s0], [sflag:$0x2], $0x80, s26, s26, $0xb8;
	[tilespmem:$0x1E300] =	vst v63  }
0x93: {  	s19 =	sadd.s32 $0x1, s19;
	_ =	swait.ge [sflag:s24], $0x4000  }
0x94: {  	p1 =	sne.s32 s19, $0x9C;
	[sflag:s24] =	ssyncset.done $0x0  }
.Ltmp1:
0x95: {  	[sflag:s24] =	ssyncadd.s32 $0xFFFFC000;
	(pc) =	sbr.rel @p1 .LBB2_2-.Ltmp1, $4  }
0x96: {  	[spmem:s2] =	stream.indirect.scatter.add.f32 [tilespmem:s23], [sflag:$0x2], $0x1, s26, s26, $0xb8;
	[tilespmem:$0x1E300] =	vst v63  }
0x97: {  	_ =	swait.ge [sflag:s24], $0x80  }
0x98: {  	[sflag:s24] =	ssyncset.done $0x0  }
0x99: {  	[sflag:s24] =	ssyncadd.s32 $0xFFFFFF80  }
0x9a: {  	s3 =	simm.s32 $0x0;
	s19 =	rddreg [dreg:$0x9]  }
0x9b: {  	[tilespmem:s4], [sflag:$0x2] =	stream.linear.gather [hbm4b:s19+s3], $0x20, $0x38;
	[tilespmem:$0x1E300] =	vst v63  }
0x9c: {  	_ =	swait.ge [sflag:s24], $0x20  }
0x9d: {  	[sflag:s24] =	ssyncset.done $0x0  }
0x9e: {  	s22 =	rddreg [dreg:$0xa];
	[sflag:s24] =	ssyncadd.s32 $0xFFFFFFE0  }
0x9f: {  	[tilespmem:s8], [sflag:$0x2] =	stream.linear.gather [hbm4b:s22+s3], $0x20, $0x38;
	[tilespmem:$0x1E300] =	vst v63  }
0xa0: {  	_ =	swait.ge [sflag:s24], $0x20  }
0xa1: {  	[sflag:s24] =	ssyncset.done $0x0  }
0xa2: {  	s20 =	simm.s32 $0xA300;
	[sflag:s24] =	ssyncadd.s32 $0xFFFFFFE0  }
0xa3: {  	[tilespmem:s20], [sflag:$0x1] =	stream.indirect.gather [hbm4b:s6+s12], $0x1, s4, s12, $0xb8;
	[tilespmem:$0x1E300] =	vst v63  }
0xa4: {  	_ =	swait.ge [sflag:s29], $0x20  }
0xa5: {  	[sflag:s29] =	ssyncset.done $0x0  }
0xa6: {  	s21 =	simm.s32 $0xA380;
	[sflag:s29] =	ssyncadd.s32 $0xFFFFFFE0  }
0xa7: {  	[tilespmem:s21], [sflag:$0x1] =	stream.indirect.gather [hbm4b:s7+s12], $0x1, s8, s12, $0xb8;
	[tilespmem:$0x1E300] =	vst v63  }
0xa8: {  	_ =	swait.ge [sflag:s29], $0x20  }
0xa9: {  	[sflag:s29] =	ssyncset.done $0x0  }
0xaa: {  	s22 =	simm.s32 $0x4200;
	[sflag:s29] =	ssyncadd.s32 $0xFFFFFFE0  }
0xab: {  	[tilespmem:s22], [sflag:$0x1] =	stream.indirect.gather [hbm4b:s5+s12], $0x80, s4, s12, $0xb8;
	[tilespmem:$0x1E300] =	vst v63  }
0xac: {  	_ =	swait.ge [sflag:s29], $0x1000  }
0xad: {  	[sflag:s29] =	ssyncset.done $0x0  }
0xae: {  	[sflag:s29] =	ssyncadd.s32 $0xFFFFF000  }
0xaf: {  	v1 =	vld [tilespmem:$0xA300]  }
0xb0: {  	v2 =	vld [tilespmem:$0xA380]  }
0xb1: {  	v3 =	vld [tilespmem:$0xA310]  }
0xb2: {  	v4 =	vld [tilespmem:$0xA390];
	_ =	sdelay $0x3  }
0xb3: {  	v1 =	vadd.f32 v2, v1  }
0xb4: {  	v2 =	vadd.f32 v4, v3  }
0xb5: {  	v3 =	vmul.f32 $2.000000030e-01, v1  }
0xb6: {  	vm0 =	vgt.f32 v1, $0.0e+00;
	v4 =	vmul.f32 $2.000000030e-01, v2  }
0xb7: {  	vm15 =	vgt.f32 v2, $0.0e+00;
	v1 =	vsel vm0, v1, v3  }
0xb8: {  	v2 =	vsel vm15, v2, v4;
	v1 =	vsub.f32 v1, v0  }
0xb9: {  	v0 =	vsub.f32 v2, v0  }
0xba: {  	v1 =	vmul.f32 $1.442695020e+00, v1  }
0xbb: {  	v0 =	vmul.f32 $1.442695020e+00, v0  }
0xbc: {  	(erf) = vpow2.f32 v1  }
0xbd: {  	(erf) = vpow2.f32 v0;
	_ =	sdelay $0x7  }
0xbe: {  	v0 =	vpop (erf)  }
0xbf: {  	[tilespmem:$0xA480] =	vst v0;
	v0 =	vpop (erf)  }
0xc0: {  	s19 =	simm.s32 $0x0;
	[tilespmem:$0xA490] =	vst v0  }
0xc1: {  	v1 =	vld [tilespmem:s19+$0x4200]  }
0xc2: {  	v2 =	vld [tilespmem:s19+$0x4210]  }
0xc3: {  	v3 =	vld [tilespmem:s19+$0x4220]  }
0xc4: {  	s20 =	simm.s32 $0xA480;
	v4 =	vld [tilespmem:s19+$0x4230]  }
0xc5: {  	s21 =	simm.s32 $0x200;
	v0 =	vld.msk [tilespmem:s20+$0x0 ss:$0x0], $0xffff  }
.LBB2_6:
0xc6: {  	p1 =	sne.s32 s21, $0x3E00;
	v5 =	vld [tilespmem:s19+$0x4240]  }
0xc7: {  	v6 =	vld [tilespmem:s19+$0x4250]  }
0xc8: {  	v7 =	vld [tilespmem:s19+$0x4260]  }
0xc9: {  	v8 =	vld [tilespmem:s19+$0x4270];
	_ =	sdelay $0x1  }
0xca: {  	v1 =	vmul.f32 v0, v1;
	v2 =	vmul.f32 v2, v0  }
0xcb: {  	v3 =	vmul.f32 v3, v0;
	v4 =	vmul.f32 v4, v0  }
0xcc: {  	v5 =	vmul.f32 v5, v0;
	v6 =	vmul.f32 v6, v0;
	[tilespmem:s19+$0x9200] =	vst v1  }
0xcd: {  	v7 =	vmul.f32 v7, v0;
	[tilespmem:s19+$0x9210] =	vst v2;
	v0 =	vmul.f32 v8, v0  }
0xce: {  	[tilespmem:s19+$0x9220] =	vst v3  }
0xcf: {  	s3 =	sshra.s32 s21, $0x2;
	[tilespmem:s19+$0x9230] =	vst v4  }
.Ltmp2:
0xd0: {  	v1 =	vld [tilespmem:s3+$0x4200];
	[tilespmem:s19+$0x9240] =	vst v5;
	(pc) =	sbr.rel @p1 .LBB2_6-.Ltmp2, $4  }
0xd1: {  	v2 =	vld [tilespmem:s3+$0x4210];
	[tilespmem:s19+$0x9250] =	vst v6  }
0xd2: {  	v3 =	vld [tilespmem:s3+$0x4220];
	[tilespmem:s19+$0x9260] =	vst v7  }
0xd3: {  	s20 =	sadd.s32 $0x1, s20;
	v4 =	vld [tilespmem:s3+$0x4230];
	[tilespmem:s19+$0x9270] =	vst v0;
	s19 =	smov.u32 s3  }
0xd4: {  	s21 =	sadd.s32 $0x200, s21;
	v0 =	vld.msk [tilespmem:s20+$0x0 ss:$0x0], $0xffff  }
0xd5: {  	_ =	sdelay $0x2  }
0xd6: {  	v5 =	vld [tilespmem:s19+$0x4240]  }
0xd7: {  	v6 =	vld [tilespmem:s19+$0x4250];
	v1 =	vmul.f32 v0, v1  }
0xd8: {  	v7 =	vld [tilespmem:s19+$0x4260];
	v2 =	vmul.f32 v2, v0  }
0xd9: {  	v8 =	vld [tilespmem:s19+$0x4270];
	v3 =	vmul.f32 v3, v0;
	[tilespmem:s19+$0x9200] =	vst v1  }
0xda: {  	v59 =	vmul.f32 v4, v0;
	[tilespmem:s19+$0x9210] =	vst v2  }
0xdb: {  	v60 =	vmul.f32 v5, v0;
	[tilespmem:s19+$0x9220] =	vst v3  }
0xdc: {  	v61 =	vmul.f32 v6, v0;
	[tilespmem:s19+$0x9230] =	vst v59  }
0xdd: {  	v62 =	vmul.f32 v7, v0;
	[tilespmem:s19+$0x9240] =	vst v60  }
0xde: {  	v63 =	vmul.f32 v8, v0;
	[tilespmem:s19+$0x9250] =	vst v61  }
0xdf: {  	[tilespmem:s19+$0x9260] =	vst v62  }
0xe0: {  	s3 =	simm.s32 $0x9200;
	[tilespmem:s19+$0x9270] =	vst v63  }
0xe1: {  	[spmem:s1] =	stream.indirect.scatter.add.f32 [tilespmem:s3], [sflag:$0x2], $0x80, s8, s12, $0xb8;
	[tilespmem:$0x1E300] =	vst v63  }
0xe2: {  	_ =	swait.ge [sflag:s24], $0x1000  }
0xe3: {  	[sflag:s24] =	ssyncset.done $0x0  }
0xe4: {  	[sflag:s24] =	ssyncadd.s32 $0xFFFFF000  }
0xe5: {  	[spmem:s2] =	stream.indirect.scatter.add.f32 [tilespmem:s23], [sflag:$0x2], $0x1, s8, s12, $0xb8;
	[tilespmem:$0x1E300] =	vst v63  }
0xe6: {  	_ =	swait.ge [sflag:s24], $0x20  }
0xe7: {  	[sflag:s24] =	ssyncset.done $0x0  }
0xe8: {  	[sflag:s24] =	ssyncadd.s32 $0xFFFFFFE0  }
0xe9: {  	[bflag:$0x0] =	sbarrier.arrive $0xFFFF  }
0xea: {  	s20 =	rddreg [dreg:$0xb]  }
0xeb: {  	[hbm:s20], [sflag:s16] =	dma.local [spmem:s17], $0x2700  }
0xec: {  	_ =	swait.ge [sflag:s24], $0x2700  }
0xed: {  	[sflag:s24] =	ssyncset.done $0x0  }
0xee: {  	[sflag:s24] =	ssyncadd.s32 $0xFFFFD900  }
0xef: {  	[tilespmem:s25], [sflag:$0x2] =	stream.linear.gather [spmem:s15], $0x280, $0x38;
	[tilespmem:$0x1E300] =	vst v63  }
0xf0: {  	_ =	swait.ge [sflag:s24], $0x280  }
0xf1: {  	[sflag:s24] =	ssyncset.done $0x0  }
0xf2: {  	s19 =	simm.s32 $0x0;
	s21 =	rddreg [dreg:$0xc];
	[sflag:s24] =	ssyncadd.s32 $0xFFFFFD80  }
0xf3: {  	[hbm4b:s21+s19] =	stream.linear.scatter [tilespmem:s25], [sflag:$0x2], $0x280, $0x38;
	[tilespmem:$0x1E300] =	vst v63  }
0xf4: {  	_ =	swait.ge [sflag:s24], $0x280  }
0xf5: {  	[sflag:s24] =	ssyncset.done $0x0  }
0xf6: {  	s3 =	rddreg [dreg:$0xd];
	[sflag:s24] =	ssyncadd.s32 $0xFFFFFD80  }
0xf7: {  	[hbm:s3], [sflag:s16] =	dma.local @!p0 [spmem:s18], $0x100  }
0xf8: {  	s3 =	simm.s32 @!p0 $0x2  }
0xf9: {  	_ =	swait.ge @!p0 [sflag:s3], $0x100  }
0xfa: {  	s14 =	sadd.s32 $0x1, s14;
	s22 =	rddreg [dreg:$0xe]  }
0xfb: {  	p1 =	sne.s32 s14, s22  }
.Ltmp3:
0xfc: {  	_ = 	snop;
	(pc) =	sbr.rel @p1 .LBB2_1-.Ltmp3, $3  }
0xfd: {  	_ =	sdelay $0x1  }
0xfe: {  	[sflag:s3] =	ssyncset.done @!p0 $0x0  }
0xff: {  	[sflag:s3] =	ssyncadd.s32 @!p0 $0xFFFFFF00  }
0x100: {  	_ =	sfence.sel $0x180000  }
0x101: {  	[bflag:$0x0] =	sbarrier.arrive $0xFFFF  }
0x102: {  	_ =	strace $0x90000056  }
0x103: {  	s0 =	stileid.u32;
	[bflag:$0x2] =	sbarrier.arrive $0xFFFF  }
0x104: {  	p0 =	sne.s32 s0, $0x0;
	s0 =	rddreg [dreg:$0x4]  }
0x105: {  	s0 =	sadd.s32 @!p0 $0x100000, s0  }
0x106: {  	[sflag:s0] =	ssyncadd.tile.s32 @!p0 $0x1;
	_ =	shalt  }
.Lfunc_end2:
_tile_overlayer_lowered:
.L_overlay_start_2:
0x107: {  	(tag) =	ssettag $0x2  }
0x108: {  	s0 =	rddreg [dreg:$0x0];
	s2 =	stileid.u32  }
0x109: {  	s1 =	rddreg [dreg:$0x1];
	p0 =	sne.s32 s2, $0x0  }
0x10a: {  	s3 =	rddreg [dreg:$0x2];
	[bflag:$0x3] =	sbarrier.arrive $0xFFFF;
	s2 =	simm.s32 @!p0 $0x1C02  }
0x10b: {  	[timem:s3], [sflag:s2] =	dma.local @!p0 [hbm:s0], s1  }
0x10c: {  	s0 =	simm.s32 @!p0 $0x2  }
0x10d: {  	_ =	swait.ge @!p0 [sflag:s0], s1  }
0x10e: {  	s1 =	ssub.s32 @!p0 $0x0, s1;
	[sflag:s0] =	ssyncset.done @!p0 $0x0  }
0x10f: {  	[sflag:s0] =	ssyncadd.s32 @!p0 s1  }
0x110: {  	[bflag:$0x3] =	sbarrier.arrive $0xFFFF  }
0x111: {  	_ =	shalt  }

// kernel: kernel.34.cloned.1.call-start
scs
__scs_entry_jumppad:
0x0: {  	(pc) =	sbr.rel $0x88, $3  }
0x1: {  	(tag) =	ssettag $0x0;
	lr =	simm.s32 $0x1  }
0x2: {  	[smem:$0x3F89] =	sst lr;
	_ =	strace $0xD0000000  }
0x3: {  	_ = 	snop  }
0x4: {  	_ = 	snop  }
0x5: {  	_ = 	snop  }
0x6: {  	_ = 	snop  }
0x7: {  	_ = 	snop  }
__scs_overlays_trampoline_lowered:
0x8: {  	[smem:$0x3F98] =	sst s0  }
0x9: {  	[smem:$0x3F99] =	sst s1  }
0xa: {  	[smem:$0x3F9A] =	sst s2  }
0xb: {  	[smem:$0x3F9B] =	sst s3  }
0xc: {  	[smem:$0x3F9C] =	sst s4  }
0xd: {  	[smem:$0x3F9D] =	sst s5  }
0xe: {  	[smem:$0x3F9E] =	sst s6  }
0xf: {  	[smem:$0x3F9F] =	sst s7  }
0x10: {  	[smem:$0x3FA0] =	sst s8  }
0x11: {  	[smem:$0x3FA1] =	sst s9;
	s0 =	simm.s32 @!p0 $0x0  }
0x12: {  	s1 =	sld [smem:$0x3F87];
	s0 =	simm.s32 @p0 $0x1  }
0x13: {  	[smem:$0x3FA2] =	sst s0;
	s0 =	simm.s32 @!p1 $0x0  }
0x14: {  	s2 =	sld [smem:$0x3F86];
	s0 =	simm.s32 @p1 $0x1  }
0x15: {  	[smem:$0x3FA3] =	sst s0;
	s0 =	simm.s32 @!p2 $0x0  }
0x16: {  	s3 =	sld [smem:$0x3FDB];
	s0 =	simm.s32 @p2 $0x1  }
0x17: {  	s4 =	simm.s32 $0x1BF5;
	[smem:$0x3FA5] =	sst s0  }
0x18: {  	s0 =	sld [smem:$0x3F88];
	_ =	swait.ge [sflag:s4], $0x0  }
0x19: {  	s7 =	sld [smem:$0x3F89]  }
0x1a: {  	s8 =	sadd.s32 $0xFFFFE003, lr  }
0x1b: {  	s9 =	sadd.s32 $0xFFFFFEF7, lr;
	s5 =	simm.s32 $0xFFFFFFFF;
	p2 =	slt.u32 s8, $0xFFFFF086  }
0x1c: {  	p1 =	slt.u32 s9, $0xF7A;
	s5 =	simm.s32 @!p2 $0x0  }
0x1d: {  	s5 =	simm.s32 @p1 $0x1;
	p0 =	seq.s32 s7, s2  }
0x1e: {  	s7 =	smul.u32 @!p0 $0xF7A, s2;
	p2 =	seq.s32 @!p0 s5, $0x0  }
0x1f: {  	s9 =	smul.u32 $0xF7A, s1;
	s8 =	simm.s32 @!p0 $0x1BF5;
	p2 =	por !p2, p0  }
0x20: {  	[sflag:s8] =	ssyncset.s32 @!p0 $0xFFFFF086;
	s6 =	sadd.s32 @!p0 s3, s7;
	s7 =	simm.s32 @!p0 $0x108  }
0x21: {  	s3 =	sadd.s32 s3, s9;
	s6 =	sadd.s32 @!p0 $0x88, s6;
	s7 =	simm.s32 @p2 $0x1082  }
0x22: {  	[simem:s7], [sflag:s8] =	dma.local @!p0 [hbm:s6], $0xF7A  }
0x23: {  	s9 =	sor.u32 $0xD0000000, s2;
	s6 =	simm.s32 $0x108;
	_ =	swait.ge @!p0 [sflag:s8], $0x0  }
0x24: {  	s3 =	sadd.s32 $0x88, s3;
	s6 =	simm.s32 @!p1 $0x1082;
	[sflag:s4] =	ssyncset.s32 $0xFFFFF086  }
0x25: {  	[simem:s6], [sflag:s4] =	dma.local [hbm:s3], $0xF7A  }
0x26: {  	[smem:$0x3F89] =	sst s1;
	(tag) =	ssettag s2;
	_ =	strace s9  }
0x27: {  	s1 =	sld [smem:$0x3F99]  }
0x28: {  	s2 =	sld [smem:$0x3F9A]  }
0x29: {  	s4 =	sld [smem:$0x3F9C]  }
0x2a: {  	p0 =	seq.s32 s5, $0x0;
	s5 =	sld [smem:$0x3F9D]  }
0x2b: {  	s6 =	sld [smem:$0x3F9E]  }
0x2c: {  	s7 =	sld [smem:$0x3F9F]  }
0x2d: {  	s3 =	simm.s32 $0x108;
	s8 =	sld [smem:$0x3FA0]  }
0x2e: {  	s3 =	simm.s32 @!p0 $0x1082;
	s9 =	sld [smem:$0x3FA1]  }
0x2f: {  	lr =	sadd.s32 s0, s3;
	s0 =	sld [smem:$0x3F98]  }
0x30: {  	s3 =	sld [smem:$0x3F9B]  }
0x31: {  	[smem:$0x3FA4] =	sst s10  }
0x32: {  	s10 =	sld [smem:$0x3FA2];
	_ =	sdelay $0x3  }
0x33: {  	p0 =	seq.s32 s10, $0x1;
	s10 =	sld [smem:$0x3FA4];
	_ =	sdelay $0x3  }
0x34: {  	[smem:$0x3FA4] =	sst s10  }
0x35: {  	s10 =	sld [smem:$0x3FA3];
	_ =	sdelay $0x3  }
0x36: {  	p1 =	seq.s32 s10, $0x1;
	s10 =	sld [smem:$0x3FA4];
	_ =	sdelay $0x3  }
0x37: {  	[smem:$0x3FA4] =	sst s10  }
0x38: {  	s10 =	sld [smem:$0x3FA5]  }
0x39: {  	_ = 	snop;
	(pc) =	sbr.ind lr, $3  }
0x3a: {  	_ = 	snop  }
0x3b: {  	_ = 	snop  }
0x3c: {  	p2 =	seq.s32 s10, $0x1;
	s10 =	sld [smem:$0x3FA4]  }
0x3d: {  	_ =	shalt  }
0x3e: {  	_ =	shalt  }
0x3f: {  	_ =	shalt  }
0x40: {  	_ =	shalt  }
0x41: {  	_ =	shalt  }
0x42: {  	_ =	shalt  }
0x43: {  	_ =	shalt  }
0x44: {  	_ =	shalt  }
0x45: {  	_ =	shalt  }
0x46: {  	_ =	shalt  }
0x47: {  	_ =	shalt  }
0x48: {  	_ =	shalt  }
0x49: {  	_ =	shalt  }
0x4a: {  	_ =	shalt  }
0x4b: {  	_ =	shalt  }
0x4c: {  	_ =	shalt  }
0x4d: {  	_ =	shalt  }
0x4e: {  	_ =	shalt  }
0x4f: {  	_ =	shalt  }
0x50: {  	_ =	shalt  }
0x51: {  	_ =	shalt  }
0x52: {  	_ =	shalt  }
0x53: {  	_ =	shalt  }
0x54: {  	_ =	shalt  }
0x55: {  	_ =	shalt  }
0x56: {  	_ =	shalt  }
0x57: {  	_ =	shalt  }
0x58: {  	_ =	shalt  }
0x59: {  	_ =	shalt  }
0x5a: {  	_ =	shalt  }
0x5b: {  	_ =	shalt  }
0x5c: {  	_ =	shalt  }
0x5d: {  	_ =	shalt  }
0x5e: {  	_ =	shalt  }
0x5f: {  	_ =	shalt  }
0x60: {  	_ =	shalt  }
0x61: {  	_ =	shalt  }
0x62: {  	_ =	shalt  }
0x63: {  	_ =	shalt  }
0x64: {  	_ =	shalt  }
0x65: {  	_ =	shalt  }
0x66: {  	_ =	shalt  }
0x67: {  	_ =	shalt  }
0x68: {  	_ =	shalt  }
0x69: {  	_ =	shalt  }
0x6a: {  	_ =	shalt  }
0x6b: {  	_ =	shalt  }
0x6c: {  	_ =	shalt  }
0x6d: {  	_ =	shalt  }
0x6e: {  	_ =	shalt  }
0x6f: {  	_ =	shalt  }
0x70: {  	_ =	shalt  }
0x71: {  	_ =	shalt  }
0x72: {  	_ =	shalt  }
0x73: {  	_ =	shalt  }
0x74: {  	_ =	shalt  }
0x75: {  	_ =	shalt  }
0x76: {  	_ =	shalt  }
0x77: {  	_ =	shalt  }
0x78: {  	_ =	shalt  }
0x79: {  	_ =	shalt  }
0x7a: {  	_ =	shalt  }
0x7b: {  	_ =	shalt  }
0x7c: {  	_ =	shalt  }
0x7d: {  	_ =	shalt  }
0x7e: {  	_ =	shalt  }
0x7f: {  	_ =	shalt  }
0x80: {  	_ =	shalt  }
0x81: {  	_ =	shalt  }
0x82: {  	_ =	shalt  }
0x83: {  	_ =	shalt  }
0x84: {  	_ =	shalt  }
0x85: {  	_ =	shalt  }
0x86: {  	_ =	shalt  }
0x87: {  	_ =	shalt  }
.Lfunc_end0:
.L_simem_size_0:
called_computation.6_lowered:
.L_overlay_start_0:
0x88: {  	s2 =	sld [smem:$0x3FD9]  }
0x89: {  	s3 =	sld [smem:$0x3FFE];
	_ =	sdelay $0x1  }
0x8a: {  	s1 =	srdreg.scid  }
0x8b: {  	s0 =	sand.u32 $0x1, s1  }
0x8c: {  	s17 =	sshll.u32 s0, $0xA;
	s2 =	sadd.s32 s3, s2  }
0x8d: {  	s2 =	sadd.s32 s2, s17  }
0x8e: {  	[smem:$0x3FB0] =	sst s2  }
0x8f: {  	_ = 	snop  }
0x90: {  	s2 =	sld [smem:$0x3FD0];
	(tm) =	ssettm $0x1  }
0x91: {  	s18 =	sld [smem:$0x3FFB];
	_ =	sdelay $0x3  }
0x92: {  	_ =	strace s18  }
0x93: {  	s3 =	sld [smem:$0x3FFC];
	_ =	sdelay $0x3  }
0x94: {  	_ =	strace s3  }
0x95: {  	s3 =	sld [smem:$0x3FFD];
	_ =	sdelay $0x3  }
0x96: {  	_ =	strace s3  }
0x97: {  	_ =	strace $0x8FFFFFFF  }
0x98: {  	s19 =	sld [smem:$0x3FDB];
	_ =	sdelay $0x1  }
0x99: {  	s4 =	simm.s32 $_scs_section_size  }
0x9a: {  	s5 =	simm.s32 $_size__tile_overlayer_lowered;
	s6 =	simm.s32 $_tile_overlayer_lowered  }
0x9b: {  	s22 =	simm.s32 $0x1BFF;
	s21 =	sshll.u32 s6, $0x1;
	s3 =	sadd.s32 s4, s19  }
0x9c: {  	s7 =	simm.s32 $0x0;
	s20 =	sshll.u32 s5, $0x1;
	s5 =	sadd.s32 s21, s3  }
0x9d: {  	[timem:s7], [sflag:s22] =	dma.local [hbm:s5], s20  }
0x9e: {  	_ =	swait.ge [sflag:s22], s20  }
0x9f: {  	s4 =	ssub.s32 $0x0, s20;
	[sflag:s22] =	ssyncset.done $0x0  }
0xa0: {  	[sflag:s22] =	ssyncadd.s32 s4;
	_ =	sdelay $0x1  }
0xa1: {  	s23 =	simm.s32 $0x1B8B  }
0xa2: {  	_ =	swait.ge [sflag:s23], $0x1  }
0xa3: {  	[sflag:s23] =	ssyncset.done $0x0  }
0xa4: {  	s25 =	simm.s32 $0x1B8E;
	s24 =	sld [smem:$0x3FFE];
	[sflag:s23] =	ssyncadd.s32 $0xFFFFFFFF  }
0xa5: {  	s26 =	simm.s32 $execute0_lowered;
	[smem:$0x3FD2] =	sst s25  }
0xa6: {  	s5 =	sshll.u32 s26, $0x1;
	_ =	strace $0x80000058;
	[dreg:$0x1] =	wrdreg $0xFFFFFFFF  }
0xa7: {  	s28 =	simm.s32 $_size_execute0_lowered;
	s3 =	sadd.s32 s3, s5;
	[dreg:$0x0] =	wrdreg $0x0  }
0xa8: {  	s5 =	sshll.u32 s28, $0x1;
	[dreg:$0x2] =	wrdreg s3  }
0xa9: {  	[dreg:$0x3] =	wrdreg s5  }
0xaa: {  	[dreg:$0x4] =	wrdreg $0xC0  }
0xab: {  	_ =	task [dreg:s7], $0x5FFFF  }
0xac: {  	[dreg:$0x1] =	wrdreg $0xFFFFFFFF  }
0xad: {  	[dreg:$0x0] =	wrdreg $0x60  }
0xae: {  	[dreg:$0x2] =	wrdreg s24  }
0xaf: {  	[dreg:$0x3] =	wrdreg s2  }
0xb0: {  	[dreg:$0x4] =	wrdreg $0xA8000  }
0xb1: {  	[dreg:$0x5] =	wrdreg $0x1E0800  }
0xb2: {  	[dreg:$0x6] =	wrdreg $0x9  }
0xb3: {  	_ =	task.clear_ibuf [dreg:s7], $0x7FFFF;
	_ =	strace $0x90000058  }
0xb4: {  	s29 =	simm.s32 $0x9;
	_ =	strace $0x8000005A  }
0xb5: {  	_ =	swait.ge [sflag:s29], $0x1  }
0xb6: {  	[sflag:s29] =	ssyncadd.s32 $0xFFFFFFFF  }
0xb7: {  	_ =	strace $0x9000005A  }
0xb8: {  	_ =	sfence  }
0xb9: {  	s30 =	sld [smem:$0x0];
	_ =	sdelay $0x2  }
0xba: {  	s31 =	sshll.u32 s1, $0xD;
	s1 =	sshrl.u32 s1, $0x2  }
0xbb: {  	s3 =	sand.u32 $0x4000, s31;
	s1 =	sadd.s32 s1, s30  }
0xbc: {  	s0 =	sor.u32 s3, s0;
	s1 =	sshll.u32 s1, $0x11  }
0xbd: {  	s0 =	sor.u32 s1, s0  }
0xbe: {  	s0 =	sadd.s32 $0x8F2B, s0  }
0xbf: {  	[sflag:s0] =	ssyncadd.remote.s32 $0x1  }
0xc0: {  	_ =	sfence.sel $0xFFFF  }
0xc1: {  	[dreg:$0x0] =	wrdreg $0xFFFFFFFF;
	(pc) =	sbr.abs _section_cstart, $3  }
0xc2: {  	[dreg:$0x1] =	wrdreg $0xFFFFFFFF  }
0xc3: {  	_ =	task.clear_ibuf [dreg:s7], $0x2FFFF;
	_ =	strace $0x9FFFFFFF  }
0xc4: {  	(tm) =	ssettm $0x7FFFFFFF  }
0xc5: {  	_ =	shalt  }
tec
execute0_lowered:
.L_overlay_start_1:
0x0: {  	(tag) =	ssettag $0x1  }
0x1: {  	s0 =	rddreg [dreg:$0x0]  }
0x2: {  	s4 =	rddreg [dreg:$0x1]  }
0x3: {  	s1 =	rddreg [dreg:$0x2]  }
0x4: {  	s2 =	rddreg [dreg:$0x3];
	s19 =	simm.s32 $0x0;
	s7 =	srdreg.scid  }
0x5: {  	s3 =	stileid.u32;
	s28 =	simm.s32 $0xA200;
	s29 =	simm.s32 $0x1  }
0x6: {  	s30 =	simm.s32 $0xA280;
	s31 =	simm.s32 $0x200;
	[smem:$0x7FF] =	sst s19  }
0x7: {  	s5 =	sadd.s32 $0x55C00, s0;
	s6 =	sadd.s32 $0x7CE00, s0;
	s8 =	sand.u32 $0x1, s7  }
0x8: {  	s12 =	smul.u32 $0x280, s3;
	s7 =	sadd.s32 $0x7D400, s0;
	s9 =	sadd.s32 $0x2A400, s0  }
0x9: {  	s10 =	sadd.s32 $0x3000, s0;
	s11 =	sadd.s32 $0x2BC00, s0;
	s14 =	sadd.s32 $0x2A600, s0  }
0xa: {  	s25 =	sshll.u32 s3, $0x1;
	s16 =	smul.u32 $0x4E000, s3;
	s21 =	sadd.s32 $0x138000, s1  }
0xb: {  	p0 =	sne.s32 s3, $0xF;
	_ =	strace $0x80000059;
	[dreg:$0x5] =	wrdreg s9  }
0xc: {  	s13 =	smul.u32 $0x2800, s8;
	s9 =	sadd.s32 $0x16A00, s0;
	[dreg:$0x6] =	wrdreg s14  }
0xd: {  	s15 =	ssub.s32 $0x2, s8;
	s14 =	sor.u32 s8, s25;
	s8 =	smul.u32 $0x138800, s8  }
0xe: {  	[dreg:$0x8] =	wrdreg s21;
	s18 =	sshrl.u32 s15, $0x1;
	s16 =	sshrl.u32 s16, $0x2  }
0xf: {  	s13 =	sadd.s32 s12, s13;
	s26 =	ssub.s32 s15, s18;
	s18 =	smul.u32 $0x13800, s3  }
0x10: {  	s15 =	sadd.s32 s16, s1;
	s17 =	sshrl.u32 s13, $0x3;
	s13 =	smul.u32 $0x4E20, s14  }
0x11: {  	[dreg:$0x7] =	wrdreg s15;
	s15 =	sadd.s32 s12, s2;
	s26 =	smax.u32 s26, $0x1  }
0x12: {  	s14 =	simm.s32 $0x0;
	s0 =	sadd.s32 s17, s0;
	s23 =	sadd.s32 s18, s8  }
0x13: {  	s8 =	sshrl.u32 s8, $0x3;
	[dreg:$0xe] =	wrdreg s26;
	s26 =	simm.s32 $0x80  }
0x14: {  	s17 =	sshrl.u32 s13, $0x3;
	s24 =	sshrl.u32 s23, $0x3;
	s0 =	sadd.s32 $0x2A800, s0  }
0x15: {  	s25 =	sadd.s32 s4, s8;
	s23 =	simm.s32 $0xA480;
	s8 =	simm.s32 $0x180  }
0x16: {  	s20 =	sadd.s32 $0x9C0, s17;
	[dreg:$0xc] =	wrdreg s0;
	s0 =	sadd.s32 $0x27000, s25  }
0x17: {  	s25 =	simm.s32 $0xA580;
	s22 =	sadd.s32 s9, s20;
	[dreg:$0xd] =	wrdreg s0  }
0x18: {  	s12 =	sadd.s32 s10, s20;
	s0 =	simm.s32 $0x5200;
	[dreg:$0x9] =	wrdreg s22  }
0x19: {  	[dreg:$0xa] =	wrdreg s12;
	s12 =	sadd.s32 s4, s24;
	s24 =	simm.s32 $0x2  }
0x1a: {  	s4 =	simm.s32 $0x100;
	[dreg:$0xb] =	wrdreg s12;
	s12 =	simm.s32 $0x20  }
.LBB2_1:
0x1b: {  	s3 =	rddreg [dreg:$0x5];
	s16 =	simm.s32 $0xA400  }
0x1c: {  	[tilespmem:s16], [sflag:$0x2] =	stream.linear.gather [hbm4b:s3+s19], $0x80, $0x38;
	[tilespmem:$0x1E300] =	vst v63  }
0x1d: {  	s18 =	stileid.u32;
	_ =	swait.ge [sflag:s24], $0x80  }
0x1e: {  	s20 =	sshll.u32 s18, $0x6;
	[sflag:s24] =	ssyncset.done $0x0;
	s21 =	rddreg [dreg:$0x7]  }
0x1f: {  	s16 =	sor.u32 $0x1C02, s20;
	[sflag:s24] =	ssyncadd.s32 $0xFFFFFF80;
	s17 =	sshrl.u32 s21, $0x3  }
0x20: {  	[spmem:s17], [sflag:s16] =	dma.local [hbm:s11], $0x2700  }
0x21: {  	_ =	swait.ge [sflag:s24], $0x2700  }
0x22: {  	[sflag:s24] =	ssyncset.done $0x0  }
0x23: {  	s22 =	rddreg [dreg:$0x6];
	[sflag:s24] =	ssyncadd.s32 $0xFFFFD900  }
0x24: {  	[tilespmem:s25], [sflag:$0x2] =	stream.linear.gather [hbm4b:s22+s19], $0x280, $0x38;
	[tilespmem:$0x1E300] =	vst v63  }
0x25: {  	_ =	swait.ge [sflag:s24], $0x280  }
0x26: {  	[sflag:s24] =	ssyncset.done $0x0  }
0x27: {  	[sflag:s24] =	ssyncadd.s32 $0xFFFFFD80  }
0x28: {  	[spmem:s15] =	stream.linear.scatter [tilespmem:s25], [sflag:$0x2], $0x280, $0x38;
	[tilespmem:$0x1E300] =	vst v63  }
0x29: {  	_ =	swait.ge [sflag:s24], $0x280  }
0x2a: {  	[sflag:s24] =	ssyncset.done $0x0;
	s3 =	rddreg [dreg:$0x8]  }
0x2b: {  	s19 =	simm.s32 @!p0 $0x2;
	[sflag:s24] =	ssyncadd.s32 $0xFFFFFD80;
	s18 =	sshrl.u32 @!p0 s3, $0x3  }
0x2c: {  	[spmem:s18], [sflag:s16] =	dma.local @!p0 [hbm:s11], $0x100  }
0x2d: {  	_ =	swait.ge @!p0 [sflag:s19], $0x100  }
0x2e: {  	[sflag:s19] =	ssyncset.done @!p0 $0x0  }
0x2f: {  	[sflag:s19] =	ssyncadd.s32 @!p0 $0xFFFFFF00  }
0x30: {  	[bflag:$0x0] =	sbarrier.arrive $0xFFFF  }
0x31: {  	s19 =	simm.s32 $0x0;
	v0 =	vld [tilespmem:$0xA400]  }
.LBB2_2:
0x32: {  	s20 =	sshll.u32 s19, $0x7  }
0x33: {  	s20 =	sadd.s32 s13, s20  }
0x34: {  	s20 =	sshrl.u32 s20, $0x3  }
0x35: {  	s22 =	simm.s32 $0x0;
	s21 =	sadd.s32 s9, s20  }
0x36: {  	[tilespmem:s22], [sflag:$0x2] =	stream.linear.gather [hbm4b:s21+s22], $0x80, $0x38;
	[tilespmem:$0x1E300] =	vst v63  }
0x37: {  	_ =	swait.ge [sflag:s24], $0x80  }
0x38: {  	[sflag:s24] =	ssyncset.done $0x0  }
0x39: {  	s20 =	sadd.s32 s10, s20;
	[sflag:s24] =	ssyncadd.s32 $0xFFFFFF80  }
0x3a: {  	[tilespmem:s26], [sflag:$0x2] =	stream.linear.gather [hbm4b:s20+s22], $0x80, $0x38;
	[tilespmem:$0x1E300] =	vst v63  }
0x3b: {  	_ =	swait.ge [sflag:s24], $0x80  }
0x3c: {  	[sflag:s24] =	ssyncset.done $0x0  }
0x3d: {  	[sflag:s24] =	ssyncadd.s32 $0xFFFFFF80  }
0x3e: {  	[tilespmem:s28], [sflag:$0x1] =	stream.indirect.gather [hbm4b:s6+s26], $0x1, s22, s26, $0xb8;
	[tilespmem:$0x1E300] =	vst v63  }
0x3f: {  	_ =	swait.ge [sflag:s29], $0x80  }
0x40: {  	[sflag:s29] =	ssyncset.done $0x0  }
0x41: {  	[sflag:s29] =	ssyncadd.s32 $0xFFFFFF80  }
0x42: {  	[tilespmem:s30], [sflag:$0x1] =	stream.indirect.gather [hbm4b:s7+s26], $0x1, s26, s26, $0xb8;
	[tilespmem:$0x1E300] =	vst v63  }
0x43: {  	_ =	swait.ge [sflag:s29], $0x80  }
0x44: {  	[sflag:s29] =	ssyncset.done $0x0  }
0x45: {  	[sflag:s29] =	ssyncadd.s32 $0xFFFFFF80  }
0x46: {  	[tilespmem:s31], [sflag:$0x1] =	stream.indirect.gather [hbm4b:s5+s26], $0x80, s22, s26, $0xb8;
	[tilespmem:$0x1E300] =	vst v63  }
0x47: {  	_ =	swait.ge [sflag:s29], $0x4000  }
0x48: {  	[sflag:s29] =	ssyncset.done $0x0  }
0x49: {  	[sflag:s29] =	ssyncadd.s32 $0xFFFFC000  }
0x4a: {  	v1 =	vld [tilespmem:$0xA200]  }
0x4b: {  	v2 =	vld [tilespmem:$0xA280]  }
0x4c: {  	v3 =	vld [tilespmem:$0xA210]  }
0x4d: {  	v4 =	vld [tilespmem:$0xA290];
	_ =	sdelay $0x1  }
0x4e: {  	v5 =	vld [tilespmem:$0xA220]  }
0x4f: {  	v6 =	vld [tilespmem:$0xA2A0]  }
0x50: {  	v1 =	vadd.f32 v2, v1  }
0x51: {  	v7 =	vld [tilespmem:$0xA2B0];
	v2 =	vadd.f32 v4, v3  }
0x52: {  	v9 =	vld [tilespmem:$0xA240];
	v4 =	vmul.f32 $2.000000030e-01, v1  }
0x53: {  	v3 =	vld [tilespmem:$0xA230];
	vm0 =	vgt.f32 v1, $0.0e+00;
	v8 =	vmul.f32 $2.000000030e-01, v2  }
0x54: {  	v10 =	vld [tilespmem:$0xA2D0];
	vm9 =	vgt.f32 v2, $0.0e+00;
	v1 =	vsel vm0, v1, v4;
	v4 =	vadd.f32 v6, v5  }
0x55: {  	v5 =	vld [tilespmem:$0xA2C0];
	v2 =	vsel vm9, v2, v8;
	v1 =	vsub.f32 v1, v0  }
0x56: {  	v11 =	vld [tilespmem:$0xA260];
	v2 =	vsub.f32 v2, v0;
	v62 =	vmul.f32 $2.000000030e-01, v4  }
0x57: {  	v6 =	vld [tilespmem:$0xA250];
	vm10 =	vgt.f32 v4, $0.0e+00;
	v1 =	vmul.f32 $1.442695020e+00, v1  }
0x58: {  	v63 =	vld [tilespmem:$0xA2E0];
	v3 =	vadd.f32 v7, v3;
	v2 =	vmul.f32 $1.442695020e+00, v2;
	v4 =	vsel vm10, v4, v62  }
0x59: {  	(erf) = vpow2.f32 v1;
	v1 =	vsub.f32 v4, v0;
	v4 =	vld [tilespmem:$0xA270]  }
0x5a: {  	v7 =	vmul.f32 $2.000000030e-01, v3;
	(erf) = vpow2.f32 v2;
	v2 =	vadd.f32 v5, v9;
	v5 =	vld [tilespmem:$0xA2F0]  }
0x5b: {  	vm11 =	vgt.f32 v3, $0.0e+00  }
0x5c: {  	v6 =	vadd.f32 v10, v6;
	v3 =	vsel vm11, v3, v7;
	v1 =	vmul.f32 $1.442695020e+00, v1  }
0x5d: {  	v7 =	vadd.f32 v63, v11;
	v3 =	vsub.f32 v3, v0;
	v9 =	vmul.f32 $2.000000030e-01, v2  }
0x5e: {  	vm13 =	vgt.f32 v6, $0.0e+00;
	vm12 =	vgt.f32 v2, $0.0e+00;
	(erf) = vpow2.f32 v1  }
0x5f: {  	v1 =	vsel vm12, v2, v9;
	v2 =	vmul.f32 $2.000000030e-01, v6;
	v4 =	vadd.f32 v5, v4  }
0x60: {  	vm14 =	vgt.f32 v7, $0.0e+00;
	v3 =	vmul.f32 $1.442695020e+00, v3;
	v5 =	vmul.f32 $2.000000030e-01, v7  }
0x61: {  	v1 =	vsub.f32 v1, v0;
	v2 =	vsel vm13, v6, v2;
	v6 =	vmul.f32 $2.000000030e-01, v4  }
0x62: {  	v5 =	vsel vm14, v7, v5;
	v2 =	vsub.f32 v2, v0;
	vm15 =	vgt.f32 v4, $0.0e+00  }
0x63: {  	v1 =	vmul.f32 $1.442695020e+00, v1;
	v5 =	vsub.f32 v5, v0;
	v4 =	vsel vm15, v4, v6  }
0x64: {  	(erf) = vpow2.f32 v3;
	v2 =	vmul.f32 $1.442695020e+00, v2;
	v3 =	vsub.f32 v4, v0  }
0x65: {  	(erf) = vpow2.f32 v1;
	v1 =	vmul.f32 $1.442695020e+00, v5  }
0x66: {  	(erf) = vpow2.f32 v2;
	v2 =	vmul.f32 $1.442695020e+00, v3  }
0x67: {  	(erf) = vpow2.f32 v1  }
0x68: {  	(erf) = vpow2.f32 v2;
	_ =	sdelay $0x1  }
0x69: {  	v1 =	vpop (erf)  }
0x6a: {  	[tilespmem:$0xA480] =	vst v1;
	v2 =	vpop (erf)  }
0x6b: {  	v1 =	vpop (erf);
	[tilespmem:$0xA490] =	vst v2  }
0x6c: {  	v2 =	vpop (erf);
	[tilespmem:$0xA4A0] =	vst v1  }
0x6d: {  	v1 =	vpop (erf);
	[tilespmem:$0xA4B0] =	vst v2  }
0x6e: {  	v2 =	vpop (erf);
	[tilespmem:$0xA4C0] =	vst v1  }
0x6f: {  	v1 =	vpop (erf);
	[tilespmem:$0xA4D0] =	vst v2  }
0x70: {  	[tilespmem:$0xA4E0] =	vst v1;
	v1 =	vpop (erf)  }
0x71: {  	s20 =	simm.s32 $0x0;
	[tilespmem:$0xA4F0] =	vst v1  }
0x72: {  	v2 =	vld [tilespmem:s20+$0x200]  }
0x73: {  	v3 =	vld [tilespmem:s20+$0x210]  }
0x74: {  	v4 =	vld [tilespmem:s20+$0x220]  }
0x75: {  	s21 =	simm.s32 $0xA480;
	v5 =	vld [tilespmem:s20+$0x230]  }
0x76: {  	s22 =	simm.s32 $0x200;
	v1 =	vld.msk [tilespmem:s21+$0x0 ss:$0x0], $0xffff  }
.LBB2_3:
0x77: {  	p1 =	sne.s32 s22, $0xFE00;
	v6 =	vld [tilespmem:s20+$0x240]  }
0x78: {  	v7 =	vld [tilespmem:s20+$0x250]  }
0x79: {  	v8 =	vld [tilespmem:s20+$0x260]  }
0x7a: {  	v9 =	vld [tilespmem:s20+$0x270];
	_ =	sdelay $0x1  }
0x7b: {  	v2 =	vmul.f32 v1, v2;
	v3 =	vmul.f32 v3, v1  }
0x7c: {  	v4 =	vmul.f32 v4, v1;
	v5 =	vmul.f32 v5, v1  }
0x7d: {  	v6 =	vmul.f32 v6, v1;
	v7 =	vmul.f32 v7, v1;
	[tilespmem:s20+$0x5200] =	vst v2  }
0x7e: {  	v8 =	vmul.f32 v8, v1;
	[tilespmem:s20+$0x5210] =	vst v3;
	v1 =	vmul.f32 v9, v1  }
0x7f: {  	[tilespmem:s20+$0x5220] =	vst v4  }
0x80: {  	s3 =	sshra.s32 s22, $0x2;
	[tilespmem:s20+$0x5230] =	vst v5  }
.Ltmp0:
0x81: {  	v2 =	vld [tilespmem:s3+$0x200];
	[tilespmem:s20+$0x5240] =	vst v6;
	(pc) =	sbr.rel @p1 .LBB2_3-.Ltmp0, $4  }
0x82: {  	v3 =	vld [tilespmem:s3+$0x210];
	[tilespmem:s20+$0x5250] =	vst v7  }
0x83: {  	v4 =	vld [tilespmem:s3+$0x220];
	[tilespmem:s20+$0x5260] =	vst v8  }
0x84: {  	s21 =	sadd.s32 $0x1, s21;
	v5 =	vld [tilespmem:s3+$0x230];
	[tilespmem:s20+$0x5270] =	vst v1;
	s20 =	smov.u32 s3  }
0x85: {  	s22 =	sadd.s32 $0x200, s22;
	v1 =	vld.msk [tilespmem:s21+$0x0 ss:$0x0], $0xffff  }
0x86: {  	_ =	sdelay $0x1  }
0x87: {  	v7 =	vld [tilespmem:s20+$0x250];
	_ =	sdelay $0x1  }
0x88: {  	v6 =	vld [tilespmem:s20+$0x240];
	v2 =	vmul.f32 v1, v2  }
0x89: {  	v8 =	vld [tilespmem:s20+$0x260];
	v3 =	vmul.f32 v3, v1  }
0x8a: {  	v9 =	vld [tilespmem:s20+$0x270];
	v4 =	vmul.f32 v4, v1;
	[tilespmem:s20+$0x5200] =	vst v2  }
0x8b: {  	v63 =	vmul.f32 v7, v1;
	[tilespmem:s20+$0x5210] =	vst v3  }
0x8c: {  	v2 =	vmul.f32 v5, v1;
	[tilespmem:s20+$0x5220] =	vst v4  }
0x8d: {  	v3 =	vmul.f32 v6, v1;
	[tilespmem:s20+$0x5250] =	vst v63  }
0x8e: {  	[tilespmem:s20+$0x5230] =	vst v2;
	v2 =	vmul.f32 v8, v1  }
0x8f: {  	[tilespmem:s20+$0x5240] =	vst v3;
	v1 =	vmul.f32 v9, v1  }
0x90: {  	[tilespmem:s20+$0x5260] =	vst v2  }
0x91: {  	[tilespmem:s20+$0x5270] =	vst v1  }
0x92: {  	[spmem:s1] =	stream.indirect.scatter.add.f32 [tilespmem:s0], [sflag:$0x2], $0x80, s26, s26, $0xb8;
	[tilespmem:$0x1E300] =	vst v63  }
0x93: {  	s19 =	sadd.s32 $0x1, s19;
	_ =	swait.ge [sflag:s24], $0x4000  }
0x94: {  	p1 =	sne.s32 s19, $0x9C;
	[sflag:s24] =	ssyncset.done $0x0  }
.Ltmp1:
0x95: {  	[sflag:s24] =	ssyncadd.s32 $0xFFFFC000;
	(pc) =	sbr.rel @p1 .LBB2_2-.Ltmp1, $4  }
0x96: {  	[spmem:s2] =	stream.indirect.scatter.add.f32 [tilespmem:s23], [sflag:$0x2], $0x1, s26, s26, $0xb8;
	[tilespmem:$0x1E300] =	vst v63  }
0x97: {  	_ =	swait.ge [sflag:s24], $0x80  }
0x98: {  	[sflag:s24] =	ssyncset.done $0x0  }
0x99: {  	[sflag:s24] =	ssyncadd.s32 $0xFFFFFF80  }
0x9a: {  	s3 =	simm.s32 $0x0;
	s19 =	rddreg [dreg:$0x9]  }
0x9b: {  	[tilespmem:s4], [sflag:$0x2] =	stream.linear.gather [hbm4b:s19+s3], $0x20, $0x38;
	[tilespmem:$0x1E300] =	vst v63  }
0x9c: {  	_ =	swait.ge [sflag:s24], $0x20  }
0x9d: {  	[sflag:s24] =	ssyncset.done $0x0  }
0x9e: {  	s22 =	rddreg [dreg:$0xa];
	[sflag:s24] =	ssyncadd.s32 $0xFFFFFFE0  }
0x9f: {  	[tilespmem:s8], [sflag:$0x2] =	stream.linear.gather [hbm4b:s22+s3], $0x20, $0x38;
	[tilespmem:$0x1E300] =	vst v63  }
0xa0: {  	_ =	swait.ge [sflag:s24], $0x20  }
0xa1: {  	[sflag:s24] =	ssyncset.done $0x0  }
0xa2: {  	s20 =	simm.s32 $0xA300;
	[sflag:s24] =	ssyncadd.s32 $0xFFFFFFE0  }
0xa3: {  	[tilespmem:s20], [sflag:$0x1] =	stream.indirect.gather [hbm4b:s6+s12], $0x1, s4, s12, $0xb8;
	[tilespmem:$0x1E300] =	vst v63  }
0xa4: {  	_ =	swait.ge [sflag:s29], $0x20  }
0xa5: {  	[sflag:s29] =	ssyncset.done $0x0  }
0xa6: {  	s21 =	simm.s32 $0xA380;
	[sflag:s29] =	ssyncadd.s32 $0xFFFFFFE0  }
0xa7: {  	[tilespmem:s21], [sflag:$0x1] =	stream.indirect.gather [hbm4b:s7+s12], $0x1, s8, s12, $0xb8;
	[tilespmem:$0x1E300] =	vst v63  }
0xa8: {  	_ =	swait.ge [sflag:s29], $0x20  }
0xa9: {  	[sflag:s29] =	ssyncset.done $0x0  }
0xaa: {  	s22 =	simm.s32 $0x4200;
	[sflag:s29] =	ssyncadd.s32 $0xFFFFFFE0  }
0xab: {  	[tilespmem:s22], [sflag:$0x1] =	stream.indirect.gather [hbm4b:s5+s12], $0x80, s4, s12, $0xb8;
	[tilespmem:$0x1E300] =	vst v63  }
0xac: {  	_ =	swait.ge [sflag:s29], $0x1000  }
0xad: {  	[sflag:s29] =	ssyncset.done $0x0  }
0xae: {  	[sflag:s29] =	ssyncadd.s32 $0xFFFFF000  }
0xaf: {  	v1 =	vld [tilespmem:$0xA300]  }
0xb0: {  	v2 =	vld [tilespmem:$0xA380]  }
0xb1: {  	v3 =	vld [tilespmem:$0xA310]  }
0xb2: {  	v4 =	vld [tilespmem:$0xA390];
	_ =	sdelay $0x3  }
0xb3: {  	v1 =	vadd.f32 v2, v1  }
0xb4: {  	v2 =	vadd.f32 v4, v3  }
0xb5: {  	v3 =	vmul.f32 $2.000000030e-01, v1  }
0xb6: {  	vm0 =	vgt.f32 v1, $0.0e+00;
	v4 =	vmul.f32 $2.000000030e-01, v2  }
0xb7: {  	vm15 =	vgt.f32 v2, $0.0e+00;
	v1 =	vsel vm0, v1, v3  }
0xb8: {  	v2 =	vsel vm15, v2, v4;
	v1 =	vsub.f32 v1, v0  }
0xb9: {  	v0 =	vsub.f32 v2, v0  }
0xba: {  	v1 =	vmul.f32 $1.442695020e+00, v1  }
0xbb: {  	v0 =	vmul.f32 $1.442695020e+00, v0  }
0xbc: {  	(erf) = vpow2.f32 v1  }
0xbd: {  	(erf) = vpow2.f32 v0;
	_ =	sdelay $0x7  }
0xbe: {  	v0 =	vpop (erf)  }
0xbf: {  	[tilespmem:$0xA480] =	vst v0;
	v0 =	vpop (erf)  }
0xc0: {  	s19 =	simm.s32 $0x0;
	[tilespmem:$0xA490] =	vst v0  }
0xc1: {  	v1 =	vld [tilespmem:s19+$0x4200]  }
0xc2: {  	v2 =	vld [tilespmem:s19+$0x4210]  }
0xc3: {  	v3 =	vld [tilespmem:s19+$0x4220]  }
0xc4: {  	s20 =	simm.s32 $0xA480;
	v4 =	vld [tilespmem:s19+$0x4230]  }
0xc5: {  	s21 =	simm.s32 $0x200;
	v0 =	vld.msk [tilespmem:s20+$0x0 ss:$0x0], $0xffff  }
.LBB2_6:
0xc6: {  	p1 =	sne.s32 s21, $0x3E00;
	v5 =	vld [tilespmem:s19+$0x4240]  }
0xc7: {  	v6 =	vld [tilespmem:s19+$0x4250]  }
0xc8: {  	v7 =	vld [tilespmem:s19+$0x4260]  }
0xc9: {  	v8 =	vld [tilespmem:s19+$0x4270];
	_ =	sdelay $0x1  }
0xca: {  	v1 =	vmul.f32 v0, v1;
	v2 =	vmul.f32 v2, v0  }
0xcb: {  	v3 =	vmul.f32 v3, v0;
	v4 =	vmul.f32 v4, v0  }
0xcc: {  	v5 =	vmul.f32 v5, v0;
	v6 =	vmul.f32 v6, v0;
	[tilespmem:s19+$0x9200] =	vst v1  }
0xcd: {  	v7 =	vmul.f32 v7, v0;
	[tilespmem:s19+$0x9210] =	vst v2;
	v0 =	vmul.f32 v8, v0  }
0xce: {  	[tilespmem:s19+$0x9220] =	vst v3  }
0xcf: {  	s3 =	sshra.s32 s21, $0x2;
	[tilespmem:s19+$0x9230] =	vst v4  }
.Ltmp2:
0xd0: {  	v1 =	vld [tilespmem:s3+$0x4200];
	[tilespmem:s19+$0x9240] =	vst v5;
	(pc) =	sbr.rel @p1 .LBB2_6-.Ltmp2, $4  }
0xd1: {  	v2 =	vld [tilespmem:s3+$0x4210];
	[tilespmem:s19+$0x9250] =	vst v6  }
0xd2: {  	v3 =	vld [tilespmem:s3+$0x4220];
	[tilespmem:s19+$0x9260] =	vst v7  }
0xd3: {  	s20 =	sadd.s32 $0x1, s20;
	v4 =	vld [tilespmem:s3+$0x4230];
	[tilespmem:s19+$0x9270] =	vst v0;
	s19 =	smov.u32 s3  }
0xd4: {  	s21 =	sadd.s32 $0x200, s21;
	v0 =	vld.msk [tilespmem:s20+$0x0 ss:$0x0], $0xffff  }
0xd5: {  	_ =	sdelay $0x2  }
0xd6: {  	v5 =	vld [tilespmem:s19+$0x4240]  }
0xd7: {  	v6 =	vld [tilespmem:s19+$0x4250];
	v1 =	vmul.f32 v0, v1  }
0xd8: {  	v7 =	vld [tilespmem:s19+$0x4260];
	v2 =	vmul.f32 v2, v0  }
0xd9: {  	v8 =	vld [tilespmem:s19+$0x4270];
	v3 =	vmul.f32 v3, v0;
	[tilespmem:s19+$0x9200] =	vst v1  }
0xda: {  	v59 =	vmul.f32 v4, v0;
	[tilespmem:s19+$0x9210] =	vst v2  }
0xdb: {  	v60 =	vmul.f32 v5, v0;
	[tilespmem:s19+$0x9220] =	vst v3  }
0xdc: {  	v61 =	vmul.f32 v6, v0;
	[tilespmem:s19+$0x9230] =	vst v59  }
0xdd: {  	v62 =	vmul.f32 v7, v0;
	[tilespmem:s19+$0x9240] =	vst v60  }
0xde: {  	v63 =	vmul.f32 v8, v0;
	[tilespmem:s19+$0x9250] =	vst v61  }
0xdf: {  	[tilespmem:s19+$0x9260] =	vst v62  }
0xe0: {  	s3 =	simm.s32 $0x9200;
	[tilespmem:s19+$0x9270] =	vst v63  }
0xe1: {  	[spmem:s1] =	stream.indirect.scatter.add.f32 [tilespmem:s3], [sflag:$0x2], $0x80, s8, s12, $0xb8;
	[tilespmem:$0x1E300] =	vst v63  }
0xe2: {  	_ =	swait.ge [sflag:s24], $0x1000  }
0xe3: {  	[sflag:s24] =	ssyncset.done $0x0  }
0xe4: {  	[sflag:s24] =	ssyncadd.s32 $0xFFFFF000  }
0xe5: {  	[spmem:s2] =	stream.indirect.scatter.add.f32 [tilespmem:s23], [sflag:$0x2], $0x1, s8, s12, $0xb8;
	[tilespmem:$0x1E300] =	vst v63  }
0xe6: {  	_ =	swait.ge [sflag:s24], $0x20  }
0xe7: {  	[sflag:s24] =	ssyncset.done $0x0  }
0xe8: {  	[sflag:s24] =	ssyncadd.s32 $0xFFFFFFE0  }
0xe9: {  	[bflag:$0x0] =	sbarrier.arrive $0xFFFF  }
0xea: {  	s20 =	rddreg [dreg:$0xb]  }
0xeb: {  	[hbm:s20], [sflag:s16] =	dma.local [spmem:s17], $0x2700  }
0xec: {  	_ =	swait.ge [sflag:s24], $0x2700  }
0xed: {  	[sflag:s24] =	ssyncset.done $0x0  }
0xee: {  	[sflag:s24] =	ssyncadd.s32 $0xFFFFD900  }
0xef: {  	[tilespmem:s25], [sflag:$0x2] =	stream.linear.gather [spmem:s15], $0x280, $0x38;
	[tilespmem:$0x1E300] =	vst v63  }
0xf0: {  	_ =	swait.ge [sflag:s24], $0x280  }
0xf1: {  	[sflag:s24] =	ssyncset.done $0x0  }
0xf2: {  	s19 =	simm.s32 $0x0;
	s21 =	rddreg [dreg:$0xc];
	[sflag:s24] =	ssyncadd.s32 $0xFFFFFD80  }
0xf3: {  	[hbm4b:s21+s19] =	stream.linear.scatter [tilespmem:s25], [sflag:$0x2], $0x280, $0x38;
	[tilespmem:$0x1E300] =	vst v63  }
0xf4: {  	_ =	swait.ge [sflag:s24], $0x280  }
0xf5: {  	[sflag:s24] =	ssyncset.done $0x0  }
0xf6: {  	s3 =	rddreg [dreg:$0xd];
	[sflag:s24] =	ssyncadd.s32 $0xFFFFFD80  }
0xf7: {  	[hbm:s3], [sflag:s16] =	dma.local @!p0 [spmem:s18], $0x100  }
0xf8: {  	s3 =	simm.s32 @!p0 $0x2  }
0xf9: {  	_ =	swait.ge @!p0 [sflag:s3], $0x100  }
0xfa: {  	s14 =	sadd.s32 $0x1, s14;
	s22 =	rddreg [dreg:$0xe]  }
0xfb: {  	p1 =	sne.s32 s14, s22  }
.Ltmp3:
0xfc: {  	_ = 	snop;
	(pc) =	sbr.rel @p1 .LBB2_1-.Ltmp3, $3  }
0xfd: {  	_ =	sdelay $0x1  }
0xfe: {  	[sflag:s3] =	ssyncset.done @!p0 $0x0  }
0xff: {  	[sflag:s3] =	ssyncadd.s32 @!p0 $0xFFFFFF00  }
0x100: {  	_ =	sfence.sel $0x180000  }
0x101: {  	[bflag:$0x0] =	sbarrier.arrive $0xFFFF  }
0x102: {  	_ =	strace $0x90000059  }
0x103: {  	s0 =	stileid.u32;
	[bflag:$0x2] =	sbarrier.arrive $0xFFFF  }
0x104: {  	p0 =	sne.s32 s0, $0x0;
	s0 =	rddreg [dreg:$0x4]  }
0x105: {  	s0 =	sadd.s32 @!p0 $0x100000, s0  }
0x106: {  	[sflag:s0] =	ssyncadd.tile.s32 @!p0 $0x1;
	_ =	shalt  }
.Lfunc_end2:
_tile_overlayer_lowered:
.L_overlay_start_2:
0x107: {  	(tag) =	ssettag $0x2  }
0x108: {  	s0 =	rddreg [dreg:$0x0];
	s2 =	stileid.u32  }
0x109: {  	s1 =	rddreg [dreg:$0x1];
	p0 =	sne.s32 s2, $0x0  }
0x10a: {  	s3 =	rddreg [dreg:$0x2];
	[bflag:$0x3] =	sbarrier.arrive $0xFFFF;
	s2 =	simm.s32 @!p0 $0x1C02  }
0x10b: {  	[timem:s3], [sflag:s2] =	dma.local @!p0 [hbm:s0], s1  }
0x10c: {  	s0 =	simm.s32 @!p0 $0x2  }
0x10d: {  	_ =	swait.ge @!p0 [sflag:s0], s1  }
0x10e: {  	s1 =	ssub.s32 @!p0 $0x0, s1;
	[sflag:s0] =	ssyncset.done @!p0 $0x0  }
0x10f: {  	[sflag:s0] =	ssyncadd.s32 @!p0 s1  }
0x110: {  	[bflag:$0x3] =	sbarrier.arrive $0xFFFF  }
0x111: {  	_ =	shalt  }

</sc_bundles>
